<compile_context>
chip_gen: v7x
topology: tpu7x:2x2x1
jax: 0.10.2.dev20260603
libtpu: 0.0.44.dev20260713+nightly
codegen_flags: <defaults>
</compile_context>

<pallas_src>
import functools

import jax
import jax.numpy as jnp
from jax import lax
from jax.experimental import pallas as pl
from jax.experimental.pallas import tpu as pltpu
from jax.experimental.pallas import tpu_sc as plsc

_N_LAYER = 24
_N_HEAD = 16
_HEAD_SIZE = 64
_TOTAL = 3072
_OUT = 1024
_T = 4096
_TCHUNK = 512
_NT = _T // _TCHUNK

_NW = 32
_RG = 16
_K_SC = 9


def _mean_body(x_ref, out_ref):
    i = pl.program_id(0)

    @pl.when(i == 0)
    def _():
        out_ref[...] = jnp.zeros_like(out_ref)

    out_ref[...] += jnp.sum(x_ref[0], axis=0, keepdims=True)


def _proj_body(v_ref, w_ref, b_ref, out_ref):
    v = v_ref[...] * (1.0 / _T)
    w = w_ref[0]
    acc = jax.lax.dot_general(
        v, w, (((1,), (1,)), ((), ())), preferred_element_type=jnp.float32
    )
    out_ref[0] = acc + b_ref[0]


def _make_sc_matvec(n_rows):
    rpw = n_rows // _NW
    n_groups = rpw // _RG
    mesh = plsc.VectorSubcoreMesh(core_axis_name="c", subcore_axis_name="s")

    @functools.partial(
        pl.kernel,
        out_type=jax.ShapeDtypeStruct((n_rows,), jnp.float32),
        mesh=mesh,
        scratch_types=[
            pltpu.VMEM((_TOTAL,), jnp.float32),
            pltpu.VMEM((2, _RG, _TOTAL), jnp.float32),
            pltpu.VMEM((rpw,), jnp.float32),
            pltpu.VMEM((rpw,), jnp.float32),
            pltpu.VMEM((_RG * 16,), jnp.float32),
            pltpu.SemaphoreType.DMA,
            pltpu.SemaphoreType.DMA,
        ],
        compiler_params=pltpu.CompilerParams(needs_layout_passes=False, skip_device_barrier=True),
    )
    def sc_matvec(
        v_hbm, w_hbm, b_hbm, out_hbm, v_buf, w_bufs, out_buf, b_buf, tr_buf, sem0, sem1
    ):
        wid = lax.axis_index("s") * 2 + lax.axis_index("c")
        base = wid * rpw
        pltpu.sync_copy(v_hbm, v_buf)
        pltpu.sync_copy(b_hbm.at[pl.ds(base, rpw)], b_buf)
        sems = (sem0, sem1)
        pltpu.async_copy(w_hbm.at[pl.ds(base, _RG)], w_bufs.at[0], sem0)
        pltpu.async_copy(w_hbm.at[pl.ds(base + _RG, _RG)], w_bufs.at[1], sem1)

        lane = lax.iota(jnp.int32, 16)

        def outer(i, carry):
            for b in range(2):
                g = 2 * i + b
                sem = sems[b]
                pltpu.make_async_copy(
                    w_hbm.at[pl.ds(base, _RG)], w_bufs.at[b], sem
                ).wait()

                def compute(wb):
                    def cblock(c, accs):
                        vb = [v_buf[pl.ds(c * 128 + 16 * t, 16)] for t in range(8)]
                        out = []
                        for r in range(_RG):
                            a = accs[r]
                            for t in range(8):
                                a = a + wb[r, pl.ds(c * 128 + 16 * t, 16)] * vb[t]
                            out.append(a)
                        return tuple(out)

                    return lax.fori_loop(
                        0,
                        _TOTAL // 128,
                        cblock,
                        tuple(jnp.zeros((16,), jnp.float32) for _ in range(_RG)),
                    )

                accs = compute(w_bufs.at[b])

                @pl.when(g + 2 < n_groups)
                def _():
                    pltpu.async_copy(
                        w_hbm.at[pl.ds(base + (g + 2) * _RG, _RG)],
                        w_bufs.at[b],
                        sem,
                    )

                for r in range(_RG):
                    plsc.store_scatter(tr_buf, [lane * _RG + r], accs[r])
                total = tr_buf[pl.ds(0, 16)]
                for t in range(1, 16):
                    total = total + tr_buf[pl.ds(t * 16, 16)]
                row0 = g * _RG
                out_buf[pl.ds(row0, 16)] = total * (1.0 / _T) + b_buf[pl.ds(row0, 16)]
            return carry

        lax.fori_loop(0, n_groups // 2, outer, 0)
        pltpu.sync_copy(out_buf, out_hbm.at[pl.ds(base, rpw)])

    return sc_matvec


def kernel(system_emb, W_proj, b_proj):
    sums = pl.pallas_call(
        _mean_body,
        grid=(_NT,),
        in_specs=[pl.BlockSpec((1, _TCHUNK, _TOTAL), lambda i: (0, i, 0))],
        out_specs=pl.BlockSpec((1, _TOTAL), lambda i: (0, 0)),
        out_shape=jax.ShapeDtypeStruct((1, _TOTAL), jnp.float32),
        compiler_params=pltpu.CompilerParams(dimension_semantics=("arbitrary",)),
    )(system_emb)

    n_sc_rows = _K_SC * _OUT
    n_all_rows = _N_LAYER * _OUT
    parts = []
    if _K_SC > 0:
        w_flat = W_proj.reshape(n_all_rows, _TOTAL)
        b_flat = b_proj.reshape(n_all_rows)
        sc_out = _make_sc_matvec(n_sc_rows)(sums.reshape(_TOTAL), w_flat, b_flat)
        parts.append(sc_out.reshape(_K_SC, _OUT))
    if _K_SC < _N_LAYER:
        n_tc = _N_LAYER - _K_SC
        tc_out = pl.pallas_call(
            _proj_body,
            grid=(n_tc,),
            in_specs=[
                pl.BlockSpec((1, _TOTAL), lambda l: (0, 0)),
                pl.BlockSpec((1, _OUT, _TOTAL), lambda l: (l + _K_SC, 0, 0)),
                pl.BlockSpec((1, 1, _OUT), lambda l: (l, 0, 0)),
            ],
            out_specs=pl.BlockSpec((1, 1, _OUT), lambda l: (l, 0, 0)),
            out_shape=jax.ShapeDtypeStruct((n_tc, 1, _OUT), jnp.float32),
            compiler_params=pltpu.CompilerParams(dimension_semantics=("arbitrary",)),
        )(sums, W_proj, b_proj[_K_SC:].reshape(n_tc, 1, _OUT))
        parts.append(tc_out.reshape(n_tc, _OUT))

    out = parts[0] if len(parts) == 1 else jnp.concatenate(parts, axis=0)
    return out.reshape(_N_LAYER, _N_HEAD, _HEAD_SIZE)

# --- scband reference (transcript-rebuilt; emitter-appended) ---
"""Pipeline reference for scband-state-memory-pool-16003048145698 (READ-ONLY COPY).

The authoritative reference and input builder live on the scoring server;
editing this copy changes nothing except your own understanding.
"""

import jax, jax.numpy as jnp
import numpy as np

N_LAYER = 24
N_HEAD = 16
HEAD_SIZE = 64
TOTAL_DIM = 3072
OUT_DIM = TOTAL_DIM // 3  # 1024 == N_HEAD * HEAD_SIZE


def setup_inputs(seed: int = 0) -> dict:
    key = jax.random.key(seed)
    k1, k2, k3 = jax.random.split(key, 3)
    system_emb = jax.random.normal(k1, (1, 4096, TOTAL_DIM), dtype=jnp.float32)
    # torch nn.Linear weight layout: [out_features, in_features], one per layer, stacked
    W_proj = jax.random.normal(k2, (N_LAYER, OUT_DIM, TOTAL_DIM), dtype=jnp.float32) * 0.02
    b_proj = jax.random.normal(k3, (N_LAYER, OUT_DIM), dtype=jnp.float32) * 0.02
    return {"system_emb": system_emb, "W_proj": W_proj, "b_proj": b_proj}


def reference(system_emb, W_proj, b_proj):
    # Faithful translation of StateMemoryPool.set_system_prompt:
    # 1) mean-pool the system prompt embedding over the time axis (keepdim)
    mean_emb = jnp.mean(system_emb, axis=1, keepdims=True)  # [1, 1, TOTAL_DIM]
    vec = mean_emb[0, 0]  # [TOTAL_DIM]
    # 2) per-layer Linear(total_dim -> total_dim//3): x @ W[l].T + b[l]
    states = jnp.einsum("c,loc->lo", vec, W_proj) + b_proj  # [N_LAYER, OUT_DIM]
    states = states.reshape(N_LAYER, N_HEAD, HEAD_SIZE)
    # 3) scatter-overwrite each layer's state into the persistent system_state_buffer
    buffer = jnp.zeros((N_LAYER, N_HEAD, HEAD_SIZE), dtype=system_emb.dtype)
    buffer = buffer.at[jnp.arange(N_LAYER)].set(states)
    return buffer

if __name__ == "__main__":
    import jax
    _d = setup_inputs()
    print(jax.jit(kernel)(*tuple(_d.values())))

</pallas_src>

<mosaic_0001>
#map = affine_map<(d0, d1) -> (0)>
#map1 = affine_map<(d0, d1) -> (0, 0)>
module attributes {stable_mosaic.version = 14 : i64} {
  func.func @sc_matvec(%arg0: i32, %arg1: i32, %arg2: memref<3072xf32, #tpu.memory_space<hbm>>, %arg3: memref<24576x3072xf32, #tpu.memory_space<hbm>>, %arg4: memref<24576xf32, #tpu.memory_space<hbm>>, %arg5: memref<9216xf32, #tpu.memory_space<hbm>>, %arg6: memref<3072xf32, #tpu.memory_space<vmem>>, %arg7: memref<2x16x3072xf32, #tpu.memory_space<vmem>>, %arg8: memref<288xf32, #tpu.memory_space<vmem>>, %arg9: memref<288xf32, #tpu.memory_space<vmem>>, %arg10: memref<256xf32, #tpu.memory_space<vmem>>, %arg11: memref<!tpu.dma_semaphore, #tpu.memory_space<semaphore_mem>>, %arg12: memref<!tpu.dma_semaphore, #tpu.memory_space<semaphore_mem>>) attributes {dimension_semantics = [#tpu.dimension_semantics<core_parallel>, #tpu.dimension_semantics<subcore_parallel>], iteration_bounds = array<i64: 2, 16>, scalar_prefetch = 0 : i64, scratch_operands = 7 : i64, tpu.core_type = #tpu.core_type<sc_vector_subcore>, window_params = [{transform_indices = #map}, {transform_indices = #map1}, {transform_indices = #map}, {transform_indices = #map}]} {
    %mul3A = arith.constant 2 : i32
    %mul3A_0 = arith.muli %arg1, %mul3A : i32
    %add3A = arith.addi %mul3A_0, %arg0 : i32
    %mul3A_1 = arith.constant 288 : i32
    %mul3A_2 = arith.muli %add3A, %mul3A_1 : i32
    "tpu.region"() ({
      %run_scoped3A = tpu.sem_alloc : memref<!tpu.dma_semaphore, #tpu.memory_space<semaphore_mem>>
      tpu.enqueue_dma source(%arg2 : memref<3072xf32, #tpu.memory_space<hbm>>) target(%arg6 : memref<3072xf32, #tpu.memory_space<vmem>>) target_semaphore(%run_scoped3A : memref<!tpu.dma_semaphore, #tpu.memory_space<semaphore_mem>>)
      tpu.wait_dma2 semaphore(%run_scoped3A : memref<!tpu.dma_semaphore, #tpu.memory_space<semaphore_mem>>) src(%arg2 : memref<3072xf32, #tpu.memory_space<hbm>>) dst(%arg6 : memref<3072xf32, #tpu.memory_space<vmem>>)
      tpu.yield
    }) : () -> ()
    "tpu.region"() ({
      %run_scoped3A = tpu.sem_alloc : memref<!tpu.dma_semaphore, #tpu.memory_space<semaphore_mem>>
      %dma_start3A_35 = tpu.memref_slice %arg4[%mul3A_2] : memref<24576xf32, #tpu.memory_space<hbm>> -> memref<288xf32, #tpu.memory_space<hbm>>
      %dma_start3A_36 = tpu.memref_slice %arg4[%mul3A_2] : memref<24576xf32, #tpu.memory_space<hbm>> -> memref<288xf32, #tpu.memory_space<hbm>>
      tpu.enqueue_dma source(%dma_start3A_36 : memref<288xf32, #tpu.memory_space<hbm>>) target(%arg9 : memref<288xf32, #tpu.memory_space<vmem>>) target_semaphore(%run_scoped3A : memref<!tpu.dma_semaphore, #tpu.memory_space<semaphore_mem>>)
      %dma_wait3A = tpu.memref_slice %arg4[%mul3A_2] : memref<24576xf32, #tpu.memory_space<hbm>> -> memref<288xf32, #tpu.memory_space<hbm>>
      %dma_wait3A_37 = tpu.memref_slice %arg4[%mul3A_2] : memref<24576xf32, #tpu.memory_space<hbm>> -> memref<288xf32, #tpu.memory_space<hbm>>
      tpu.wait_dma2 semaphore(%run_scoped3A : memref<!tpu.dma_semaphore, #tpu.memory_space<semaphore_mem>>) src(%dma_wait3A_37 : memref<288xf32, #tpu.memory_space<hbm>>) dst(%arg9 : memref<288xf32, #tpu.memory_space<vmem>>)
      tpu.yield
    }) : () -> ()
    %dma_start3A = arith.constant 0 : i32
    %dma_start3A_3 = arith.constant 0 : i32
    %dma_start3A_4 = arith.constant 0 : i32
    %dma_start3A_5 = tpu.memref_slice %arg7[%dma_start3A, %dma_start3A_3, %dma_start3A_4] : memref<2x16x3072xf32, #tpu.memory_space<vmem>> -> memref<1x16x3072xf32, #tpu.memory_space<vmem>>
    %dma_start3A_6 = tpu.memref_squeeze %dma_start3A_5 : memref<1x16x3072xf32, #tpu.memory_space<vmem>> -> memref<16x3072xf32, #tpu.memory_space<vmem>>
    %dma_start3A_7 = arith.constant 0 : i32
    %dma_start3A_8 = tpu.memref_slice %arg3[%mul3A_2, %dma_start3A_7] : memref<24576x3072xf32, #tpu.memory_space<hbm>> -> memref<16x3072xf32, #tpu.memory_space<hbm>>
    %dma_start3A_9 = arith.constant 0 : i32
    %dma_start3A_10 = arith.constant 0 : i32
    %dma_start3A_11 = tpu.memref_slice %arg7[%dma_start3A, %dma_start3A_9, %dma_start3A_10] : memref<2x16x3072xf32, #tpu.memory_space<vmem>> -> memref<1x16x3072xf32, #tpu.memory_space<vmem>>
    %dma_start3A_12 = tpu.memref_squeeze %dma_start3A_11 : memref<1x16x3072xf32, #tpu.memory_space<vmem>> -> memref<16x3072xf32, #tpu.memory_space<vmem>>
    %dma_start3A_13 = arith.constant 0 : i32
    %dma_start3A_14 = tpu.memref_slice %arg3[%mul3A_2, %dma_start3A_13] : memref<24576x3072xf32, #tpu.memory_space<hbm>> -> memref<16x3072xf32, #tpu.memory_space<hbm>>
    tpu.enqueue_dma source(%dma_start3A_14 : memref<16x3072xf32, #tpu.memory_space<hbm>>) target(%dma_start3A_12 : memref<16x3072xf32, #tpu.memory_space<vmem>>) target_semaphore(%arg11 : memref<!tpu.dma_semaphore, #tpu.memory_space<semaphore_mem>>)
    %add3A_15 = arith.constant 16 : i32
    %add3A_16 = arith.addi %mul3A_2, %add3A_15 : i32
    %dma_start3A_17 = arith.constant 1 : i32
    %dma_start3A_18 = arith.constant 0 : i32
    %dma_start3A_19 = arith.constant 0 : i32
    %dma_start3A_20 = tpu.memref_slice %arg7[%dma_start3A_17, %dma_start3A_18, %dma_start3A_19] : memref<2x16x3072xf32, #tpu.memory_space<vmem>> -> memref<1x16x3072xf32, #tpu.memory_space<vmem>>
    %dma_start3A_21 = tpu.memref_squeeze %dma_start3A_20 : memref<1x16x3072xf32, #tpu.memory_space<vmem>> -> memref<16x3072xf32, #tpu.memory_space<vmem>>
    %dma_start3A_22 = arith.constant 0 : i32
    %dma_start3A_23 = tpu.memref_slice %arg3[%add3A_16, %dma_start3A_22] : memref<24576x3072xf32, #tpu.memory_space<hbm>> -> memref<16x3072xf32, #tpu.memory_space<hbm>>
    %dma_start3A_24 = arith.constant 0 : i32
    %dma_start3A_25 = arith.constant 0 : i32
    %dma_start3A_26 = tpu.memref_slice %arg7[%dma_start3A_17, %dma_start3A_24, %dma_start3A_25] : memref<2x16x3072xf32, #tpu.memory_space<vmem>> -> memref<1x16x3072xf32, #tpu.memory_space<vmem>>
    %dma_start3A_27 = tpu.memref_squeeze %dma_start3A_26 : memref<1x16x3072xf32, #tpu.memory_space<vmem>> -> memref<16x3072xf32, #tpu.memory_space<vmem>>
    %dma_start3A_28 = arith.constant 0 : i32
    %dma_start3A_29 = tpu.memref_slice %arg3[%add3A_16, %dma_start3A_28] : memref<24576x3072xf32, #tpu.memory_space<hbm>> -> memref<16x3072xf32, #tpu.memory_space<hbm>>
    tpu.enqueue_dma source(%dma_start3A_29 : memref<16x3072xf32, #tpu.memory_space<hbm>>) target(%dma_start3A_27 : memref<16x3072xf32, #tpu.memory_space<vmem>>) target_semaphore(%arg12 : memref<!tpu.dma_semaphore, #tpu.memory_space<semaphore_mem>>)
    %iota3A = tpu.iota {dimensions = array<i32: 0>} : vector<16xi32>
    %scan3A = arith.constant 0 : i32
    %scan3A_30 = arith.constant 0 : i32
    %scan3A_31 = arith.constant 9 : i32
    %scan3A_32 = arith.addi %scan3A_30, %scan3A_31 : i32
    %scan3A_33 = arith.constant 1 : i32
    scf.for %scan3A_35 = %scan3A_30 to %scan3A_32 step %scan3A_33  : i32 {
      %mul3A_36 = arith.constant 2 : i32
      %mul3A_37 = arith.muli %mul3A_36, %scan3A_35 : i32
      %add3A_38 = arith.constant 0 : i32
      %add3A_39 = arith.addi %mul3A_37, %add3A_38 : i32
      %dma_wait3A = arith.constant 0 : i32
      %dma_wait3A_40 = arith.constant 0 : i32
      %dma_wait3A_41 = arith.constant 0 : i32
      %dma_wait3A_42 = tpu.memref_slice %arg7[%dma_wait3A, %dma_wait3A_40, %dma_wait3A_41] : memref<2x16x3072xf32, #tpu.memory_space<vmem>> -> memref<1x16x3072xf32, #tpu.memory_space<vmem>>
      %dma_wait3A_43 = tpu.memref_squeeze %dma_wait3A_42 : memref<1x16x3072xf32, #tpu.memory_space<vmem>> -> memref<16x3072xf32, #tpu.memory_space<vmem>>
      %dma_wait3A_44 = arith.constant 0 : i32
      %dma_wait3A_45 = tpu.memref_slice %arg3[%mul3A_2, %dma_wait3A_44] : memref<24576x3072xf32, #tpu.memory_space<hbm>> -> memref<16x3072xf32, #tpu.memory_space<hbm>>
      %dma_wait3A_46 = arith.constant 0 : i32
      %dma_wait3A_47 = arith.constant 0 : i32
      %dma_wait3A_48 = tpu.memref_slice %arg7[%dma_wait3A, %dma_wait3A_46, %dma_wait3A_47] : memref<2x16x3072xf32, #tpu.memory_space<vmem>> -> memref<1x16x3072xf32, #tpu.memory_space<vmem>>
      %dma_wait3A_49 = tpu.memref_squeeze %dma_wait3A_48 : memref<1x16x3072xf32, #tpu.memory_space<vmem>> -> memref<16x3072xf32, #tpu.memory_space<vmem>>
      %dma_wait3A_50 = arith.constant 0 : i32
      %dma_wait3A_51 = tpu.memref_slice %arg3[%mul3A_2, %dma_wait3A_50] : memref<24576x3072xf32, #tpu.memory_space<hbm>> -> memref<16x3072xf32, #tpu.memory_space<hbm>>
      tpu.wait_dma2 semaphore(%arg11 : memref<!tpu.dma_semaphore, #tpu.memory_space<semaphore_mem>>) src(%dma_wait3A_51 : memref<16x3072xf32, #tpu.memory_space<hbm>>) dst(%dma_wait3A_49 : memref<16x3072xf32, #tpu.memory_space<vmem>>)
      %broadcast_in_dim3A = arith.constant 0.000000e+00 : f32
      %broadcast_in_dim3A_52 = vector.broadcast %broadcast_in_dim3A : f32 to vector<16xf32>
      %broadcast_in_dim3A_53 = arith.constant 0.000000e+00 : f32
      %broadcast_in_dim3A_54 = vector.broadcast %broadcast_in_dim3A_53 : f32 to vector<16xf32>
      %broadcast_in_dim3A_55 = arith.constant 0.000000e+00 : f32
      %broadcast_in_dim3A_56 = vector.broadcast %broadcast_in_dim3A_55 : f32 to vector<16xf32>
      %broadcast_in_dim3A_57 = arith.constant 0.000000e+00 : f32
      %broadcast_in_dim3A_58 = vector.broadcast %broadcast_in_dim3A_57 : f32 to vector<16xf32>
      %broadcast_in_dim3A_59 = arith.constant 0.000000e+00 : f32
      %broadcast_in_dim3A_60 = vector.broadcast %broadcast_in_dim3A_59 : f32 to vector<16xf32>
      %broadcast_in_dim3A_61 = arith.constant 0.000000e+00 : f32
      %broadcast_in_dim3A_62 = vector.broadcast %broadcast_in_dim3A_61 : f32 to vector<16xf32>
      %broadcast_in_dim3A_63 = arith.constant 0.000000e+00 : f32
      %broadcast_in_dim3A_64 = vector.broadcast %broadcast_in_dim3A_63 : f32 to vector<16xf32>
      %broadcast_in_dim3A_65 = arith.constant 0.000000e+00 : f32
      %broadcast_in_dim3A_66 = vector.broadcast %broadcast_in_dim3A_65 : f32 to vector<16xf32>
      %broadcast_in_dim3A_67 = arith.constant 0.000000e+00 : f32
      %broadcast_in_dim3A_68 = vector.broadcast %broadcast_in_dim3A_67 : f32 to vector<16xf32>
      %broadcast_in_dim3A_69 = arith.constant 0.000000e+00 : f32
      %broadcast_in_dim3A_70 = vector.broadcast %broadcast_in_dim3A_69 : f32 to vector<16xf32>
      %broadcast_in_dim3A_71 = arith.constant 0.000000e+00 : f32
      %broadcast_in_dim3A_72 = vector.broadcast %broadcast_in_dim3A_71 : f32 to vector<16xf32>
      %broadcast_in_dim3A_73 = arith.constant 0.000000e+00 : f32
      %broadcast_in_dim3A_74 = vector.broadcast %broadcast_in_dim3A_73 : f32 to vector<16xf32>
      %broadcast_in_dim3A_75 = arith.constant 0.000000e+00 : f32
      %broadcast_in_dim3A_76 = vector.broadcast %broadcast_in_dim3A_75 : f32 to vector<16xf32>
      %broadcast_in_dim3A_77 = arith.constant 0.000000e+00 : f32
      %broadcast_in_dim3A_78 = vector.broadcast %broadcast_in_dim3A_77 : f32 to vector<16xf32>
      %broadcast_in_dim3A_79 = arith.constant 0.000000e+00 : f32
      %broadcast_in_dim3A_80 = vector.broadcast %broadcast_in_dim3A_79 : f32 to vector<16xf32>
      %broadcast_in_dim3A_81 = arith.constant 0.000000e+00 : f32
      %broadcast_in_dim3A_82 = vector.broadcast %broadcast_in_dim3A_81 : f32 to vector<16xf32>
      %scan3A_83 = arith.constant 0 : i32
      %scan3A_84 = arith.constant 0 : i32
      %scan3A_85 = arith.constant 24 : i32
      %scan3A_86 = arith.addi %scan3A_84, %scan3A_85 : i32
      %scan3A_87 = arith.constant 1 : i32
      %scan3A_88:16 = scf.for %scan3A_461 = %scan3A_84 to %scan3A_86 step %scan3A_87 iter_args(%scan3A_462 = %broadcast_in_dim3A_52, %scan3A_463 = %broadcast_in_dim3A_54, %scan3A_464 = %broadcast_in_dim3A_56, %scan3A_465 = %broadcast_in_dim3A_58, %scan3A_466 = %broadcast_in_dim3A_60, %scan3A_467 = %broadcast_in_dim3A_62, %scan3A_468 = %broadcast_in_dim3A_64, %scan3A_469 = %broadcast_in_dim3A_66, %scan3A_470 = %broadcast_in_dim3A_68, %scan3A_471 = %broadcast_in_dim3A_70, %scan3A_472 = %broadcast_in_dim3A_72, %scan3A_473 = %broadcast_in_dim3A_74, %scan3A_474 = %broadcast_in_dim3A_76, %scan3A_475 = %broadcast_in_dim3A_78, %scan3A_476 = %broadcast_in_dim3A_80, %scan3A_477 = %broadcast_in_dim3A_82) -> (vector<16xf32>, vector<16xf32>, vector<16xf32>, vector<16xf32>, vector<16xf32>, vector<16xf32>, vector<16xf32>, vector<16xf32>, vector<16xf32>, vector<16xf32>, vector<16xf32>, vector<16xf32>, vector<16xf32>, vector<16xf32>, vector<16xf32>, vector<16xf32>)  : i32 {
        %mul3A_478 = arith.constant 128 : i32
        %mul3A_479 = arith.muli %scan3A_461, %mul3A_478 : i32
        %add3A_480 = arith.constant 0 : i32
        %add3A_481 = arith.addi %mul3A_479, %add3A_480 : i32
        %get3A_482 = arith.index_cast %add3A_481 : i32 to index
        %get3A_483 = tpu.vector_load %arg6[%get3A_482] {strides = array<i32>} : memref<3072xf32, #tpu.memory_space<vmem>>, vector<16xf32>,
        %mul3A_484 = arith.constant 128 : i32
        %mul3A_485 = arith.muli %scan3A_461, %mul3A_484 : i32
        %add3A_486 = arith.constant 16 : i32
        %add3A_487 = arith.addi %mul3A_485, %add3A_486 : i32
        %get3A_488 = arith.index_cast %add3A_487 : i32 to index
        %get3A_489 = tpu.vector_load %arg6[%get3A_488] {strides = array<i32>} : memref<3072xf32, #tpu.memory_space<vmem>>, vector<16xf32>,
        %mul3A_490 = arith.constant 128 : i32
        %mul3A_491 = arith.muli %scan3A_461, %mul3A_490 : i32
        %add3A_492 = arith.constant 32 : i32
        %add3A_493 = arith.addi %mul3A_491, %add3A_492 : i32
        %get3A_494 = arith.index_cast %add3A_493 : i32 to index
        %get3A_495 = tpu.vector_load %arg6[%get3A_494] {strides = array<i32>} : memref<3072xf32, #tpu.memory_space<vmem>>, vector<16xf32>,
        %mul3A_496 = arith.constant 128 : i32
        %mul3A_497 = arith.muli %scan3A_461, %mul3A_496 : i32
        %add3A_498 = arith.constant 48 : i32
        %add3A_499 = arith.addi %mul3A_497, %add3A_498 : i32
        %get3A_500 = arith.index_cast %add3A_499 : i32 to index
        %get3A_501 = tpu.vector_load %arg6[%get3A_500] {strides = array<i32>} : memref<3072xf32, #tpu.memory_space<vmem>>, vector<16xf32>,
        %mul3A_502 = arith.constant 128 : i32
        %mul3A_503 = arith.muli %scan3A_461, %mul3A_502 : i32
        %add3A_504 = arith.constant 64 : i32
        %add3A_505 = arith.addi %mul3A_503, %add3A_504 : i32
        %get3A_506 = arith.index_cast %add3A_505 : i32 to index
        %get3A_507 = tpu.vector_load %arg6[%get3A_506] {strides = array<i32>} : memref<3072xf32, #tpu.memory_space<vmem>>, vector<16xf32>,
        %mul3A_508 = arith.constant 128 : i32
        %mul3A_509 = arith.muli %scan3A_461, %mul3A_508 : i32
        %add3A_510 = arith.constant 80 : i32
        %add3A_511 = arith.addi %mul3A_509, %add3A_510 : i32
        %get3A_512 = arith.index_cast %add3A_511 : i32 to index
        %get3A_513 = tpu.vector_load %arg6[%get3A_512] {strides = array<i32>} : memref<3072xf32, #tpu.memory_space<vmem>>, vector<16xf32>,
        %mul3A_514 = arith.constant 128 : i32
        %mul3A_515 = arith.muli %scan3A_461, %mul3A_514 : i32
        %add3A_516 = arith.constant 96 : i32
        %add3A_517 = arith.addi %mul3A_515, %add3A_516 : i32
        %get3A_518 = arith.index_cast %add3A_517 : i32 to index
        %get3A_519 = tpu.vector_load %arg6[%get3A_518] {strides = array<i32>} : memref<3072xf32, #tpu.memory_space<vmem>>, vector<16xf32>,
        %mul3A_520 = arith.constant 128 : i32
        %mul3A_521 = arith.muli %scan3A_461, %mul3A_520 : i32
        %add3A_522 = arith.constant 112 : i32
        %add3A_523 = arith.addi %mul3A_521, %add3A_522 : i32
        %get3A_524 = arith.index_cast %add3A_523 : i32 to index
        %get3A_525 = tpu.vector_load %arg6[%get3A_524] {strides = array<i32>} : memref<3072xf32, #tpu.memory_space<vmem>>, vector<16xf32>,
        %mul3A_526 = arith.constant 128 : i32
        %mul3A_527 = arith.muli %scan3A_461, %mul3A_526 : i32
        %add3A_528 = arith.constant 0 : i32
        %add3A_529 = arith.addi %mul3A_527, %add3A_528 : i32
        %get3A_530 = arith.constant 0 : i32
        %get3A_531 = arith.constant 0 : i32
        %get3A_532 = arith.constant 0 : i32
        %get3A_533 = tpu.memref_slice %arg7[%scan3A_83, %get3A_531, %get3A_532] : memref<2x16x3072xf32, #tpu.memory_space<vmem>> -> memref<1x16x3072xf32, #tpu.memory_space<vmem>>
        %get3A_534 = tpu.memref_squeeze %get3A_533 : memref<1x16x3072xf32, #tpu.memory_space<vmem>> -> memref<16x3072xf32, #tpu.memory_space<vmem>>
        %get3A_535 = arith.index_cast %get3A_530 : i32 to index
        %get3A_536 = arith.index_cast %add3A_529 : i32 to index
        %get3A_537 = tpu.vector_load %get3A_534[%get3A_535, %get3A_536] {strides = array<i32>} : memref<16x3072xf32, #tpu.memory_space<vmem>>, vector<16xf32>,
        %mul3A_538 = arith.mulf %get3A_537, %get3A_483 : vector<16xf32>
        %add3A_539 = arith.addf %scan3A_462, %mul3A_538 : vector<16xf32>
        %mul3A_540 = arith.constant 128 : i32
        %mul3A_541 = arith.muli %scan3A_461, %mul3A_540 : i32
        %add3A_542 = arith.constant 16 : i32
        %add3A_543 = arith.addi %mul3A_541, %add3A_542 : i32
        %get3A_544 = arith.constant 0 : i32
        %get3A_545 = arith.constant 0 : i32
        %get3A_546 = arith.constant 0 : i32
        %get3A_547 = tpu.memref_slice %arg7[%scan3A_83, %get3A_545, %get3A_546] : memref<2x16x3072xf32, #tpu.memory_space<vmem>> -> memref<1x16x3072xf32, #tpu.memory_space<vmem>>
        %get3A_548 = tpu.memref_squeeze %get3A_547 : memref<1x16x3072xf32, #tpu.memory_space<vmem>> -> memref<16x3072xf32, #tpu.memory_space<vmem>>
        %get3A_549 = arith.index_cast %get3A_544 : i32 to index
        %get3A_550 = arith.index_cast %add3A_543 : i32 to index
        %get3A_551 = tpu.vector_load %get3A_548[%get3A_549, %get3A_550] {strides = array<i32>} : memref<16x3072xf32, #tpu.memory_space<vmem>>, vector<16xf32>,
        %mul3A_552 = arith.mulf %get3A_551, %get3A_489 : vector<16xf32>
        %add3A_553 = arith.addf %add3A_539, %mul3A_552 : vector<16xf32>
        %mul3A_554 = arith.constant 128 : i32
        %mul3A_555 = arith.muli %scan3A_461, %mul3A_554 : i32
        %add3A_556 = arith.constant 32 : i32
        %add3A_557 = arith.addi %mul3A_555, %add3A_556 : i32
        %get3A_558 = arith.constant 0 : i32
        %get3A_559 = arith.constant 0 : i32
        %get3A_560 = arith.constant 0 : i32
        %get3A_561 = tpu.memref_slice %arg7[%scan3A_83, %get3A_559, %get3A_560] : memref<2x16x3072xf32, #tpu.memory_space<vmem>> -> memref<1x16x3072xf32, #tpu.memory_space<vmem>>
        %get3A_562 = tpu.memref_squeeze %get3A_561 : memref<1x16x3072xf32, #tpu.memory_space<vmem>> -> memref<16x3072xf32, #tpu.memory_space<vmem>>
        %get3A_563 = arith.index_cast %get3A_558 : i32 to index
        %get3A_564 = arith.index_cast %add3A_557 : i32 to index
        %get3A_565 = tpu.vector_load %get3A_562[%get3A_563, %get3A_564] {strides = array<i32>} : memref<16x3072xf32, #tpu.memory_space<vmem>>, vector<16xf32>,
        %mul3A_566 = arith.mulf %get3A_565, %get3A_495 : vector<16xf32>
        %add3A_567 = arith.addf %add3A_553, %mul3A_566 : vector<16xf32>
        %mul3A_568 = arith.constant 128 : i32
        %mul3A_569 = arith.muli %scan3A_461, %mul3A_568 : i32
        %add3A_570 = arith.constant 48 : i32
        %add3A_571 = arith.addi %mul3A_569, %add3A_570 : i32
        %get3A_572 = arith.constant 0 : i32
        %get3A_573 = arith.constant 0 : i32
        %get3A_574 = arith.constant 0 : i32
        %get3A_575 = tpu.memref_slice %arg7[%scan3A_83, %get3A_573, %get3A_574] : memref<2x16x3072xf32, #tpu.memory_space<vmem>> -> memref<1x16x3072xf32, #tpu.memory_space<vmem>>
        %get3A_576 = tpu.memref_squeeze %get3A_575 : memref<1x16x3072xf32, #tpu.memory_space<vmem>> -> memref<16x3072xf32, #tpu.memory_space<vmem>>
        %get3A_577 = arith.index_cast %get3A_572 : i32 to index
        %get3A_578 = arith.index_cast %add3A_571 : i32 to index
        %get3A_579 = tpu.vector_load %get3A_576[%get3A_577, %get3A_578] {strides = array<i32>} : memref<16x3072xf32, #tpu.memory_space<vmem>>, vector<16xf32>,
        %mul3A_580 = arith.mulf %get3A_579, %get3A_501 : vector<16xf32>
        %add3A_581 = arith.addf %add3A_567, %mul3A_580 : vector<16xf32>
        %mul3A_582 = arith.constant 128 : i32
        %mul3A_583 = arith.muli %scan3A_461, %mul3A_582 : i32
        %add3A_584 = arith.constant 64 : i32
        %add3A_585 = arith.addi %mul3A_583, %add3A_584 : i32
        %get3A_586 = arith.constant 0 : i32
        %get3A_587 = arith.constant 0 : i32
        %get3A_588 = arith.constant 0 : i32
        %get3A_589 = tpu.memref_slice %arg7[%scan3A_83, %get3A_587, %get3A_588] : memref<2x16x3072xf32, #tpu.memory_space<vmem>> -> memref<1x16x3072xf32, #tpu.memory_space<vmem>>
        %get3A_590 = tpu.memref_squeeze %get3A_589 : memref<1x16x3072xf32, #tpu.memory_space<vmem>> -> memref<16x3072xf32, #tpu.memory_space<vmem>>
        %get3A_591 = arith.index_cast %get3A_586 : i32 to index
        %get3A_592 = arith.index_cast %add3A_585 : i32 to index
        %get3A_593 = tpu.vector_load %get3A_590[%get3A_591, %get3A_592] {strides = array<i32>} : memref<16x3072xf32, #tpu.memory_space<vmem>>, vector<16xf32>,
        %mul3A_594 = arith.mulf %get3A_593, %get3A_507 : vector<16xf32>
        %add3A_595 = arith.addf %add3A_581, %mul3A_594 : vector<16xf32>
        %mul3A_596 = arith.constant 128 : i32
        %mul3A_597 = arith.muli %scan3A_461, %mul3A_596 : i32
        %add3A_598 = arith.constant 80 : i32
        %add3A_599 = arith.addi %mul3A_597, %add3A_598 : i32
        %get3A_600 = arith.constant 0 : i32
        %get3A_601 = arith.constant 0 : i32
        %get3A_602 = arith.constant 0 : i32
        %get3A_603 = tpu.memref_slice %arg7[%scan3A_83, %get3A_601, %get3A_602] : memref<2x16x3072xf32, #tpu.memory_space<vmem>> -> memref<1x16x3072xf32, #tpu.memory_space<vmem>>
        %get3A_604 = tpu.memref_squeeze %get3A_603 : memref<1x16x3072xf32, #tpu.memory_space<vmem>> -> memref<16x3072xf32, #tpu.memory_space<vmem>>
        %get3A_605 = arith.index_cast %get3A_600 : i32 to index
        %get3A_606 = arith.index_cast %add3A_599 : i32 to index
        %get3A_607 = tpu.vector_load %get3A_604[%get3A_605, %get3A_606] {strides = array<i32>} : memref<16x3072xf32, #tpu.memory_space<vmem>>, vector<16xf32>,
        %mul3A_608 = arith.mulf %get3A_607, %get3A_513 : vector<16xf32>
        %add3A_609 = arith.addf %add3A_595, %mul3A_608 : vector<16xf32>
        %mul3A_610 = arith.constant 128 : i32
        %mul3A_611 = arith.muli %scan3A_461, %mul3A_610 : i32
        %add3A_612 = arith.constant 96 : i32
        %add3A_613 = arith.addi %mul3A_611, %add3A_612 : i32
        %get3A_614 = arith.constant 0 : i32
        %get3A_615 = arith.constant 0 : i32
        %get3A_616 = arith.constant 0 : i32
        %get3A_617 = tpu.memref_slice %arg7[%scan3A_83, %get3A_615, %get3A_616] : memref<2x16x3072xf32, #tpu.memory_space<vmem>> -> memref<1x16x3072xf32, #tpu.memory_space<vmem>>
        %get3A_618 = tpu.memref_squeeze %get3A_617 : memref<1x16x3072xf32, #tpu.memory_space<vmem>> -> memref<16x3072xf32, #tpu.memory_space<vmem>>
        %get3A_619 = arith.index_cast %get3A_614 : i32 to index
        %get3A_620 = arith.index_cast %add3A_613 : i32 to index
        %get3A_621 = tpu.vector_load %get3A_618[%get3A_619, %get3A_620] {strides = array<i32>} : memref<16x3072xf32, #tpu.memory_space<vmem>>, vector<16xf32>,
        %mul3A_622 = arith.mulf %get3A_621, %get3A_519 : vector<16xf32>
        %add3A_623 = arith.addf %add3A_609, %mul3A_622 : vector<16xf32>
        %mul3A_624 = arith.constant 128 : i32
        %mul3A_625 = arith.muli %scan3A_461, %mul3A_624 : i32
        %add3A_626 = arith.constant 112 : i32
        %add3A_627 = arith.addi %mul3A_625, %add3A_626 : i32
        %get3A_628 = arith.constant 0 : i32
        %get3A_629 = arith.constant 0 : i32
        %get3A_630 = arith.constant 0 : i32
        %get3A_631 = tpu.memref_slice %arg7[%scan3A_83, %get3A_629, %get3A_630] : memref<2x16x3072xf32, #tpu.memory_space<vmem>> -> memref<1x16x3072xf32, #tpu.memory_space<vmem>>
        %get3A_632 = tpu.memref_squeeze %get3A_631 : memref<1x16x3072xf32, #tpu.memory_space<vmem>> -> memref<16x3072xf32, #tpu.memory_space<vmem>>
        %get3A_633 = arith.index_cast %get3A_628 : i32 to index
        %get3A_634 = arith.index_cast %add3A_627 : i32 to index
        %get3A_635 = tpu.vector_load %get3A_632[%get3A_633, %get3A_634] {strides = array<i32>} : memref<16x3072xf32, #tpu.memory_space<vmem>>, vector<16xf32>,
        %mul3A_636 = arith.mulf %get3A_635, %get3A_525 : vector<16xf32>
        %add3A_637 = arith.addf %add3A_623, %mul3A_636 : vector<16xf32>
        %mul3A_638 = arith.constant 128 : i32
        %mul3A_639 = arith.muli %scan3A_461, %mul3A_638 : i32
        %add3A_640 = arith.constant 0 : i32
        %add3A_641 = arith.addi %mul3A_639, %add3A_640 : i32
        %get3A_642 = arith.constant 1 : i32
        %get3A_643 = arith.constant 0 : i32
        %get3A_644 = arith.constant 0 : i32
        %get3A_645 = tpu.memref_slice %arg7[%scan3A_83, %get3A_643, %get3A_644] : memref<2x16x3072xf32, #tpu.memory_space<vmem>> -> memref<1x16x3072xf32, #tpu.memory_space<vmem>>
        %get3A_646 = tpu.memref_squeeze %get3A_645 : memref<1x16x3072xf32, #tpu.memory_space<vmem>> -> memref<16x3072xf32, #tpu.memory_space<vmem>>
        %get3A_647 = arith.index_cast %get3A_642 : i32 to index
        %get3A_648 = arith.index_cast %add3A_641 : i32 to index
        %get3A_649 = tpu.vector_load %get3A_646[%get3A_647, %get3A_648] {strides = array<i32>} : memref<16x3072xf32, #tpu.memory_space<vmem>>, vector<16xf32>,
        %mul3A_650 = arith.mulf %get3A_649, %get3A_483 : vector<16xf32>
        %add3A_651 = arith.addf %scan3A_463, %mul3A_650 : vector<16xf32>
        %mul3A_652 = arith.constant 128 : i32
        %mul3A_653 = arith.muli %scan3A_461, %mul3A_652 : i32
        %add3A_654 = arith.constant 16 : i32
        %add3A_655 = arith.addi %mul3A_653, %add3A_654 : i32
        %get3A_656 = arith.constant 1 : i32
        %get3A_657 = arith.constant 0 : i32
        %get3A_658 = arith.constant 0 : i32
        %get3A_659 = tpu.memref_slice %arg7[%scan3A_83, %get3A_657, %get3A_658] : memref<2x16x3072xf32, #tpu.memory_space<vmem>> -> memref<1x16x3072xf32, #tpu.memory_space<vmem>>
        %get3A_660 = tpu.memref_squeeze %get3A_659 : memref<1x16x3072xf32, #tpu.memory_space<vmem>> -> memref<16x3072xf32, #tpu.memory_space<vmem>>
        %get3A_661 = arith.index_cast %get3A_656 : i32 to index
        %get3A_662 = arith.index_cast %add3A_655 : i32 to index
        %get3A_663 = tpu.vector_load %get3A_660[%get3A_661, %get3A_662] {strides = array<i32>} : memref<16x3072xf32, #tpu.memory_space<vmem>>, vector<16xf32>,
        %mul3A_664 = arith.mulf %get3A_663, %get3A_489 : vector<16xf32>
        %add3A_665 = arith.addf %add3A_651, %mul3A_664 : vector<16xf32>
        %mul3A_666 = arith.constant 128 : i32
        %mul3A_667 = arith.muli %scan3A_461, %mul3A_666 : i32
        %add3A_668 = arith.constant 32 : i32
        %add3A_669 = arith.addi %mul3A_667, %add3A_668 : i32
        %get3A_670 = arith.constant 1 : i32
        %get3A_671 = arith.constant 0 : i32
        %get3A_672 = arith.constant 0 : i32
        %get3A_673 = tpu.memref_slice %arg7[%scan3A_83, %get3A_671, %get3A_672] : memref<2x16x3072xf32, #tpu.memory_space<vmem>> -> memref<1x16x3072xf32, #tpu.memory_space<vmem>>
        %get3A_674 = tpu.memref_squeeze %get3A_673 : memref<1x16x3072xf32, #tpu.memory_space<vmem>> -> memref<16x3072xf32, #tpu.memory_space<vmem>>
        %get3A_675 = arith.index_cast %get3A_670 : i32 to index
        %get3A_676 = arith.index_cast %add3A_669 : i32 to index
        %get3A_677 = tpu.vector_load %get3A_674[%get3A_675, %get3A_676] {strides = array<i32>} : memref<16x3072xf32, #tpu.memory_space<vmem>>, vector<16xf32>,
        %mul3A_678 = arith.mulf %get3A_677, %get3A_495 : vector<16xf32>
        %add3A_679 = arith.addf %add3A_665, %mul3A_678 : vector<16xf32>
        %mul3A_680 = arith.constant 128 : i32
        %mul3A_681 = arith.muli %scan3A_461, %mul3A_680 : i32
        %add3A_682 = arith.constant 48 : i32
        %add3A_683 = arith.addi %mul3A_681, %add3A_682 : i32
        %get3A_684 = arith.constant 1 : i32
        %get3A_685 = arith.constant 0 : i32
        %get3A_686 = arith.constant 0 : i32
        %get3A_687 = tpu.memref_slice %arg7[%scan3A_83, %get3A_685, %get3A_686] : memref<2x16x3072xf32, #tpu.memory_space<vmem>> -> memref<1x16x3072xf32, #tpu.memory_space<vmem>>
        %get3A_688 = tpu.memref_squeeze %get3A_687 : memref<1x16x3072xf32, #tpu.memory_space<vmem>> -> memref<16x3072xf32, #tpu.memory_space<vmem>>
        %get3A_689 = arith.index_cast %get3A_684 : i32 to index
        %get3A_690 = arith.index_cast %add3A_683 : i32 to index
        %get3A_691 = tpu.vector_load %get3A_688[%get3A_689, %get3A_690] {strides = array<i32>} : memref<16x3072xf32, #tpu.memory_space<vmem>>, vector<16xf32>,
        %mul3A_692 = arith.mulf %get3A_691, %get3A_501 : vector<16xf32>
        %add3A_693 = arith.addf %add3A_679, %mul3A_692 : vector<16xf32>
        %mul3A_694 = arith.constant 128 : i32
        %mul3A_695 = arith.muli %scan3A_461, %mul3A_694 : i32
        %add3A_696 = arith.constant 64 : i32
        %add3A_697 = arith.addi %mul3A_695, %add3A_696 : i32
        %get3A_698 = arith.constant 1 : i32
        %get3A_699 = arith.constant 0 : i32
        %get3A_700 = arith.constant 0 : i32
        %get3A_701 = tpu.memref_slice %arg7[%scan3A_83, %get3A_699, %get3A_700] : memref<2x16x3072xf32, #tpu.memory_space<vmem>> -> memref<1x16x3072xf32, #tpu.memory_space<vmem>>
        %get3A_702 = tpu.memref_squeeze %get3A_701 : memref<1x16x3072xf32, #tpu.memory_space<vmem>> -> memref<16x3072xf32, #tpu.memory_space<vmem>>
        %get3A_703 = arith.index_cast %get3A_698 : i32 to index
        %get3A_704 = arith.index_cast %add3A_697 : i32 to index
        %get3A_705 = tpu.vector_load %get3A_702[%get3A_703, %get3A_704] {strides = array<i32>} : memref<16x3072xf32, #tpu.memory_space<vmem>>, vector<16xf32>,
        %mul3A_706 = arith.mulf %get3A_705, %get3A_507 : vector<16xf32>
        %add3A_707 = arith.addf %add3A_693, %mul3A_706 : vector<16xf32>
        %mul3A_708 = arith.constant 128 : i32
        %mul3A_709 = arith.muli %scan3A_461, %mul3A_708 : i32
        %add3A_710 = arith.constant 80 : i32
        %add3A_711 = arith.addi %mul3A_709, %add3A_710 : i32
        %get3A_712 = arith.constant 1 : i32
        %get3A_713 = arith.constant 0 : i32
        %get3A_714 = arith.constant 0 : i32
        %get3A_715 = tpu.memref_slice %arg7[%scan3A_83, %get3A_713, %get3A_714] : memref<2x16x3072xf32, #tpu.memory_space<vmem>> -> memref<1x16x3072xf32, #tpu.memory_space<vmem>>
        %get3A_716 = tpu.memref_squeeze %get3A_715 : memref<1x16x3072xf32, #tpu.memory_space<vmem>> -> memref<16x3072xf32, #tpu.memory_space<vmem>>
        %get3A_717 = arith.index_cast %get3A_712 : i32 to index
        %get3A_718 = arith.index_cast %add3A_711 : i32 to index
        %get3A_719 = tpu.vector_load %get3A_716[%get3A_717, %get3A_718] {strides = array<i32>} : memref<16x3072xf32, #tpu.memory_space<vmem>>, vector<16xf32>,
        %mul3A_720 = arith.mulf %get3A_719, %get3A_513 : vector<16xf32>
        %add3A_721 = arith.addf %add3A_707, %mul3A_720 : vector<16xf32>
        %mul3A_722 = arith.constant 128 : i32
        %mul3A_723 = arith.muli %scan3A_461, %mul3A_722 : i32
        %add3A_724 = arith.constant 96 : i32
        %add3A_725 = arith.addi %mul3A_723, %add3A_724 : i32
        %get3A_726 = arith.constant 1 : i32
        %get3A_727 = arith.constant 0 : i32
        %get3A_728 = arith.constant 0 : i32
        %get3A_729 = tpu.memref_slice %arg7[%scan3A_83, %get3A_727, %get3A_728] : memref<2x16x3072xf32, #tpu.memory_space<vmem>> -> memref<1x16x3072xf32, #tpu.memory_space<vmem>>
        %get3A_730 = tpu.memref_squeeze %get3A_729 : memref<1x16x3072xf32, #tpu.memory_space<vmem>> -> memref<16x3072xf32, #tpu.memory_space<vmem>>
        %get3A_731 = arith.index_cast %get3A_726 : i32 to index
        %get3A_732 = arith.index_cast %add3A_725 : i32 to index
        %get3A_733 = tpu.vector_load %get3A_730[%get3A_731, %get3A_732] {strides = array<i32>} : memref<16x3072xf32, #tpu.memory_space<vmem>>, vector<16xf32>,
        %mul3A_734 = arith.mulf %get3A_733, %get3A_519 : vector<16xf32>
        %add3A_735 = arith.addf %add3A_721, %mul3A_734 : vector<16xf32>
        %mul3A_736 = arith.constant 128 : i32
        %mul3A_737 = arith.muli %scan3A_461, %mul3A_736 : i32
        %add3A_738 = arith.constant 112 : i32
        %add3A_739 = arith.addi %mul3A_737, %add3A_738 : i32
        %get3A_740 = arith.constant 1 : i32
        %get3A_741 = arith.constant 0 : i32
        %get3A_742 = arith.constant 0 : i32
        %get3A_743 = tpu.memref_slice %arg7[%scan3A_83, %get3A_741, %get3A_742] : memref<2x16x3072xf32, #tpu.memory_space<vmem>> -> memref<1x16x3072xf32, #tpu.memory_space<vmem>>
        %get3A_744 = tpu.memref_squeeze %get3A_743 : memref<1x16x3072xf32, #tpu.memory_space<vmem>> -> memref<16x3072xf32, #tpu.memory_space<vmem>>
        %get3A_745 = arith.index_cast %get3A_740 : i32 to index
        %get3A_746 = arith.index_cast %add3A_739 : i32 to index
        %get3A_747 = tpu.vector_load %get3A_744[%get3A_745, %get3A_746] {strides = array<i32>} : memref<16x3072xf32, #tpu.memory_space<vmem>>, vector<16xf32>,
        %mul3A_748 = arith.mulf %get3A_747, %get3A_525 : vector<16xf32>
        %add3A_749 = arith.addf %add3A_735, %mul3A_748 : vector<16xf32>
        %mul3A_750 = arith.constant 128 : i32
        %mul3A_751 = arith.muli %scan3A_461, %mul3A_750 : i32
        %add3A_752 = arith.constant 0 : i32
        %add3A_753 = arith.addi %mul3A_751, %add3A_752 : i32
        %get3A_754 = arith.constant 2 : i32
        %get3A_755 = arith.constant 0 : i32
        %get3A_756 = arith.constant 0 : i32
        %get3A_757 = tpu.memref_slice %arg7[%scan3A_83, %get3A_755, %get3A_756] : memref<2x16x3072xf32, #tpu.memory_space<vmem>> -> memref<1x16x3072xf32, #tpu.memory_space<vmem>>
        %get3A_758 = tpu.memref_squeeze %get3A_757 : memref<1x16x3072xf32, #tpu.memory_space<vmem>> -> memref<16x3072xf32, #tpu.memory_space<vmem>>
        %get3A_759 = arith.index_cast %get3A_754 : i32 to index
        %get3A_760 = arith.index_cast %add3A_753 : i32 to index
        %get3A_761 = tpu.vector_load %get3A_758[%get3A_759, %get3A_760] {strides = array<i32>} : memref<16x3072xf32, #tpu.memory_space<vmem>>, vector<16xf32>,
        %mul3A_762 = arith.mulf %get3A_761, %get3A_483 : vector<16xf32>
        %add3A_763 = arith.addf %scan3A_464, %mul3A_762 : vector<16xf32>
        %mul3A_764 = arith.constant 128 : i32
        %mul3A_765 = arith.muli %scan3A_461, %mul3A_764 : i32
        %add3A_766 = arith.constant 16 : i32
        %add3A_767 = arith.addi %mul3A_765, %add3A_766 : i32
        %get3A_768 = arith.constant 2 : i32
        %get3A_769 = arith.constant 0 : i32
        %get3A_770 = arith.constant 0 : i32
        %get3A_771 = tpu.memref_slice %arg7[%scan3A_83, %get3A_769, %get3A_770] : memref<2x16x3072xf32, #tpu.memory_space<vmem>> -> memref<1x16x3072xf32, #tpu.memory_space<vmem>>
        %get3A_772 = tpu.memref_squeeze %get3A_771 : memref<1x16x3072xf32, #tpu.memory_space<vmem>> -> memref<16x3072xf32, #tpu.memory_space<vmem>>
        %get3A_773 = arith.index_cast %get3A_768 : i32 to index
        %get3A_774 = arith.index_cast %add3A_767 : i32 to index
        %get3A_775 = tpu.vector_load %get3A_772[%get3A_773, %get3A_774] {strides = array<i32>} : memref<16x3072xf32, #tpu.memory_space<vmem>>, vector<16xf32>,
        %mul3A_776 = arith.mulf %get3A_775, %get3A_489 : vector<16xf32>
        %add3A_777 = arith.addf %add3A_763, %mul3A_776 : vector<16xf32>
        %mul3A_778 = arith.constant 128 : i32
        %mul3A_779 = arith.muli %scan3A_461, %mul3A_778 : i32
        %add3A_780 = arith.constant 32 : i32
        %add3A_781 = arith.addi %mul3A_779, %add3A_780 : i32
        %get3A_782 = arith.constant 2 : i32
        %get3A_783 = arith.constant 0 : i32
        %get3A_784 = arith.constant 0 : i32
        %get3A_785 = tpu.memref_slice %arg7[%scan3A_83, %get3A_783, %get3A_784] : memref<2x16x3072xf32, #tpu.memory_space<vmem>> -> memref<1x16x3072xf32, #tpu.memory_space<vmem>>
        %get3A_786 = tpu.memref_squeeze %get3A_785 : memref<1x16x3072xf32, #tpu.memory_space<vmem>> -> memref<16x3072xf32, #tpu.memory_space<vmem>>
        %get3A_787 = arith.index_cast %get3A_782 : i32 to index
        %get3A_788 = arith.index_cast %add3A_781 : i32 to index
        %get3A_789 = tpu.vector_load %get3A_786[%get3A_787, %get3A_788] {strides = array<i32>} : memref<16x3072xf32, #tpu.memory_space<vmem>>, vector<16xf32>,
        %mul3A_790 = arith.mulf %get3A_789, %get3A_495 : vector<16xf32>
        %add3A_791 = arith.addf %add3A_777, %mul3A_790 : vector<16xf32>
        %mul3A_792 = arith.constant 128 : i32
        %mul3A_793 = arith.muli %scan3A_461, %mul3A_792 : i32
        %add3A_794 = arith.constant 48 : i32
        %add3A_795 = arith.addi %mul3A_793, %add3A_794 : i32
        %get3A_796 = arith.constant 2 : i32
        %get3A_797 = arith.constant 0 : i32
        %get3A_798 = arith.constant 0 : i32
        %get3A_799 = tpu.memref_slice %arg7[%scan3A_83, %get3A_797, %get3A_798] : memref<2x16x3072xf32, #tpu.memory_space<vmem>> -> memref<1x16x3072xf32, #tpu.memory_space<vmem>>
        %get3A_800 = tpu.memref_squeeze %get3A_799 : memref<1x16x3072xf32, #tpu.memory_space<vmem>> -> memref<16x3072xf32, #tpu.memory_space<vmem>>
        %get3A_801 = arith.index_cast %get3A_796 : i32 to index
        %get3A_802 = arith.index_cast %add3A_795 : i32 to index
        %get3A_803 = tpu.vector_load %get3A_800[%get3A_801, %get3A_802] {strides = array<i32>} : memref<16x3072xf32, #tpu.memory_space<vmem>>, vector<16xf32>,
        %mul3A_804 = arith.mulf %get3A_803, %get3A_501 : vector<16xf32>
        %add3A_805 = arith.addf %add3A_791, %mul3A_804 : vector<16xf32>
        %mul3A_806 = arith.constant 128 : i32
        %mul3A_807 = arith.muli %scan3A_461, %mul3A_806 : i32
        %add3A_808 = arith.constant 64 : i32
        %add3A_809 = arith.addi %mul3A_807, %add3A_808 : i32
        %get3A_810 = arith.constant 2 : i32
        %get3A_811 = arith.constant 0 : i32
        %get3A_812 = arith.constant 0 : i32
        %get3A_813 = tpu.memref_slice %arg7[%scan3A_83, %get3A_811, %get3A_812] : memref<2x16x3072xf32, #tpu.memory_space<vmem>> -> memref<1x16x3072xf32, #tpu.memory_space<vmem>>
        %get3A_814 = tpu.memref_squeeze %get3A_813 : memref<1x16x3072xf32, #tpu.memory_space<vmem>> -> memref<16x3072xf32, #tpu.memory_space<vmem>>
        %get3A_815 = arith.index_cast %get3A_810 : i32 to index
        %get3A_816 = arith.index_cast %add3A_809 : i32 to index
        %get3A_817 = tpu.vector_load %get3A_814[%get3A_815, %get3A_816] {strides = array<i32>} : memref<16x3072xf32, #tpu.memory_space<vmem>>, vector<16xf32>,
        %mul3A_818 = arith.mulf %get3A_817, %get3A_507 : vector<16xf32>
        %add3A_819 = arith.addf %add3A_805, %mul3A_818 : vector<16xf32>
        %mul3A_820 = arith.constant 128 : i32
        %mul3A_821 = arith.muli %scan3A_461, %mul3A_820 : i32
        %add3A_822 = arith.constant 80 : i32
        %add3A_823 = arith.addi %mul3A_821, %add3A_822 : i32
        %get3A_824 = arith.constant 2 : i32
        %get3A_825 = arith.constant 0 : i32
        %get3A_826 = arith.constant 0 : i32
        %get3A_827 = tpu.memref_slice %arg7[%scan3A_83, %get3A_825, %get3A_826] : memref<2x16x3072xf32, #tpu.memory_space<vmem>> -> memref<1x16x3072xf32, #tpu.memory_space<vmem>>
        %get3A_828 = tpu.memref_squeeze %get3A_827 : memref<1x16x3072xf32, #tpu.memory_space<vmem>> -> memref<16x3072xf32, #tpu.memory_space<vmem>>
        %get3A_829 = arith.index_cast %get3A_824 : i32 to index
        %get3A_830 = arith.index_cast %add3A_823 : i32 to index
        %get3A_831 = tpu.vector_load %get3A_828[%get3A_829, %get3A_830] {strides = array<i32>} : memref<16x3072xf32, #tpu.memory_space<vmem>>, vector<16xf32>,
        %mul3A_832 = arith.mulf %get3A_831, %get3A_513 : vector<16xf32>
        %add3A_833 = arith.addf %add3A_819, %mul3A_832 : vector<16xf32>
        %mul3A_834 = arith.constant 128 : i32
        %mul3A_835 = arith.muli %scan3A_461, %mul3A_834 : i32
        %add3A_836 = arith.constant 96 : i32
        %add3A_837 = arith.addi %mul3A_835, %add3A_836 : i32
        %get3A_838 = arith.constant 2 : i32
        %get3A_839 = arith.constant 0 : i32
        %get3A_840 = arith.constant 0 : i32
        %get3A_841 = tpu.memref_slice %arg7[%scan3A_83, %get3A_839, %get3A_840] : memref<2x16x3072xf32, #tpu.memory_space<vmem>> -> memref<1x16x3072xf32, #tpu.memory_space<vmem>>
        %get3A_842 = tpu.memref_squeeze %get3A_841 : memref<1x16x3072xf32, #tpu.memory_space<vmem>> -> memref<16x3072xf32, #tpu.memory_space<vmem>>
        %get3A_843 = arith.index_cast %get3A_838 : i32 to index
        %get3A_844 = arith.index_cast %add3A_837 : i32 to index
        %get3A_845 = tpu.vector_load %get3A_842[%get3A_843, %get3A_844] {strides = array<i32>} : memref<16x3072xf32, #tpu.memory_space<vmem>>, vector<16xf32>,
        %mul3A_846 = arith.mulf %get3A_845, %get3A_519 : vector<16xf32>
        %add3A_847 = arith.addf %add3A_833, %mul3A_846 : vector<16xf32>
        %mul3A_848 = arith.constant 128 : i32
        %mul3A_849 = arith.muli %scan3A_461, %mul3A_848 : i32
        %add3A_850 = arith.constant 112 : i32
        %add3A_851 = arith.addi %mul3A_849, %add3A_850 : i32
        %get3A_852 = arith.constant 2 : i32
        %get3A_853 = arith.constant 0 : i32
        %get3A_854 = arith.constant 0 : i32
        %get3A_855 = tpu.memref_slice %arg7[%scan3A_83, %get3A_853, %get3A_854] : memref<2x16x3072xf32, #tpu.memory_space<vmem>> -> memref<1x16x3072xf32, #tpu.memory_space<vmem>>
        %get3A_856 = tpu.memref_squeeze %get3A_855 : memref<1x16x3072xf32, #tpu.memory_space<vmem>> -> memref<16x3072xf32, #tpu.memory_space<vmem>>
        %get3A_857 = arith.index_cast %get3A_852 : i32 to index
        %get3A_858 = arith.index_cast %add3A_851 : i32 to index
        %get3A_859 = tpu.vector_load %get3A_856[%get3A_857, %get3A_858] {strides = array<i32>} : memref<16x3072xf32, #tpu.memory_space<vmem>>, vector<16xf32>,
        %mul3A_860 = arith.mulf %get3A_859, %get3A_525 : vector<16xf32>
        %add3A_861 = arith.addf %add3A_847, %mul3A_860 : vector<16xf32>
        %mul3A_862 = arith.constant 128 : i32
        %mul3A_863 = arith.muli %scan3A_461, %mul3A_862 : i32
        %add3A_864 = arith.constant 0 : i32
        %add3A_865 = arith.addi %mul3A_863, %add3A_864 : i32
        %get3A_866 = arith.constant 3 : i32
        %get3A_867 = arith.constant 0 : i32
        %get3A_868 = arith.constant 0 : i32
        %get3A_869 = tpu.memref_slice %arg7[%scan3A_83, %get3A_867, %get3A_868] : memref<2x16x3072xf32, #tpu.memory_space<vmem>> -> memref<1x16x3072xf32, #tpu.memory_space<vmem>>
        %get3A_870 = tpu.memref_squeeze %get3A_869 : memref<1x16x3072xf32, #tpu.memory_space<vmem>> -> memref<16x3072xf32, #tpu.memory_space<vmem>>
        %get3A_871 = arith.index_cast %get3A_866 : i32 to index
        %get3A_872 = arith.index_cast %add3A_865 : i32 to index
        %get3A_873 = tpu.vector_load %get3A_870[%get3A_871, %get3A_872] {strides = array<i32>} : memref<16x3072xf32, #tpu.memory_space<vmem>>, vector<16xf32>,
        %mul3A_874 = arith.mulf %get3A_873, %get3A_483 : vector<16xf32>
        %add3A_875 = arith.addf %scan3A_465, %mul3A_874 : vector<16xf32>
        %mul3A_876 = arith.constant 128 : i32
        %mul3A_877 = arith.muli %scan3A_461, %mul3A_876 : i32
        %add3A_878 = arith.constant 16 : i32
        %add3A_879 = arith.addi %mul3A_877, %add3A_878 : i32
        %get3A_880 = arith.constant 3 : i32
        %get3A_881 = arith.constant 0 : i32
        %get3A_882 = arith.constant 0 : i32
        %get3A_883 = tpu.memref_slice %arg7[%scan3A_83, %get3A_881, %get3A_882] : memref<2x16x3072xf32, #tpu.memory_space<vmem>> -> memref<1x16x3072xf32, #tpu.memory_space<vmem>>
        %get3A_884 = tpu.memref_squeeze %get3A_883 : memref<1x16x3072xf32, #tpu.memory_space<vmem>> -> memref<16x3072xf32, #tpu.memory_space<vmem>>
        %get3A_885 = arith.index_cast %get3A_880 : i32 to index
        %get3A_886 = arith.index_cast %add3A_879 : i32 to index
        %get3A_887 = tpu.vector_load %get3A_884[%get3A_885, %get3A_886] {strides = array<i32>} : memref<16x3072xf32, #tpu.memory_space<vmem>>, vector<16xf32>,
        %mul3A_888 = arith.mulf %get3A_887, %get3A_489 : vector<16xf32>
        %add3A_889 = arith.addf %add3A_875, %mul3A_888 : vector<16xf32>
        %mul3A_890 = arith.constant 128 : i32
        %mul3A_891 = arith.muli %scan3A_461, %mul3A_890 : i32
        %add3A_892 = arith.constant 32 : i32
        %add3A_893 = arith.addi %mul3A_891, %add3A_892 : i32
        %get3A_894 = arith.constant 3 : i32
        %get3A_895 = arith.constant 0 : i32
        %get3A_896 = arith.constant 0 : i32
        %get3A_897 = tpu.memref_slice %arg7[%scan3A_83, %get3A_895, %get3A_896] : memref<2x16x3072xf32, #tpu.memory_space<vmem>> -> memref<1x16x3072xf32, #tpu.memory_space<vmem>>
        %get3A_898 = tpu.memref_squeeze %get3A_897 : memref<1x16x3072xf32, #tpu.memory_space<vmem>> -> memref<16x3072xf32, #tpu.memory_space<vmem>>
        %get3A_899 = arith.index_cast %get3A_894 : i32 to index
        %get3A_900 = arith.index_cast %add3A_893 : i32 to index
        %get3A_901 = tpu.vector_load %get3A_898[%get3A_899, %get3A_900] {strides = array<i32>} : memref<16x3072xf32, #tpu.memory_space<vmem>>, vector<16xf32>,
        %mul3A_902 = arith.mulf %get3A_901, %get3A_495 : vector<16xf32>
        %add3A_903 = arith.addf %add3A_889, %mul3A_902 : vector<16xf32>
        %mul3A_904 = arith.constant 128 : i32
        %mul3A_905 = arith.muli %scan3A_461, %mul3A_904 : i32
        %add3A_906 = arith.constant 48 : i32
        %add3A_907 = arith.addi %mul3A_905, %add3A_906 : i32
        %get3A_908 = arith.constant 3 : i32
        %get3A_909 = arith.constant 0 : i32
        %get3A_910 = arith.constant 0 : i32
        %get3A_911 = tpu.memref_slice %arg7[%scan3A_83, %get3A_909, %get3A_910] : memref<2x16x3072xf32, #tpu.memory_space<vmem>> -> memref<1x16x3072xf32, #tpu.memory_space<vmem>>
        %get3A_912 = tpu.memref_squeeze %get3A_911 : memref<1x16x3072xf32, #tpu.memory_space<vmem>> -> memref<16x3072xf32, #tpu.memory_space<vmem>>
        %get3A_913 = arith.index_cast %get3A_908 : i32 to index
        %get3A_914 = arith.index_cast %add3A_907 : i32 to index
        %get3A_915 = tpu.vector_load %get3A_912[%get3A_913, %get3A_914] {strides = array<i32>} : memref<16x3072xf32, #tpu.memory_space<vmem>>, vector<16xf32>,
        %mul3A_916 = arith.mulf %get3A_915, %get3A_501 : vector<16xf32>
        %add3A_917 = arith.addf %add3A_903, %mul3A_916 : vector<16xf32>
        %mul3A_918 = arith.constant 128 : i32
        %mul3A_919 = arith.muli %scan3A_461, %mul3A_918 : i32
        %add3A_920 = arith.constant 64 : i32
        %add3A_921 = arith.addi %mul3A_919, %add3A_920 : i32
        %get3A_922 = arith.constant 3 : i32
        %get3A_923 = arith.constant 0 : i32
        %get3A_924 = arith.constant 0 : i32
        %get3A_925 = tpu.memref_slice %arg7[%scan3A_83, %get3A_923, %get3A_924] : memref<2x16x3072xf32, #tpu.memory_space<vmem>> -> memref<1x16x3072xf32, #tpu.memory_space<vmem>>
        %get3A_926 = tpu.memref_squeeze %get3A_925 : memref<1x16x3072xf32, #tpu.memory_space<vmem>> -> memref<16x3072xf32, #tpu.memory_space<vmem>>
        %get3A_927 = arith.index_cast %get3A_922 : i32 to index
        %get3A_928 = arith.index_cast %add3A_921 : i32 to index
        %get3A_929 = tpu.vector_load %get3A_926[%get3A_927, %get3A_928] {strides = array<i32>} : memref<16x3072xf32, #tpu.memory_space<vmem>>, vector<16xf32>,
        %mul3A_930 = arith.mulf %get3A_929, %get3A_507 : vector<16xf32>
        %add3A_931 = arith.addf %add3A_917, %mul3A_930 : vector<16xf32>
        %mul3A_932 = arith.constant 128 : i32
        %mul3A_933 = arith.muli %scan3A_461, %mul3A_932 : i32
        %add3A_934 = arith.constant 80 : i32
        %add3A_935 = arith.addi %mul3A_933, %add3A_934 : i32
        %get3A_936 = arith.constant 3 : i32
        %get3A_937 = arith.constant 0 : i32
        %get3A_938 = arith.constant 0 : i32
        %get3A_939 = tpu.memref_slice %arg7[%scan3A_83, %get3A_937, %get3A_938] : memref<2x16x3072xf32, #tpu.memory_space<vmem>> -> memref<1x16x3072xf32, #tpu.memory_space<vmem>>
        %get3A_940 = tpu.memref_squeeze %get3A_939 : memref<1x16x3072xf32, #tpu.memory_space<vmem>> -> memref<16x3072xf32, #tpu.memory_space<vmem>>
        %get3A_941 = arith.index_cast %get3A_936 : i32 to index
        %get3A_942 = arith.index_cast %add3A_935 : i32 to index
        %get3A_943 = tpu.vector_load %get3A_940[%get3A_941, %get3A_942] {strides = array<i32>} : memref<16x3072xf32, #tpu.memory_space<vmem>>, vector<16xf32>,
        %mul3A_944 = arith.mulf %get3A_943, %get3A_513 : vector<16xf32>
        %add3A_945 = arith.addf %add3A_931, %mul3A_944 : vector<16xf32>
        %mul3A_946 = arith.constant 128 : i32
        %mul3A_947 = arith.muli %scan3A_461, %mul3A_946 : i32
        %add3A_948 = arith.constant 96 : i32
        %add3A_949 = arith.addi %mul3A_947, %add3A_948 : i32
        %get3A_950 = arith.constant 3 : i32
        %get3A_951 = arith.constant 0 : i32
        %get3A_952 = arith.constant 0 : i32
        %get3A_953 = tpu.memref_slice %arg7[%scan3A_83, %get3A_951, %get3A_952] : memref<2x16x3072xf32, #tpu.memory_space<vmem>> -> memref<1x16x3072xf32, #tpu.memory_space<vmem>>
        %get3A_954 = tpu.memref_squeeze %get3A_953 : memref<1x16x3072xf32, #tpu.memory_space<vmem>> -> memref<16x3072xf32, #tpu.memory_space<vmem>>
        %get3A_955 = arith.index_cast %get3A_950 : i32 to index
        %get3A_956 = arith.index_cast %add3A_949 : i32 to index
        %get3A_957 = tpu.vector_load %get3A_954[%get3A_955, %get3A_956] {strides = array<i32>} : memref<16x3072xf32, #tpu.memory_space<vmem>>, vector<16xf32>,
        %mul3A_958 = arith.mulf %get3A_957, %get3A_519 : vector<16xf32>
        %add3A_959 = arith.addf %add3A_945, %mul3A_958 : vector<16xf32>
        %mul3A_960 = arith.constant 128 : i32
        %mul3A_961 = arith.muli %scan3A_461, %mul3A_960 : i32
        %add3A_962 = arith.constant 112 : i32
        %add3A_963 = arith.addi %mul3A_961, %add3A_962 : i32
        %get3A_964 = arith.constant 3 : i32
        %get3A_965 = arith.constant 0 : i32
        %get3A_966 = arith.constant 0 : i32
        %get3A_967 = tpu.memref_slice %arg7[%scan3A_83, %get3A_965, %get3A_966] : memref<2x16x3072xf32, #tpu.memory_space<vmem>> -> memref<1x16x3072xf32, #tpu.memory_space<vmem>>
        %get3A_968 = tpu.memref_squeeze %get3A_967 : memref<1x16x3072xf32, #tpu.memory_space<vmem>> -> memref<16x3072xf32, #tpu.memory_space<vmem>>
        %get3A_969 = arith.index_cast %get3A_964 : i32 to index
        %get3A_970 = arith.index_cast %add3A_963 : i32 to index
        %get3A_971 = tpu.vector_load %get3A_968[%get3A_969, %get3A_970] {strides = array<i32>} : memref<16x3072xf32, #tpu.memory_space<vmem>>, vector<16xf32>,
        %mul3A_972 = arith.mulf %get3A_971, %get3A_525 : vector<16xf32>
        %add3A_973 = arith.addf %add3A_959, %mul3A_972 : vector<16xf32>
        %mul3A_974 = arith.constant 128 : i32
        %mul3A_975 = arith.muli %scan3A_461, %mul3A_974 : i32
        %add3A_976 = arith.constant 0 : i32
        %add3A_977 = arith.addi %mul3A_975, %add3A_976 : i32
        %get3A_978 = arith.constant 4 : i32
        %get3A_979 = arith.constant 0 : i32
        %get3A_980 = arith.constant 0 : i32
        %get3A_981 = tpu.memref_slice %arg7[%scan3A_83, %get3A_979, %get3A_980] : memref<2x16x3072xf32, #tpu.memory_space<vmem>> -> memref<1x16x3072xf32, #tpu.memory_space<vmem>>
        %get3A_982 = tpu.memref_squeeze %get3A_981 : memref<1x16x3072xf32, #tpu.memory_space<vmem>> -> memref<16x3072xf32, #tpu.memory_space<vmem>>
        %get3A_983 = arith.index_cast %get3A_978 : i32 to index
        %get3A_984 = arith.index_cast %add3A_977 : i32 to index
        %get3A_985 = tpu.vector_load %get3A_982[%get3A_983, %get3A_984] {strides = array<i32>} : memref<16x3072xf32, #tpu.memory_space<vmem>>, vector<16xf32>,
        %mul3A_986 = arith.mulf %get3A_985, %get3A_483 : vector<16xf32>
        %add3A_987 = arith.addf %scan3A_466, %mul3A_986 : vector<16xf32>
        %mul3A_988 = arith.constant 128 : i32
        %mul3A_989 = arith.muli %scan3A_461, %mul3A_988 : i32
        %add3A_990 = arith.constant 16 : i32
        %add3A_991 = arith.addi %mul3A_989, %add3A_990 : i32
        %get3A_992 = arith.constant 4 : i32
        %get3A_993 = arith.constant 0 : i32
        %get3A_994 = arith.constant 0 : i32
        %get3A_995 = tpu.memref_slice %arg7[%scan3A_83, %get3A_993, %get3A_994] : memref<2x16x3072xf32, #tpu.memory_space<vmem>> -> memref<1x16x3072xf32, #tpu.memory_space<vmem>>
        %get3A_996 = tpu.memref_squeeze %get3A_995 : memref<1x16x3072xf32, #tpu.memory_space<vmem>> -> memref<16x3072xf32, #tpu.memory_space<vmem>>
        %get3A_997 = arith.index_cast %get3A_992 : i32 to index
        %get3A_998 = arith.index_cast %add3A_991 : i32 to index
        %get3A_999 = tpu.vector_load %get3A_996[%get3A_997, %get3A_998] {strides = array<i32>} : memref<16x3072xf32, #tpu.memory_space<vmem>>, vector<16xf32>,
        %mul3A_1000 = arith.mulf %get3A_999, %get3A_489 : vector<16xf32>
        %add3A_1001 = arith.addf %add3A_987, %mul3A_1000 : vector<16xf32>
        %mul3A_1002 = arith.constant 128 : i32
        %mul3A_1003 = arith.muli %scan3A_461, %mul3A_1002 : i32
        %add3A_1004 = arith.constant 32 : i32
        %add3A_1005 = arith.addi %mul3A_1003, %add3A_1004 : i32
        %get3A_1006 = arith.constant 4 : i32
        %get3A_1007 = arith.constant 0 : i32
        %get3A_1008 = arith.constant 0 : i32
        %get3A_1009 = tpu.memref_slice %arg7[%scan3A_83, %get3A_1007, %get3A_1008] : memref<2x16x3072xf32, #tpu.memory_space<vmem>> -> memref<1x16x3072xf32, #tpu.memory_space<vmem>>
        %get3A_1010 = tpu.memref_squeeze %get3A_1009 : memref<1x16x3072xf32, #tpu.memory_space<vmem>> -> memref<16x3072xf32, #tpu.memory_space<vmem>>
        %get3A_1011 = arith.index_cast %get3A_1006 : i32 to index
        %get3A_1012 = arith.index_cast %add3A_1005 : i32 to index
        %get3A_1013 = tpu.vector_load %get3A_1010[%get3A_1011, %get3A_1012] {strides = array<i32>} : memref<16x3072xf32, #tpu.memory_space<vmem>>, vector<16xf32>,
        %mul3A_1014 = arith.mulf %get3A_1013, %get3A_495 : vector<16xf32>
        %add3A_1015 = arith.addf %add3A_1001, %mul3A_1014 : vector<16xf32>
        %mul3A_1016 = arith.constant 128 : i32
        %mul3A_1017 = arith.muli %scan3A_461, %mul3A_1016 : i32
        %add3A_1018 = arith.constant 48 : i32
        %add3A_1019 = arith.addi %mul3A_1017, %add3A_1018 : i32
        %get3A_1020 = arith.constant 4 : i32
        %get3A_1021 = arith.constant 0 : i32
        %get3A_1022 = arith.constant 0 : i32
        %get3A_1023 = tpu.memref_slice %arg7[%scan3A_83, %get3A_1021, %get3A_1022] : memref<2x16x3072xf32, #tpu.memory_space<vmem>> -> memref<1x16x3072xf32, #tpu.memory_space<vmem>>
        %get3A_1024 = tpu.memref_squeeze %get3A_1023 : memref<1x16x3072xf32, #tpu.memory_space<vmem>> -> memref<16x3072xf32, #tpu.memory_space<vmem>>
        %get3A_1025 = arith.index_cast %get3A_1020 : i32 to index
        %get3A_1026 = arith.index_cast %add3A_1019 : i32 to index
        %get3A_1027 = tpu.vector_load %get3A_1024[%get3A_1025, %get3A_1026] {strides = array<i32>} : memref<16x3072xf32, #tpu.memory_space<vmem>>, vector<16xf32>,
        %mul3A_1028 = arith.mulf %get3A_1027, %get3A_501 : vector<16xf32>
        %add3A_1029 = arith.addf %add3A_1015, %mul3A_1028 : vector<16xf32>
        %mul3A_1030 = arith.constant 128 : i32
        %mul3A_1031 = arith.muli %scan3A_461, %mul3A_1030 : i32
        %add3A_1032 = arith.constant 64 : i32
        %add3A_1033 = arith.addi %mul3A_1031, %add3A_1032 : i32
        %get3A_1034 = arith.constant 4 : i32
        %get3A_1035 = arith.constant 0 : i32
        %get3A_1036 = arith.constant 0 : i32
        %get3A_1037 = tpu.memref_slice %arg7[%scan3A_83, %get3A_1035, %get3A_1036] : memref<2x16x3072xf32, #tpu.memory_space<vmem>> -> memref<1x16x3072xf32, #tpu.memory_space<vmem>>
        %get3A_1038 = tpu.memref_squeeze %get3A_1037 : memref<1x16x3072xf32, #tpu.memory_space<vmem>> -> memref<16x3072xf32, #tpu.memory_space<vmem>>
        %get3A_1039 = arith.index_cast %get3A_1034 : i32 to index
        %get3A_1040 = arith.index_cast %add3A_1033 : i32 to index
        %get3A_1041 = tpu.vector_load %get3A_1038[%get3A_1039, %get3A_1040] {strides = array<i32>} : memref<16x3072xf32, #tpu.memory_space<vmem>>, vector<16xf32>,
        %mul3A_1042 = arith.mulf %get3A_1041, %get3A_507 : vector<16xf32>
        %add3A_1043 = arith.addf %add3A_1029, %mul3A_1042 : vector<16xf32>
        %mul3A_1044 = arith.constant 128 : i32
        %mul3A_1045 = arith.muli %scan3A_461, %mul3A_1044 : i32
        %add3A_1046 = arith.constant 80 : i32
        %add3A_1047 = arith.addi %mul3A_1045, %add3A_1046 : i32
        %get3A_1048 = arith.constant 4 : i32
        %get3A_1049 = arith.constant 0 : i32
        %get3A_1050 = arith.constant 0 : i32
        %get3A_1051 = tpu.memref_slice %arg7[%scan3A_83, %get3A_1049, %get3A_1050] : memref<2x16x3072xf32, #tpu.memory_space<vmem>> -> memref<1x16x3072xf32, #tpu.memory_space<vmem>>
        %get3A_1052 = tpu.memref_squeeze %get3A_1051 : memref<1x16x3072xf32, #tpu.memory_space<vmem>> -> memref<16x3072xf32, #tpu.memory_space<vmem>>
        %get3A_1053 = arith.index_cast %get3A_1048 : i32 to index
        %get3A_1054 = arith.index_cast %add3A_1047 : i32 to index
        %get3A_1055 = tpu.vector_load %get3A_1052[%get3A_1053, %get3A_1054] {strides = array<i32>} : memref<16x3072xf32, #tpu.memory_space<vmem>>, vector<16xf32>,
        %mul3A_1056 = arith.mulf %get3A_1055, %get3A_513 : vector<16xf32>
        %add3A_1057 = arith.addf %add3A_1043, %mul3A_1056 : vector<16xf32>
        %mul3A_1058 = arith.constant 128 : i32
        %mul3A_1059 = arith.muli %scan3A_461, %mul3A_1058 : i32
        %add3A_1060 = arith.constant 96 : i32
        %add3A_1061 = arith.addi %mul3A_1059, %add3A_1060 : i32
        %get3A_1062 = arith.constant 4 : i32
        %get3A_1063 = arith.constant 0 : i32
        %get3A_1064 = arith.constant 0 : i32
        %get3A_1065 = tpu.memref_slice %arg7[%scan3A_83, %get3A_1063, %get3A_1064] : memref<2x16x3072xf32, #tpu.memory_space<vmem>> -> memref<1x16x3072xf32, #tpu.memory_space<vmem>>
        %get3A_1066 = tpu.memref_squeeze %get3A_1065 : memref<1x16x3072xf32, #tpu.memory_space<vmem>> -> memref<16x3072xf32, #tpu.memory_space<vmem>>
        %get3A_1067 = arith.index_cast %get3A_1062 : i32 to index
        %get3A_1068 = arith.index_cast %add3A_1061 : i32 to index
        %get3A_1069 = tpu.vector_load %get3A_1066[%get3A_1067, %get3A_1068] {strides = array<i32>} : memref<16x3072xf32, #tpu.memory_space<vmem>>, vector<16xf32>,
        %mul3A_1070 = arith.mulf %get3A_1069, %get3A_519 : vector<16xf32>
        %add3A_1071 = arith.addf %add3A_1057, %mul3A_1070 : vector<16xf32>
        %mul3A_1072 = arith.constant 128 : i32
        %mul3A_1073 = arith.muli %scan3A_461, %mul3A_1072 : i32
        %add3A_1074 = arith.constant 112 : i32
        %add3A_1075 = arith.addi %mul3A_1073, %add3A_1074 : i32
        %get3A_1076 = arith.constant 4 : i32
        %get3A_1077 = arith.constant 0 : i32
        %get3A_1078 = arith.constant 0 : i32
        %get3A_1079 = tpu.memref_slice %arg7[%scan3A_83, %get3A_1077, %get3A_1078] : memref<2x16x3072xf32, #tpu.memory_space<vmem>> -> memref<1x16x3072xf32, #tpu.memory_space<vmem>>
        %get3A_1080 = tpu.memref_squeeze %get3A_1079 : memref<1x16x3072xf32, #tpu.memory_space<vmem>> -> memref<16x3072xf32, #tpu.memory_space<vmem>>
        %get3A_1081 = arith.index_cast %get3A_1076 : i32 to index
        %get3A_1082 = arith.index_cast %add3A_1075 : i32 to index
        %get3A_1083 = tpu.vector_load %get3A_1080[%get3A_1081, %get3A_1082] {strides = array<i32>} : memref<16x3072xf32, #tpu.memory_space<vmem>>, vector<16xf32>,
        %mul3A_1084 = arith.mulf %get3A_1083, %get3A_525 : vector<16xf32>
        %add3A_1085 = arith.addf %add3A_1071, %mul3A_1084 : vector<16xf32>
        %mul3A_1086 = arith.constant 128 : i32
        %mul3A_1087 = arith.muli %scan3A_461, %mul3A_1086 : i32
        %add3A_1088 = arith.constant 0 : i32
        %add3A_1089 = arith.addi %mul3A_1087, %add3A_1088 : i32
        %get3A_1090 = arith.constant 5 : i32
        %get3A_1091 = arith.constant 0 : i32
        %get3A_1092 = arith.constant 0 : i32
        %get3A_1093 = tpu.memref_slice %arg7[%scan3A_83, %get3A_1091, %get3A_1092] : memref<2x16x3072xf32, #tpu.memory_space<vmem>> -> memref<1x16x3072xf32, #tpu.memory_space<vmem>>
        %get3A_1094 = tpu.memref_squeeze %get3A_1093 : memref<1x16x3072xf32, #tpu.memory_space<vmem>> -> memref<16x3072xf32, #tpu.memory_space<vmem>>
        %get3A_1095 = arith.index_cast %get3A_1090 : i32 to index
        %get3A_1096 = arith.index_cast %add3A_1089 : i32 to index
        %get3A_1097 = tpu.vector_load %get3A_1094[%get3A_1095, %get3A_1096] {strides = array<i32>} : memref<16x3072xf32, #tpu.memory_space<vmem>>, vector<16xf32>,
        %mul3A_1098 = arith.mulf %get3A_1097, %get3A_483 : vector<16xf32>
        %add3A_1099 = arith.addf %scan3A_467, %mul3A_1098 : vector<16xf32>
        %mul3A_1100 = arith.constant 128 : i32
        %mul3A_1101 = arith.muli %scan3A_461, %mul3A_1100 : i32
        %add3A_1102 = arith.constant 16 : i32
        %add3A_1103 = arith.addi %mul3A_1101, %add3A_1102 : i32
        %get3A_1104 = arith.constant 5 : i32
        %get3A_1105 = arith.constant 0 : i32
        %get3A_1106 = arith.constant 0 : i32
        %get3A_1107 = tpu.memref_slice %arg7[%scan3A_83, %get3A_1105, %get3A_1106] : memref<2x16x3072xf32, #tpu.memory_space<vmem>> -> memref<1x16x3072xf32, #tpu.memory_space<vmem>>
        %get3A_1108 = tpu.memref_squeeze %get3A_1107 : memref<1x16x3072xf32, #tpu.memory_space<vmem>> -> memref<16x3072xf32, #tpu.memory_space<vmem>>
        %get3A_1109 = arith.index_cast %get3A_1104 : i32 to index
        %get3A_1110 = arith.index_cast %add3A_1103 : i32 to index
        %get3A_1111 = tpu.vector_load %get3A_1108[%get3A_1109, %get3A_1110] {strides = array<i32>} : memref<16x3072xf32, #tpu.memory_space<vmem>>, vector<16xf32>,
        %mul3A_1112 = arith.mulf %get3A_1111, %get3A_489 : vector<16xf32>
        %add3A_1113 = arith.addf %add3A_1099, %mul3A_1112 : vector<16xf32>
        %mul3A_1114 = arith.constant 128 : i32
        %mul3A_1115 = arith.muli %scan3A_461, %mul3A_1114 : i32
        %add3A_1116 = arith.constant 32 : i32
        %add3A_1117 = arith.addi %mul3A_1115, %add3A_1116 : i32
        %get3A_1118 = arith.constant 5 : i32
        %get3A_1119 = arith.constant 0 : i32
        %get3A_1120 = arith.constant 0 : i32
        %get3A_1121 = tpu.memref_slice %arg7[%scan3A_83, %get3A_1119, %get3A_1120] : memref<2x16x3072xf32, #tpu.memory_space<vmem>> -> memref<1x16x3072xf32, #tpu.memory_space<vmem>>
        %get3A_1122 = tpu.memref_squeeze %get3A_1121 : memref<1x16x3072xf32, #tpu.memory_space<vmem>> -> memref<16x3072xf32, #tpu.memory_space<vmem>>
        %get3A_1123 = arith.index_cast %get3A_1118 : i32 to index
        %get3A_1124 = arith.index_cast %add3A_1117 : i32 to index
        %get3A_1125 = tpu.vector_load %get3A_1122[%get3A_1123, %get3A_1124] {strides = array<i32>} : memref<16x3072xf32, #tpu.memory_space<vmem>>, vector<16xf32>,
        %mul3A_1126 = arith.mulf %get3A_1125, %get3A_495 : vector<16xf32>
        %add3A_1127 = arith.addf %add3A_1113, %mul3A_1126 : vector<16xf32>
        %mul3A_1128 = arith.constant 128 : i32
        %mul3A_1129 = arith.muli %scan3A_461, %mul3A_1128 : i32
        %add3A_1130 = arith.constant 48 : i32
        %add3A_1131 = arith.addi %mul3A_1129, %add3A_1130 : i32
        %get3A_1132 = arith.constant 5 : i32
        %get3A_1133 = arith.constant 0 : i32
        %get3A_1134 = arith.constant 0 : i32
        %get3A_1135 = tpu.memref_slice %arg7[%scan3A_83, %get3A_1133, %get3A_1134] : memref<2x16x3072xf32, #tpu.memory_space<vmem>> -> memref<1x16x3072xf32, #tpu.memory_space<vmem>>
        %get3A_1136 = tpu.memref_squeeze %get3A_1135 : memref<1x16x3072xf32, #tpu.memory_space<vmem>> -> memref<16x3072xf32, #tpu.memory_space<vmem>>
        %get3A_1137 = arith.index_cast %get3A_1132 : i32 to index
        %get3A_1138 = arith.index_cast %add3A_1131 : i32 to index
        %get3A_1139 = tpu.vector_load %get3A_1136[%get3A_1137, %get3A_1138] {strides = array<i32>} : memref<16x3072xf32, #tpu.memory_space<vmem>>, vector<16xf32>,
        %mul3A_1140 = arith.mulf %get3A_1139, %get3A_501 : vector<16xf32>
        %add3A_1141 = arith.addf %add3A_1127, %mul3A_1140 : vector<16xf32>
        %mul3A_1142 = arith.constant 128 : i32
        %mul3A_1143 = arith.muli %scan3A_461, %mul3A_1142 : i32
        %add3A_1144 = arith.constant 64 : i32
        %add3A_1145 = arith.addi %mul3A_1143, %add3A_1144 : i32
        %get3A_1146 = arith.constant 5 : i32
        %get3A_1147 = arith.constant 0 : i32
        %get3A_1148 = arith.constant 0 : i32
        %get3A_1149 = tpu.memref_slice %arg7[%scan3A_83, %get3A_1147, %get3A_1148] : memref<2x16x3072xf32, #tpu.memory_space<vmem>> -> memref<1x16x3072xf32, #tpu.memory_space<vmem>>
        %get3A_1150 = tpu.memref_squeeze %get3A_1149 : memref<1x16x3072xf32, #tpu.memory_space<vmem>> -> memref<16x3072xf32, #tpu.memory_space<vmem>>
        %get3A_1151 = arith.index_cast %get3A_1146 : i32 to index
        %get3A_1152 = arith.index_cast %add3A_1145 : i32 to index
        %get3A_1153 = tpu.vector_load %get3A_1150[%get3A_1151, %get3A_1152] {strides = array<i32>} : memref<16x3072xf32, #tpu.memory_space<vmem>>, vector<16xf32>,
        %mul3A_1154 = arith.mulf %get3A_1153, %get3A_507 : vector<16xf32>
        %add3A_1155 = arith.addf %add3A_1141, %mul3A_1154 : vector<16xf32>
        %mul3A_1156 = arith.constant 128 : i32
        %mul3A_1157 = arith.muli %scan3A_461, %mul3A_1156 : i32
        %add3A_1158 = arith.constant 80 : i32
        %add3A_1159 = arith.addi %mul3A_1157, %add3A_1158 : i32
        %get3A_1160 = arith.constant 5 : i32
        %get3A_1161 = arith.constant 0 : i32
        %get3A_1162 = arith.constant 0 : i32
        %get3A_1163 = tpu.memref_slice %arg7[%scan3A_83, %get3A_1161, %get3A_1162] : memref<2x16x3072xf32, #tpu.memory_space<vmem>> -> memref<1x16x3072xf32, #tpu.memory_space<vmem>>
        %get3A_1164 = tpu.memref_squeeze %get3A_1163 : memref<1x16x3072xf32, #tpu.memory_space<vmem>> -> memref<16x3072xf32, #tpu.memory_space<vmem>>
        %get3A_1165 = arith.index_cast %get3A_1160 : i32 to index
        %get3A_1166 = arith.index_cast %add3A_1159 : i32 to index
        %get3A_1167 = tpu.vector_load %get3A_1164[%get3A_1165, %get3A_1166] {strides = array<i32>} : memref<16x3072xf32, #tpu.memory_space<vmem>>, vector<16xf32>,
        %mul3A_1168 = arith.mulf %get3A_1167, %get3A_513 : vector<16xf32>
        %add3A_1169 = arith.addf %add3A_1155, %mul3A_1168 : vector<16xf32>
        %mul3A_1170 = arith.constant 128 : i32
        %mul3A_1171 = arith.muli %scan3A_461, %mul3A_1170 : i32
        %add3A_1172 = arith.constant 96 : i32
        %add3A_1173 = arith.addi %mul3A_1171, %add3A_1172 : i32
        %get3A_1174 = arith.constant 5 : i32
        %get3A_1175 = arith.constant 0 : i32
        %get3A_1176 = arith.constant 0 : i32
        %get3A_1177 = tpu.memref_slice %arg7[%scan3A_83, %get3A_1175, %get3A_1176] : memref<2x16x3072xf32, #tpu.memory_space<vmem>> -> memref<1x16x3072xf32, #tpu.memory_space<vmem>>
        %get3A_1178 = tpu.memref_squeeze %get3A_1177 : memref<1x16x3072xf32, #tpu.memory_space<vmem>> -> memref<16x3072xf32, #tpu.memory_space<vmem>>
        %get3A_1179 = arith.index_cast %get3A_1174 : i32 to index
        %get3A_1180 = arith.index_cast %add3A_1173 : i32 to index
        %get3A_1181 = tpu.vector_load %get3A_1178[%get3A_1179, %get3A_1180] {strides = array<i32>} : memref<16x3072xf32, #tpu.memory_space<vmem>>, vector<16xf32>,
        %mul3A_1182 = arith.mulf %get3A_1181, %get3A_519 : vector<16xf32>
        %add3A_1183 = arith.addf %add3A_1169, %mul3A_1182 : vector<16xf32>
        %mul3A_1184 = arith.constant 128 : i32
        %mul3A_1185 = arith.muli %scan3A_461, %mul3A_1184 : i32
        %add3A_1186 = arith.constant 112 : i32
        %add3A_1187 = arith.addi %mul3A_1185, %add3A_1186 : i32
        %get3A_1188 = arith.constant 5 : i32
        %get3A_1189 = arith.constant 0 : i32
        %get3A_1190 = arith.constant 0 : i32
        %get3A_1191 = tpu.memref_slice %arg7[%scan3A_83, %get3A_1189, %get3A_1190] : memref<2x16x3072xf32, #tpu.memory_space<vmem>> -> memref<1x16x3072xf32, #tpu.memory_space<vmem>>
        %get3A_1192 = tpu.memref_squeeze %get3A_1191 : memref<1x16x3072xf32, #tpu.memory_space<vmem>> -> memref<16x3072xf32, #tpu.memory_space<vmem>>
        %get3A_1193 = arith.index_cast %get3A_1188 : i32 to index
        %get3A_1194 = arith.index_cast %add3A_1187 : i32 to index
        %get3A_1195 = tpu.vector_load %get3A_1192[%get3A_1193, %get3A_1194] {strides = array<i32>} : memref<16x3072xf32, #tpu.memory_space<vmem>>, vector<16xf32>,
        %mul3A_1196 = arith.mulf %get3A_1195, %get3A_525 : vector<16xf32>
        %add3A_1197 = arith.addf %add3A_1183, %mul3A_1196 : vector<16xf32>
        %mul3A_1198 = arith.constant 128 : i32
        %mul3A_1199 = arith.muli %scan3A_461, %mul3A_1198 : i32
        %add3A_1200 = arith.constant 0 : i32
        %add3A_1201 = arith.addi %mul3A_1199, %add3A_1200 : i32
        %get3A_1202 = arith.constant 6 : i32
        %get3A_1203 = arith.constant 0 : i32
        %get3A_1204 = arith.constant 0 : i32
        %get3A_1205 = tpu.memref_slice %arg7[%scan3A_83, %get3A_1203, %get3A_1204] : memref<2x16x3072xf32, #tpu.memory_space<vmem>> -> memref<1x16x3072xf32, #tpu.memory_space<vmem>>
        %get3A_1206 = tpu.memref_squeeze %get3A_1205 : memref<1x16x3072xf32, #tpu.memory_space<vmem>> -> memref<16x3072xf32, #tpu.memory_space<vmem>>
        %get3A_1207 = arith.index_cast %get3A_1202 : i32 to index
        %get3A_1208 = arith.index_cast %add3A_1201 : i32 to index
        %get3A_1209 = tpu.vector_load %get3A_1206[%get3A_1207, %get3A_1208] {strides = array<i32>} : memref<16x3072xf32, #tpu.memory_space<vmem>>, vector<16xf32>,
        %mul3A_1210 = arith.mulf %get3A_1209, %get3A_483 : vector<16xf32>
        %add3A_1211 = arith.addf %scan3A_468, %mul3A_1210 : vector<16xf32>
        %mul3A_1212 = arith.constant 128 : i32
        %mul3A_1213 = arith.muli %scan3A_461, %mul3A_1212 : i32
        %add3A_1214 = arith.constant 16 : i32
        %add3A_1215 = arith.addi %mul3A_1213, %add3A_1214 : i32
        %get3A_1216 = arith.constant 6 : i32
        %get3A_1217 = arith.constant 0 : i32
        %get3A_1218 = arith.constant 0 : i32
        %get3A_1219 = tpu.memref_slice %arg7[%scan3A_83, %get3A_1217, %get3A_1218] : memref<2x16x3072xf32, #tpu.memory_space<vmem>> -> memref<1x16x3072xf32, #tpu.memory_space<vmem>>
        %get3A_1220 = tpu.memref_squeeze %get3A_1219 : memref<1x16x3072xf32, #tpu.memory_space<vmem>> -> memref<16x3072xf32, #tpu.memory_space<vmem>>
        %get3A_1221 = arith.index_cast %get3A_1216 : i32 to index
        %get3A_1222 = arith.index_cast %add3A_1215 : i32 to index
        %get3A_1223 = tpu.vector_load %get3A_1220[%get3A_1221, %get3A_1222] {strides = array<i32>} : memref<16x3072xf32, #tpu.memory_space<vmem>>, vector<16xf32>,
        %mul3A_1224 = arith.mulf %get3A_1223, %get3A_489 : vector<16xf32>
        %add3A_1225 = arith.addf %add3A_1211, %mul3A_1224 : vector<16xf32>
        %mul3A_1226 = arith.constant 128 : i32
        %mul3A_1227 = arith.muli %scan3A_461, %mul3A_1226 : i32
        %add3A_1228 = arith.constant 32 : i32
        %add3A_1229 = arith.addi %mul3A_1227, %add3A_1228 : i32
        %get3A_1230 = arith.constant 6 : i32
        %get3A_1231 = arith.constant 0 : i32
        %get3A_1232 = arith.constant 0 : i32
        %get3A_1233 = tpu.memref_slice %arg7[%scan3A_83, %get3A_1231, %get3A_1232] : memref<2x16x3072xf32, #tpu.memory_space<vmem>> -> memref<1x16x3072xf32, #tpu.memory_space<vmem>>
        %get3A_1234 = tpu.memref_squeeze %get3A_1233 : memref<1x16x3072xf32, #tpu.memory_space<vmem>> -> memref<16x3072xf32, #tpu.memory_space<vmem>>
        %get3A_1235 = arith.index_cast %get3A_1230 : i32 to index
        %get3A_1236 = arith.index_cast %add3A_1229 : i32 to index
        %get3A_1237 = tpu.vector_load %get3A_1234[%get3A_1235, %get3A_1236] {strides = array<i32>} : memref<16x3072xf32, #tpu.memory_space<vmem>>, vector<16xf32>,
        %mul3A_1238 = arith.mulf %get3A_1237, %get3A_495 : vector<16xf32>
        %add3A_1239 = arith.addf %add3A_1225, %mul3A_1238 : vector<16xf32>
        %mul3A_1240 = arith.constant 128 : i32
        %mul3A_1241 = arith.muli %scan3A_461, %mul3A_1240 : i32
        %add3A_1242 = arith.constant 48 : i32
        %add3A_1243 = arith.addi %mul3A_1241, %add3A_1242 : i32
        %get3A_1244 = arith.constant 6 : i32
        %get3A_1245 = arith.constant 0 : i32
        %get3A_1246 = arith.constant 0 : i32
        %get3A_1247 = tpu.memref_slice %arg7[%scan3A_83, %get3A_1245, %get3A_1246] : memref<2x16x3072xf32, #tpu.memory_space<vmem>> -> memref<1x16x3072xf32, #tpu.memory_space<vmem>>
        %get3A_1248 = tpu.memref_squeeze %get3A_1247 : memref<1x16x3072xf32, #tpu.memory_space<vmem>> -> memref<16x3072xf32, #tpu.memory_space<vmem>>
        %get3A_1249 = arith.index_cast %get3A_1244 : i32 to index
        %get3A_1250 = arith.index_cast %add3A_1243 : i32 to index
        %get3A_1251 = tpu.vector_load %get3A_1248[%get3A_1249, %get3A_1250] {strides = array<i32>} : memref<16x3072xf32, #tpu.memory_space<vmem>>, vector<16xf32>,
        %mul3A_1252 = arith.mulf %get3A_1251, %get3A_501 : vector<16xf32>
        %add3A_1253 = arith.addf %add3A_1239, %mul3A_1252 : vector<16xf32>
        %mul3A_1254 = arith.constant 128 : i32
        %mul3A_1255 = arith.muli %scan3A_461, %mul3A_1254 : i32
        %add3A_1256 = arith.constant 64 : i32
        %add3A_1257 = arith.addi %mul3A_1255, %add3A_1256 : i32
        %get3A_1258 = arith.constant 6 : i32
        %get3A_1259 = arith.constant 0 : i32
        %get3A_1260 = arith.constant 0 : i32
        %get3A_1261 = tpu.memref_slice %arg7[%scan3A_83, %get3A_1259, %get3A_1260] : memref<2x16x3072xf32, #tpu.memory_space<vmem>> -> memref<1x16x3072xf32, #tpu.memory_space<vmem>>
        %get3A_1262 = tpu.memref_squeeze %get3A_1261 : memref<1x16x3072xf32, #tpu.memory_space<vmem>> -> memref<16x3072xf32, #tpu.memory_space<vmem>>
        %get3A_1263 = arith.index_cast %get3A_1258 : i32 to index
        %get3A_1264 = arith.index_cast %add3A_1257 : i32 to index
        %get3A_1265 = tpu.vector_load %get3A_1262[%get3A_1263, %get3A_1264] {strides = array<i32>} : memref<16x3072xf32, #tpu.memory_space<vmem>>, vector<16xf32>,
        %mul3A_1266 = arith.mulf %get3A_1265, %get3A_507 : vector<16xf32>
        %add3A_1267 = arith.addf %add3A_1253, %mul3A_1266 : vector<16xf32>
        %mul3A_1268 = arith.constant 128 : i32
        %mul3A_1269 = arith.muli %scan3A_461, %mul3A_1268 : i32
        %add3A_1270 = arith.constant 80 : i32
        %add3A_1271 = arith.addi %mul3A_1269, %add3A_1270 : i32
        %get3A_1272 = arith.constant 6 : i32
        %get3A_1273 = arith.constant 0 : i32
        %get3A_1274 = arith.constant 0 : i32
        %get3A_1275 = tpu.memref_slice %arg7[%scan3A_83, %get3A_1273, %get3A_1274] : memref<2x16x3072xf32, #tpu.memory_space<vmem>> -> memref<1x16x3072xf32, #tpu.memory_space<vmem>>
        %get3A_1276 = tpu.memref_squeeze %get3A_1275 : memref<1x16x3072xf32, #tpu.memory_space<vmem>> -> memref<16x3072xf32, #tpu.memory_space<vmem>>
        %get3A_1277 = arith.index_cast %get3A_1272 : i32 to index
        %get3A_1278 = arith.index_cast %add3A_1271 : i32 to index
        %get3A_1279 = tpu.vector_load %get3A_1276[%get3A_1277, %get3A_1278] {strides = array<i32>} : memref<16x3072xf32, #tpu.memory_space<vmem>>, vector<16xf32>,
        %mul3A_1280 = arith.mulf %get3A_1279, %get3A_513 : vector<16xf32>
        %add3A_1281 = arith.addf %add3A_1267, %mul3A_1280 : vector<16xf32>
        %mul3A_1282 = arith.constant 128 : i32
        %mul3A_1283 = arith.muli %scan3A_461, %mul3A_1282 : i32
        %add3A_1284 = arith.constant 96 : i32
        %add3A_1285 = arith.addi %mul3A_1283, %add3A_1284 : i32
        %get3A_1286 = arith.constant 6 : i32
        %get3A_1287 = arith.constant 0 : i32
        %get3A_1288 = arith.constant 0 : i32
        %get3A_1289 = tpu.memref_slice %arg7[%scan3A_83, %get3A_1287, %get3A_1288] : memref<2x16x3072xf32, #tpu.memory_space<vmem>> -> memref<1x16x3072xf32, #tpu.memory_space<vmem>>
        %get3A_1290 = tpu.memref_squeeze %get3A_1289 : memref<1x16x3072xf32, #tpu.memory_space<vmem>> -> memref<16x3072xf32, #tpu.memory_space<vmem>>
        %get3A_1291 = arith.index_cast %get3A_1286 : i32 to index
        %get3A_1292 = arith.index_cast %add3A_1285 : i32 to index
        %get3A_1293 = tpu.vector_load %get3A_1290[%get3A_1291, %get3A_1292] {strides = array<i32>} : memref<16x3072xf32, #tpu.memory_space<vmem>>, vector<16xf32>,
        %mul3A_1294 = arith.mulf %get3A_1293, %get3A_519 : vector<16xf32>
        %add3A_1295 = arith.addf %add3A_1281, %mul3A_1294 : vector<16xf32>
        %mul3A_1296 = arith.constant 128 : i32
        %mul3A_1297 = arith.muli %scan3A_461, %mul3A_1296 : i32
        %add3A_1298 = arith.constant 112 : i32
        %add3A_1299 = arith.addi %mul3A_1297, %add3A_1298 : i32
        %get3A_1300 = arith.constant 6 : i32
        %get3A_1301 = arith.constant 0 : i32
        %get3A_1302 = arith.constant 0 : i32
        %get3A_1303 = tpu.memref_slice %arg7[%scan3A_83, %get3A_1301, %get3A_1302] : memref<2x16x3072xf32, #tpu.memory_space<vmem>> -> memref<1x16x3072xf32, #tpu.memory_space<vmem>>
        %get3A_1304 = tpu.memref_squeeze %get3A_1303 : memref<1x16x3072xf32, #tpu.memory_space<vmem>> -> memref<16x3072xf32, #tpu.memory_space<vmem>>
        %get3A_1305 = arith.index_cast %get3A_1300 : i32 to index
        %get3A_1306 = arith.index_cast %add3A_1299 : i32 to index
        %get3A_1307 = tpu.vector_load %get3A_1304[%get3A_1305, %get3A_1306] {strides = array<i32>} : memref<16x3072xf32, #tpu.memory_space<vmem>>, vector<16xf32>,
        %mul3A_1308 = arith.mulf %get3A_1307, %get3A_525 : vector<16xf32>
        %add3A_1309 = arith.addf %add3A_1295, %mul3A_1308 : vector<16xf32>
        %mul3A_1310 = arith.constant 128 : i32
        %mul3A_1311 = arith.muli %scan3A_461, %mul3A_1310 : i32
        %add3A_1312 = arith.constant 0 : i32
        %add3A_1313 = arith.addi %mul3A_1311, %add3A_1312 : i32
        %get3A_1314 = arith.constant 7 : i32
        %get3A_1315 = arith.constant 0 : i32
        %get3A_1316 = arith.constant 0 : i32
        %get3A_1317 = tpu.memref_slice %arg7[%scan3A_83, %get3A_1315, %get3A_1316] : memref<2x16x3072xf32, #tpu.memory_space<vmem>> -> memref<1x16x3072xf32, #tpu.memory_space<vmem>>
        %get3A_1318 = tpu.memref_squeeze %get3A_1317 : memref<1x16x3072xf32, #tpu.memory_space<vmem>> -> memref<16x3072xf32, #tpu.memory_space<vmem>>
        %get3A_1319 = arith.index_cast %get3A_1314 : i32 to index
        %get3A_1320 = arith.index_cast %add3A_1313 : i32 to index
        %get3A_1321 = tpu.vector_load %get3A_1318[%get3A_1319, %get3A_1320] {strides = array<i32>} : memref<16x3072xf32, #tpu.memory_space<vmem>>, vector<16xf32>,
        %mul3A_1322 = arith.mulf %get3A_1321, %get3A_483 : vector<16xf32>
        %add3A_1323 = arith.addf %scan3A_469, %mul3A_1322 : vector<16xf32>
        %mul3A_1324 = arith.constant 128 : i32
        %mul3A_1325 = arith.muli %scan3A_461, %mul3A_1324 : i32
        %add3A_1326 = arith.constant 16 : i32
        %add3A_1327 = arith.addi %mul3A_1325, %add3A_1326 : i32
        %get3A_1328 = arith.constant 7 : i32
        %get3A_1329 = arith.constant 0 : i32
        %get3A_1330 = arith.constant 0 : i32
        %get3A_1331 = tpu.memref_slice %arg7[%scan3A_83, %get3A_1329, %get3A_1330] : memref<2x16x3072xf32, #tpu.memory_space<vmem>> -> memref<1x16x3072xf32, #tpu.memory_space<vmem>>
        %get3A_1332 = tpu.memref_squeeze %get3A_1331 : memref<1x16x3072xf32, #tpu.memory_space<vmem>> -> memref<16x3072xf32, #tpu.memory_space<vmem>>
        %get3A_1333 = arith.index_cast %get3A_1328 : i32 to index
        %get3A_1334 = arith.index_cast %add3A_1327 : i32 to index
        %get3A_1335 = tpu.vector_load %get3A_1332[%get3A_1333, %get3A_1334] {strides = array<i32>} : memref<16x3072xf32, #tpu.memory_space<vmem>>, vector<16xf32>,
        %mul3A_1336 = arith.mulf %get3A_1335, %get3A_489 : vector<16xf32>
        %add3A_1337 = arith.addf %add3A_1323, %mul3A_1336 : vector<16xf32>
        %mul3A_1338 = arith.constant 128 : i32
        %mul3A_1339 = arith.muli %scan3A_461, %mul3A_1338 : i32
        %add3A_1340 = arith.constant 32 : i32
        %add3A_1341 = arith.addi %mul3A_1339, %add3A_1340 : i32
        %get3A_1342 = arith.constant 7 : i32
        %get3A_1343 = arith.constant 0 : i32
        %get3A_1344 = arith.constant 0 : i32
        %get3A_1345 = tpu.memref_slice %arg7[%scan3A_83, %get3A_1343, %get3A_1344] : memref<2x16x3072xf32, #tpu.memory_space<vmem>> -> memref<1x16x3072xf32, #tpu.memory_space<vmem>>
        %get3A_1346 = tpu.memref_squeeze %get3A_1345 : memref<1x16x3072xf32, #tpu.memory_space<vmem>> -> memref<16x3072xf32, #tpu.memory_space<vmem>>
        %get3A_1347 = arith.index_cast %get3A_1342 : i32 to index
        %get3A_1348 = arith.index_cast %add3A_1341 : i32 to index
        %get3A_1349 = tpu.vector_load %get3A_1346[%get3A_1347, %get3A_1348] {strides = array<i32>} : memref<16x3072xf32, #tpu.memory_space<vmem>>, vector<16xf32>,
        %mul3A_1350 = arith.mulf %get3A_1349, %get3A_495 : vector<16xf32>
        %add3A_1351 = arith.addf %add3A_1337, %mul3A_1350 : vector<16xf32>
        %mul3A_1352 = arith.constant 128 : i32
        %mul3A_1353 = arith.muli %scan3A_461, %mul3A_1352 : i32
        %add3A_1354 = arith.constant 48 : i32
        %add3A_1355 = arith.addi %mul3A_1353, %add3A_1354 : i32
        %get3A_1356 = arith.constant 7 : i32
        %get3A_1357 = arith.constant 0 : i32
        %get3A_1358 = arith.constant 0 : i32
        %get3A_1359 = tpu.memref_slice %arg7[%scan3A_83, %get3A_1357, %get3A_1358] : memref<2x16x3072xf32, #tpu.memory_space<vmem>> -> memref<1x16x3072xf32, #tpu.memory_space<vmem>>
        %get3A_1360 = tpu.memref_squeeze %get3A_1359 : memref<1x16x3072xf32, #tpu.memory_space<vmem>> -> memref<16x3072xf32, #tpu.memory_space<vmem>>
        %get3A_1361 = arith.index_cast %get3A_1356 : i32 to index
        %get3A_1362 = arith.index_cast %add3A_1355 : i32 to index
        %get3A_1363 = tpu.vector_load %get3A_1360[%get3A_1361, %get3A_1362] {strides = array<i32>} : memref<16x3072xf32, #tpu.memory_space<vmem>>, vector<16xf32>,
        %mul3A_1364 = arith.mulf %get3A_1363, %get3A_501 : vector<16xf32>
        %add3A_1365 = arith.addf %add3A_1351, %mul3A_1364 : vector<16xf32>
        %mul3A_1366 = arith.constant 128 : i32
        %mul3A_1367 = arith.muli %scan3A_461, %mul3A_1366 : i32
        %add3A_1368 = arith.constant 64 : i32
        %add3A_1369 = arith.addi %mul3A_1367, %add3A_1368 : i32
        %get3A_1370 = arith.constant 7 : i32
        %get3A_1371 = arith.constant 0 : i32
        %get3A_1372 = arith.constant 0 : i32
        %get3A_1373 = tpu.memref_slice %arg7[%scan3A_83, %get3A_1371, %get3A_1372] : memref<2x16x3072xf32, #tpu.memory_space<vmem>> -> memref<1x16x3072xf32, #tpu.memory_space<vmem>>
        %get3A_1374 = tpu.memref_squeeze %get3A_1373 : memref<1x16x3072xf32, #tpu.memory_space<vmem>> -> memref<16x3072xf32, #tpu.memory_space<vmem>>
        %get3A_1375 = arith.index_cast %get3A_1370 : i32 to index
        %get3A_1376 = arith.index_cast %add3A_1369 : i32 to index
        %get3A_1377 = tpu.vector_load %get3A_1374[%get3A_1375, %get3A_1376] {strides = array<i32>} : memref<16x3072xf32, #tpu.memory_space<vmem>>, vector<16xf32>,
        %mul3A_1378 = arith.mulf %get3A_1377, %get3A_507 : vector<16xf32>
        %add3A_1379 = arith.addf %add3A_1365, %mul3A_1378 : vector<16xf32>
        %mul3A_1380 = arith.constant 128 : i32
        %mul3A_1381 = arith.muli %scan3A_461, %mul3A_1380 : i32
        %add3A_1382 = arith.constant 80 : i32
        %add3A_1383 = arith.addi %mul3A_1381, %add3A_1382 : i32
        %get3A_1384 = arith.constant 7 : i32
        %get3A_1385 = arith.constant 0 : i32
        %get3A_1386 = arith.constant 0 : i32
        %get3A_1387 = tpu.memref_slice %arg7[%scan3A_83, %get3A_1385, %get3A_1386] : memref<2x16x3072xf32, #tpu.memory_space<vmem>> -> memref<1x16x3072xf32, #tpu.memory_space<vmem>>
        %get3A_1388 = tpu.memref_squeeze %get3A_1387 : memref<1x16x3072xf32, #tpu.memory_space<vmem>> -> memref<16x3072xf32, #tpu.memory_space<vmem>>
        %get3A_1389 = arith.index_cast %get3A_1384 : i32 to index
        %get3A_1390 = arith.index_cast %add3A_1383 : i32 to index
        %get3A_1391 = tpu.vector_load %get3A_1388[%get3A_1389, %get3A_1390] {strides = array<i32>} : memref<16x3072xf32, #tpu.memory_space<vmem>>, vector<16xf32>,
        %mul3A_1392 = arith.mulf %get3A_1391, %get3A_513 : vector<16xf32>
        %add3A_1393 = arith.addf %add3A_1379, %mul3A_1392 : vector<16xf32>
        %mul3A_1394 = arith.constant 128 : i32
        %mul3A_1395 = arith.muli %scan3A_461, %mul3A_1394 : i32
        %add3A_1396 = arith.constant 96 : i32
        %add3A_1397 = arith.addi %mul3A_1395, %add3A_1396 : i32
        %get3A_1398 = arith.constant 7 : i32
        %get3A_1399 = arith.constant 0 : i32
        %get3A_1400 = arith.constant 0 : i32
        %get3A_1401 = tpu.memref_slice %arg7[%scan3A_83, %get3A_1399, %get3A_1400] : memref<2x16x3072xf32, #tpu.memory_space<vmem>> -> memref<1x16x3072xf32, #tpu.memory_space<vmem>>
        %get3A_1402 = tpu.memref_squeeze %get3A_1401 : memref<1x16x3072xf32, #tpu.memory_space<vmem>> -> memref<16x3072xf32, #tpu.memory_space<vmem>>
        %get3A_1403 = arith.index_cast %get3A_1398 : i32 to index
        %get3A_1404 = arith.index_cast %add3A_1397 : i32 to index
        %get3A_1405 = tpu.vector_load %get3A_1402[%get3A_1403, %get3A_1404] {strides = array<i32>} : memref<16x3072xf32, #tpu.memory_space<vmem>>, vector<16xf32>,
        %mul3A_1406 = arith.mulf %get3A_1405, %get3A_519 : vector<16xf32>
        %add3A_1407 = arith.addf %add3A_1393, %mul3A_1406 : vector<16xf32>
        %mul3A_1408 = arith.constant 128 : i32
        %mul3A_1409 = arith.muli %scan3A_461, %mul3A_1408 : i32
        %add3A_1410 = arith.constant 112 : i32
        %add3A_1411 = arith.addi %mul3A_1409, %add3A_1410 : i32
        %get3A_1412 = arith.constant 7 : i32
        %get3A_1413 = arith.constant 0 : i32
        %get3A_1414 = arith.constant 0 : i32
        %get3A_1415 = tpu.memref_slice %arg7[%scan3A_83, %get3A_1413, %get3A_1414] : memref<2x16x3072xf32, #tpu.memory_space<vmem>> -> memref<1x16x3072xf32, #tpu.memory_space<vmem>>
        %get3A_1416 = tpu.memref_squeeze %get3A_1415 : memref<1x16x3072xf32, #tpu.memory_space<vmem>> -> memref<16x3072xf32, #tpu.memory_space<vmem>>
        %get3A_1417 = arith.index_cast %get3A_1412 : i32 to index
        %get3A_1418 = arith.index_cast %add3A_1411 : i32 to index
        %get3A_1419 = tpu.vector_load %get3A_1416[%get3A_1417, %get3A_1418] {strides = array<i32>} : memref<16x3072xf32, #tpu.memory_space<vmem>>, vector<16xf32>,
        %mul3A_1420 = arith.mulf %get3A_1419, %get3A_525 : vector<16xf32>
        %add3A_1421 = arith.addf %add3A_1407, %mul3A_1420 : vector<16xf32>
        %mul3A_1422 = arith.constant 128 : i32
        %mul3A_1423 = arith.muli %scan3A_461, %mul3A_1422 : i32
        %add3A_1424 = arith.constant 0 : i32
        %add3A_1425 = arith.addi %mul3A_1423, %add3A_1424 : i32
        %get3A_1426 = arith.constant 8 : i32
        %get3A_1427 = arith.constant 0 : i32
        %get3A_1428 = arith.constant 0 : i32
        %get3A_1429 = tpu.memref_slice %arg7[%scan3A_83, %get3A_1427, %get3A_1428] : memref<2x16x3072xf32, #tpu.memory_space<vmem>> -> memref<1x16x3072xf32, #tpu.memory_space<vmem>>
        %get3A_1430 = tpu.memref_squeeze %get3A_1429 : memref<1x16x3072xf32, #tpu.memory_space<vmem>> -> memref<16x3072xf32, #tpu.memory_space<vmem>>
        %get3A_1431 = arith.index_cast %get3A_1426 : i32 to index
        %get3A_1432 = arith.index_cast %add3A_1425 : i32 to index
        %get3A_1433 = tpu.vector_load %get3A_1430[%get3A_1431, %get3A_1432] {strides = array<i32>} : memref<16x3072xf32, #tpu.memory_space<vmem>>, vector<16xf32>,
        %mul3A_1434 = arith.mulf %get3A_1433, %get3A_483 : vector<16xf32>
        %add3A_1435 = arith.addf %scan3A_470, %mul3A_1434 : vector<16xf32>
        %mul3A_1436 = arith.constant 128 : i32
        %mul3A_1437 = arith.muli %scan3A_461, %mul3A_1436 : i32
        %add3A_1438 = arith.constant 16 : i32
        %add3A_1439 = arith.addi %mul3A_1437, %add3A_1438 : i32
        %get3A_1440 = arith.constant 8 : i32
        %get3A_1441 = arith.constant 0 : i32
        %get3A_1442 = arith.constant 0 : i32
        %get3A_1443 = tpu.memref_slice %arg7[%scan3A_83, %get3A_1441, %get3A_1442] : memref<2x16x3072xf32, #tpu.memory_space<vmem>> -> memref<1x16x3072xf32, #tpu.memory_space<vmem>>
        %get3A_1444 = tpu.memref_squeeze %get3A_1443 : memref<1x16x3072xf32, #tpu.memory_space<vmem>> -> memref<16x3072xf32, #tpu.memory_space<vmem>>
        %get3A_1445 = arith.index_cast %get3A_1440 : i32 to index
        %get3A_1446 = arith.index_cast %add3A_1439 : i32 to index
        %get3A_1447 = tpu.vector_load %get3A_1444[%get3A_1445, %get3A_1446] {strides = array<i32>} : memref<16x3072xf32, #tpu.memory_space<vmem>>, vector<16xf32>,
        %mul3A_1448 = arith.mulf %get3A_1447, %get3A_489 : vector<16xf32>
        %add3A_1449 = arith.addf %add3A_1435, %mul3A_1448 : vector<16xf32>
        %mul3A_1450 = arith.constant 128 : i32
        %mul3A_1451 = arith.muli %scan3A_461, %mul3A_1450 : i32
        %add3A_1452 = arith.constant 32 : i32
        %add3A_1453 = arith.addi %mul3A_1451, %add3A_1452 : i32
        %get3A_1454 = arith.constant 8 : i32
        %get3A_1455 = arith.constant 0 : i32
        %get3A_1456 = arith.constant 0 : i32
        %get3A_1457 = tpu.memref_slice %arg7[%scan3A_83, %get3A_1455, %get3A_1456] : memref<2x16x3072xf32, #tpu.memory_space<vmem>> -> memref<1x16x3072xf32, #tpu.memory_space<vmem>>
        %get3A_1458 = tpu.memref_squeeze %get3A_1457 : memref<1x16x3072xf32, #tpu.memory_space<vmem>> -> memref<16x3072xf32, #tpu.memory_space<vmem>>
        %get3A_1459 = arith.index_cast %get3A_1454 : i32 to index
        %get3A_1460 = arith.index_cast %add3A_1453 : i32 to index
        %get3A_1461 = tpu.vector_load %get3A_1458[%get3A_1459, %get3A_1460] {strides = array<i32>} : memref<16x3072xf32, #tpu.memory_space<vmem>>, vector<16xf32>,
        %mul3A_1462 = arith.mulf %get3A_1461, %get3A_495 : vector<16xf32>
        %add3A_1463 = arith.addf %add3A_1449, %mul3A_1462 : vector<16xf32>
        %mul3A_1464 = arith.constant 128 : i32
        %mul3A_1465 = arith.muli %scan3A_461, %mul3A_1464 : i32
        %add3A_1466 = arith.constant 48 : i32
        %add3A_1467 = arith.addi %mul3A_1465, %add3A_1466 : i32
        %get3A_1468 = arith.constant 8 : i32
        %get3A_1469 = arith.constant 0 : i32
        %get3A_1470 = arith.constant 0 : i32
        %get3A_1471 = tpu.memref_slice %arg7[%scan3A_83, %get3A_1469, %get3A_1470] : memref<2x16x3072xf32, #tpu.memory_space<vmem>> -> memref<1x16x3072xf32, #tpu.memory_space<vmem>>
        %get3A_1472 = tpu.memref_squeeze %get3A_1471 : memref<1x16x3072xf32, #tpu.memory_space<vmem>> -> memref<16x3072xf32, #tpu.memory_space<vmem>>
        %get3A_1473 = arith.index_cast %get3A_1468 : i32 to index
        %get3A_1474 = arith.index_cast %add3A_1467 : i32 to index
        %get3A_1475 = tpu.vector_load %get3A_1472[%get3A_1473, %get3A_1474] {strides = array<i32>} : memref<16x3072xf32, #tpu.memory_space<vmem>>, vector<16xf32>,
        %mul3A_1476 = arith.mulf %get3A_1475, %get3A_501 : vector<16xf32>
        %add3A_1477 = arith.addf %add3A_1463, %mul3A_1476 : vector<16xf32>
        %mul3A_1478 = arith.constant 128 : i32
        %mul3A_1479 = arith.muli %scan3A_461, %mul3A_1478 : i32
        %add3A_1480 = arith.constant 64 : i32
        %add3A_1481 = arith.addi %mul3A_1479, %add3A_1480 : i32
        %get3A_1482 = arith.constant 8 : i32
        %get3A_1483 = arith.constant 0 : i32
        %get3A_1484 = arith.constant 0 : i32
        %get3A_1485 = tpu.memref_slice %arg7[%scan3A_83, %get3A_1483, %get3A_1484] : memref<2x16x3072xf32, #tpu.memory_space<vmem>> -> memref<1x16x3072xf32, #tpu.memory_space<vmem>>
        %get3A_1486 = tpu.memref_squeeze %get3A_1485 : memref<1x16x3072xf32, #tpu.memory_space<vmem>> -> memref<16x3072xf32, #tpu.memory_space<vmem>>
        %get3A_1487 = arith.index_cast %get3A_1482 : i32 to index
        %get3A_1488 = arith.index_cast %add3A_1481 : i32 to index
        %get3A_1489 = tpu.vector_load %get3A_1486[%get3A_1487, %get3A_1488] {strides = array<i32>} : memref<16x3072xf32, #tpu.memory_space<vmem>>, vector<16xf32>,
        %mul3A_1490 = arith.mulf %get3A_1489, %get3A_507 : vector<16xf32>
        %add3A_1491 = arith.addf %add3A_1477, %mul3A_1490 : vector<16xf32>
        %mul3A_1492 = arith.constant 128 : i32
        %mul3A_1493 = arith.muli %scan3A_461, %mul3A_1492 : i32
        %add3A_1494 = arith.constant 80 : i32
        %add3A_1495 = arith.addi %mul3A_1493, %add3A_1494 : i32
        %get3A_1496 = arith.constant 8 : i32
        %get3A_1497 = arith.constant 0 : i32
        %get3A_1498 = arith.constant 0 : i32
        %get3A_1499 = tpu.memref_slice %arg7[%scan3A_83, %get3A_1497, %get3A_1498] : memref<2x16x3072xf32, #tpu.memory_space<vmem>> -> memref<1x16x3072xf32, #tpu.memory_space<vmem>>
        %get3A_1500 = tpu.memref_squeeze %get3A_1499 : memref<1x16x3072xf32, #tpu.memory_space<vmem>> -> memref<16x3072xf32, #tpu.memory_space<vmem>>
        %get3A_1501 = arith.index_cast %get3A_1496 : i32 to index
        %get3A_1502 = arith.index_cast %add3A_1495 : i32 to index
        %get3A_1503 = tpu.vector_load %get3A_1500[%get3A_1501, %get3A_1502] {strides = array<i32>} : memref<16x3072xf32, #tpu.memory_space<vmem>>, vector<16xf32>,
        %mul3A_1504 = arith.mulf %get3A_1503, %get3A_513 : vector<16xf32>
        %add3A_1505 = arith.addf %add3A_1491, %mul3A_1504 : vector<16xf32>
        %mul3A_1506 = arith.constant 128 : i32
        %mul3A_1507 = arith.muli %scan3A_461, %mul3A_1506 : i32
        %add3A_1508 = arith.constant 96 : i32
        %add3A_1509 = arith.addi %mul3A_1507, %add3A_1508 : i32
        %get3A_1510 = arith.constant 8 : i32
        %get3A_1511 = arith.constant 0 : i32
        %get3A_1512 = arith.constant 0 : i32
        %get3A_1513 = tpu.memref_slice %arg7[%scan3A_83, %get3A_1511, %get3A_1512] : memref<2x16x3072xf32, #tpu.memory_space<vmem>> -> memref<1x16x3072xf32, #tpu.memory_space<vmem>>
        %get3A_1514 = tpu.memref_squeeze %get3A_1513 : memref<1x16x3072xf32, #tpu.memory_space<vmem>> -> memref<16x3072xf32, #tpu.memory_space<vmem>>
        %get3A_1515 = arith.index_cast %get3A_1510 : i32 to index
        %get3A_1516 = arith.index_cast %add3A_1509 : i32 to index
        %get3A_1517 = tpu.vector_load %get3A_1514[%get3A_1515, %get3A_1516] {strides = array<i32>} : memref<16x3072xf32, #tpu.memory_space<vmem>>, vector<16xf32>,
        %mul3A_1518 = arith.mulf %get3A_1517, %get3A_519 : vector<16xf32>
        %add3A_1519 = arith.addf %add3A_1505, %mul3A_1518 : vector<16xf32>
        %mul3A_1520 = arith.constant 128 : i32
        %mul3A_1521 = arith.muli %scan3A_461, %mul3A_1520 : i32
        %add3A_1522 = arith.constant 112 : i32
        %add3A_1523 = arith.addi %mul3A_1521, %add3A_1522 : i32
        %get3A_1524 = arith.constant 8 : i32
        %get3A_1525 = arith.constant 0 : i32
        %get3A_1526 = arith.constant 0 : i32
        %get3A_1527 = tpu.memref_slice %arg7[%scan3A_83, %get3A_1525, %get3A_1526] : memref<2x16x3072xf32, #tpu.memory_space<vmem>> -> memref<1x16x3072xf32, #tpu.memory_space<vmem>>
        %get3A_1528 = tpu.memref_squeeze %get3A_1527 : memref<1x16x3072xf32, #tpu.memory_space<vmem>> -> memref<16x3072xf32, #tpu.memory_space<vmem>>
        %get3A_1529 = arith.index_cast %get3A_1524 : i32 to index
        %get3A_1530 = arith.index_cast %add3A_1523 : i32 to index
        %get3A_1531 = tpu.vector_load %get3A_1528[%get3A_1529, %get3A_1530] {strides = array<i32>} : memref<16x3072xf32, #tpu.memory_space<vmem>>, vector<16xf32>,
        %mul3A_1532 = arith.mulf %get3A_1531, %get3A_525 : vector<16xf32>
        %add3A_1533 = arith.addf %add3A_1519, %mul3A_1532 : vector<16xf32>
        %mul3A_1534 = arith.constant 128 : i32
        %mul3A_1535 = arith.muli %scan3A_461, %mul3A_1534 : i32
        %add3A_1536 = arith.constant 0 : i32
        %add3A_1537 = arith.addi %mul3A_1535, %add3A_1536 : i32
        %get3A_1538 = arith.constant 9 : i32
        %get3A_1539 = arith.constant 0 : i32
        %get3A_1540 = arith.constant 0 : i32
        %get3A_1541 = tpu.memref_slice %arg7[%scan3A_83, %get3A_1539, %get3A_1540] : memref<2x16x3072xf32, #tpu.memory_space<vmem>> -> memref<1x16x3072xf32, #tpu.memory_space<vmem>>
        %get3A_1542 = tpu.memref_squeeze %get3A_1541 : memref<1x16x3072xf32, #tpu.memory_space<vmem>> -> memref<16x3072xf32, #tpu.memory_space<vmem>>
        %get3A_1543 = arith.index_cast %get3A_1538 : i32 to index
        %get3A_1544 = arith.index_cast %add3A_1537 : i32 to index
        %get3A_1545 = tpu.vector_load %get3A_1542[%get3A_1543, %get3A_1544] {strides = array<i32>} : memref<16x3072xf32, #tpu.memory_space<vmem>>, vector<16xf32>,
        %mul3A_1546 = arith.mulf %get3A_1545, %get3A_483 : vector<16xf32>
        %add3A_1547 = arith.addf %scan3A_471, %mul3A_1546 : vector<16xf32>
        %mul3A_1548 = arith.constant 128 : i32
        %mul3A_1549 = arith.muli %scan3A_461, %mul3A_1548 : i32
        %add3A_1550 = arith.constant 16 : i32
        %add3A_1551 = arith.addi %mul3A_1549, %add3A_1550 : i32
        %get3A_1552 = arith.constant 9 : i32
        %get3A_1553 = arith.constant 0 : i32
        %get3A_1554 = arith.constant 0 : i32
        %get3A_1555 = tpu.memref_slice %arg7[%scan3A_83, %get3A_1553, %get3A_1554] : memref<2x16x3072xf32, #tpu.memory_space<vmem>> -> memref<1x16x3072xf32, #tpu.memory_space<vmem>>
        %get3A_1556 = tpu.memref_squeeze %get3A_1555 : memref<1x16x3072xf32, #tpu.memory_space<vmem>> -> memref<16x3072xf32, #tpu.memory_space<vmem>>
        %get3A_1557 = arith.index_cast %get3A_1552 : i32 to index
        %get3A_1558 = arith.index_cast %add3A_1551 : i32 to index
        %get3A_1559 = tpu.vector_load %get3A_1556[%get3A_1557, %get3A_1558] {strides = array<i32>} : memref<16x3072xf32, #tpu.memory_space<vmem>>, vector<16xf32>,
        %mul3A_1560 = arith.mulf %get3A_1559, %get3A_489 : vector<16xf32>
        %add3A_1561 = arith.addf %add3A_1547, %mul3A_1560 : vector<16xf32>
        %mul3A_1562 = arith.constant 128 : i32
        %mul3A_1563 = arith.muli %scan3A_461, %mul3A_1562 : i32
        %add3A_1564 = arith.constant 32 : i32
        %add3A_1565 = arith.addi %mul3A_1563, %add3A_1564 : i32
        %get3A_1566 = arith.constant 9 : i32
        %get3A_1567 = arith.constant 0 : i32
        %get3A_1568 = arith.constant 0 : i32
        %get3A_1569 = tpu.memref_slice %arg7[%scan3A_83, %get3A_1567, %get3A_1568] : memref<2x16x3072xf32, #tpu.memory_space<vmem>> -> memref<1x16x3072xf32, #tpu.memory_space<vmem>>
        %get3A_1570 = tpu.memref_squeeze %get3A_1569 : memref<1x16x3072xf32, #tpu.memory_space<vmem>> -> memref<16x3072xf32, #tpu.memory_space<vmem>>
        %get3A_1571 = arith.index_cast %get3A_1566 : i32 to index
        %get3A_1572 = arith.index_cast %add3A_1565 : i32 to index
        %get3A_1573 = tpu.vector_load %get3A_1570[%get3A_1571, %get3A_1572] {strides = array<i32>} : memref<16x3072xf32, #tpu.memory_space<vmem>>, vector<16xf32>,
        %mul3A_1574 = arith.mulf %get3A_1573, %get3A_495 : vector<16xf32>
        %add3A_1575 = arith.addf %add3A_1561, %mul3A_1574 : vector<16xf32>
        %mul3A_1576 = arith.constant 128 : i32
        %mul3A_1577 = arith.muli %scan3A_461, %mul3A_1576 : i32
        %add3A_1578 = arith.constant 48 : i32
        %add3A_1579 = arith.addi %mul3A_1577, %add3A_1578 : i32
        %get3A_1580 = arith.constant 9 : i32
        %get3A_1581 = arith.constant 0 : i32
        %get3A_1582 = arith.constant 0 : i32
        %get3A_1583 = tpu.memref_slice %arg7[%scan3A_83, %get3A_1581, %get3A_1582] : memref<2x16x3072xf32, #tpu.memory_space<vmem>> -> memref<1x16x3072xf32, #tpu.memory_space<vmem>>
        %get3A_1584 = tpu.memref_squeeze %get3A_1583 : memref<1x16x3072xf32, #tpu.memory_space<vmem>> -> memref<16x3072xf32, #tpu.memory_space<vmem>>
        %get3A_1585 = arith.index_cast %get3A_1580 : i32 to index
        %get3A_1586 = arith.index_cast %add3A_1579 : i32 to index
        %get3A_1587 = tpu.vector_load %get3A_1584[%get3A_1585, %get3A_1586] {strides = array<i32>} : memref<16x3072xf32, #tpu.memory_space<vmem>>, vector<16xf32>,
        %mul3A_1588 = arith.mulf %get3A_1587, %get3A_501 : vector<16xf32>
        %add3A_1589 = arith.addf %add3A_1575, %mul3A_1588 : vector<16xf32>
        %mul3A_1590 = arith.constant 128 : i32
        %mul3A_1591 = arith.muli %scan3A_461, %mul3A_1590 : i32
        %add3A_1592 = arith.constant 64 : i32
        %add3A_1593 = arith.addi %mul3A_1591, %add3A_1592 : i32
        %get3A_1594 = arith.constant 9 : i32
        %get3A_1595 = arith.constant 0 : i32
        %get3A_1596 = arith.constant 0 : i32
        %get3A_1597 = tpu.memref_slice %arg7[%scan3A_83, %get3A_1595, %get3A_1596] : memref<2x16x3072xf32, #tpu.memory_space<vmem>> -> memref<1x16x3072xf32, #tpu.memory_space<vmem>>
        %get3A_1598 = tpu.memref_squeeze %get3A_1597 : memref<1x16x3072xf32, #tpu.memory_space<vmem>> -> memref<16x3072xf32, #tpu.memory_space<vmem>>
        %get3A_1599 = arith.index_cast %get3A_1594 : i32 to index
        %get3A_1600 = arith.index_cast %add3A_1593 : i32 to index
        %get3A_1601 = tpu.vector_load %get3A_1598[%get3A_1599, %get3A_1600] {strides = array<i32>} : memref<16x3072xf32, #tpu.memory_space<vmem>>, vector<16xf32>,
        %mul3A_1602 = arith.mulf %get3A_1601, %get3A_507 : vector<16xf32>
        %add3A_1603 = arith.addf %add3A_1589, %mul3A_1602 : vector<16xf32>
        %mul3A_1604 = arith.constant 128 : i32
        %mul3A_1605 = arith.muli %scan3A_461, %mul3A_1604 : i32
        %add3A_1606 = arith.constant 80 : i32
        %add3A_1607 = arith.addi %mul3A_1605, %add3A_1606 : i32
        %get3A_1608 = arith.constant 9 : i32
        %get3A_1609 = arith.constant 0 : i32
        %get3A_1610 = arith.constant 0 : i32
        %get3A_1611 = tpu.memref_slice %arg7[%scan3A_83, %get3A_1609, %get3A_1610] : memref<2x16x3072xf32, #tpu.memory_space<vmem>> -> memref<1x16x3072xf32, #tpu.memory_space<vmem>>
        %get3A_1612 = tpu.memref_squeeze %get3A_1611 : memref<1x16x3072xf32, #tpu.memory_space<vmem>> -> memref<16x3072xf32, #tpu.memory_space<vmem>>
        %get3A_1613 = arith.index_cast %get3A_1608 : i32 to index
        %get3A_1614 = arith.index_cast %add3A_1607 : i32 to index
        %get3A_1615 = tpu.vector_load %get3A_1612[%get3A_1613, %get3A_1614] {strides = array<i32>} : memref<16x3072xf32, #tpu.memory_space<vmem>>, vector<16xf32>,
        %mul3A_1616 = arith.mulf %get3A_1615, %get3A_513 : vector<16xf32>
        %add3A_1617 = arith.addf %add3A_1603, %mul3A_1616 : vector<16xf32>
        %mul3A_1618 = arith.constant 128 : i32
        %mul3A_1619 = arith.muli %scan3A_461, %mul3A_1618 : i32
        %add3A_1620 = arith.constant 96 : i32
        %add3A_1621 = arith.addi %mul3A_1619, %add3A_1620 : i32
        %get3A_1622 = arith.constant 9 : i32
        %get3A_1623 = arith.constant 0 : i32
        %get3A_1624 = arith.constant 0 : i32
        %get3A_1625 = tpu.memref_slice %arg7[%scan3A_83, %get3A_1623, %get3A_1624] : memref<2x16x3072xf32, #tpu.memory_space<vmem>> -> memref<1x16x3072xf32, #tpu.memory_space<vmem>>
        %get3A_1626 = tpu.memref_squeeze %get3A_1625 : memref<1x16x3072xf32, #tpu.memory_space<vmem>> -> memref<16x3072xf32, #tpu.memory_space<vmem>>
        %get3A_1627 = arith.index_cast %get3A_1622 : i32 to index
        %get3A_1628 = arith.index_cast %add3A_1621 : i32 to index
        %get3A_1629 = tpu.vector_load %get3A_1626[%get3A_1627, %get3A_1628] {strides = array<i32>} : memref<16x3072xf32, #tpu.memory_space<vmem>>, vector<16xf32>,
        %mul3A_1630 = arith.mulf %get3A_1629, %get3A_519 : vector<16xf32>
        %add3A_1631 = arith.addf %add3A_1617, %mul3A_1630 : vector<16xf32>
        %mul3A_1632 = arith.constant 128 : i32
        %mul3A_1633 = arith.muli %scan3A_461, %mul3A_1632 : i32
        %add3A_1634 = arith.constant 112 : i32
        %add3A_1635 = arith.addi %mul3A_1633, %add3A_1634 : i32
        %get3A_1636 = arith.constant 9 : i32
        %get3A_1637 = arith.constant 0 : i32
        %get3A_1638 = arith.constant 0 : i32
        %get3A_1639 = tpu.memref_slice %arg7[%scan3A_83, %get3A_1637, %get3A_1638] : memref<2x16x3072xf32, #tpu.memory_space<vmem>> -> memref<1x16x3072xf32, #tpu.memory_space<vmem>>
        %get3A_1640 = tpu.memref_squeeze %get3A_1639 : memref<1x16x3072xf32, #tpu.memory_space<vmem>> -> memref<16x3072xf32, #tpu.memory_space<vmem>>
        %get3A_1641 = arith.index_cast %get3A_1636 : i32 to index
        %get3A_1642 = arith.index_cast %add3A_1635 : i32 to index
        %get3A_1643 = tpu.vector_load %get3A_1640[%get3A_1641, %get3A_1642] {strides = array<i32>} : memref<16x3072xf32, #tpu.memory_space<vmem>>, vector<16xf32>,
        %mul3A_1644 = arith.mulf %get3A_1643, %get3A_525 : vector<16xf32>
        %add3A_1645 = arith.addf %add3A_1631, %mul3A_1644 : vector<16xf32>
        %mul3A_1646 = arith.constant 128 : i32
        %mul3A_1647 = arith.muli %scan3A_461, %mul3A_1646 : i32
        %add3A_1648 = arith.constant 0 : i32
        %add3A_1649 = arith.addi %mul3A_1647, %add3A_1648 : i32
        %get3A_1650 = arith.constant 10 : i32
        %get3A_1651 = arith.constant 0 : i32
        %get3A_1652 = arith.constant 0 : i32
        %get3A_1653 = tpu.memref_slice %arg7[%scan3A_83, %get3A_1651, %get3A_1652] : memref<2x16x3072xf32, #tpu.memory_space<vmem>> -> memref<1x16x3072xf32, #tpu.memory_space<vmem>>
        %get3A_1654 = tpu.memref_squeeze %get3A_1653 : memref<1x16x3072xf32, #tpu.memory_space<vmem>> -> memref<16x3072xf32, #tpu.memory_space<vmem>>
        %get3A_1655 = arith.index_cast %get3A_1650 : i32 to index
        %get3A_1656 = arith.index_cast %add3A_1649 : i32 to index
        %get3A_1657 = tpu.vector_load %get3A_1654[%get3A_1655, %get3A_1656] {strides = array<i32>} : memref<16x3072xf32, #tpu.memory_space<vmem>>, vector<16xf32>,
        %mul3A_1658 = arith.mulf %get3A_1657, %get3A_483 : vector<16xf32>
        %add3A_1659 = arith.addf %scan3A_472, %mul3A_1658 : vector<16xf32>
        %mul3A_1660 = arith.constant 128 : i32
        %mul3A_1661 = arith.muli %scan3A_461, %mul3A_1660 : i32
        %add3A_1662 = arith.constant 16 : i32
        %add3A_1663 = arith.addi %mul3A_1661, %add3A_1662 : i32
        %get3A_1664 = arith.constant 10 : i32
        %get3A_1665 = arith.constant 0 : i32
        %get3A_1666 = arith.constant 0 : i32
        %get3A_1667 = tpu.memref_slice %arg7[%scan3A_83, %get3A_1665, %get3A_1666] : memref<2x16x3072xf32, #tpu.memory_space<vmem>> -> memref<1x16x3072xf32, #tpu.memory_space<vmem>>
        %get3A_1668 = tpu.memref_squeeze %get3A_1667 : memref<1x16x3072xf32, #tpu.memory_space<vmem>> -> memref<16x3072xf32, #tpu.memory_space<vmem>>
        %get3A_1669 = arith.index_cast %get3A_1664 : i32 to index
        %get3A_1670 = arith.index_cast %add3A_1663 : i32 to index
        %get3A_1671 = tpu.vector_load %get3A_1668[%get3A_1669, %get3A_1670] {strides = array<i32>} : memref<16x3072xf32, #tpu.memory_space<vmem>>, vector<16xf32>,
        %mul3A_1672 = arith.mulf %get3A_1671, %get3A_489 : vector<16xf32>
        %add3A_1673 = arith.addf %add3A_1659, %mul3A_1672 : vector<16xf32>
        %mul3A_1674 = arith.constant 128 : i32
        %mul3A_1675 = arith.muli %scan3A_461, %mul3A_1674 : i32
        %add3A_1676 = arith.constant 32 : i32
        %add3A_1677 = arith.addi %mul3A_1675, %add3A_1676 : i32
        %get3A_1678 = arith.constant 10 : i32
        %get3A_1679 = arith.constant 0 : i32
        %get3A_1680 = arith.constant 0 : i32
        %get3A_1681 = tpu.memref_slice %arg7[%scan3A_83, %get3A_1679, %get3A_1680] : memref<2x16x3072xf32, #tpu.memory_space<vmem>> -> memref<1x16x3072xf32, #tpu.memory_space<vmem>>
        %get3A_1682 = tpu.memref_squeeze %get3A_1681 : memref<1x16x3072xf32, #tpu.memory_space<vmem>> -> memref<16x3072xf32, #tpu.memory_space<vmem>>
        %get3A_1683 = arith.index_cast %get3A_1678 : i32 to index
        %get3A_1684 = arith.index_cast %add3A_1677 : i32 to index
        %get3A_1685 = tpu.vector_load %get3A_1682[%get3A_1683, %get3A_1684] {strides = array<i32>} : memref<16x3072xf32, #tpu.memory_space<vmem>>, vector<16xf32>,
        %mul3A_1686 = arith.mulf %get3A_1685, %get3A_495 : vector<16xf32>
        %add3A_1687 = arith.addf %add3A_1673, %mul3A_1686 : vector<16xf32>
        %mul3A_1688 = arith.constant 128 : i32
        %mul3A_1689 = arith.muli %scan3A_461, %mul3A_1688 : i32
        %add3A_1690 = arith.constant 48 : i32
        %add3A_1691 = arith.addi %mul3A_1689, %add3A_1690 : i32
        %get3A_1692 = arith.constant 10 : i32
        %get3A_1693 = arith.constant 0 : i32
        %get3A_1694 = arith.constant 0 : i32
        %get3A_1695 = tpu.memref_slice %arg7[%scan3A_83, %get3A_1693, %get3A_1694] : memref<2x16x3072xf32, #tpu.memory_space<vmem>> -> memref<1x16x3072xf32, #tpu.memory_space<vmem>>
        %get3A_1696 = tpu.memref_squeeze %get3A_1695 : memref<1x16x3072xf32, #tpu.memory_space<vmem>> -> memref<16x3072xf32, #tpu.memory_space<vmem>>
        %get3A_1697 = arith.index_cast %get3A_1692 : i32 to index
        %get3A_1698 = arith.index_cast %add3A_1691 : i32 to index
        %get3A_1699 = tpu.vector_load %get3A_1696[%get3A_1697, %get3A_1698] {strides = array<i32>} : memref<16x3072xf32, #tpu.memory_space<vmem>>, vector<16xf32>,
        %mul3A_1700 = arith.mulf %get3A_1699, %get3A_501 : vector<16xf32>
        %add3A_1701 = arith.addf %add3A_1687, %mul3A_1700 : vector<16xf32>
        %mul3A_1702 = arith.constant 128 : i32
        %mul3A_1703 = arith.muli %scan3A_461, %mul3A_1702 : i32
        %add3A_1704 = arith.constant 64 : i32
        %add3A_1705 = arith.addi %mul3A_1703, %add3A_1704 : i32
        %get3A_1706 = arith.constant 10 : i32
        %get3A_1707 = arith.constant 0 : i32
        %get3A_1708 = arith.constant 0 : i32
        %get3A_1709 = tpu.memref_slice %arg7[%scan3A_83, %get3A_1707, %get3A_1708] : memref<2x16x3072xf32, #tpu.memory_space<vmem>> -> memref<1x16x3072xf32, #tpu.memory_space<vmem>>
        %get3A_1710 = tpu.memref_squeeze %get3A_1709 : memref<1x16x3072xf32, #tpu.memory_space<vmem>> -> memref<16x3072xf32, #tpu.memory_space<vmem>>
        %get3A_1711 = arith.index_cast %get3A_1706 : i32 to index
        %get3A_1712 = arith.index_cast %add3A_1705 : i32 to index
        %get3A_1713 = tpu.vector_load %get3A_1710[%get3A_1711, %get3A_1712] {strides = array<i32>} : memref<16x3072xf32, #tpu.memory_space<vmem>>, vector<16xf32>,
        %mul3A_1714 = arith.mulf %get3A_1713, %get3A_507 : vector<16xf32>
        %add3A_1715 = arith.addf %add3A_1701, %mul3A_1714 : vector<16xf32>
        %mul3A_1716 = arith.constant 128 : i32
        %mul3A_1717 = arith.muli %scan3A_461, %mul3A_1716 : i32
        %add3A_1718 = arith.constant 80 : i32
        %add3A_1719 = arith.addi %mul3A_1717, %add3A_1718 : i32
        %get3A_1720 = arith.constant 10 : i32
        %get3A_1721 = arith.constant 0 : i32
        %get3A_1722 = arith.constant 0 : i32
        %get3A_1723 = tpu.memref_slice %arg7[%scan3A_83, %get3A_1721, %get3A_1722] : memref<2x16x3072xf32, #tpu.memory_space<vmem>> -> memref<1x16x3072xf32, #tpu.memory_space<vmem>>
        %get3A_1724 = tpu.memref_squeeze %get3A_1723 : memref<1x16x3072xf32, #tpu.memory_space<vmem>> -> memref<16x3072xf32, #tpu.memory_space<vmem>>
        %get3A_1725 = arith.index_cast %get3A_1720 : i32 to index
        %get3A_1726 = arith.index_cast %add3A_1719 : i32 to index
        %get3A_1727 = tpu.vector_load %get3A_1724[%get3A_1725, %get3A_1726] {strides = array<i32>} : memref<16x3072xf32, #tpu.memory_space<vmem>>, vector<16xf32>,
        %mul3A_1728 = arith.mulf %get3A_1727, %get3A_513 : vector<16xf32>
        %add3A_1729 = arith.addf %add3A_1715, %mul3A_1728 : vector<16xf32>
        %mul3A_1730 = arith.constant 128 : i32
        %mul3A_1731 = arith.muli %scan3A_461, %mul3A_1730 : i32
        %add3A_1732 = arith.constant 96 : i32
        %add3A_1733 = arith.addi %mul3A_1731, %add3A_1732 : i32
        %get3A_1734 = arith.constant 10 : i32
        %get3A_1735 = arith.constant 0 : i32
        %get3A_1736 = arith.constant 0 : i32
        %get3A_1737 = tpu.memref_slice %arg7[%scan3A_83, %get3A_1735, %get3A_1736] : memref<2x16x3072xf32, #tpu.memory_space<vmem>> -> memref<1x16x3072xf32, #tpu.memory_space<vmem>>
        %get3A_1738 = tpu.memref_squeeze %get3A_1737 : memref<1x16x3072xf32, #tpu.memory_space<vmem>> -> memref<16x3072xf32, #tpu.memory_space<vmem>>
        %get3A_1739 = arith.index_cast %get3A_1734 : i32 to index
        %get3A_1740 = arith.index_cast %add3A_1733 : i32 to index
        %get3A_1741 = tpu.vector_load %get3A_1738[%get3A_1739, %get3A_1740] {strides = array<i32>} : memref<16x3072xf32, #tpu.memory_space<vmem>>, vector<16xf32>,
        %mul3A_1742 = arith.mulf %get3A_1741, %get3A_519 : vector<16xf32>
        %add3A_1743 = arith.addf %add3A_1729, %mul3A_1742 : vector<16xf32>
        %mul3A_1744 = arith.constant 128 : i32
        %mul3A_1745 = arith.muli %scan3A_461, %mul3A_1744 : i32
        %add3A_1746 = arith.constant 112 : i32
        %add3A_1747 = arith.addi %mul3A_1745, %add3A_1746 : i32
        %get3A_1748 = arith.constant 10 : i32
        %get3A_1749 = arith.constant 0 : i32
        %get3A_1750 = arith.constant 0 : i32
        %get3A_1751 = tpu.memref_slice %arg7[%scan3A_83, %get3A_1749, %get3A_1750] : memref<2x16x3072xf32, #tpu.memory_space<vmem>> -> memref<1x16x3072xf32, #tpu.memory_space<vmem>>
        %get3A_1752 = tpu.memref_squeeze %get3A_1751 : memref<1x16x3072xf32, #tpu.memory_space<vmem>> -> memref<16x3072xf32, #tpu.memory_space<vmem>>
        %get3A_1753 = arith.index_cast %get3A_1748 : i32 to index
        %get3A_1754 = arith.index_cast %add3A_1747 : i32 to index
        %get3A_1755 = tpu.vector_load %get3A_1752[%get3A_1753, %get3A_1754] {strides = array<i32>} : memref<16x3072xf32, #tpu.memory_space<vmem>>, vector<16xf32>,
        %mul3A_1756 = arith.mulf %get3A_1755, %get3A_525 : vector<16xf32>
        %add3A_1757 = arith.addf %add3A_1743, %mul3A_1756 : vector<16xf32>
        %mul3A_1758 = arith.constant 128 : i32
        %mul3A_1759 = arith.muli %scan3A_461, %mul3A_1758 : i32
        %add3A_1760 = arith.constant 0 : i32
        %add3A_1761 = arith.addi %mul3A_1759, %add3A_1760 : i32
        %get3A_1762 = arith.constant 11 : i32
        %get3A_1763 = arith.constant 0 : i32
        %get3A_1764 = arith.constant 0 : i32
        %get3A_1765 = tpu.memref_slice %arg7[%scan3A_83, %get3A_1763, %get3A_1764] : memref<2x16x3072xf32, #tpu.memory_space<vmem>> -> memref<1x16x3072xf32, #tpu.memory_space<vmem>>
        %get3A_1766 = tpu.memref_squeeze %get3A_1765 : memref<1x16x3072xf32, #tpu.memory_space<vmem>> -> memref<16x3072xf32, #tpu.memory_space<vmem>>
        %get3A_1767 = arith.index_cast %get3A_1762 : i32 to index
        %get3A_1768 = arith.index_cast %add3A_1761 : i32 to index
        %get3A_1769 = tpu.vector_load %get3A_1766[%get3A_1767, %get3A_1768] {strides = array<i32>} : memref<16x3072xf32, #tpu.memory_space<vmem>>, vector<16xf32>,
        %mul3A_1770 = arith.mulf %get3A_1769, %get3A_483 : vector<16xf32>
        %add3A_1771 = arith.addf %scan3A_473, %mul3A_1770 : vector<16xf32>
        %mul3A_1772 = arith.constant 128 : i32
        %mul3A_1773 = arith.muli %scan3A_461, %mul3A_1772 : i32
        %add3A_1774 = arith.constant 16 : i32
        %add3A_1775 = arith.addi %mul3A_1773, %add3A_1774 : i32
        %get3A_1776 = arith.constant 11 : i32
        %get3A_1777 = arith.constant 0 : i32
        %get3A_1778 = arith.constant 0 : i32
        %get3A_1779 = tpu.memref_slice %arg7[%scan3A_83, %get3A_1777, %get3A_1778] : memref<2x16x3072xf32, #tpu.memory_space<vmem>> -> memref<1x16x3072xf32, #tpu.memory_space<vmem>>
        %get3A_1780 = tpu.memref_squeeze %get3A_1779 : memref<1x16x3072xf32, #tpu.memory_space<vmem>> -> memref<16x3072xf32, #tpu.memory_space<vmem>>
        %get3A_1781 = arith.index_cast %get3A_1776 : i32 to index
        %get3A_1782 = arith.index_cast %add3A_1775 : i32 to index
        %get3A_1783 = tpu.vector_load %get3A_1780[%get3A_1781, %get3A_1782] {strides = array<i32>} : memref<16x3072xf32, #tpu.memory_space<vmem>>, vector<16xf32>,
        %mul3A_1784 = arith.mulf %get3A_1783, %get3A_489 : vector<16xf32>
        %add3A_1785 = arith.addf %add3A_1771, %mul3A_1784 : vector<16xf32>
        %mul3A_1786 = arith.constant 128 : i32
        %mul3A_1787 = arith.muli %scan3A_461, %mul3A_1786 : i32
        %add3A_1788 = arith.constant 32 : i32
        %add3A_1789 = arith.addi %mul3A_1787, %add3A_1788 : i32
        %get3A_1790 = arith.constant 11 : i32
        %get3A_1791 = arith.constant 0 : i32
        %get3A_1792 = arith.constant 0 : i32
        %get3A_1793 = tpu.memref_slice %arg7[%scan3A_83, %get3A_1791, %get3A_1792] : memref<2x16x3072xf32, #tpu.memory_space<vmem>> -> memref<1x16x3072xf32, #tpu.memory_space<vmem>>
        %get3A_1794 = tpu.memref_squeeze %get3A_1793 : memref<1x16x3072xf32, #tpu.memory_space<vmem>> -> memref<16x3072xf32, #tpu.memory_space<vmem>>
        %get3A_1795 = arith.index_cast %get3A_1790 : i32 to index
        %get3A_1796 = arith.index_cast %add3A_1789 : i32 to index
        %get3A_1797 = tpu.vector_load %get3A_1794[%get3A_1795, %get3A_1796] {strides = array<i32>} : memref<16x3072xf32, #tpu.memory_space<vmem>>, vector<16xf32>,
        %mul3A_1798 = arith.mulf %get3A_1797, %get3A_495 : vector<16xf32>
        %add3A_1799 = arith.addf %add3A_1785, %mul3A_1798 : vector<16xf32>
        %mul3A_1800 = arith.constant 128 : i32
        %mul3A_1801 = arith.muli %scan3A_461, %mul3A_1800 : i32
        %add3A_1802 = arith.constant 48 : i32
        %add3A_1803 = arith.addi %mul3A_1801, %add3A_1802 : i32
        %get3A_1804 = arith.constant 11 : i32
        %get3A_1805 = arith.constant 0 : i32
        %get3A_1806 = arith.constant 0 : i32
        %get3A_1807 = tpu.memref_slice %arg7[%scan3A_83, %get3A_1805, %get3A_1806] : memref<2x16x3072xf32, #tpu.memory_space<vmem>> -> memref<1x16x3072xf32, #tpu.memory_space<vmem>>
        %get3A_1808 = tpu.memref_squeeze %get3A_1807 : memref<1x16x3072xf32, #tpu.memory_space<vmem>> -> memref<16x3072xf32, #tpu.memory_space<vmem>>
        %get3A_1809 = arith.index_cast %get3A_1804 : i32 to index
        %get3A_1810 = arith.index_cast %add3A_1803 : i32 to index
        %get3A_1811 = tpu.vector_load %get3A_1808[%get3A_1809, %get3A_1810] {strides = array<i32>} : memref<16x3072xf32, #tpu.memory_space<vmem>>, vector<16xf32>,
        %mul3A_1812 = arith.mulf %get3A_1811, %get3A_501 : vector<16xf32>
        %add3A_1813 = arith.addf %add3A_1799, %mul3A_1812 : vector<16xf32>
        %mul3A_1814 = arith.constant 128 : i32
        %mul3A_1815 = arith.muli %scan3A_461, %mul3A_1814 : i32
        %add3A_1816 = arith.constant 64 : i32
        %add3A_1817 = arith.addi %mul3A_1815, %add3A_1816 : i32
        %get3A_1818 = arith.constant 11 : i32
        %get3A_1819 = arith.constant 0 : i32
        %get3A_1820 = arith.constant 0 : i32
        %get3A_1821 = tpu.memref_slice %arg7[%scan3A_83, %get3A_1819, %get3A_1820] : memref<2x16x3072xf32, #tpu.memory_space<vmem>> -> memref<1x16x3072xf32, #tpu.memory_space<vmem>>
        %get3A_1822 = tpu.memref_squeeze %get3A_1821 : memref<1x16x3072xf32, #tpu.memory_space<vmem>> -> memref<16x3072xf32, #tpu.memory_space<vmem>>
        %get3A_1823 = arith.index_cast %get3A_1818 : i32 to index
        %get3A_1824 = arith.index_cast %add3A_1817 : i32 to index
        %get3A_1825 = tpu.vector_load %get3A_1822[%get3A_1823, %get3A_1824] {strides = array<i32>} : memref<16x3072xf32, #tpu.memory_space<vmem>>, vector<16xf32>,
        %mul3A_1826 = arith.mulf %get3A_1825, %get3A_507 : vector<16xf32>
        %add3A_1827 = arith.addf %add3A_1813, %mul3A_1826 : vector<16xf32>
        %mul3A_1828 = arith.constant 128 : i32
        %mul3A_1829 = arith.muli %scan3A_461, %mul3A_1828 : i32
        %add3A_1830 = arith.constant 80 : i32
        %add3A_1831 = arith.addi %mul3A_1829, %add3A_1830 : i32
        %get3A_1832 = arith.constant 11 : i32
        %get3A_1833 = arith.constant 0 : i32
        %get3A_1834 = arith.constant 0 : i32
        %get3A_1835 = tpu.memref_slice %arg7[%scan3A_83, %get3A_1833, %get3A_1834] : memref<2x16x3072xf32, #tpu.memory_space<vmem>> -> memref<1x16x3072xf32, #tpu.memory_space<vmem>>
        %get3A_1836 = tpu.memref_squeeze %get3A_1835 : memref<1x16x3072xf32, #tpu.memory_space<vmem>> -> memref<16x3072xf32, #tpu.memory_space<vmem>>
        %get3A_1837 = arith.index_cast %get3A_1832 : i32 to index
        %get3A_1838 = arith.index_cast %add3A_1831 : i32 to index
        %get3A_1839 = tpu.vector_load %get3A_1836[%get3A_1837, %get3A_1838] {strides = array<i32>} : memref<16x3072xf32, #tpu.memory_space<vmem>>, vector<16xf32>,
        %mul3A_1840 = arith.mulf %get3A_1839, %get3A_513 : vector<16xf32>
        %add3A_1841 = arith.addf %add3A_1827, %mul3A_1840 : vector<16xf32>
        %mul3A_1842 = arith.constant 128 : i32
        %mul3A_1843 = arith.muli %scan3A_461, %mul3A_1842 : i32
        %add3A_1844 = arith.constant 96 : i32
        %add3A_1845 = arith.addi %mul3A_1843, %add3A_1844 : i32
        %get3A_1846 = arith.constant 11 : i32
        %get3A_1847 = arith.constant 0 : i32
        %get3A_1848 = arith.constant 0 : i32
        %get3A_1849 = tpu.memref_slice %arg7[%scan3A_83, %get3A_1847, %get3A_1848] : memref<2x16x3072xf32, #tpu.memory_space<vmem>> -> memref<1x16x3072xf32, #tpu.memory_space<vmem>>
        %get3A_1850 = tpu.memref_squeeze %get3A_1849 : memref<1x16x3072xf32, #tpu.memory_space<vmem>> -> memref<16x3072xf32, #tpu.memory_space<vmem>>
        %get3A_1851 = arith.index_cast %get3A_1846 : i32 to index
        %get3A_1852 = arith.index_cast %add3A_1845 : i32 to index
        %get3A_1853 = tpu.vector_load %get3A_1850[%get3A_1851, %get3A_1852] {strides = array<i32>} : memref<16x3072xf32, #tpu.memory_space<vmem>>, vector<16xf32>,
        %mul3A_1854 = arith.mulf %get3A_1853, %get3A_519 : vector<16xf32>
        %add3A_1855 = arith.addf %add3A_1841, %mul3A_1854 : vector<16xf32>
        %mul3A_1856 = arith.constant 128 : i32
        %mul3A_1857 = arith.muli %scan3A_461, %mul3A_1856 : i32
        %add3A_1858 = arith.constant 112 : i32
        %add3A_1859 = arith.addi %mul3A_1857, %add3A_1858 : i32
        %get3A_1860 = arith.constant 11 : i32
        %get3A_1861 = arith.constant 0 : i32
        %get3A_1862 = arith.constant 0 : i32
        %get3A_1863 = tpu.memref_slice %arg7[%scan3A_83, %get3A_1861, %get3A_1862] : memref<2x16x3072xf32, #tpu.memory_space<vmem>> -> memref<1x16x3072xf32, #tpu.memory_space<vmem>>
        %get3A_1864 = tpu.memref_squeeze %get3A_1863 : memref<1x16x3072xf32, #tpu.memory_space<vmem>> -> memref<16x3072xf32, #tpu.memory_space<vmem>>
        %get3A_1865 = arith.index_cast %get3A_1860 : i32 to index
        %get3A_1866 = arith.index_cast %add3A_1859 : i32 to index
        %get3A_1867 = tpu.vector_load %get3A_1864[%get3A_1865, %get3A_1866] {strides = array<i32>} : memref<16x3072xf32, #tpu.memory_space<vmem>>, vector<16xf32>,
        %mul3A_1868 = arith.mulf %get3A_1867, %get3A_525 : vector<16xf32>
        %add3A_1869 = arith.addf %add3A_1855, %mul3A_1868 : vector<16xf32>
        %mul3A_1870 = arith.constant 128 : i32
        %mul3A_1871 = arith.muli %scan3A_461, %mul3A_1870 : i32
        %add3A_1872 = arith.constant 0 : i32
        %add3A_1873 = arith.addi %mul3A_1871, %add3A_1872 : i32
        %get3A_1874 = arith.constant 12 : i32
        %get3A_1875 = arith.constant 0 : i32
        %get3A_1876 = arith.constant 0 : i32
        %get3A_1877 = tpu.memref_slice %arg7[%scan3A_83, %get3A_1875, %get3A_1876] : memref<2x16x3072xf32, #tpu.memory_space<vmem>> -> memref<1x16x3072xf32, #tpu.memory_space<vmem>>
        %get3A_1878 = tpu.memref_squeeze %get3A_1877 : memref<1x16x3072xf32, #tpu.memory_space<vmem>> -> memref<16x3072xf32, #tpu.memory_space<vmem>>
        %get3A_1879 = arith.index_cast %get3A_1874 : i32 to index
        %get3A_1880 = arith.index_cast %add3A_1873 : i32 to index
        %get3A_1881 = tpu.vector_load %get3A_1878[%get3A_1879, %get3A_1880] {strides = array<i32>} : memref<16x3072xf32, #tpu.memory_space<vmem>>, vector<16xf32>,
        %mul3A_1882 = arith.mulf %get3A_1881, %get3A_483 : vector<16xf32>
        %add3A_1883 = arith.addf %scan3A_474, %mul3A_1882 : vector<16xf32>
        %mul3A_1884 = arith.constant 128 : i32
        %mul3A_1885 = arith.muli %scan3A_461, %mul3A_1884 : i32
        %add3A_1886 = arith.constant 16 : i32
        %add3A_1887 = arith.addi %mul3A_1885, %add3A_1886 : i32
        %get3A_1888 = arith.constant 12 : i32
        %get3A_1889 = arith.constant 0 : i32
        %get3A_1890 = arith.constant 0 : i32
        %get3A_1891 = tpu.memref_slice %arg7[%scan3A_83, %get3A_1889, %get3A_1890] : memref<2x16x3072xf32, #tpu.memory_space<vmem>> -> memref<1x16x3072xf32, #tpu.memory_space<vmem>>
        %get3A_1892 = tpu.memref_squeeze %get3A_1891 : memref<1x16x3072xf32, #tpu.memory_space<vmem>> -> memref<16x3072xf32, #tpu.memory_space<vmem>>
        %get3A_1893 = arith.index_cast %get3A_1888 : i32 to index
        %get3A_1894 = arith.index_cast %add3A_1887 : i32 to index
        %get3A_1895 = tpu.vector_load %get3A_1892[%get3A_1893, %get3A_1894] {strides = array<i32>} : memref<16x3072xf32, #tpu.memory_space<vmem>>, vector<16xf32>,
        %mul3A_1896 = arith.mulf %get3A_1895, %get3A_489 : vector<16xf32>
        %add3A_1897 = arith.addf %add3A_1883, %mul3A_1896 : vector<16xf32>
        %mul3A_1898 = arith.constant 128 : i32
        %mul3A_1899 = arith.muli %scan3A_461, %mul3A_1898 : i32
        %add3A_1900 = arith.constant 32 : i32
        %add3A_1901 = arith.addi %mul3A_1899, %add3A_1900 : i32
        %get3A_1902 = arith.constant 12 : i32
        %get3A_1903 = arith.constant 0 : i32
        %get3A_1904 = arith.constant 0 : i32
        %get3A_1905 = tpu.memref_slice %arg7[%scan3A_83, %get3A_1903, %get3A_1904] : memref<2x16x3072xf32, #tpu.memory_space<vmem>> -> memref<1x16x3072xf32, #tpu.memory_space<vmem>>
        %get3A_1906 = tpu.memref_squeeze %get3A_1905 : memref<1x16x3072xf32, #tpu.memory_space<vmem>> -> memref<16x3072xf32, #tpu.memory_space<vmem>>
        %get3A_1907 = arith.index_cast %get3A_1902 : i32 to index
        %get3A_1908 = arith.index_cast %add3A_1901 : i32 to index
        %get3A_1909 = tpu.vector_load %get3A_1906[%get3A_1907, %get3A_1908] {strides = array<i32>} : memref<16x3072xf32, #tpu.memory_space<vmem>>, vector<16xf32>,
        %mul3A_1910 = arith.mulf %get3A_1909, %get3A_495 : vector<16xf32>
        %add3A_1911 = arith.addf %add3A_1897, %mul3A_1910 : vector<16xf32>
        %mul3A_1912 = arith.constant 128 : i32
        %mul3A_1913 = arith.muli %scan3A_461, %mul3A_1912 : i32
        %add3A_1914 = arith.constant 48 : i32
        %add3A_1915 = arith.addi %mul3A_1913, %add3A_1914 : i32
        %get3A_1916 = arith.constant 12 : i32
        %get3A_1917 = arith.constant 0 : i32
        %get3A_1918 = arith.constant 0 : i32
        %get3A_1919 = tpu.memref_slice %arg7[%scan3A_83, %get3A_1917, %get3A_1918] : memref<2x16x3072xf32, #tpu.memory_space<vmem>> -> memref<1x16x3072xf32, #tpu.memory_space<vmem>>
        %get3A_1920 = tpu.memref_squeeze %get3A_1919 : memref<1x16x3072xf32, #tpu.memory_space<vmem>> -> memref<16x3072xf32, #tpu.memory_space<vmem>>
        %get3A_1921 = arith.index_cast %get3A_1916 : i32 to index
        %get3A_1922 = arith.index_cast %add3A_1915 : i32 to index
        %get3A_1923 = tpu.vector_load %get3A_1920[%get3A_1921, %get3A_1922] {strides = array<i32>} : memref<16x3072xf32, #tpu.memory_space<vmem>>, vector<16xf32>,
        %mul3A_1924 = arith.mulf %get3A_1923, %get3A_501 : vector<16xf32>
        %add3A_1925 = arith.addf %add3A_1911, %mul3A_1924 : vector<16xf32>
        %mul3A_1926 = arith.constant 128 : i32
        %mul3A_1927 = arith.muli %scan3A_461, %mul3A_1926 : i32
        %add3A_1928 = arith.constant 64 : i32
        %add3A_1929 = arith.addi %mul3A_1927, %add3A_1928 : i32
        %get3A_1930 = arith.constant 12 : i32
        %get3A_1931 = arith.constant 0 : i32
        %get3A_1932 = arith.constant 0 : i32
        %get3A_1933 = tpu.memref_slice %arg7[%scan3A_83, %get3A_1931, %get3A_1932] : memref<2x16x3072xf32, #tpu.memory_space<vmem>> -> memref<1x16x3072xf32, #tpu.memory_space<vmem>>
        %get3A_1934 = tpu.memref_squeeze %get3A_1933 : memref<1x16x3072xf32, #tpu.memory_space<vmem>> -> memref<16x3072xf32, #tpu.memory_space<vmem>>
        %get3A_1935 = arith.index_cast %get3A_1930 : i32 to index
        %get3A_1936 = arith.index_cast %add3A_1929 : i32 to index
        %get3A_1937 = tpu.vector_load %get3A_1934[%get3A_1935, %get3A_1936] {strides = array<i32>} : memref<16x3072xf32, #tpu.memory_space<vmem>>, vector<16xf32>,
        %mul3A_1938 = arith.mulf %get3A_1937, %get3A_507 : vector<16xf32>
        %add3A_1939 = arith.addf %add3A_1925, %mul3A_1938 : vector<16xf32>
        %mul3A_1940 = arith.constant 128 : i32
        %mul3A_1941 = arith.muli %scan3A_461, %mul3A_1940 : i32
        %add3A_1942 = arith.constant 80 : i32
        %add3A_1943 = arith.addi %mul3A_1941, %add3A_1942 : i32
        %get3A_1944 = arith.constant 12 : i32
        %get3A_1945 = arith.constant 0 : i32
        %get3A_1946 = arith.constant 0 : i32
        %get3A_1947 = tpu.memref_slice %arg7[%scan3A_83, %get3A_1945, %get3A_1946] : memref<2x16x3072xf32, #tpu.memory_space<vmem>> -> memref<1x16x3072xf32, #tpu.memory_space<vmem>>
        %get3A_1948 = tpu.memref_squeeze %get3A_1947 : memref<1x16x3072xf32, #tpu.memory_space<vmem>> -> memref<16x3072xf32, #tpu.memory_space<vmem>>
        %get3A_1949 = arith.index_cast %get3A_1944 : i32 to index
        %get3A_1950 = arith.index_cast %add3A_1943 : i32 to index
        %get3A_1951 = tpu.vector_load %get3A_1948[%get3A_1949, %get3A_1950] {strides = array<i32>} : memref<16x3072xf32, #tpu.memory_space<vmem>>, vector<16xf32>,
        %mul3A_1952 = arith.mulf %get3A_1951, %get3A_513 : vector<16xf32>
        %add3A_1953 = arith.addf %add3A_1939, %mul3A_1952 : vector<16xf32>
        %mul3A_1954 = arith.constant 128 : i32
        %mul3A_1955 = arith.muli %scan3A_461, %mul3A_1954 : i32
        %add3A_1956 = arith.constant 96 : i32
        %add3A_1957 = arith.addi %mul3A_1955, %add3A_1956 : i32
        %get3A_1958 = arith.constant 12 : i32
        %get3A_1959 = arith.constant 0 : i32
        %get3A_1960 = arith.constant 0 : i32
        %get3A_1961 = tpu.memref_slice %arg7[%scan3A_83, %get3A_1959, %get3A_1960] : memref<2x16x3072xf32, #tpu.memory_space<vmem>> -> memref<1x16x3072xf32, #tpu.memory_space<vmem>>
        %get3A_1962 = tpu.memref_squeeze %get3A_1961 : memref<1x16x3072xf32, #tpu.memory_space<vmem>> -> memref<16x3072xf32, #tpu.memory_space<vmem>>
        %get3A_1963 = arith.index_cast %get3A_1958 : i32 to index
        %get3A_1964 = arith.index_cast %add3A_1957 : i32 to index
        %get3A_1965 = tpu.vector_load %get3A_1962[%get3A_1963, %get3A_1964] {strides = array<i32>} : memref<16x3072xf32, #tpu.memory_space<vmem>>, vector<16xf32>,
        %mul3A_1966 = arith.mulf %get3A_1965, %get3A_519 : vector<16xf32>
        %add3A_1967 = arith.addf %add3A_1953, %mul3A_1966 : vector<16xf32>
        %mul3A_1968 = arith.constant 128 : i32
        %mul3A_1969 = arith.muli %scan3A_461, %mul3A_1968 : i32
        %add3A_1970 = arith.constant 112 : i32
        %add3A_1971 = arith.addi %mul3A_1969, %add3A_1970 : i32
        %get3A_1972 = arith.constant 12 : i32
        %get3A_1973 = arith.constant 0 : i32
        %get3A_1974 = arith.constant 0 : i32
        %get3A_1975 = tpu.memref_slice %arg7[%scan3A_83, %get3A_1973, %get3A_1974] : memref<2x16x3072xf32, #tpu.memory_space<vmem>> -> memref<1x16x3072xf32, #tpu.memory_space<vmem>>
        %get3A_1976 = tpu.memref_squeeze %get3A_1975 : memref<1x16x3072xf32, #tpu.memory_space<vmem>> -> memref<16x3072xf32, #tpu.memory_space<vmem>>
        %get3A_1977 = arith.index_cast %get3A_1972 : i32 to index
        %get3A_1978 = arith.index_cast %add3A_1971 : i32 to index
        %get3A_1979 = tpu.vector_load %get3A_1976[%get3A_1977, %get3A_1978] {strides = array<i32>} : memref<16x3072xf32, #tpu.memory_space<vmem>>, vector<16xf32>,
        %mul3A_1980 = arith.mulf %get3A_1979, %get3A_525 : vector<16xf32>
        %add3A_1981 = arith.addf %add3A_1967, %mul3A_1980 : vector<16xf32>
        %mul3A_1982 = arith.constant 128 : i32
        %mul3A_1983 = arith.muli %scan3A_461, %mul3A_1982 : i32
        %add3A_1984 = arith.constant 0 : i32
        %add3A_1985 = arith.addi %mul3A_1983, %add3A_1984 : i32
        %get3A_1986 = arith.constant 13 : i32
        %get3A_1987 = arith.constant 0 : i32
        %get3A_1988 = arith.constant 0 : i32
        %get3A_1989 = tpu.memref_slice %arg7[%scan3A_83, %get3A_1987, %get3A_1988] : memref<2x16x3072xf32, #tpu.memory_space<vmem>> -> memref<1x16x3072xf32, #tpu.memory_space<vmem>>
        %get3A_1990 = tpu.memref_squeeze %get3A_1989 : memref<1x16x3072xf32, #tpu.memory_space<vmem>> -> memref<16x3072xf32, #tpu.memory_space<vmem>>
        %get3A_1991 = arith.index_cast %get3A_1986 : i32 to index
        %get3A_1992 = arith.index_cast %add3A_1985 : i32 to index
        %get3A_1993 = tpu.vector_load %get3A_1990[%get3A_1991, %get3A_1992] {strides = array<i32>} : memref<16x3072xf32, #tpu.memory_space<vmem>>, vector<16xf32>,
        %mul3A_1994 = arith.mulf %get3A_1993, %get3A_483 : vector<16xf32>
        %add3A_1995 = arith.addf %scan3A_475, %mul3A_1994 : vector<16xf32>
        %mul3A_1996 = arith.constant 128 : i32
        %mul3A_1997 = arith.muli %scan3A_461, %mul3A_1996 : i32
        %add3A_1998 = arith.constant 16 : i32
        %add3A_1999 = arith.addi %mul3A_1997, %add3A_1998 : i32
        %get3A_2000 = arith.constant 13 : i32
        %get3A_2001 = arith.constant 0 : i32
        %get3A_2002 = arith.constant 0 : i32
        %get3A_2003 = tpu.memref_slice %arg7[%scan3A_83, %get3A_2001, %get3A_2002] : memref<2x16x3072xf32, #tpu.memory_space<vmem>> -> memref<1x16x3072xf32, #tpu.memory_space<vmem>>
        %get3A_2004 = tpu.memref_squeeze %get3A_2003 : memref<1x16x3072xf32, #tpu.memory_space<vmem>> -> memref<16x3072xf32, #tpu.memory_space<vmem>>
        %get3A_2005 = arith.index_cast %get3A_2000 : i32 to index
        %get3A_2006 = arith.index_cast %add3A_1999 : i32 to index
        %get3A_2007 = tpu.vector_load %get3A_2004[%get3A_2005, %get3A_2006] {strides = array<i32>} : memref<16x3072xf32, #tpu.memory_space<vmem>>, vector<16xf32>,
        %mul3A_2008 = arith.mulf %get3A_2007, %get3A_489 : vector<16xf32>
        %add3A_2009 = arith.addf %add3A_1995, %mul3A_2008 : vector<16xf32>
        %mul3A_2010 = arith.constant 128 : i32
        %mul3A_2011 = arith.muli %scan3A_461, %mul3A_2010 : i32
        %add3A_2012 = arith.constant 32 : i32
        %add3A_2013 = arith.addi %mul3A_2011, %add3A_2012 : i32
        %get3A_2014 = arith.constant 13 : i32
        %get3A_2015 = arith.constant 0 : i32
        %get3A_2016 = arith.constant 0 : i32
        %get3A_2017 = tpu.memref_slice %arg7[%scan3A_83, %get3A_2015, %get3A_2016] : memref<2x16x3072xf32, #tpu.memory_space<vmem>> -> memref<1x16x3072xf32, #tpu.memory_space<vmem>>
        %get3A_2018 = tpu.memref_squeeze %get3A_2017 : memref<1x16x3072xf32, #tpu.memory_space<vmem>> -> memref<16x3072xf32, #tpu.memory_space<vmem>>
        %get3A_2019 = arith.index_cast %get3A_2014 : i32 to index
        %get3A_2020 = arith.index_cast %add3A_2013 : i32 to index
        %get3A_2021 = tpu.vector_load %get3A_2018[%get3A_2019, %get3A_2020] {strides = array<i32>} : memref<16x3072xf32, #tpu.memory_space<vmem>>, vector<16xf32>,
        %mul3A_2022 = arith.mulf %get3A_2021, %get3A_495 : vector<16xf32>
        %add3A_2023 = arith.addf %add3A_2009, %mul3A_2022 : vector<16xf32>
        %mul3A_2024 = arith.constant 128 : i32
        %mul3A_2025 = arith.muli %scan3A_461, %mul3A_2024 : i32
        %add3A_2026 = arith.constant 48 : i32
        %add3A_2027 = arith.addi %mul3A_2025, %add3A_2026 : i32
        %get3A_2028 = arith.constant 13 : i32
        %get3A_2029 = arith.constant 0 : i32
        %get3A_2030 = arith.constant 0 : i32
        %get3A_2031 = tpu.memref_slice %arg7[%scan3A_83, %get3A_2029, %get3A_2030] : memref<2x16x3072xf32, #tpu.memory_space<vmem>> -> memref<1x16x3072xf32, #tpu.memory_space<vmem>>
        %get3A_2032 = tpu.memref_squeeze %get3A_2031 : memref<1x16x3072xf32, #tpu.memory_space<vmem>> -> memref<16x3072xf32, #tpu.memory_space<vmem>>
        %get3A_2033 = arith.index_cast %get3A_2028 : i32 to index
        %get3A_2034 = arith.index_cast %add3A_2027 : i32 to index
        %get3A_2035 = tpu.vector_load %get3A_2032[%get3A_2033, %get3A_2034] {strides = array<i32>} : memref<16x3072xf32, #tpu.memory_space<vmem>>, vector<16xf32>,
        %mul3A_2036 = arith.mulf %get3A_2035, %get3A_501 : vector<16xf32>
        %add3A_2037 = arith.addf %add3A_2023, %mul3A_2036 : vector<16xf32>
        %mul3A_2038 = arith.constant 128 : i32
        %mul3A_2039 = arith.muli %scan3A_461, %mul3A_2038 : i32
        %add3A_2040 = arith.constant 64 : i32
        %add3A_2041 = arith.addi %mul3A_2039, %add3A_2040 : i32
        %get3A_2042 = arith.constant 13 : i32
        %get3A_2043 = arith.constant 0 : i32
        %get3A_2044 = arith.constant 0 : i32
        %get3A_2045 = tpu.memref_slice %arg7[%scan3A_83, %get3A_2043, %get3A_2044] : memref<2x16x3072xf32, #tpu.memory_space<vmem>> -> memref<1x16x3072xf32, #tpu.memory_space<vmem>>
        %get3A_2046 = tpu.memref_squeeze %get3A_2045 : memref<1x16x3072xf32, #tpu.memory_space<vmem>> -> memref<16x3072xf32, #tpu.memory_space<vmem>>
        %get3A_2047 = arith.index_cast %get3A_2042 : i32 to index
        %get3A_2048 = arith.index_cast %add3A_2041 : i32 to index
        %get3A_2049 = tpu.vector_load %get3A_2046[%get3A_2047, %get3A_2048] {strides = array<i32>} : memref<16x3072xf32, #tpu.memory_space<vmem>>, vector<16xf32>,
        %mul3A_2050 = arith.mulf %get3A_2049, %get3A_507 : vector<16xf32>
        %add3A_2051 = arith.addf %add3A_2037, %mul3A_2050 : vector<16xf32>
        %mul3A_2052 = arith.constant 128 : i32
        %mul3A_2053 = arith.muli %scan3A_461, %mul3A_2052 : i32
        %add3A_2054 = arith.constant 80 : i32
        %add3A_2055 = arith.addi %mul3A_2053, %add3A_2054 : i32
        %get3A_2056 = arith.constant 13 : i32
        %get3A_2057 = arith.constant 0 : i32
        %get3A_2058 = arith.constant 0 : i32
        %get3A_2059 = tpu.memref_slice %arg7[%scan3A_83, %get3A_2057, %get3A_2058] : memref<2x16x3072xf32, #tpu.memory_space<vmem>> -> memref<1x16x3072xf32, #tpu.memory_space<vmem>>
        %get3A_2060 = tpu.memref_squeeze %get3A_2059 : memref<1x16x3072xf32, #tpu.memory_space<vmem>> -> memref<16x3072xf32, #tpu.memory_space<vmem>>
        %get3A_2061 = arith.index_cast %get3A_2056 : i32 to index
        %get3A_2062 = arith.index_cast %add3A_2055 : i32 to index
        %get3A_2063 = tpu.vector_load %get3A_2060[%get3A_2061, %get3A_2062] {strides = array<i32>} : memref<16x3072xf32, #tpu.memory_space<vmem>>, vector<16xf32>,
        %mul3A_2064 = arith.mulf %get3A_2063, %get3A_513 : vector<16xf32>
        %add3A_2065 = arith.addf %add3A_2051, %mul3A_2064 : vector<16xf32>
        %mul3A_2066 = arith.constant 128 : i32
        %mul3A_2067 = arith.muli %scan3A_461, %mul3A_2066 : i32
        %add3A_2068 = arith.constant 96 : i32
        %add3A_2069 = arith.addi %mul3A_2067, %add3A_2068 : i32
        %get3A_2070 = arith.constant 13 : i32
        %get3A_2071 = arith.constant 0 : i32
        %get3A_2072 = arith.constant 0 : i32
        %get3A_2073 = tpu.memref_slice %arg7[%scan3A_83, %get3A_2071, %get3A_2072] : memref<2x16x3072xf32, #tpu.memory_space<vmem>> -> memref<1x16x3072xf32, #tpu.memory_space<vmem>>
        %get3A_2074 = tpu.memref_squeeze %get3A_2073 : memref<1x16x3072xf32, #tpu.memory_space<vmem>> -> memref<16x3072xf32, #tpu.memory_space<vmem>>
        %get3A_2075 = arith.index_cast %get3A_2070 : i32 to index
        %get3A_2076 = arith.index_cast %add3A_2069 : i32 to index
        %get3A_2077 = tpu.vector_load %get3A_2074[%get3A_2075, %get3A_2076] {strides = array<i32>} : memref<16x3072xf32, #tpu.memory_space<vmem>>, vector<16xf32>,
        %mul3A_2078 = arith.mulf %get3A_2077, %get3A_519 : vector<16xf32>
        %add3A_2079 = arith.addf %add3A_2065, %mul3A_2078 : vector<16xf32>
        %mul3A_2080 = arith.constant 128 : i32
        %mul3A_2081 = arith.muli %scan3A_461, %mul3A_2080 : i32
        %add3A_2082 = arith.constant 112 : i32
        %add3A_2083 = arith.addi %mul3A_2081, %add3A_2082 : i32
        %get3A_2084 = arith.constant 13 : i32
        %get3A_2085 = arith.constant 0 : i32
        %get3A_2086 = arith.constant 0 : i32
        %get3A_2087 = tpu.memref_slice %arg7[%scan3A_83, %get3A_2085, %get3A_2086] : memref<2x16x3072xf32, #tpu.memory_space<vmem>> -> memref<1x16x3072xf32, #tpu.memory_space<vmem>>
        %get3A_2088 = tpu.memref_squeeze %get3A_2087 : memref<1x16x3072xf32, #tpu.memory_space<vmem>> -> memref<16x3072xf32, #tpu.memory_space<vmem>>
        %get3A_2089 = arith.index_cast %get3A_2084 : i32 to index
        %get3A_2090 = arith.index_cast %add3A_2083 : i32 to index
        %get3A_2091 = tpu.vector_load %get3A_2088[%get3A_2089, %get3A_2090] {strides = array<i32>} : memref<16x3072xf32, #tpu.memory_space<vmem>>, vector<16xf32>,
        %mul3A_2092 = arith.mulf %get3A_2091, %get3A_525 : vector<16xf32>
        %add3A_2093 = arith.addf %add3A_2079, %mul3A_2092 : vector<16xf32>
        %mul3A_2094 = arith.constant 128 : i32
        %mul3A_2095 = arith.muli %scan3A_461, %mul3A_2094 : i32
        %add3A_2096 = arith.constant 0 : i32
        %add3A_2097 = arith.addi %mul3A_2095, %add3A_2096 : i32
        %get3A_2098 = arith.constant 14 : i32
        %get3A_2099 = arith.constant 0 : i32
        %get3A_2100 = arith.constant 0 : i32
        %get3A_2101 = tpu.memref_slice %arg7[%scan3A_83, %get3A_2099, %get3A_2100] : memref<2x16x3072xf32, #tpu.memory_space<vmem>> -> memref<1x16x3072xf32, #tpu.memory_space<vmem>>
        %get3A_2102 = tpu.memref_squeeze %get3A_2101 : memref<1x16x3072xf32, #tpu.memory_space<vmem>> -> memref<16x3072xf32, #tpu.memory_space<vmem>>
        %get3A_2103 = arith.index_cast %get3A_2098 : i32 to index
        %get3A_2104 = arith.index_cast %add3A_2097 : i32 to index
        %get3A_2105 = tpu.vector_load %get3A_2102[%get3A_2103, %get3A_2104] {strides = array<i32>} : memref<16x3072xf32, #tpu.memory_space<vmem>>, vector<16xf32>,
        %mul3A_2106 = arith.mulf %get3A_2105, %get3A_483 : vector<16xf32>
        %add3A_2107 = arith.addf %scan3A_476, %mul3A_2106 : vector<16xf32>
        %mul3A_2108 = arith.constant 128 : i32
        %mul3A_2109 = arith.muli %scan3A_461, %mul3A_2108 : i32
        %add3A_2110 = arith.constant 16 : i32
        %add3A_2111 = arith.addi %mul3A_2109, %add3A_2110 : i32
        %get3A_2112 = arith.constant 14 : i32
        %get3A_2113 = arith.constant 0 : i32
        %get3A_2114 = arith.constant 0 : i32
        %get3A_2115 = tpu.memref_slice %arg7[%scan3A_83, %get3A_2113, %get3A_2114] : memref<2x16x3072xf32, #tpu.memory_space<vmem>> -> memref<1x16x3072xf32, #tpu.memory_space<vmem>>
        %get3A_2116 = tpu.memref_squeeze %get3A_2115 : memref<1x16x3072xf32, #tpu.memory_space<vmem>> -> memref<16x3072xf32, #tpu.memory_space<vmem>>
        %get3A_2117 = arith.index_cast %get3A_2112 : i32 to index
        %get3A_2118 = arith.index_cast %add3A_2111 : i32 to index
        %get3A_2119 = tpu.vector_load %get3A_2116[%get3A_2117, %get3A_2118] {strides = array<i32>} : memref<16x3072xf32, #tpu.memory_space<vmem>>, vector<16xf32>,
        %mul3A_2120 = arith.mulf %get3A_2119, %get3A_489 : vector<16xf32>
        %add3A_2121 = arith.addf %add3A_2107, %mul3A_2120 : vector<16xf32>
        %mul3A_2122 = arith.constant 128 : i32
        %mul3A_2123 = arith.muli %scan3A_461, %mul3A_2122 : i32
        %add3A_2124 = arith.constant 32 : i32
        %add3A_2125 = arith.addi %mul3A_2123, %add3A_2124 : i32
        %get3A_2126 = arith.constant 14 : i32
        %get3A_2127 = arith.constant 0 : i32
        %get3A_2128 = arith.constant 0 : i32
        %get3A_2129 = tpu.memref_slice %arg7[%scan3A_83, %get3A_2127, %get3A_2128] : memref<2x16x3072xf32, #tpu.memory_space<vmem>> -> memref<1x16x3072xf32, #tpu.memory_space<vmem>>
        %get3A_2130 = tpu.memref_squeeze %get3A_2129 : memref<1x16x3072xf32, #tpu.memory_space<vmem>> -> memref<16x3072xf32, #tpu.memory_space<vmem>>
        %get3A_2131 = arith.index_cast %get3A_2126 : i32 to index
        %get3A_2132 = arith.index_cast %add3A_2125 : i32 to index
        %get3A_2133 = tpu.vector_load %get3A_2130[%get3A_2131, %get3A_2132] {strides = array<i32>} : memref<16x3072xf32, #tpu.memory_space<vmem>>, vector<16xf32>,
        %mul3A_2134 = arith.mulf %get3A_2133, %get3A_495 : vector<16xf32>
        %add3A_2135 = arith.addf %add3A_2121, %mul3A_2134 : vector<16xf32>
        %mul3A_2136 = arith.constant 128 : i32
        %mul3A_2137 = arith.muli %scan3A_461, %mul3A_2136 : i32
        %add3A_2138 = arith.constant 48 : i32
        %add3A_2139 = arith.addi %mul3A_2137, %add3A_2138 : i32
        %get3A_2140 = arith.constant 14 : i32
        %get3A_2141 = arith.constant 0 : i32
        %get3A_2142 = arith.constant 0 : i32
        %get3A_2143 = tpu.memref_slice %arg7[%scan3A_83, %get3A_2141, %get3A_2142] : memref<2x16x3072xf32, #tpu.memory_space<vmem>> -> memref<1x16x3072xf32, #tpu.memory_space<vmem>>
        %get3A_2144 = tpu.memref_squeeze %get3A_2143 : memref<1x16x3072xf32, #tpu.memory_space<vmem>> -> memref<16x3072xf32, #tpu.memory_space<vmem>>
        %get3A_2145 = arith.index_cast %get3A_2140 : i32 to index
        %get3A_2146 = arith.index_cast %add3A_2139 : i32 to index
        %get3A_2147 = tpu.vector_load %get3A_2144[%get3A_2145, %get3A_2146] {strides = array<i32>} : memref<16x3072xf32, #tpu.memory_space<vmem>>, vector<16xf32>,
        %mul3A_2148 = arith.mulf %get3A_2147, %get3A_501 : vector<16xf32>
        %add3A_2149 = arith.addf %add3A_2135, %mul3A_2148 : vector<16xf32>
        %mul3A_2150 = arith.constant 128 : i32
        %mul3A_2151 = arith.muli %scan3A_461, %mul3A_2150 : i32
        %add3A_2152 = arith.constant 64 : i32
        %add3A_2153 = arith.addi %mul3A_2151, %add3A_2152 : i32
        %get3A_2154 = arith.constant 14 : i32
        %get3A_2155 = arith.constant 0 : i32
        %get3A_2156 = arith.constant 0 : i32
        %get3A_2157 = tpu.memref_slice %arg7[%scan3A_83, %get3A_2155, %get3A_2156] : memref<2x16x3072xf32, #tpu.memory_space<vmem>> -> memref<1x16x3072xf32, #tpu.memory_space<vmem>>
        %get3A_2158 = tpu.memref_squeeze %get3A_2157 : memref<1x16x3072xf32, #tpu.memory_space<vmem>> -> memref<16x3072xf32, #tpu.memory_space<vmem>>
        %get3A_2159 = arith.index_cast %get3A_2154 : i32 to index
        %get3A_2160 = arith.index_cast %add3A_2153 : i32 to index
        %get3A_2161 = tpu.vector_load %get3A_2158[%get3A_2159, %get3A_2160] {strides = array<i32>} : memref<16x3072xf32, #tpu.memory_space<vmem>>, vector<16xf32>,
        %mul3A_2162 = arith.mulf %get3A_2161, %get3A_507 : vector<16xf32>
        %add3A_2163 = arith.addf %add3A_2149, %mul3A_2162 : vector<16xf32>
        %mul3A_2164 = arith.constant 128 : i32
        %mul3A_2165 = arith.muli %scan3A_461, %mul3A_2164 : i32
        %add3A_2166 = arith.constant 80 : i32
        %add3A_2167 = arith.addi %mul3A_2165, %add3A_2166 : i32
        %get3A_2168 = arith.constant 14 : i32
        %get3A_2169 = arith.constant 0 : i32
        %get3A_2170 = arith.constant 0 : i32
        %get3A_2171 = tpu.memref_slice %arg7[%scan3A_83, %get3A_2169, %get3A_2170] : memref<2x16x3072xf32, #tpu.memory_space<vmem>> -> memref<1x16x3072xf32, #tpu.memory_space<vmem>>
        %get3A_2172 = tpu.memref_squeeze %get3A_2171 : memref<1x16x3072xf32, #tpu.memory_space<vmem>> -> memref<16x3072xf32, #tpu.memory_space<vmem>>
        %get3A_2173 = arith.index_cast %get3A_2168 : i32 to index
        %get3A_2174 = arith.index_cast %add3A_2167 : i32 to index
        %get3A_2175 = tpu.vector_load %get3A_2172[%get3A_2173, %get3A_2174] {strides = array<i32>} : memref<16x3072xf32, #tpu.memory_space<vmem>>, vector<16xf32>,
        %mul3A_2176 = arith.mulf %get3A_2175, %get3A_513 : vector<16xf32>
        %add3A_2177 = arith.addf %add3A_2163, %mul3A_2176 : vector<16xf32>
        %mul3A_2178 = arith.constant 128 : i32
        %mul3A_2179 = arith.muli %scan3A_461, %mul3A_2178 : i32
        %add3A_2180 = arith.constant 96 : i32
        %add3A_2181 = arith.addi %mul3A_2179, %add3A_2180 : i32
        %get3A_2182 = arith.constant 14 : i32
        %get3A_2183 = arith.constant 0 : i32
        %get3A_2184 = arith.constant 0 : i32
        %get3A_2185 = tpu.memref_slice %arg7[%scan3A_83, %get3A_2183, %get3A_2184] : memref<2x16x3072xf32, #tpu.memory_space<vmem>> -> memref<1x16x3072xf32, #tpu.memory_space<vmem>>
        %get3A_2186 = tpu.memref_squeeze %get3A_2185 : memref<1x16x3072xf32, #tpu.memory_space<vmem>> -> memref<16x3072xf32, #tpu.memory_space<vmem>>
        %get3A_2187 = arith.index_cast %get3A_2182 : i32 to index
        %get3A_2188 = arith.index_cast %add3A_2181 : i32 to index
        %get3A_2189 = tpu.vector_load %get3A_2186[%get3A_2187, %get3A_2188] {strides = array<i32>} : memref<16x3072xf32, #tpu.memory_space<vmem>>, vector<16xf32>,
        %mul3A_2190 = arith.mulf %get3A_2189, %get3A_519 : vector<16xf32>
        %add3A_2191 = arith.addf %add3A_2177, %mul3A_2190 : vector<16xf32>
        %mul3A_2192 = arith.constant 128 : i32
        %mul3A_2193 = arith.muli %scan3A_461, %mul3A_2192 : i32
        %add3A_2194 = arith.constant 112 : i32
        %add3A_2195 = arith.addi %mul3A_2193, %add3A_2194 : i32
        %get3A_2196 = arith.constant 14 : i32
        %get3A_2197 = arith.constant 0 : i32
        %get3A_2198 = arith.constant 0 : i32
        %get3A_2199 = tpu.memref_slice %arg7[%scan3A_83, %get3A_2197, %get3A_2198] : memref<2x16x3072xf32, #tpu.memory_space<vmem>> -> memref<1x16x3072xf32, #tpu.memory_space<vmem>>
        %get3A_2200 = tpu.memref_squeeze %get3A_2199 : memref<1x16x3072xf32, #tpu.memory_space<vmem>> -> memref<16x3072xf32, #tpu.memory_space<vmem>>
        %get3A_2201 = arith.index_cast %get3A_2196 : i32 to index
        %get3A_2202 = arith.index_cast %add3A_2195 : i32 to index
        %get3A_2203 = tpu.vector_load %get3A_2200[%get3A_2201, %get3A_2202] {strides = array<i32>} : memref<16x3072xf32, #tpu.memory_space<vmem>>, vector<16xf32>,
        %mul3A_2204 = arith.mulf %get3A_2203, %get3A_525 : vector<16xf32>
        %add3A_2205 = arith.addf %add3A_2191, %mul3A_2204 : vector<16xf32>
        %mul3A_2206 = arith.constant 128 : i32
        %mul3A_2207 = arith.muli %scan3A_461, %mul3A_2206 : i32
        %add3A_2208 = arith.constant 0 : i32
        %add3A_2209 = arith.addi %mul3A_2207, %add3A_2208 : i32
        %get3A_2210 = arith.constant 15 : i32
        %get3A_2211 = arith.constant 0 : i32
        %get3A_2212 = arith.constant 0 : i32
        %get3A_2213 = tpu.memref_slice %arg7[%scan3A_83, %get3A_2211, %get3A_2212] : memref<2x16x3072xf32, #tpu.memory_space<vmem>> -> memref<1x16x3072xf32, #tpu.memory_space<vmem>>
        %get3A_2214 = tpu.memref_squeeze %get3A_2213 : memref<1x16x3072xf32, #tpu.memory_space<vmem>> -> memref<16x3072xf32, #tpu.memory_space<vmem>>
        %get3A_2215 = arith.index_cast %get3A_2210 : i32 to index
        %get3A_2216 = arith.index_cast %add3A_2209 : i32 to index
        %get3A_2217 = tpu.vector_load %get3A_2214[%get3A_2215, %get3A_2216] {strides = array<i32>} : memref<16x3072xf32, #tpu.memory_space<vmem>>, vector<16xf32>,
        %mul3A_2218 = arith.mulf %get3A_2217, %get3A_483 : vector<16xf32>
        %add3A_2219 = arith.addf %scan3A_477, %mul3A_2218 : vector<16xf32>
        %mul3A_2220 = arith.constant 128 : i32
        %mul3A_2221 = arith.muli %scan3A_461, %mul3A_2220 : i32
        %add3A_2222 = arith.constant 16 : i32
        %add3A_2223 = arith.addi %mul3A_2221, %add3A_2222 : i32
        %get3A_2224 = arith.constant 15 : i32
        %get3A_2225 = arith.constant 0 : i32
        %get3A_2226 = arith.constant 0 : i32
        %get3A_2227 = tpu.memref_slice %arg7[%scan3A_83, %get3A_2225, %get3A_2226] : memref<2x16x3072xf32, #tpu.memory_space<vmem>> -> memref<1x16x3072xf32, #tpu.memory_space<vmem>>
        %get3A_2228 = tpu.memref_squeeze %get3A_2227 : memref<1x16x3072xf32, #tpu.memory_space<vmem>> -> memref<16x3072xf32, #tpu.memory_space<vmem>>
        %get3A_2229 = arith.index_cast %get3A_2224 : i32 to index
        %get3A_2230 = arith.index_cast %add3A_2223 : i32 to index
        %get3A_2231 = tpu.vector_load %get3A_2228[%get3A_2229, %get3A_2230] {strides = array<i32>} : memref<16x3072xf32, #tpu.memory_space<vmem>>, vector<16xf32>,
        %mul3A_2232 = arith.mulf %get3A_2231, %get3A_489 : vector<16xf32>
        %add3A_2233 = arith.addf %add3A_2219, %mul3A_2232 : vector<16xf32>
        %mul3A_2234 = arith.constant 128 : i32
        %mul3A_2235 = arith.muli %scan3A_461, %mul3A_2234 : i32
        %add3A_2236 = arith.constant 32 : i32
        %add3A_2237 = arith.addi %mul3A_2235, %add3A_2236 : i32
        %get3A_2238 = arith.constant 15 : i32
        %get3A_2239 = arith.constant 0 : i32
        %get3A_2240 = arith.constant 0 : i32
        %get3A_2241 = tpu.memref_slice %arg7[%scan3A_83, %get3A_2239, %get3A_2240] : memref<2x16x3072xf32, #tpu.memory_space<vmem>> -> memref<1x16x3072xf32, #tpu.memory_space<vmem>>
        %get3A_2242 = tpu.memref_squeeze %get3A_2241 : memref<1x16x3072xf32, #tpu.memory_space<vmem>> -> memref<16x3072xf32, #tpu.memory_space<vmem>>
        %get3A_2243 = arith.index_cast %get3A_2238 : i32 to index
        %get3A_2244 = arith.index_cast %add3A_2237 : i32 to index
        %get3A_2245 = tpu.vector_load %get3A_2242[%get3A_2243, %get3A_2244] {strides = array<i32>} : memref<16x3072xf32, #tpu.memory_space<vmem>>, vector<16xf32>,
        %mul3A_2246 = arith.mulf %get3A_2245, %get3A_495 : vector<16xf32>
        %add3A_2247 = arith.addf %add3A_2233, %mul3A_2246 : vector<16xf32>
        %mul3A_2248 = arith.constant 128 : i32
        %mul3A_2249 = arith.muli %scan3A_461, %mul3A_2248 : i32
        %add3A_2250 = arith.constant 48 : i32
        %add3A_2251 = arith.addi %mul3A_2249, %add3A_2250 : i32
        %get3A_2252 = arith.constant 15 : i32
        %get3A_2253 = arith.constant 0 : i32
        %get3A_2254 = arith.constant 0 : i32
        %get3A_2255 = tpu.memref_slice %arg7[%scan3A_83, %get3A_2253, %get3A_2254] : memref<2x16x3072xf32, #tpu.memory_space<vmem>> -> memref<1x16x3072xf32, #tpu.memory_space<vmem>>
        %get3A_2256 = tpu.memref_squeeze %get3A_2255 : memref<1x16x3072xf32, #tpu.memory_space<vmem>> -> memref<16x3072xf32, #tpu.memory_space<vmem>>
        %get3A_2257 = arith.index_cast %get3A_2252 : i32 to index
        %get3A_2258 = arith.index_cast %add3A_2251 : i32 to index
        %get3A_2259 = tpu.vector_load %get3A_2256[%get3A_2257, %get3A_2258] {strides = array<i32>} : memref<16x3072xf32, #tpu.memory_space<vmem>>, vector<16xf32>,
        %mul3A_2260 = arith.mulf %get3A_2259, %get3A_501 : vector<16xf32>
        %add3A_2261 = arith.addf %add3A_2247, %mul3A_2260 : vector<16xf32>
        %mul3A_2262 = arith.constant 128 : i32
        %mul3A_2263 = arith.muli %scan3A_461, %mul3A_2262 : i32
        %add3A_2264 = arith.constant 64 : i32
        %add3A_2265 = arith.addi %mul3A_2263, %add3A_2264 : i32
        %get3A_2266 = arith.constant 15 : i32
        %get3A_2267 = arith.constant 0 : i32
        %get3A_2268 = arith.constant 0 : i32
        %get3A_2269 = tpu.memref_slice %arg7[%scan3A_83, %get3A_2267, %get3A_2268] : memref<2x16x3072xf32, #tpu.memory_space<vmem>> -> memref<1x16x3072xf32, #tpu.memory_space<vmem>>
        %get3A_2270 = tpu.memref_squeeze %get3A_2269 : memref<1x16x3072xf32, #tpu.memory_space<vmem>> -> memref<16x3072xf32, #tpu.memory_space<vmem>>
        %get3A_2271 = arith.index_cast %get3A_2266 : i32 to index
        %get3A_2272 = arith.index_cast %add3A_2265 : i32 to index
        %get3A_2273 = tpu.vector_load %get3A_2270[%get3A_2271, %get3A_2272] {strides = array<i32>} : memref<16x3072xf32, #tpu.memory_space<vmem>>, vector<16xf32>,
        %mul3A_2274 = arith.mulf %get3A_2273, %get3A_507 : vector<16xf32>
        %add3A_2275 = arith.addf %add3A_2261, %mul3A_2274 : vector<16xf32>
        %mul3A_2276 = arith.constant 128 : i32
        %mul3A_2277 = arith.muli %scan3A_461, %mul3A_2276 : i32
        %add3A_2278 = arith.constant 80 : i32
        %add3A_2279 = arith.addi %mul3A_2277, %add3A_2278 : i32
        %get3A_2280 = arith.constant 15 : i32
        %get3A_2281 = arith.constant 0 : i32
        %get3A_2282 = arith.constant 0 : i32
        %get3A_2283 = tpu.memref_slice %arg7[%scan3A_83, %get3A_2281, %get3A_2282] : memref<2x16x3072xf32, #tpu.memory_space<vmem>> -> memref<1x16x3072xf32, #tpu.memory_space<vmem>>
        %get3A_2284 = tpu.memref_squeeze %get3A_2283 : memref<1x16x3072xf32, #tpu.memory_space<vmem>> -> memref<16x3072xf32, #tpu.memory_space<vmem>>
        %get3A_2285 = arith.index_cast %get3A_2280 : i32 to index
        %get3A_2286 = arith.index_cast %add3A_2279 : i32 to index
        %get3A_2287 = tpu.vector_load %get3A_2284[%get3A_2285, %get3A_2286] {strides = array<i32>} : memref<16x3072xf32, #tpu.memory_space<vmem>>, vector<16xf32>,
        %mul3A_2288 = arith.mulf %get3A_2287, %get3A_513 : vector<16xf32>
        %add3A_2289 = arith.addf %add3A_2275, %mul3A_2288 : vector<16xf32>
        %mul3A_2290 = arith.constant 128 : i32
        %mul3A_2291 = arith.muli %scan3A_461, %mul3A_2290 : i32
        %add3A_2292 = arith.constant 96 : i32
        %add3A_2293 = arith.addi %mul3A_2291, %add3A_2292 : i32
        %get3A_2294 = arith.constant 15 : i32
        %get3A_2295 = arith.constant 0 : i32
        %get3A_2296 = arith.constant 0 : i32
        %get3A_2297 = tpu.memref_slice %arg7[%scan3A_83, %get3A_2295, %get3A_2296] : memref<2x16x3072xf32, #tpu.memory_space<vmem>> -> memref<1x16x3072xf32, #tpu.memory_space<vmem>>
        %get3A_2298 = tpu.memref_squeeze %get3A_2297 : memref<1x16x3072xf32, #tpu.memory_space<vmem>> -> memref<16x3072xf32, #tpu.memory_space<vmem>>
        %get3A_2299 = arith.index_cast %get3A_2294 : i32 to index
        %get3A_2300 = arith.index_cast %add3A_2293 : i32 to index
        %get3A_2301 = tpu.vector_load %get3A_2298[%get3A_2299, %get3A_2300] {strides = array<i32>} : memref<16x3072xf32, #tpu.memory_space<vmem>>, vector<16xf32>,
        %mul3A_2302 = arith.mulf %get3A_2301, %get3A_519 : vector<16xf32>
        %add3A_2303 = arith.addf %add3A_2289, %mul3A_2302 : vector<16xf32>
        %mul3A_2304 = arith.constant 128 : i32
        %mul3A_2305 = arith.muli %scan3A_461, %mul3A_2304 : i32
        %add3A_2306 = arith.constant 112 : i32
        %add3A_2307 = arith.addi %mul3A_2305, %add3A_2306 : i32
        %get3A_2308 = arith.constant 15 : i32
        %get3A_2309 = arith.constant 0 : i32
        %get3A_2310 = arith.constant 0 : i32
        %get3A_2311 = tpu.memref_slice %arg7[%scan3A_83, %get3A_2309, %get3A_2310] : memref<2x16x3072xf32, #tpu.memory_space<vmem>> -> memref<1x16x3072xf32, #tpu.memory_space<vmem>>
        %get3A_2312 = tpu.memref_squeeze %get3A_2311 : memref<1x16x3072xf32, #tpu.memory_space<vmem>> -> memref<16x3072xf32, #tpu.memory_space<vmem>>
        %get3A_2313 = arith.index_cast %get3A_2308 : i32 to index
        %get3A_2314 = arith.index_cast %add3A_2307 : i32 to index
        %get3A_2315 = tpu.vector_load %get3A_2312[%get3A_2313, %get3A_2314] {strides = array<i32>} : memref<16x3072xf32, #tpu.memory_space<vmem>>, vector<16xf32>,
        %mul3A_2316 = arith.mulf %get3A_2315, %get3A_525 : vector<16xf32>
        %add3A_2317 = arith.addf %add3A_2303, %mul3A_2316 : vector<16xf32>
        scf.yield %add3A_637, %add3A_749, %add3A_861, %add3A_973, %add3A_1085, %add3A_1197, %add3A_1309, %add3A_1421, %add3A_1533, %add3A_1645, %add3A_1757, %add3A_1869, %add3A_1981, %add3A_2093, %add3A_2205, %add3A_2317 : vector<16xf32>, vector<16xf32>, vector<16xf32>, vector<16xf32>, vector<16xf32>, vector<16xf32>, vector<16xf32>, vector<16xf32>, vector<16xf32>, vector<16xf32>, vector<16xf32>, vector<16xf32>, vector<16xf32>, vector<16xf32>, vector<16xf32>, vector<16xf32>
      }
      %scan3A_89 = arith.constant 24 : i32
      %add3A_90 = arith.constant 2 : i32
      %add3A_91 = arith.addi %add3A_39, %add3A_90 : i32
      %lt3A = arith.constant 18 : i32
      %lt3A_92 = arith.cmpi slt, %add3A_91, %lt3A : i32
      %convert_element_type3A = arith.extui %lt3A_92 : i1 to i32
      %cond3A = arith.constant 0 : i32
      %cond3A_93 = arith.cmpi ne, %convert_element_type3A, %cond3A : i32
      scf.if %cond3A_93 {
        %add3A_461 = arith.constant 2 : i32
        %add3A_462 = arith.addi %add3A_39, %add3A_461 : i32
        %mul3A_463 = arith.constant 16 : i32
        %mul3A_464 = arith.muli %add3A_462, %mul3A_463 : i32
        %add3A_465 = arith.addi %mul3A_2, %mul3A_464 : i32
        %dma_start3A_466 = arith.constant 0 : i32
        %dma_start3A_467 = arith.constant 0 : i32
        %dma_start3A_468 = arith.constant 0 : i32
        %dma_start3A_469 = tpu.memref_slice %arg7[%dma_start3A_466, %dma_start3A_467, %dma_start3A_468] : memref<2x16x3072xf32, #tpu.memory_space<vmem>> -> memref<1x16x3072xf32, #tpu.memory_space<vmem>>
        %dma_start3A_470 = tpu.memref_squeeze %dma_start3A_469 : memref<1x16x3072xf32, #tpu.memory_space<vmem>> -> memref<16x3072xf32, #tpu.memory_space<vmem>>
        %dma_start3A_471 = arith.constant 0 : i32
        %dma_start3A_472 = tpu.memref_slice %arg3[%add3A_465, %dma_start3A_471] : memref<24576x3072xf32, #tpu.memory_space<hbm>> -> memref<16x3072xf32, #tpu.memory_space<hbm>>
        %dma_start3A_473 = arith.constant 0 : i32
        %dma_start3A_474 = arith.constant 0 : i32
        %dma_start3A_475 = tpu.memref_slice %arg7[%dma_start3A_466, %dma_start3A_473, %dma_start3A_474] : memref<2x16x3072xf32, #tpu.memory_space<vmem>> -> memref<1x16x3072xf32, #tpu.memory_space<vmem>>
        %dma_start3A_476 = tpu.memref_squeeze %dma_start3A_475 : memref<1x16x3072xf32, #tpu.memory_space<vmem>> -> memref<16x3072xf32, #tpu.memory_space<vmem>>
        %dma_start3A_477 = arith.constant 0 : i32
        %dma_start3A_478 = tpu.memref_slice %arg3[%add3A_465, %dma_start3A_477] : memref<24576x3072xf32, #tpu.memory_space<hbm>> -> memref<16x3072xf32, #tpu.memory_space<hbm>>
        tpu.enqueue_dma source(%dma_start3A_478 : memref<16x3072xf32, #tpu.memory_space<hbm>>) target(%dma_start3A_476 : memref<16x3072xf32, #tpu.memory_space<vmem>>) target_semaphore(%arg11 : memref<!tpu.dma_semaphore, #tpu.memory_space<semaphore_mem>>)
      } else {
      }
      %mul3A_94 = arith.constant 16 : i32
      %mul3A_95 = vector.broadcast %mul3A_94 : i32 to vector<16xi32>
      %mul3A_96 = arith.muli %iota3A, %mul3A_95 : vector<16xi32>
      %add3A_97 = arith.constant 0 : i32
      %add3A_98 = vector.broadcast %add3A_97 : i32 to vector<16xi32>
      %add3A_99 = arith.addi %mul3A_96, %add3A_98 : vector<16xi32>
      tpu.vector_store_idx %arg10[%add3A_99], %scan3A_88#0 : memref<256xf32, #tpu.memory_space<vmem>>[vector<16xi32>], vector<16xf32>,
      %mul3A_100 = arith.constant 16 : i32
      %mul3A_101 = vector.broadcast %mul3A_100 : i32 to vector<16xi32>
      %mul3A_102 = arith.muli %iota3A, %mul3A_101 : vector<16xi32>
      %add3A_103 = arith.constant 1 : i32
      %add3A_104 = vector.broadcast %add3A_103 : i32 to vector<16xi32>
      %add3A_105 = arith.addi %mul3A_102, %add3A_104 : vector<16xi32>
      tpu.vector_store_idx %arg10[%add3A_105], %scan3A_88#1 : memref<256xf32, #tpu.memory_space<vmem>>[vector<16xi32>], vector<16xf32>,
      %mul3A_106 = arith.constant 16 : i32
      %mul3A_107 = vector.broadcast %mul3A_106 : i32 to vector<16xi32>
      %mul3A_108 = arith.muli %iota3A, %mul3A_107 : vector<16xi32>
      %add3A_109 = arith.constant 2 : i32
      %add3A_110 = vector.broadcast %add3A_109 : i32 to vector<16xi32>
      %add3A_111 = arith.addi %mul3A_108, %add3A_110 : vector<16xi32>
      tpu.vector_store_idx %arg10[%add3A_111], %scan3A_88#2 : memref<256xf32, #tpu.memory_space<vmem>>[vector<16xi32>], vector<16xf32>,
      %mul3A_112 = arith.constant 16 : i32
      %mul3A_113 = vector.broadcast %mul3A_112 : i32 to vector<16xi32>
      %mul3A_114 = arith.muli %iota3A, %mul3A_113 : vector<16xi32>
      %add3A_115 = arith.constant 3 : i32
      %add3A_116 = vector.broadcast %add3A_115 : i32 to vector<16xi32>
      %add3A_117 = arith.addi %mul3A_114, %add3A_116 : vector<16xi32>
      tpu.vector_store_idx %arg10[%add3A_117], %scan3A_88#3 : memref<256xf32, #tpu.memory_space<vmem>>[vector<16xi32>], vector<16xf32>,
      %mul3A_118 = arith.constant 16 : i32
      %mul3A_119 = vector.broadcast %mul3A_118 : i32 to vector<16xi32>
      %mul3A_120 = arith.muli %iota3A, %mul3A_119 : vector<16xi32>
      %add3A_121 = arith.constant 4 : i32
      %add3A_122 = vector.broadcast %add3A_121 : i32 to vector<16xi32>
      %add3A_123 = arith.addi %mul3A_120, %add3A_122 : vector<16xi32>
      tpu.vector_store_idx %arg10[%add3A_123], %scan3A_88#4 : memref<256xf32, #tpu.memory_space<vmem>>[vector<16xi32>], vector<16xf32>,
      %mul3A_124 = arith.constant 16 : i32
      %mul3A_125 = vector.broadcast %mul3A_124 : i32 to vector<16xi32>
      %mul3A_126 = arith.muli %iota3A, %mul3A_125 : vector<16xi32>
      %add3A_127 = arith.constant 5 : i32
      %add3A_128 = vector.broadcast %add3A_127 : i32 to vector<16xi32>
      %add3A_129 = arith.addi %mul3A_126, %add3A_128 : vector<16xi32>
      tpu.vector_store_idx %arg10[%add3A_129], %scan3A_88#5 : memref<256xf32, #tpu.memory_space<vmem>>[vector<16xi32>], vector<16xf32>,
      %mul3A_130 = arith.constant 16 : i32
      %mul3A_131 = vector.broadcast %mul3A_130 : i32 to vector<16xi32>
      %mul3A_132 = arith.muli %iota3A, %mul3A_131 : vector<16xi32>
      %add3A_133 = arith.constant 6 : i32
      %add3A_134 = vector.broadcast %add3A_133 : i32 to vector<16xi32>
      %add3A_135 = arith.addi %mul3A_132, %add3A_134 : vector<16xi32>
      tpu.vector_store_idx %arg10[%add3A_135], %scan3A_88#6 : memref<256xf32, #tpu.memory_space<vmem>>[vector<16xi32>], vector<16xf32>,
      %mul3A_136 = arith.constant 16 : i32
      %mul3A_137 = vector.broadcast %mul3A_136 : i32 to vector<16xi32>
      %mul3A_138 = arith.muli %iota3A, %mul3A_137 : vector<16xi32>
      %add3A_139 = arith.constant 7 : i32
      %add3A_140 = vector.broadcast %add3A_139 : i32 to vector<16xi32>
      %add3A_141 = arith.addi %mul3A_138, %add3A_140 : vector<16xi32>
      tpu.vector_store_idx %arg10[%add3A_141], %scan3A_88#7 : memref<256xf32, #tpu.memory_space<vmem>>[vector<16xi32>], vector<16xf32>,
      %mul3A_142 = arith.constant 16 : i32
      %mul3A_143 = vector.broadcast %mul3A_142 : i32 to vector<16xi32>
      %mul3A_144 = arith.muli %iota3A, %mul3A_143 : vector<16xi32>
      %add3A_145 = arith.constant 8 : i32
      %add3A_146 = vector.broadcast %add3A_145 : i32 to vector<16xi32>
      %add3A_147 = arith.addi %mul3A_144, %add3A_146 : vector<16xi32>
      tpu.vector_store_idx %arg10[%add3A_147], %scan3A_88#8 : memref<256xf32, #tpu.memory_space<vmem>>[vector<16xi32>], vector<16xf32>,
      %mul3A_148 = arith.constant 16 : i32
      %mul3A_149 = vector.broadcast %mul3A_148 : i32 to vector<16xi32>
      %mul3A_150 = arith.muli %iota3A, %mul3A_149 : vector<16xi32>
      %add3A_151 = arith.constant 9 : i32
      %add3A_152 = vector.broadcast %add3A_151 : i32 to vector<16xi32>
      %add3A_153 = arith.addi %mul3A_150, %add3A_152 : vector<16xi32>
      tpu.vector_store_idx %arg10[%add3A_153], %scan3A_88#9 : memref<256xf32, #tpu.memory_space<vmem>>[vector<16xi32>], vector<16xf32>,
      %mul3A_154 = arith.constant 16 : i32
      %mul3A_155 = vector.broadcast %mul3A_154 : i32 to vector<16xi32>
      %mul3A_156 = arith.muli %iota3A, %mul3A_155 : vector<16xi32>
      %add3A_157 = arith.constant 10 : i32
      %add3A_158 = vector.broadcast %add3A_157 : i32 to vector<16xi32>
      %add3A_159 = arith.addi %mul3A_156, %add3A_158 : vector<16xi32>
      tpu.vector_store_idx %arg10[%add3A_159], %scan3A_88#10 : memref<256xf32, #tpu.memory_space<vmem>>[vector<16xi32>], vector<16xf32>,
      %mul3A_160 = arith.constant 16 : i32
      %mul3A_161 = vector.broadcast %mul3A_160 : i32 to vector<16xi32>
      %mul3A_162 = arith.muli %iota3A, %mul3A_161 : vector<16xi32>
      %add3A_163 = arith.constant 11 : i32
      %add3A_164 = vector.broadcast %add3A_163 : i32 to vector<16xi32>
      %add3A_165 = arith.addi %mul3A_162, %add3A_164 : vector<16xi32>
      tpu.vector_store_idx %arg10[%add3A_165], %scan3A_88#11 : memref<256xf32, #tpu.memory_space<vmem>>[vector<16xi32>], vector<16xf32>,
      %mul3A_166 = arith.constant 16 : i32
      %mul3A_167 = vector.broadcast %mul3A_166 : i32 to vector<16xi32>
      %mul3A_168 = arith.muli %iota3A, %mul3A_167 : vector<16xi32>
      %add3A_169 = arith.constant 12 : i32
      %add3A_170 = vector.broadcast %add3A_169 : i32 to vector<16xi32>
      %add3A_171 = arith.addi %mul3A_168, %add3A_170 : vector<16xi32>
      tpu.vector_store_idx %arg10[%add3A_171], %scan3A_88#12 : memref<256xf32, #tpu.memory_space<vmem>>[vector<16xi32>], vector<16xf32>,
      %mul3A_172 = arith.constant 16 : i32
      %mul3A_173 = vector.broadcast %mul3A_172 : i32 to vector<16xi32>
      %mul3A_174 = arith.muli %iota3A, %mul3A_173 : vector<16xi32>
      %add3A_175 = arith.constant 13 : i32
      %add3A_176 = vector.broadcast %add3A_175 : i32 to vector<16xi32>
      %add3A_177 = arith.addi %mul3A_174, %add3A_176 : vector<16xi32>
      tpu.vector_store_idx %arg10[%add3A_177], %scan3A_88#13 : memref<256xf32, #tpu.memory_space<vmem>>[vector<16xi32>], vector<16xf32>,
      %mul3A_178 = arith.constant 16 : i32
      %mul3A_179 = vector.broadcast %mul3A_178 : i32 to vector<16xi32>
      %mul3A_180 = arith.muli %iota3A, %mul3A_179 : vector<16xi32>
      %add3A_181 = arith.constant 14 : i32
      %add3A_182 = vector.broadcast %add3A_181 : i32 to vector<16xi32>
      %add3A_183 = arith.addi %mul3A_180, %add3A_182 : vector<16xi32>
      tpu.vector_store_idx %arg10[%add3A_183], %scan3A_88#14 : memref<256xf32, #tpu.memory_space<vmem>>[vector<16xi32>], vector<16xf32>,
      %mul3A_184 = arith.constant 16 : i32
      %mul3A_185 = vector.broadcast %mul3A_184 : i32 to vector<16xi32>
      %mul3A_186 = arith.muli %iota3A, %mul3A_185 : vector<16xi32>
      %add3A_187 = arith.constant 15 : i32
      %add3A_188 = vector.broadcast %add3A_187 : i32 to vector<16xi32>
      %add3A_189 = arith.addi %mul3A_186, %add3A_188 : vector<16xi32>
      tpu.vector_store_idx %arg10[%add3A_189], %scan3A_88#15 : memref<256xf32, #tpu.memory_space<vmem>>[vector<16xi32>], vector<16xf32>,
      %get3A = arith.constant 0 : index
      %get3A_190 = tpu.vector_load %arg10[%get3A] {strides = array<i32>} : memref<256xf32, #tpu.memory_space<vmem>>, vector<16xf32>,
      %get3A_191 = arith.constant 16 : index
      %get3A_192 = tpu.vector_load %arg10[%get3A_191] {strides = array<i32>} : memref<256xf32, #tpu.memory_space<vmem>>, vector<16xf32>,
      %add3A_193 = arith.addf %get3A_190, %get3A_192 : vector<16xf32>
      %get3A_194 = arith.constant 32 : index
      %get3A_195 = tpu.vector_load %arg10[%get3A_194] {strides = array<i32>} : memref<256xf32, #tpu.memory_space<vmem>>, vector<16xf32>,
      %add3A_196 = arith.addf %add3A_193, %get3A_195 : vector<16xf32>
      %get3A_197 = arith.constant 48 : index
      %get3A_198 = tpu.vector_load %arg10[%get3A_197] {strides = array<i32>} : memref<256xf32, #tpu.memory_space<vmem>>, vector<16xf32>,
      %add3A_199 = arith.addf %add3A_196, %get3A_198 : vector<16xf32>
      %get3A_200 = arith.constant 64 : index
      %get3A_201 = tpu.vector_load %arg10[%get3A_200] {strides = array<i32>} : memref<256xf32, #tpu.memory_space<vmem>>, vector<16xf32>,
      %add3A_202 = arith.addf %add3A_199, %get3A_201 : vector<16xf32>
      %get3A_203 = arith.constant 80 : index
      %get3A_204 = tpu.vector_load %arg10[%get3A_203] {strides = array<i32>} : memref<256xf32, #tpu.memory_space<vmem>>, vector<16xf32>,
      %add3A_205 = arith.addf %add3A_202, %get3A_204 : vector<16xf32>
      %get3A_206 = arith.constant 96 : index
      %get3A_207 = tpu.vector_load %arg10[%get3A_206] {strides = array<i32>} : memref<256xf32, #tpu.memory_space<vmem>>, vector<16xf32>,
      %add3A_208 = arith.addf %add3A_205, %get3A_207 : vector<16xf32>
      %get3A_209 = arith.constant 112 : index
      %get3A_210 = tpu.vector_load %arg10[%get3A_209] {strides = array<i32>} : memref<256xf32, #tpu.memory_space<vmem>>, vector<16xf32>,
      %add3A_211 = arith.addf %add3A_208, %get3A_210 : vector<16xf32>
      %get3A_212 = arith.constant 128 : index
      %get3A_213 = tpu.vector_load %arg10[%get3A_212] {strides = array<i32>} : memref<256xf32, #tpu.memory_space<vmem>>, vector<16xf32>,
      %add3A_214 = arith.addf %add3A_211, %get3A_213 : vector<16xf32>
      %get3A_215 = arith.constant 144 : index
      %get3A_216 = tpu.vector_load %arg10[%get3A_215] {strides = array<i32>} : memref<256xf32, #tpu.memory_space<vmem>>, vector<16xf32>,
      %add3A_217 = arith.addf %add3A_214, %get3A_216 : vector<16xf32>
      %get3A_218 = arith.constant 160 : index
      %get3A_219 = tpu.vector_load %arg10[%get3A_218] {strides = array<i32>} : memref<256xf32, #tpu.memory_space<vmem>>, vector<16xf32>,
      %add3A_220 = arith.addf %add3A_217, %get3A_219 : vector<16xf32>
      %get3A_221 = arith.constant 176 : index
      %get3A_222 = tpu.vector_load %arg10[%get3A_221] {strides = array<i32>} : memref<256xf32, #tpu.memory_space<vmem>>, vector<16xf32>,
      %add3A_223 = arith.addf %add3A_220, %get3A_222 : vector<16xf32>
      %get3A_224 = arith.constant 192 : index
      %get3A_225 = tpu.vector_load %arg10[%get3A_224] {strides = array<i32>} : memref<256xf32, #tpu.memory_space<vmem>>, vector<16xf32>,
      %add3A_226 = arith.addf %add3A_223, %get3A_225 : vector<16xf32>
      %get3A_227 = arith.constant 208 : index
      %get3A_228 = tpu.vector_load %arg10[%get3A_227] {strides = array<i32>} : memref<256xf32, #tpu.memory_space<vmem>>, vector<16xf32>,
      %add3A_229 = arith.addf %add3A_226, %get3A_228 : vector<16xf32>
      %get3A_230 = arith.constant 224 : index
      %get3A_231 = tpu.vector_load %arg10[%get3A_230] {strides = array<i32>} : memref<256xf32, #tpu.memory_space<vmem>>, vector<16xf32>,
      %add3A_232 = arith.addf %add3A_229, %get3A_231 : vector<16xf32>
      %get3A_233 = arith.constant 240 : index
      %get3A_234 = tpu.vector_load %arg10[%get3A_233] {strides = array<i32>} : memref<256xf32, #tpu.memory_space<vmem>>, vector<16xf32>,
      %add3A_235 = arith.addf %add3A_232, %get3A_234 : vector<16xf32>
      %mul3A_236 = arith.constant 16 : i32
      %mul3A_237 = arith.muli %add3A_39, %mul3A_236 : i32
      %mul3A_238 = arith.constant 2.44140625E-4 : f32
      %mul3A_239 = vector.broadcast %mul3A_238 : f32 to vector<16xf32>
      %mul3A_240 = arith.mulf %add3A_235, %mul3A_239 : vector<16xf32>
      %get3A_241 = arith.index_cast %mul3A_237 : i32 to index
      %get3A_242 = tpu.vector_load %arg9[%get3A_241] {strides = array<i32>} : memref<288xf32, #tpu.memory_space<vmem>>, vector<16xf32>,
      %add3A_243 = arith.addf %mul3A_240, %get3A_242 : vector<16xf32>
      %swap3A = arith.index_cast %mul3A_237 : i32 to index
      %swap3A_244 = tpu.vector_load %arg8[%swap3A] {strides = array<i32>} : memref<288xf32, #tpu.memory_space<vmem>>, vector<16xf32>,
      tpu.vector_store %arg8[%swap3A], %add3A_243 {strides = array<i32>} : memref<288xf32, #tpu.memory_space<vmem>>, vector<16xf32>,
      %mul3A_245 = arith.constant 2 : i32
      %mul3A_246 = arith.muli %mul3A_245, %scan3A_35 : i32
      %add3A_247 = arith.constant 1 : i32
      %add3A_248 = arith.addi %mul3A_246, %add3A_247 : i32
      %dma_wait3A_249 = arith.constant 1 : i32
      %dma_wait3A_250 = arith.constant 0 : i32
      %dma_wait3A_251 = arith.constant 0 : i32
      %dma_wait3A_252 = tpu.memref_slice %arg7[%dma_wait3A_249, %dma_wait3A_250, %dma_wait3A_251] : memref<2x16x3072xf32, #tpu.memory_space<vmem>> -> memref<1x16x3072xf32, #tpu.memory_space<vmem>>
      %dma_wait3A_253 = tpu.memref_squeeze %dma_wait3A_252 : memref<1x16x3072xf32, #tpu.memory_space<vmem>> -> memref<16x3072xf32, #tpu.memory_space<vmem>>
      %dma_wait3A_254 = arith.constant 0 : i32
      %dma_wait3A_255 = tpu.memref_slice %arg3[%mul3A_2, %dma_wait3A_254] : memref<24576x3072xf32, #tpu.memory_space<hbm>> -> memref<16x3072xf32, #tpu.memory_space<hbm>>
      %dma_wait3A_256 = arith.constant 0 : i32
      %dma_wait3A_257 = arith.constant 0 : i32
      %dma_wait3A_258 = tpu.memref_slice %arg7[%dma_wait3A_249, %dma_wait3A_256, %dma_wait3A_257] : memref<2x16x3072xf32, #tpu.memory_space<vmem>> -> memref<1x16x3072xf32, #tpu.memory_space<vmem>>
      %dma_wait3A_259 = tpu.memref_squeeze %dma_wait3A_258 : memref<1x16x3072xf32, #tpu.memory_space<vmem>> -> memref<16x3072xf32, #tpu.memory_space<vmem>>
      %dma_wait3A_260 = arith.constant 0 : i32
      %dma_wait3A_261 = tpu.memref_slice %arg3[%mul3A_2, %dma_wait3A_260] : memref<24576x3072xf32, #tpu.memory_space<hbm>> -> memref<16x3072xf32, #tpu.memory_space<hbm>>
      tpu.wait_dma2 semaphore(%arg12 : memref<!tpu.dma_semaphore, #tpu.memory_space<semaphore_mem>>) src(%dma_wait3A_261 : memref<16x3072xf32, #tpu.memory_space<hbm>>) dst(%dma_wait3A_259 : memref<16x3072xf32, #tpu.memory_space<vmem>>)
      %broadcast_in_dim3A_262 = arith.constant 0.000000e+00 : f32
      %broadcast_in_dim3A_263 = vector.broadcast %broadcast_in_dim3A_262 : f32 to vector<16xf32>
      %broadcast_in_dim3A_264 = arith.constant 0.000000e+00 : f32
      %broadcast_in_dim3A_265 = vector.broadcast %broadcast_in_dim3A_264 : f32 to vector<16xf32>
      %broadcast_in_dim3A_266 = arith.constant 0.000000e+00 : f32
      %broadcast_in_dim3A_267 = vector.broadcast %broadcast_in_dim3A_266 : f32 to vector<16xf32>
      %broadcast_in_dim3A_268 = arith.constant 0.000000e+00 : f32
      %broadcast_in_dim3A_269 = vector.broadcast %broadcast_in_dim3A_268 : f32 to vector<16xf32>
      %broadcast_in_dim3A_270 = arith.constant 0.000000e+00 : f32
      %broadcast_in_dim3A_271 = vector.broadcast %broadcast_in_dim3A_270 : f32 to vector<16xf32>
      %broadcast_in_dim3A_272 = arith.constant 0.000000e+00 : f32
      %broadcast_in_dim3A_273 = vector.broadcast %broadcast_in_dim3A_272 : f32 to vector<16xf32>
      %broadcast_in_dim3A_274 = arith.constant 0.000000e+00 : f32
      %broadcast_in_dim3A_275 = vector.broadcast %broadcast_in_dim3A_274 : f32 to vector<16xf32>
      %broadcast_in_dim3A_276 = arith.constant 0.000000e+00 : f32
      %broadcast_in_dim3A_277 = vector.broadcast %broadcast_in_dim3A_276 : f32 to vector<16xf32>
      %broadcast_in_dim3A_278 = arith.constant 0.000000e+00 : f32
      %broadcast_in_dim3A_279 = vector.broadcast %broadcast_in_dim3A_278 : f32 to vector<16xf32>
      %broadcast_in_dim3A_280 = arith.constant 0.000000e+00 : f32
      %broadcast_in_dim3A_281 = vector.broadcast %broadcast_in_dim3A_280 : f32 to vector<16xf32>
      %broadcast_in_dim3A_282 = arith.constant 0.000000e+00 : f32
      %broadcast_in_dim3A_283 = vector.broadcast %broadcast_in_dim3A_282 : f32 to vector<16xf32>
      %broadcast_in_dim3A_284 = arith.constant 0.000000e+00 : f32
      %broadcast_in_dim3A_285 = vector.broadcast %broadcast_in_dim3A_284 : f32 to vector<16xf32>
      %broadcast_in_dim3A_286 = arith.constant 0.000000e+00 : f32
      %broadcast_in_dim3A_287 = vector.broadcast %broadcast_in_dim3A_286 : f32 to vector<16xf32>
      %broadcast_in_dim3A_288 = arith.constant 0.000000e+00 : f32
      %broadcast_in_dim3A_289 = vector.broadcast %broadcast_in_dim3A_288 : f32 to vector<16xf32>
      %broadcast_in_dim3A_290 = arith.constant 0.000000e+00 : f32
      %broadcast_in_dim3A_291 = vector.broadcast %broadcast_in_dim3A_290 : f32 to vector<16xf32>
      %broadcast_in_dim3A_292 = arith.constant 0.000000e+00 : f32
      %broadcast_in_dim3A_293 = vector.broadcast %broadcast_in_dim3A_292 : f32 to vector<16xf32>
      %scan3A_294 = arith.constant 1 : i32
      %scan3A_295 = arith.constant 0 : i32
      %scan3A_296 = arith.constant 24 : i32
      %scan3A_297 = arith.addi %scan3A_295, %scan3A_296 : i32
      %scan3A_298 = arith.constant 1 : i32
      %scan3A_299:16 = scf.for %scan3A_461 = %scan3A_295 to %scan3A_297 step %scan3A_298 iter_args(%scan3A_462 = %broadcast_in_dim3A_263, %scan3A_463 = %broadcast_in_dim3A_265, %scan3A_464 = %broadcast_in_dim3A_267, %scan3A_465 = %broadcast_in_dim3A_269, %scan3A_466 = %broadcast_in_dim3A_271, %scan3A_467 = %broadcast_in_dim3A_273, %scan3A_468 = %broadcast_in_dim3A_275, %scan3A_469 = %broadcast_in_dim3A_277, %scan3A_470 = %broadcast_in_dim3A_279, %scan3A_471 = %broadcast_in_dim3A_281, %scan3A_472 = %broadcast_in_dim3A_283, %scan3A_473 = %broadcast_in_dim3A_285, %scan3A_474 = %broadcast_in_dim3A_287, %scan3A_475 = %broadcast_in_dim3A_289, %scan3A_476 = %broadcast_in_dim3A_291, %scan3A_477 = %broadcast_in_dim3A_293) -> (vector<16xf32>, vector<16xf32>, vector<16xf32>, vector<16xf32>, vector<16xf32>, vector<16xf32>, vector<16xf32>, vector<16xf32>, vector<16xf32>, vector<16xf32>, vector<16xf32>, vector<16xf32>, vector<16xf32>, vector<16xf32>, vector<16xf32>, vector<16xf32>)  : i32 {
        %mul3A_478 = arith.constant 128 : i32
        %mul3A_479 = arith.muli %scan3A_461, %mul3A_478 : i32
        %add3A_480 = arith.constant 0 : i32
        %add3A_481 = arith.addi %mul3A_479, %add3A_480 : i32
        %get3A_482 = arith.index_cast %add3A_481 : i32 to index
        %get3A_483 = tpu.vector_load %arg6[%get3A_482] {strides = array<i32>} : memref<3072xf32, #tpu.memory_space<vmem>>, vector<16xf32>,
        %mul3A_484 = arith.constant 128 : i32
        %mul3A_485 = arith.muli %scan3A_461, %mul3A_484 : i32
        %add3A_486 = arith.constant 16 : i32
        %add3A_487 = arith.addi %mul3A_485, %add3A_486 : i32
        %get3A_488 = arith.index_cast %add3A_487 : i32 to index
        %get3A_489 = tpu.vector_load %arg6[%get3A_488] {strides = array<i32>} : memref<3072xf32, #tpu.memory_space<vmem>>, vector<16xf32>,
        %mul3A_490 = arith.constant 128 : i32
        %mul3A_491 = arith.muli %scan3A_461, %mul3A_490 : i32
        %add3A_492 = arith.constant 32 : i32
        %add3A_493 = arith.addi %mul3A_491, %add3A_492 : i32
        %get3A_494 = arith.index_cast %add3A_493 : i32 to index
        %get3A_495 = tpu.vector_load %arg6[%get3A_494] {strides = array<i32>} : memref<3072xf32, #tpu.memory_space<vmem>>, vector<16xf32>,
        %mul3A_496 = arith.constant 128 : i32
        %mul3A_497 = arith.muli %scan3A_461, %mul3A_496 : i32
        %add3A_498 = arith.constant 48 : i32
        %add3A_499 = arith.addi %mul3A_497, %add3A_498 : i32
        %get3A_500 = arith.index_cast %add3A_499 : i32 to index
        %get3A_501 = tpu.vector_load %arg6[%get3A_500] {strides = array<i32>} : memref<3072xf32, #tpu.memory_space<vmem>>, vector<16xf32>,
        %mul3A_502 = arith.constant 128 : i32
        %mul3A_503 = arith.muli %scan3A_461, %mul3A_502 : i32
        %add3A_504 = arith.constant 64 : i32
        %add3A_505 = arith.addi %mul3A_503, %add3A_504 : i32
        %get3A_506 = arith.index_cast %add3A_505 : i32 to index
        %get3A_507 = tpu.vector_load %arg6[%get3A_506] {strides = array<i32>} : memref<3072xf32, #tpu.memory_space<vmem>>, vector<16xf32>,
        %mul3A_508 = arith.constant 128 : i32
        %mul3A_509 = arith.muli %scan3A_461, %mul3A_508 : i32
        %add3A_510 = arith.constant 80 : i32
        %add3A_511 = arith.addi %mul3A_509, %add3A_510 : i32
        %get3A_512 = arith.index_cast %add3A_511 : i32 to index
        %get3A_513 = tpu.vector_load %arg6[%get3A_512] {strides = array<i32>} : memref<3072xf32, #tpu.memory_space<vmem>>, vector<16xf32>,
        %mul3A_514 = arith.constant 128 : i32
        %mul3A_515 = arith.muli %scan3A_461, %mul3A_514 : i32
        %add3A_516 = arith.constant 96 : i32
        %add3A_517 = arith.addi %mul3A_515, %add3A_516 : i32
        %get3A_518 = arith.index_cast %add3A_517 : i32 to index
        %get3A_519 = tpu.vector_load %arg6[%get3A_518] {strides = array<i32>} : memref<3072xf32, #tpu.memory_space<vmem>>, vector<16xf32>,
        %mul3A_520 = arith.constant 128 : i32
        %mul3A_521 = arith.muli %scan3A_461, %mul3A_520 : i32
        %add3A_522 = arith.constant 112 : i32
        %add3A_523 = arith.addi %mul3A_521, %add3A_522 : i32
        %get3A_524 = arith.index_cast %add3A_523 : i32 to index
        %get3A_525 = tpu.vector_load %arg6[%get3A_524] {strides = array<i32>} : memref<3072xf32, #tpu.memory_space<vmem>>, vector<16xf32>,
        %mul3A_526 = arith.constant 128 : i32
        %mul3A_527 = arith.muli %scan3A_461, %mul3A_526 : i32
        %add3A_528 = arith.constant 0 : i32
        %add3A_529 = arith.addi %mul3A_527, %add3A_528 : i32
        %get3A_530 = arith.constant 0 : i32
        %get3A_531 = arith.constant 0 : i32
        %get3A_532 = arith.constant 0 : i32
        %get3A_533 = tpu.memref_slice %arg7[%scan3A_294, %get3A_531, %get3A_532] : memref<2x16x3072xf32, #tpu.memory_space<vmem>> -> memref<1x16x3072xf32, #tpu.memory_space<vmem>>
        %get3A_534 = tpu.memref_squeeze %get3A_533 : memref<1x16x3072xf32, #tpu.memory_space<vmem>> -> memref<16x3072xf32, #tpu.memory_space<vmem>>
        %get3A_535 = arith.index_cast %get3A_530 : i32 to index
        %get3A_536 = arith.index_cast %add3A_529 : i32 to index
        %get3A_537 = tpu.vector_load %get3A_534[%get3A_535, %get3A_536] {strides = array<i32>} : memref<16x3072xf32, #tpu.memory_space<vmem>>, vector<16xf32>,
        %mul3A_538 = arith.mulf %get3A_537, %get3A_483 : vector<16xf32>
        %add3A_539 = arith.addf %scan3A_462, %mul3A_538 : vector<16xf32>
        %mul3A_540 = arith.constant 128 : i32
        %mul3A_541 = arith.muli %scan3A_461, %mul3A_540 : i32
        %add3A_542 = arith.constant 16 : i32
        %add3A_543 = arith.addi %mul3A_541, %add3A_542 : i32
        %get3A_544 = arith.constant 0 : i32
        %get3A_545 = arith.constant 0 : i32
        %get3A_546 = arith.constant 0 : i32
        %get3A_547 = tpu.memref_slice %arg7[%scan3A_294, %get3A_545, %get3A_546] : memref<2x16x3072xf32, #tpu.memory_space<vmem>> -> memref<1x16x3072xf32, #tpu.memory_space<vmem>>
        %get3A_548 = tpu.memref_squeeze %get3A_547 : memref<1x16x3072xf32, #tpu.memory_space<vmem>> -> memref<16x3072xf32, #tpu.memory_space<vmem>>
        %get3A_549 = arith.index_cast %get3A_544 : i32 to index
        %get3A_550 = arith.index_cast %add3A_543 : i32 to index
        %get3A_551 = tpu.vector_load %get3A_548[%get3A_549, %get3A_550] {strides = array<i32>} : memref<16x3072xf32, #tpu.memory_space<vmem>>, vector<16xf32>,
        %mul3A_552 = arith.mulf %get3A_551, %get3A_489 : vector<16xf32>
        %add3A_553 = arith.addf %add3A_539, %mul3A_552 : vector<16xf32>
        %mul3A_554 = arith.constant 128 : i32
        %mul3A_555 = arith.muli %scan3A_461, %mul3A_554 : i32
        %add3A_556 = arith.constant 32 : i32
        %add3A_557 = arith.addi %mul3A_555, %add3A_556 : i32
        %get3A_558 = arith.constant 0 : i32
        %get3A_559 = arith.constant 0 : i32
        %get3A_560 = arith.constant 0 : i32
        %get3A_561 = tpu.memref_slice %arg7[%scan3A_294, %get3A_559, %get3A_560] : memref<2x16x3072xf32, #tpu.memory_space<vmem>> -> memref<1x16x3072xf32, #tpu.memory_space<vmem>>
        %get3A_562 = tpu.memref_squeeze %get3A_561 : memref<1x16x3072xf32, #tpu.memory_space<vmem>> -> memref<16x3072xf32, #tpu.memory_space<vmem>>
        %get3A_563 = arith.index_cast %get3A_558 : i32 to index
        %get3A_564 = arith.index_cast %add3A_557 : i32 to index
        %get3A_565 = tpu.vector_load %get3A_562[%get3A_563, %get3A_564] {strides = array<i32>} : memref<16x3072xf32, #tpu.memory_space<vmem>>, vector<16xf32>,
        %mul3A_566 = arith.mulf %get3A_565, %get3A_495 : vector<16xf32>
        %add3A_567 = arith.addf %add3A_553, %mul3A_566 : vector<16xf32>
        %mul3A_568 = arith.constant 128 : i32
        %mul3A_569 = arith.muli %scan3A_461, %mul3A_568 : i32
        %add3A_570 = arith.constant 48 : i32
        %add3A_571 = arith.addi %mul3A_569, %add3A_570 : i32
        %get3A_572 = arith.constant 0 : i32
        %get3A_573 = arith.constant 0 : i32
        %get3A_574 = arith.constant 0 : i32
        %get3A_575 = tpu.memref_slice %arg7[%scan3A_294, %get3A_573, %get3A_574] : memref<2x16x3072xf32, #tpu.memory_space<vmem>> -> memref<1x16x3072xf32, #tpu.memory_space<vmem>>
        %get3A_576 = tpu.memref_squeeze %get3A_575 : memref<1x16x3072xf32, #tpu.memory_space<vmem>> -> memref<16x3072xf32, #tpu.memory_space<vmem>>
        %get3A_577 = arith.index_cast %get3A_572 : i32 to index
        %get3A_578 = arith.index_cast %add3A_571 : i32 to index
        %get3A_579 = tpu.vector_load %get3A_576[%get3A_577, %get3A_578] {strides = array<i32>} : memref<16x3072xf32, #tpu.memory_space<vmem>>, vector<16xf32>,
        %mul3A_580 = arith.mulf %get3A_579, %get3A_501 : vector<16xf32>
        %add3A_581 = arith.addf %add3A_567, %mul3A_580 : vector<16xf32>
        %mul3A_582 = arith.constant 128 : i32
        %mul3A_583 = arith.muli %scan3A_461, %mul3A_582 : i32
        %add3A_584 = arith.constant 64 : i32
        %add3A_585 = arith.addi %mul3A_583, %add3A_584 : i32
        %get3A_586 = arith.constant 0 : i32
        %get3A_587 = arith.constant 0 : i32
        %get3A_588 = arith.constant 0 : i32
        %get3A_589 = tpu.memref_slice %arg7[%scan3A_294, %get3A_587, %get3A_588] : memref<2x16x3072xf32, #tpu.memory_space<vmem>> -> memref<1x16x3072xf32, #tpu.memory_space<vmem>>
        %get3A_590 = tpu.memref_squeeze %get3A_589 : memref<1x16x3072xf32, #tpu.memory_space<vmem>> -> memref<16x3072xf32, #tpu.memory_space<vmem>>
        %get3A_591 = arith.index_cast %get3A_586 : i32 to index
        %get3A_592 = arith.index_cast %add3A_585 : i32 to index
        %get3A_593 = tpu.vector_load %get3A_590[%get3A_591, %get3A_592] {strides = array<i32>} : memref<16x3072xf32, #tpu.memory_space<vmem>>, vector<16xf32>,
        %mul3A_594 = arith.mulf %get3A_593, %get3A_507 : vector<16xf32>
        %add3A_595 = arith.addf %add3A_581, %mul3A_594 : vector<16xf32>
        %mul3A_596 = arith.constant 128 : i32
        %mul3A_597 = arith.muli %scan3A_461, %mul3A_596 : i32
        %add3A_598 = arith.constant 80 : i32
        %add3A_599 = arith.addi %mul3A_597, %add3A_598 : i32
        %get3A_600 = arith.constant 0 : i32
        %get3A_601 = arith.constant 0 : i32
        %get3A_602 = arith.constant 0 : i32
        %get3A_603 = tpu.memref_slice %arg7[%scan3A_294, %get3A_601, %get3A_602] : memref<2x16x3072xf32, #tpu.memory_space<vmem>> -> memref<1x16x3072xf32, #tpu.memory_space<vmem>>
        %get3A_604 = tpu.memref_squeeze %get3A_603 : memref<1x16x3072xf32, #tpu.memory_space<vmem>> -> memref<16x3072xf32, #tpu.memory_space<vmem>>
        %get3A_605 = arith.index_cast %get3A_600 : i32 to index
        %get3A_606 = arith.index_cast %add3A_599 : i32 to index
        %get3A_607 = tpu.vector_load %get3A_604[%get3A_605, %get3A_606] {strides = array<i32>} : memref<16x3072xf32, #tpu.memory_space<vmem>>, vector<16xf32>,
        %mul3A_608 = arith.mulf %get3A_607, %get3A_513 : vector<16xf32>
        %add3A_609 = arith.addf %add3A_595, %mul3A_608 : vector<16xf32>
        %mul3A_610 = arith.constant 128 : i32
        %mul3A_611 = arith.muli %scan3A_461, %mul3A_610 : i32
        %add3A_612 = arith.constant 96 : i32
        %add3A_613 = arith.addi %mul3A_611, %add3A_612 : i32
        %get3A_614 = arith.constant 0 : i32
        %get3A_615 = arith.constant 0 : i32
        %get3A_616 = arith.constant 0 : i32
        %get3A_617 = tpu.memref_slice %arg7[%scan3A_294, %get3A_615, %get3A_616] : memref<2x16x3072xf32, #tpu.memory_space<vmem>> -> memref<1x16x3072xf32, #tpu.memory_space<vmem>>
        %get3A_618 = tpu.memref_squeeze %get3A_617 : memref<1x16x3072xf32, #tpu.memory_space<vmem>> -> memref<16x3072xf32, #tpu.memory_space<vmem>>
        %get3A_619 = arith.index_cast %get3A_614 : i32 to index
        %get3A_620 = arith.index_cast %add3A_613 : i32 to index
        %get3A_621 = tpu.vector_load %get3A_618[%get3A_619, %get3A_620] {strides = array<i32>} : memref<16x3072xf32, #tpu.memory_space<vmem>>, vector<16xf32>,
        %mul3A_622 = arith.mulf %get3A_621, %get3A_519 : vector<16xf32>
        %add3A_623 = arith.addf %add3A_609, %mul3A_622 : vector<16xf32>
        %mul3A_624 = arith.constant 128 : i32
        %mul3A_625 = arith.muli %scan3A_461, %mul3A_624 : i32
        %add3A_626 = arith.constant 112 : i32
        %add3A_627 = arith.addi %mul3A_625, %add3A_626 : i32
        %get3A_628 = arith.constant 0 : i32
        %get3A_629 = arith.constant 0 : i32
        %get3A_630 = arith.constant 0 : i32
        %get3A_631 = tpu.memref_slice %arg7[%scan3A_294, %get3A_629, %get3A_630] : memref<2x16x3072xf32, #tpu.memory_space<vmem>> -> memref<1x16x3072xf32, #tpu.memory_space<vmem>>
        %get3A_632 = tpu.memref_squeeze %get3A_631 : memref<1x16x3072xf32, #tpu.memory_space<vmem>> -> memref<16x3072xf32, #tpu.memory_space<vmem>>
        %get3A_633 = arith.index_cast %get3A_628 : i32 to index
        %get3A_634 = arith.index_cast %add3A_627 : i32 to index
        %get3A_635 = tpu.vector_load %get3A_632[%get3A_633, %get3A_634] {strides = array<i32>} : memref<16x3072xf32, #tpu.memory_space<vmem>>, vector<16xf32>,
        %mul3A_636 = arith.mulf %get3A_635, %get3A_525 : vector<16xf32>
        %add3A_637 = arith.addf %add3A_623, %mul3A_636 : vector<16xf32>
        %mul3A_638 = arith.constant 128 : i32
        %mul3A_639 = arith.muli %scan3A_461, %mul3A_638 : i32
        %add3A_640 = arith.constant 0 : i32
        %add3A_641 = arith.addi %mul3A_639, %add3A_640 : i32
        %get3A_642 = arith.constant 1 : i32
        %get3A_643 = arith.constant 0 : i32
        %get3A_644 = arith.constant 0 : i32
        %get3A_645 = tpu.memref_slice %arg7[%scan3A_294, %get3A_643, %get3A_644] : memref<2x16x3072xf32, #tpu.memory_space<vmem>> -> memref<1x16x3072xf32, #tpu.memory_space<vmem>>
        %get3A_646 = tpu.memref_squeeze %get3A_645 : memref<1x16x3072xf32, #tpu.memory_space<vmem>> -> memref<16x3072xf32, #tpu.memory_space<vmem>>
        %get3A_647 = arith.index_cast %get3A_642 : i32 to index
        %get3A_648 = arith.index_cast %add3A_641 : i32 to index
        %get3A_649 = tpu.vector_load %get3A_646[%get3A_647, %get3A_648] {strides = array<i32>} : memref<16x3072xf32, #tpu.memory_space<vmem>>, vector<16xf32>,
        %mul3A_650 = arith.mulf %get3A_649, %get3A_483 : vector<16xf32>
        %add3A_651 = arith.addf %scan3A_463, %mul3A_650 : vector<16xf32>
        %mul3A_652 = arith.constant 128 : i32
        %mul3A_653 = arith.muli %scan3A_461, %mul3A_652 : i32
        %add3A_654 = arith.constant 16 : i32
        %add3A_655 = arith.addi %mul3A_653, %add3A_654 : i32
        %get3A_656 = arith.constant 1 : i32
        %get3A_657 = arith.constant 0 : i32
        %get3A_658 = arith.constant 0 : i32
        %get3A_659 = tpu.memref_slice %arg7[%scan3A_294, %get3A_657, %get3A_658] : memref<2x16x3072xf32, #tpu.memory_space<vmem>> -> memref<1x16x3072xf32, #tpu.memory_space<vmem>>
        %get3A_660 = tpu.memref_squeeze %get3A_659 : memref<1x16x3072xf32, #tpu.memory_space<vmem>> -> memref<16x3072xf32, #tpu.memory_space<vmem>>
        %get3A_661 = arith.index_cast %get3A_656 : i32 to index
        %get3A_662 = arith.index_cast %add3A_655 : i32 to index
        %get3A_663 = tpu.vector_load %get3A_660[%get3A_661, %get3A_662] {strides = array<i32>} : memref<16x3072xf32, #tpu.memory_space<vmem>>, vector<16xf32>,
        %mul3A_664 = arith.mulf %get3A_663, %get3A_489 : vector<16xf32>
        %add3A_665 = arith.addf %add3A_651, %mul3A_664 : vector<16xf32>
        %mul3A_666 = arith.constant 128 : i32
        %mul3A_667 = arith.muli %scan3A_461, %mul3A_666 : i32
        %add3A_668 = arith.constant 32 : i32
        %add3A_669 = arith.addi %mul3A_667, %add3A_668 : i32
        %get3A_670 = arith.constant 1 : i32
        %get3A_671 = arith.constant 0 : i32
        %get3A_672 = arith.constant 0 : i32
        %get3A_673 = tpu.memref_slice %arg7[%scan3A_294, %get3A_671, %get3A_672] : memref<2x16x3072xf32, #tpu.memory_space<vmem>> -> memref<1x16x3072xf32, #tpu.memory_space<vmem>>
        %get3A_674 = tpu.memref_squeeze %get3A_673 : memref<1x16x3072xf32, #tpu.memory_space<vmem>> -> memref<16x3072xf32, #tpu.memory_space<vmem>>
        %get3A_675 = arith.index_cast %get3A_670 : i32 to index
        %get3A_676 = arith.index_cast %add3A_669 : i32 to index
        %get3A_677 = tpu.vector_load %get3A_674[%get3A_675, %get3A_676] {strides = array<i32>} : memref<16x3072xf32, #tpu.memory_space<vmem>>, vector<16xf32>,
        %mul3A_678 = arith.mulf %get3A_677, %get3A_495 : vector<16xf32>
        %add3A_679 = arith.addf %add3A_665, %mul3A_678 : vector<16xf32>
        %mul3A_680 = arith.constant 128 : i32
        %mul3A_681 = arith.muli %scan3A_461, %mul3A_680 : i32
        %add3A_682 = arith.constant 48 : i32
        %add3A_683 = arith.addi %mul3A_681, %add3A_682 : i32
        %get3A_684 = arith.constant 1 : i32
        %get3A_685 = arith.constant 0 : i32
        %get3A_686 = arith.constant 0 : i32
        %get3A_687 = tpu.memref_slice %arg7[%scan3A_294, %get3A_685, %get3A_686] : memref<2x16x3072xf32, #tpu.memory_space<vmem>> -> memref<1x16x3072xf32, #tpu.memory_space<vmem>>
        %get3A_688 = tpu.memref_squeeze %get3A_687 : memref<1x16x3072xf32, #tpu.memory_space<vmem>> -> memref<16x3072xf32, #tpu.memory_space<vmem>>
        %get3A_689 = arith.index_cast %get3A_684 : i32 to index
        %get3A_690 = arith.index_cast %add3A_683 : i32 to index
        %get3A_691 = tpu.vector_load %get3A_688[%get3A_689, %get3A_690] {strides = array<i32>} : memref<16x3072xf32, #tpu.memory_space<vmem>>, vector<16xf32>,
        %mul3A_692 = arith.mulf %get3A_691, %get3A_501 : vector<16xf32>
        %add3A_693 = arith.addf %add3A_679, %mul3A_692 : vector<16xf32>
        %mul3A_694 = arith.constant 128 : i32
        %mul3A_695 = arith.muli %scan3A_461, %mul3A_694 : i32
        %add3A_696 = arith.constant 64 : i32
        %add3A_697 = arith.addi %mul3A_695, %add3A_696 : i32
        %get3A_698 = arith.constant 1 : i32
        %get3A_699 = arith.constant 0 : i32
        %get3A_700 = arith.constant 0 : i32
        %get3A_701 = tpu.memref_slice %arg7[%scan3A_294, %get3A_699, %get3A_700] : memref<2x16x3072xf32, #tpu.memory_space<vmem>> -> memref<1x16x3072xf32, #tpu.memory_space<vmem>>
        %get3A_702 = tpu.memref_squeeze %get3A_701 : memref<1x16x3072xf32, #tpu.memory_space<vmem>> -> memref<16x3072xf32, #tpu.memory_space<vmem>>
        %get3A_703 = arith.index_cast %get3A_698 : i32 to index
        %get3A_704 = arith.index_cast %add3A_697 : i32 to index
        %get3A_705 = tpu.vector_load %get3A_702[%get3A_703, %get3A_704] {strides = array<i32>} : memref<16x3072xf32, #tpu.memory_space<vmem>>, vector<16xf32>,
        %mul3A_706 = arith.mulf %get3A_705, %get3A_507 : vector<16xf32>
        %add3A_707 = arith.addf %add3A_693, %mul3A_706 : vector<16xf32>
        %mul3A_708 = arith.constant 128 : i32
        %mul3A_709 = arith.muli %scan3A_461, %mul3A_708 : i32
        %add3A_710 = arith.constant 80 : i32
        %add3A_711 = arith.addi %mul3A_709, %add3A_710 : i32
        %get3A_712 = arith.constant 1 : i32
        %get3A_713 = arith.constant 0 : i32
        %get3A_714 = arith.constant 0 : i32
        %get3A_715 = tpu.memref_slice %arg7[%scan3A_294, %get3A_713, %get3A_714] : memref<2x16x3072xf32, #tpu.memory_space<vmem>> -> memref<1x16x3072xf32, #tpu.memory_space<vmem>>
        %get3A_716 = tpu.memref_squeeze %get3A_715 : memref<1x16x3072xf32, #tpu.memory_space<vmem>> -> memref<16x3072xf32, #tpu.memory_space<vmem>>
        %get3A_717 = arith.index_cast %get3A_712 : i32 to index
        %get3A_718 = arith.index_cast %add3A_711 : i32 to index
        %get3A_719 = tpu.vector_load %get3A_716[%get3A_717, %get3A_718] {strides = array<i32>} : memref<16x3072xf32, #tpu.memory_space<vmem>>, vector<16xf32>,
        %mul3A_720 = arith.mulf %get3A_719, %get3A_513 : vector<16xf32>
        %add3A_721 = arith.addf %add3A_707, %mul3A_720 : vector<16xf32>
        %mul3A_722 = arith.constant 128 : i32
        %mul3A_723 = arith.muli %scan3A_461, %mul3A_722 : i32
        %add3A_724 = arith.constant 96 : i32
        %add3A_725 = arith.addi %mul3A_723, %add3A_724 : i32
        %get3A_726 = arith.constant 1 : i32
        %get3A_727 = arith.constant 0 : i32
        %get3A_728 = arith.constant 0 : i32
        %get3A_729 = tpu.memref_slice %arg7[%scan3A_294, %get3A_727, %get3A_728] : memref<2x16x3072xf32, #tpu.memory_space<vmem>> -> memref<1x16x3072xf32, #tpu.memory_space<vmem>>
        %get3A_730 = tpu.memref_squeeze %get3A_729 : memref<1x16x3072xf32, #tpu.memory_space<vmem>> -> memref<16x3072xf32, #tpu.memory_space<vmem>>
        %get3A_731 = arith.index_cast %get3A_726 : i32 to index
        %get3A_732 = arith.index_cast %add3A_725 : i32 to index
        %get3A_733 = tpu.vector_load %get3A_730[%get3A_731, %get3A_732] {strides = array<i32>} : memref<16x3072xf32, #tpu.memory_space<vmem>>, vector<16xf32>,
        %mul3A_734 = arith.mulf %get3A_733, %get3A_519 : vector<16xf32>
        %add3A_735 = arith.addf %add3A_721, %mul3A_734 : vector<16xf32>
        %mul3A_736 = arith.constant 128 : i32
        %mul3A_737 = arith.muli %scan3A_461, %mul3A_736 : i32
        %add3A_738 = arith.constant 112 : i32
        %add3A_739 = arith.addi %mul3A_737, %add3A_738 : i32
        %get3A_740 = arith.constant 1 : i32
        %get3A_741 = arith.constant 0 : i32
        %get3A_742 = arith.constant 0 : i32
        %get3A_743 = tpu.memref_slice %arg7[%scan3A_294, %get3A_741, %get3A_742] : memref<2x16x3072xf32, #tpu.memory_space<vmem>> -> memref<1x16x3072xf32, #tpu.memory_space<vmem>>
        %get3A_744 = tpu.memref_squeeze %get3A_743 : memref<1x16x3072xf32, #tpu.memory_space<vmem>> -> memref<16x3072xf32, #tpu.memory_space<vmem>>
        %get3A_745 = arith.index_cast %get3A_740 : i32 to index
        %get3A_746 = arith.index_cast %add3A_739 : i32 to index
        %get3A_747 = tpu.vector_load %get3A_744[%get3A_745, %get3A_746] {strides = array<i32>} : memref<16x3072xf32, #tpu.memory_space<vmem>>, vector<16xf32>,
        %mul3A_748 = arith.mulf %get3A_747, %get3A_525 : vector<16xf32>
        %add3A_749 = arith.addf %add3A_735, %mul3A_748 : vector<16xf32>
        %mul3A_750 = arith.constant 128 : i32
        %mul3A_751 = arith.muli %scan3A_461, %mul3A_750 : i32
        %add3A_752 = arith.constant 0 : i32
        %add3A_753 = arith.addi %mul3A_751, %add3A_752 : i32
        %get3A_754 = arith.constant 2 : i32
        %get3A_755 = arith.constant 0 : i32
        %get3A_756 = arith.constant 0 : i32
        %get3A_757 = tpu.memref_slice %arg7[%scan3A_294, %get3A_755, %get3A_756] : memref<2x16x3072xf32, #tpu.memory_space<vmem>> -> memref<1x16x3072xf32, #tpu.memory_space<vmem>>
        %get3A_758 = tpu.memref_squeeze %get3A_757 : memref<1x16x3072xf32, #tpu.memory_space<vmem>> -> memref<16x3072xf32, #tpu.memory_space<vmem>>
        %get3A_759 = arith.index_cast %get3A_754 : i32 to index
        %get3A_760 = arith.index_cast %add3A_753 : i32 to index
        %get3A_761 = tpu.vector_load %get3A_758[%get3A_759, %get3A_760] {strides = array<i32>} : memref<16x3072xf32, #tpu.memory_space<vmem>>, vector<16xf32>,
        %mul3A_762 = arith.mulf %get3A_761, %get3A_483 : vector<16xf32>
        %add3A_763 = arith.addf %scan3A_464, %mul3A_762 : vector<16xf32>
        %mul3A_764 = arith.constant 128 : i32
        %mul3A_765 = arith.muli %scan3A_461, %mul3A_764 : i32
        %add3A_766 = arith.constant 16 : i32
        %add3A_767 = arith.addi %mul3A_765, %add3A_766 : i32
        %get3A_768 = arith.constant 2 : i32
        %get3A_769 = arith.constant 0 : i32
        %get3A_770 = arith.constant 0 : i32
        %get3A_771 = tpu.memref_slice %arg7[%scan3A_294, %get3A_769, %get3A_770] : memref<2x16x3072xf32, #tpu.memory_space<vmem>> -> memref<1x16x3072xf32, #tpu.memory_space<vmem>>
        %get3A_772 = tpu.memref_squeeze %get3A_771 : memref<1x16x3072xf32, #tpu.memory_space<vmem>> -> memref<16x3072xf32, #tpu.memory_space<vmem>>
        %get3A_773 = arith.index_cast %get3A_768 : i32 to index
        %get3A_774 = arith.index_cast %add3A_767 : i32 to index
        %get3A_775 = tpu.vector_load %get3A_772[%get3A_773, %get3A_774] {strides = array<i32>} : memref<16x3072xf32, #tpu.memory_space<vmem>>, vector<16xf32>,
        %mul3A_776 = arith.mulf %get3A_775, %get3A_489 : vector<16xf32>
        %add3A_777 = arith.addf %add3A_763, %mul3A_776 : vector<16xf32>
        %mul3A_778 = arith.constant 128 : i32
        %mul3A_779 = arith.muli %scan3A_461, %mul3A_778 : i32
        %add3A_780 = arith.constant 32 : i32
        %add3A_781 = arith.addi %mul3A_779, %add3A_780 : i32
        %get3A_782 = arith.constant 2 : i32
        %get3A_783 = arith.constant 0 : i32
        %get3A_784 = arith.constant 0 : i32
        %get3A_785 = tpu.memref_slice %arg7[%scan3A_294, %get3A_783, %get3A_784] : memref<2x16x3072xf32, #tpu.memory_space<vmem>> -> memref<1x16x3072xf32, #tpu.memory_space<vmem>>
        %get3A_786 = tpu.memref_squeeze %get3A_785 : memref<1x16x3072xf32, #tpu.memory_space<vmem>> -> memref<16x3072xf32, #tpu.memory_space<vmem>>
        %get3A_787 = arith.index_cast %get3A_782 : i32 to index
        %get3A_788 = arith.index_cast %add3A_781 : i32 to index
        %get3A_789 = tpu.vector_load %get3A_786[%get3A_787, %get3A_788] {strides = array<i32>} : memref<16x3072xf32, #tpu.memory_space<vmem>>, vector<16xf32>,
        %mul3A_790 = arith.mulf %get3A_789, %get3A_495 : vector<16xf32>
        %add3A_791 = arith.addf %add3A_777, %mul3A_790 : vector<16xf32>
        %mul3A_792 = arith.constant 128 : i32
        %mul3A_793 = arith.muli %scan3A_461, %mul3A_792 : i32
        %add3A_794 = arith.constant 48 : i32
        %add3A_795 = arith.addi %mul3A_793, %add3A_794 : i32
        %get3A_796 = arith.constant 2 : i32
        %get3A_797 = arith.constant 0 : i32
        %get3A_798 = arith.constant 0 : i32
        %get3A_799 = tpu.memref_slice %arg7[%scan3A_294, %get3A_797, %get3A_798] : memref<2x16x3072xf32, #tpu.memory_space<vmem>> -> memref<1x16x3072xf32, #tpu.memory_space<vmem>>
        %get3A_800 = tpu.memref_squeeze %get3A_799 : memref<1x16x3072xf32, #tpu.memory_space<vmem>> -> memref<16x3072xf32, #tpu.memory_space<vmem>>
        %get3A_801 = arith.index_cast %get3A_796 : i32 to index
        %get3A_802 = arith.index_cast %add3A_795 : i32 to index
        %get3A_803 = tpu.vector_load %get3A_800[%get3A_801, %get3A_802] {strides = array<i32>} : memref<16x3072xf32, #tpu.memory_space<vmem>>, vector<16xf32>,
        %mul3A_804 = arith.mulf %get3A_803, %get3A_501 : vector<16xf32>
        %add3A_805 = arith.addf %add3A_791, %mul3A_804 : vector<16xf32>
        %mul3A_806 = arith.constant 128 : i32
        %mul3A_807 = arith.muli %scan3A_461, %mul3A_806 : i32
        %add3A_808 = arith.constant 64 : i32
        %add3A_809 = arith.addi %mul3A_807, %add3A_808 : i32
        %get3A_810 = arith.constant 2 : i32
        %get3A_811 = arith.constant 0 : i32
        %get3A_812 = arith.constant 0 : i32
        %get3A_813 = tpu.memref_slice %arg7[%scan3A_294, %get3A_811, %get3A_812] : memref<2x16x3072xf32, #tpu.memory_space<vmem>> -> memref<1x16x3072xf32, #tpu.memory_space<vmem>>
        %get3A_814 = tpu.memref_squeeze %get3A_813 : memref<1x16x3072xf32, #tpu.memory_space<vmem>> -> memref<16x3072xf32, #tpu.memory_space<vmem>>
        %get3A_815 = arith.index_cast %get3A_810 : i32 to index
        %get3A_816 = arith.index_cast %add3A_809 : i32 to index
        %get3A_817 = tpu.vector_load %get3A_814[%get3A_815, %get3A_816] {strides = array<i32>} : memref<16x3072xf32, #tpu.memory_space<vmem>>, vector<16xf32>,
        %mul3A_818 = arith.mulf %get3A_817, %get3A_507 : vector<16xf32>
        %add3A_819 = arith.addf %add3A_805, %mul3A_818 : vector<16xf32>
        %mul3A_820 = arith.constant 128 : i32
        %mul3A_821 = arith.muli %scan3A_461, %mul3A_820 : i32
        %add3A_822 = arith.constant 80 : i32
        %add3A_823 = arith.addi %mul3A_821, %add3A_822 : i32
        %get3A_824 = arith.constant 2 : i32
        %get3A_825 = arith.constant 0 : i32
        %get3A_826 = arith.constant 0 : i32
        %get3A_827 = tpu.memref_slice %arg7[%scan3A_294, %get3A_825, %get3A_826] : memref<2x16x3072xf32, #tpu.memory_space<vmem>> -> memref<1x16x3072xf32, #tpu.memory_space<vmem>>
        %get3A_828 = tpu.memref_squeeze %get3A_827 : memref<1x16x3072xf32, #tpu.memory_space<vmem>> -> memref<16x3072xf32, #tpu.memory_space<vmem>>
        %get3A_829 = arith.index_cast %get3A_824 : i32 to index
        %get3A_830 = arith.index_cast %add3A_823 : i32 to index
        %get3A_831 = tpu.vector_load %get3A_828[%get3A_829, %get3A_830] {strides = array<i32>} : memref<16x3072xf32, #tpu.memory_space<vmem>>, vector<16xf32>,
        %mul3A_832 = arith.mulf %get3A_831, %get3A_513 : vector<16xf32>
        %add3A_833 = arith.addf %add3A_819, %mul3A_832 : vector<16xf32>
        %mul3A_834 = arith.constant 128 : i32
        %mul3A_835 = arith.muli %scan3A_461, %mul3A_834 : i32
        %add3A_836 = arith.constant 96 : i32
        %add3A_837 = arith.addi %mul3A_835, %add3A_836 : i32
        %get3A_838 = arith.constant 2 : i32
        %get3A_839 = arith.constant 0 : i32
        %get3A_840 = arith.constant 0 : i32
        %get3A_841 = tpu.memref_slice %arg7[%scan3A_294, %get3A_839, %get3A_840] : memref<2x16x3072xf32, #tpu.memory_space<vmem>> -> memref<1x16x3072xf32, #tpu.memory_space<vmem>>
        %get3A_842 = tpu.memref_squeeze %get3A_841 : memref<1x16x3072xf32, #tpu.memory_space<vmem>> -> memref<16x3072xf32, #tpu.memory_space<vmem>>
        %get3A_843 = arith.index_cast %get3A_838 : i32 to index
        %get3A_844 = arith.index_cast %add3A_837 : i32 to index
        %get3A_845 = tpu.vector_load %get3A_842[%get3A_843, %get3A_844] {strides = array<i32>} : memref<16x3072xf32, #tpu.memory_space<vmem>>, vector<16xf32>,
        %mul3A_846 = arith.mulf %get3A_845, %get3A_519 : vector<16xf32>
        %add3A_847 = arith.addf %add3A_833, %mul3A_846 : vector<16xf32>
        %mul3A_848 = arith.constant 128 : i32
        %mul3A_849 = arith.muli %scan3A_461, %mul3A_848 : i32
        %add3A_850 = arith.constant 112 : i32
        %add3A_851 = arith.addi %mul3A_849, %add3A_850 : i32
        %get3A_852 = arith.constant 2 : i32
        %get3A_853 = arith.constant 0 : i32
        %get3A_854 = arith.constant 0 : i32
        %get3A_855 = tpu.memref_slice %arg7[%scan3A_294, %get3A_853, %get3A_854] : memref<2x16x3072xf32, #tpu.memory_space<vmem>> -> memref<1x16x3072xf32, #tpu.memory_space<vmem>>
        %get3A_856 = tpu.memref_squeeze %get3A_855 : memref<1x16x3072xf32, #tpu.memory_space<vmem>> -> memref<16x3072xf32, #tpu.memory_space<vmem>>
        %get3A_857 = arith.index_cast %get3A_852 : i32 to index
        %get3A_858 = arith.index_cast %add3A_851 : i32 to index
        %get3A_859 = tpu.vector_load %get3A_856[%get3A_857, %get3A_858] {strides = array<i32>} : memref<16x3072xf32, #tpu.memory_space<vmem>>, vector<16xf32>,
        %mul3A_860 = arith.mulf %get3A_859, %get3A_525 : vector<16xf32>
        %add3A_861 = arith.addf %add3A_847, %mul3A_860 : vector<16xf32>
        %mul3A_862 = arith.constant 128 : i32
        %mul3A_863 = arith.muli %scan3A_461, %mul3A_862 : i32
        %add3A_864 = arith.constant 0 : i32
        %add3A_865 = arith.addi %mul3A_863, %add3A_864 : i32
        %get3A_866 = arith.constant 3 : i32
        %get3A_867 = arith.constant 0 : i32
        %get3A_868 = arith.constant 0 : i32
        %get3A_869 = tpu.memref_slice %arg7[%scan3A_294, %get3A_867, %get3A_868] : memref<2x16x3072xf32, #tpu.memory_space<vmem>> -> memref<1x16x3072xf32, #tpu.memory_space<vmem>>
        %get3A_870 = tpu.memref_squeeze %get3A_869 : memref<1x16x3072xf32, #tpu.memory_space<vmem>> -> memref<16x3072xf32, #tpu.memory_space<vmem>>
        %get3A_871 = arith.index_cast %get3A_866 : i32 to index
        %get3A_872 = arith.index_cast %add3A_865 : i32 to index
        %get3A_873 = tpu.vector_load %get3A_870[%get3A_871, %get3A_872] {strides = array<i32>} : memref<16x3072xf32, #tpu.memory_space<vmem>>, vector<16xf32>,
        %mul3A_874 = arith.mulf %get3A_873, %get3A_483 : vector<16xf32>
        %add3A_875 = arith.addf %scan3A_465, %mul3A_874 : vector<16xf32>
        %mul3A_876 = arith.constant 128 : i32
        %mul3A_877 = arith.muli %scan3A_461, %mul3A_876 : i32
        %add3A_878 = arith.constant 16 : i32
        %add3A_879 = arith.addi %mul3A_877, %add3A_878 : i32
        %get3A_880 = arith.constant 3 : i32
        %get3A_881 = arith.constant 0 : i32
        %get3A_882 = arith.constant 0 : i32
        %get3A_883 = tpu.memref_slice %arg7[%scan3A_294, %get3A_881, %get3A_882] : memref<2x16x3072xf32, #tpu.memory_space<vmem>> -> memref<1x16x3072xf32, #tpu.memory_space<vmem>>
        %get3A_884 = tpu.memref_squeeze %get3A_883 : memref<1x16x3072xf32, #tpu.memory_space<vmem>> -> memref<16x3072xf32, #tpu.memory_space<vmem>>
        %get3A_885 = arith.index_cast %get3A_880 : i32 to index
        %get3A_886 = arith.index_cast %add3A_879 : i32 to index
        %get3A_887 = tpu.vector_load %get3A_884[%get3A_885, %get3A_886] {strides = array<i32>} : memref<16x3072xf32, #tpu.memory_space<vmem>>, vector<16xf32>,
        %mul3A_888 = arith.mulf %get3A_887, %get3A_489 : vector<16xf32>
        %add3A_889 = arith.addf %add3A_875, %mul3A_888 : vector<16xf32>
        %mul3A_890 = arith.constant 128 : i32
        %mul3A_891 = arith.muli %scan3A_461, %mul3A_890 : i32
        %add3A_892 = arith.constant 32 : i32
        %add3A_893 = arith.addi %mul3A_891, %add3A_892 : i32
        %get3A_894 = arith.constant 3 : i32
        %get3A_895 = arith.constant 0 : i32
        %get3A_896 = arith.constant 0 : i32
        %get3A_897 = tpu.memref_slice %arg7[%scan3A_294, %get3A_895, %get3A_896] : memref<2x16x3072xf32, #tpu.memory_space<vmem>> -> memref<1x16x3072xf32, #tpu.memory_space<vmem>>
        %get3A_898 = tpu.memref_squeeze %get3A_897 : memref<1x16x3072xf32, #tpu.memory_space<vmem>> -> memref<16x3072xf32, #tpu.memory_space<vmem>>
        %get3A_899 = arith.index_cast %get3A_894 : i32 to index
        %get3A_900 = arith.index_cast %add3A_893 : i32 to index
        %get3A_901 = tpu.vector_load %get3A_898[%get3A_899, %get3A_900] {strides = array<i32>} : memref<16x3072xf32, #tpu.memory_space<vmem>>, vector<16xf32>,
        %mul3A_902 = arith.mulf %get3A_901, %get3A_495 : vector<16xf32>
        %add3A_903 = arith.addf %add3A_889, %mul3A_902 : vector<16xf32>
        %mul3A_904 = arith.constant 128 : i32
        %mul3A_905 = arith.muli %scan3A_461, %mul3A_904 : i32
        %add3A_906 = arith.constant 48 : i32
        %add3A_907 = arith.addi %mul3A_905, %add3A_906 : i32
        %get3A_908 = arith.constant 3 : i32
        %get3A_909 = arith.constant 0 : i32
        %get3A_910 = arith.constant 0 : i32
        %get3A_911 = tpu.memref_slice %arg7[%scan3A_294, %get3A_909, %get3A_910] : memref<2x16x3072xf32, #tpu.memory_space<vmem>> -> memref<1x16x3072xf32, #tpu.memory_space<vmem>>
        %get3A_912 = tpu.memref_squeeze %get3A_911 : memref<1x16x3072xf32, #tpu.memory_space<vmem>> -> memref<16x3072xf32, #tpu.memory_space<vmem>>
        %get3A_913 = arith.index_cast %get3A_908 : i32 to index
        %get3A_914 = arith.index_cast %add3A_907 : i32 to index
        %get3A_915 = tpu.vector_load %get3A_912[%get3A_913, %get3A_914] {strides = array<i32>} : memref<16x3072xf32, #tpu.memory_space<vmem>>, vector<16xf32>,
        %mul3A_916 = arith.mulf %get3A_915, %get3A_501 : vector<16xf32>
        %add3A_917 = arith.addf %add3A_903, %mul3A_916 : vector<16xf32>
        %mul3A_918 = arith.constant 128 : i32
        %mul3A_919 = arith.muli %scan3A_461, %mul3A_918 : i32
        %add3A_920 = arith.constant 64 : i32
        %add3A_921 = arith.addi %mul3A_919, %add3A_920 : i32
        %get3A_922 = arith.constant 3 : i32
        %get3A_923 = arith.constant 0 : i32
        %get3A_924 = arith.constant 0 : i32
        %get3A_925 = tpu.memref_slice %arg7[%scan3A_294, %get3A_923, %get3A_924] : memref<2x16x3072xf32, #tpu.memory_space<vmem>> -> memref<1x16x3072xf32, #tpu.memory_space<vmem>>
        %get3A_926 = tpu.memref_squeeze %get3A_925 : memref<1x16x3072xf32, #tpu.memory_space<vmem>> -> memref<16x3072xf32, #tpu.memory_space<vmem>>
        %get3A_927 = arith.index_cast %get3A_922 : i32 to index
        %get3A_928 = arith.index_cast %add3A_921 : i32 to index
        %get3A_929 = tpu.vector_load %get3A_926[%get3A_927, %get3A_928] {strides = array<i32>} : memref<16x3072xf32, #tpu.memory_space<vmem>>, vector<16xf32>,
        %mul3A_930 = arith.mulf %get3A_929, %get3A_507 : vector<16xf32>
        %add3A_931 = arith.addf %add3A_917, %mul3A_930 : vector<16xf32>
        %mul3A_932 = arith.constant 128 : i32
        %mul3A_933 = arith.muli %scan3A_461, %mul3A_932 : i32
        %add3A_934 = arith.constant 80 : i32
        %add3A_935 = arith.addi %mul3A_933, %add3A_934 : i32
        %get3A_936 = arith.constant 3 : i32
        %get3A_937 = arith.constant 0 : i32
        %get3A_938 = arith.constant 0 : i32
        %get3A_939 = tpu.memref_slice %arg7[%scan3A_294, %get3A_937, %get3A_938] : memref<2x16x3072xf32, #tpu.memory_space<vmem>> -> memref<1x16x3072xf32, #tpu.memory_space<vmem>>
        %get3A_940 = tpu.memref_squeeze %get3A_939 : memref<1x16x3072xf32, #tpu.memory_space<vmem>> -> memref<16x3072xf32, #tpu.memory_space<vmem>>
        %get3A_941 = arith.index_cast %get3A_936 : i32 to index
        %get3A_942 = arith.index_cast %add3A_935 : i32 to index
        %get3A_943 = tpu.vector_load %get3A_940[%get3A_941, %get3A_942] {strides = array<i32>} : memref<16x3072xf32, #tpu.memory_space<vmem>>, vector<16xf32>,
        %mul3A_944 = arith.mulf %get3A_943, %get3A_513 : vector<16xf32>
        %add3A_945 = arith.addf %add3A_931, %mul3A_944 : vector<16xf32>
        %mul3A_946 = arith.constant 128 : i32
        %mul3A_947 = arith.muli %scan3A_461, %mul3A_946 : i32
        %add3A_948 = arith.constant 96 : i32
        %add3A_949 = arith.addi %mul3A_947, %add3A_948 : i32
        %get3A_950 = arith.constant 3 : i32
        %get3A_951 = arith.constant 0 : i32
        %get3A_952 = arith.constant 0 : i32
        %get3A_953 = tpu.memref_slice %arg7[%scan3A_294, %get3A_951, %get3A_952] : memref<2x16x3072xf32, #tpu.memory_space<vmem>> -> memref<1x16x3072xf32, #tpu.memory_space<vmem>>
        %get3A_954 = tpu.memref_squeeze %get3A_953 : memref<1x16x3072xf32, #tpu.memory_space<vmem>> -> memref<16x3072xf32, #tpu.memory_space<vmem>>
        %get3A_955 = arith.index_cast %get3A_950 : i32 to index
        %get3A_956 = arith.index_cast %add3A_949 : i32 to index
        %get3A_957 = tpu.vector_load %get3A_954[%get3A_955, %get3A_956] {strides = array<i32>} : memref<16x3072xf32, #tpu.memory_space<vmem>>, vector<16xf32>,
        %mul3A_958 = arith.mulf %get3A_957, %get3A_519 : vector<16xf32>
        %add3A_959 = arith.addf %add3A_945, %mul3A_958 : vector<16xf32>
        %mul3A_960 = arith.constant 128 : i32
        %mul3A_961 = arith.muli %scan3A_461, %mul3A_960 : i32
        %add3A_962 = arith.constant 112 : i32
        %add3A_963 = arith.addi %mul3A_961, %add3A_962 : i32
        %get3A_964 = arith.constant 3 : i32
        %get3A_965 = arith.constant 0 : i32
        %get3A_966 = arith.constant 0 : i32
        %get3A_967 = tpu.memref_slice %arg7[%scan3A_294, %get3A_965, %get3A_966] : memref<2x16x3072xf32, #tpu.memory_space<vmem>> -> memref<1x16x3072xf32, #tpu.memory_space<vmem>>
        %get3A_968 = tpu.memref_squeeze %get3A_967 : memref<1x16x3072xf32, #tpu.memory_space<vmem>> -> memref<16x3072xf32, #tpu.memory_space<vmem>>
        %get3A_969 = arith.index_cast %get3A_964 : i32 to index
        %get3A_970 = arith.index_cast %add3A_963 : i32 to index
        %get3A_971 = tpu.vector_load %get3A_968[%get3A_969, %get3A_970] {strides = array<i32>} : memref<16x3072xf32, #tpu.memory_space<vmem>>, vector<16xf32>,
        %mul3A_972 = arith.mulf %get3A_971, %get3A_525 : vector<16xf32>
        %add3A_973 = arith.addf %add3A_959, %mul3A_972 : vector<16xf32>
        %mul3A_974 = arith.constant 128 : i32
        %mul3A_975 = arith.muli %scan3A_461, %mul3A_974 : i32
        %add3A_976 = arith.constant 0 : i32
        %add3A_977 = arith.addi %mul3A_975, %add3A_976 : i32
        %get3A_978 = arith.constant 4 : i32
        %get3A_979 = arith.constant 0 : i32
        %get3A_980 = arith.constant 0 : i32
        %get3A_981 = tpu.memref_slice %arg7[%scan3A_294, %get3A_979, %get3A_980] : memref<2x16x3072xf32, #tpu.memory_space<vmem>> -> memref<1x16x3072xf32, #tpu.memory_space<vmem>>
        %get3A_982 = tpu.memref_squeeze %get3A_981 : memref<1x16x3072xf32, #tpu.memory_space<vmem>> -> memref<16x3072xf32, #tpu.memory_space<vmem>>
        %get3A_983 = arith.index_cast %get3A_978 : i32 to index
        %get3A_984 = arith.index_cast %add3A_977 : i32 to index
        %get3A_985 = tpu.vector_load %get3A_982[%get3A_983, %get3A_984] {strides = array<i32>} : memref<16x3072xf32, #tpu.memory_space<vmem>>, vector<16xf32>,
        %mul3A_986 = arith.mulf %get3A_985, %get3A_483 : vector<16xf32>
        %add3A_987 = arith.addf %scan3A_466, %mul3A_986 : vector<16xf32>
        %mul3A_988 = arith.constant 128 : i32
        %mul3A_989 = arith.muli %scan3A_461, %mul3A_988 : i32
        %add3A_990 = arith.constant 16 : i32
        %add3A_991 = arith.addi %mul3A_989, %add3A_990 : i32
        %get3A_992 = arith.constant 4 : i32
        %get3A_993 = arith.constant 0 : i32
        %get3A_994 = arith.constant 0 : i32
        %get3A_995 = tpu.memref_slice %arg7[%scan3A_294, %get3A_993, %get3A_994] : memref<2x16x3072xf32, #tpu.memory_space<vmem>> -> memref<1x16x3072xf32, #tpu.memory_space<vmem>>
        %get3A_996 = tpu.memref_squeeze %get3A_995 : memref<1x16x3072xf32, #tpu.memory_space<vmem>> -> memref<16x3072xf32, #tpu.memory_space<vmem>>
        %get3A_997 = arith.index_cast %get3A_992 : i32 to index
        %get3A_998 = arith.index_cast %add3A_991 : i32 to index
        %get3A_999 = tpu.vector_load %get3A_996[%get3A_997, %get3A_998] {strides = array<i32>} : memref<16x3072xf32, #tpu.memory_space<vmem>>, vector<16xf32>,
        %mul3A_1000 = arith.mulf %get3A_999, %get3A_489 : vector<16xf32>
        %add3A_1001 = arith.addf %add3A_987, %mul3A_1000 : vector<16xf32>
        %mul3A_1002 = arith.constant 128 : i32
        %mul3A_1003 = arith.muli %scan3A_461, %mul3A_1002 : i32
        %add3A_1004 = arith.constant 32 : i32
        %add3A_1005 = arith.addi %mul3A_1003, %add3A_1004 : i32
        %get3A_1006 = arith.constant 4 : i32
        %get3A_1007 = arith.constant 0 : i32
        %get3A_1008 = arith.constant 0 : i32
        %get3A_1009 = tpu.memref_slice %arg7[%scan3A_294, %get3A_1007, %get3A_1008] : memref<2x16x3072xf32, #tpu.memory_space<vmem>> -> memref<1x16x3072xf32, #tpu.memory_space<vmem>>
        %get3A_1010 = tpu.memref_squeeze %get3A_1009 : memref<1x16x3072xf32, #tpu.memory_space<vmem>> -> memref<16x3072xf32, #tpu.memory_space<vmem>>
        %get3A_1011 = arith.index_cast %get3A_1006 : i32 to index
        %get3A_1012 = arith.index_cast %add3A_1005 : i32 to index
        %get3A_1013 = tpu.vector_load %get3A_1010[%get3A_1011, %get3A_1012] {strides = array<i32>} : memref<16x3072xf32, #tpu.memory_space<vmem>>, vector<16xf32>,
        %mul3A_1014 = arith.mulf %get3A_1013, %get3A_495 : vector<16xf32>
        %add3A_1015 = arith.addf %add3A_1001, %mul3A_1014 : vector<16xf32>
        %mul3A_1016 = arith.constant 128 : i32
        %mul3A_1017 = arith.muli %scan3A_461, %mul3A_1016 : i32
        %add3A_1018 = arith.constant 48 : i32
        %add3A_1019 = arith.addi %mul3A_1017, %add3A_1018 : i32
        %get3A_1020 = arith.constant 4 : i32
        %get3A_1021 = arith.constant 0 : i32
        %get3A_1022 = arith.constant 0 : i32
        %get3A_1023 = tpu.memref_slice %arg7[%scan3A_294, %get3A_1021, %get3A_1022] : memref<2x16x3072xf32, #tpu.memory_space<vmem>> -> memref<1x16x3072xf32, #tpu.memory_space<vmem>>
        %get3A_1024 = tpu.memref_squeeze %get3A_1023 : memref<1x16x3072xf32, #tpu.memory_space<vmem>> -> memref<16x3072xf32, #tpu.memory_space<vmem>>
        %get3A_1025 = arith.index_cast %get3A_1020 : i32 to index
        %get3A_1026 = arith.index_cast %add3A_1019 : i32 to index
        %get3A_1027 = tpu.vector_load %get3A_1024[%get3A_1025, %get3A_1026] {strides = array<i32>} : memref<16x3072xf32, #tpu.memory_space<vmem>>, vector<16xf32>,
        %mul3A_1028 = arith.mulf %get3A_1027, %get3A_501 : vector<16xf32>
        %add3A_1029 = arith.addf %add3A_1015, %mul3A_1028 : vector<16xf32>
        %mul3A_1030 = arith.constant 128 : i32
        %mul3A_1031 = arith.muli %scan3A_461, %mul3A_1030 : i32
        %add3A_1032 = arith.constant 64 : i32
        %add3A_1033 = arith.addi %mul3A_1031, %add3A_1032 : i32
        %get3A_1034 = arith.constant 4 : i32
        %get3A_1035 = arith.constant 0 : i32
        %get3A_1036 = arith.constant 0 : i32
        %get3A_1037 = tpu.memref_slice %arg7[%scan3A_294, %get3A_1035, %get3A_1036] : memref<2x16x3072xf32, #tpu.memory_space<vmem>> -> memref<1x16x3072xf32, #tpu.memory_space<vmem>>
        %get3A_1038 = tpu.memref_squeeze %get3A_1037 : memref<1x16x3072xf32, #tpu.memory_space<vmem>> -> memref<16x3072xf32, #tpu.memory_space<vmem>>
        %get3A_1039 = arith.index_cast %get3A_1034 : i32 to index
        %get3A_1040 = arith.index_cast %add3A_1033 : i32 to index
        %get3A_1041 = tpu.vector_load %get3A_1038[%get3A_1039, %get3A_1040] {strides = array<i32>} : memref<16x3072xf32, #tpu.memory_space<vmem>>, vector<16xf32>,
        %mul3A_1042 = arith.mulf %get3A_1041, %get3A_507 : vector<16xf32>
        %add3A_1043 = arith.addf %add3A_1029, %mul3A_1042 : vector<16xf32>
        %mul3A_1044 = arith.constant 128 : i32
        %mul3A_1045 = arith.muli %scan3A_461, %mul3A_1044 : i32
        %add3A_1046 = arith.constant 80 : i32
        %add3A_1047 = arith.addi %mul3A_1045, %add3A_1046 : i32
        %get3A_1048 = arith.constant 4 : i32
        %get3A_1049 = arith.constant 0 : i32
        %get3A_1050 = arith.constant 0 : i32
        %get3A_1051 = tpu.memref_slice %arg7[%scan3A_294, %get3A_1049, %get3A_1050] : memref<2x16x3072xf32, #tpu.memory_space<vmem>> -> memref<1x16x3072xf32, #tpu.memory_space<vmem>>
        %get3A_1052 = tpu.memref_squeeze %get3A_1051 : memref<1x16x3072xf32, #tpu.memory_space<vmem>> -> memref<16x3072xf32, #tpu.memory_space<vmem>>
        %get3A_1053 = arith.index_cast %get3A_1048 : i32 to index
        %get3A_1054 = arith.index_cast %add3A_1047 : i32 to index
        %get3A_1055 = tpu.vector_load %get3A_1052[%get3A_1053, %get3A_1054] {strides = array<i32>} : memref<16x3072xf32, #tpu.memory_space<vmem>>, vector<16xf32>,
        %mul3A_1056 = arith.mulf %get3A_1055, %get3A_513 : vector<16xf32>
        %add3A_1057 = arith.addf %add3A_1043, %mul3A_1056 : vector<16xf32>
        %mul3A_1058 = arith.constant 128 : i32
        %mul3A_1059 = arith.muli %scan3A_461, %mul3A_1058 : i32
        %add3A_1060 = arith.constant 96 : i32
        %add3A_1061 = arith.addi %mul3A_1059, %add3A_1060 : i32
        %get3A_1062 = arith.constant 4 : i32
        %get3A_1063 = arith.constant 0 : i32
        %get3A_1064 = arith.constant 0 : i32
        %get3A_1065 = tpu.memref_slice %arg7[%scan3A_294, %get3A_1063, %get3A_1064] : memref<2x16x3072xf32, #tpu.memory_space<vmem>> -> memref<1x16x3072xf32, #tpu.memory_space<vmem>>
        %get3A_1066 = tpu.memref_squeeze %get3A_1065 : memref<1x16x3072xf32, #tpu.memory_space<vmem>> -> memref<16x3072xf32, #tpu.memory_space<vmem>>
        %get3A_1067 = arith.index_cast %get3A_1062 : i32 to index
        %get3A_1068 = arith.index_cast %add3A_1061 : i32 to index
        %get3A_1069 = tpu.vector_load %get3A_1066[%get3A_1067, %get3A_1068] {strides = array<i32>} : memref<16x3072xf32, #tpu.memory_space<vmem>>, vector<16xf32>,
        %mul3A_1070 = arith.mulf %get3A_1069, %get3A_519 : vector<16xf32>
        %add3A_1071 = arith.addf %add3A_1057, %mul3A_1070 : vector<16xf32>
        %mul3A_1072 = arith.constant 128 : i32
        %mul3A_1073 = arith.muli %scan3A_461, %mul3A_1072 : i32
        %add3A_1074 = arith.constant 112 : i32
        %add3A_1075 = arith.addi %mul3A_1073, %add3A_1074 : i32
        %get3A_1076 = arith.constant 4 : i32
        %get3A_1077 = arith.constant 0 : i32
        %get3A_1078 = arith.constant 0 : i32
        %get3A_1079 = tpu.memref_slice %arg7[%scan3A_294, %get3A_1077, %get3A_1078] : memref<2x16x3072xf32, #tpu.memory_space<vmem>> -> memref<1x16x3072xf32, #tpu.memory_space<vmem>>
        %get3A_1080 = tpu.memref_squeeze %get3A_1079 : memref<1x16x3072xf32, #tpu.memory_space<vmem>> -> memref<16x3072xf32, #tpu.memory_space<vmem>>
        %get3A_1081 = arith.index_cast %get3A_1076 : i32 to index
        %get3A_1082 = arith.index_cast %add3A_1075 : i32 to index
        %get3A_1083 = tpu.vector_load %get3A_1080[%get3A_1081, %get3A_1082] {strides = array<i32>} : memref<16x3072xf32, #tpu.memory_space<vmem>>, vector<16xf32>,
        %mul3A_1084 = arith.mulf %get3A_1083, %get3A_525 : vector<16xf32>
        %add3A_1085 = arith.addf %add3A_1071, %mul3A_1084 : vector<16xf32>
        %mul3A_1086 = arith.constant 128 : i32
        %mul3A_1087 = arith.muli %scan3A_461, %mul3A_1086 : i32
        %add3A_1088 = arith.constant 0 : i32
        %add3A_1089 = arith.addi %mul3A_1087, %add3A_1088 : i32
        %get3A_1090 = arith.constant 5 : i32
        %get3A_1091 = arith.constant 0 : i32
        %get3A_1092 = arith.constant 0 : i32
        %get3A_1093 = tpu.memref_slice %arg7[%scan3A_294, %get3A_1091, %get3A_1092] : memref<2x16x3072xf32, #tpu.memory_space<vmem>> -> memref<1x16x3072xf32, #tpu.memory_space<vmem>>
        %get3A_1094 = tpu.memref_squeeze %get3A_1093 : memref<1x16x3072xf32, #tpu.memory_space<vmem>> -> memref<16x3072xf32, #tpu.memory_space<vmem>>
        %get3A_1095 = arith.index_cast %get3A_1090 : i32 to index
        %get3A_1096 = arith.index_cast %add3A_1089 : i32 to index
        %get3A_1097 = tpu.vector_load %get3A_1094[%get3A_1095, %get3A_1096] {strides = array<i32>} : memref<16x3072xf32, #tpu.memory_space<vmem>>, vector<16xf32>,
        %mul3A_1098 = arith.mulf %get3A_1097, %get3A_483 : vector<16xf32>
        %add3A_1099 = arith.addf %scan3A_467, %mul3A_1098 : vector<16xf32>
        %mul3A_1100 = arith.constant 128 : i32
        %mul3A_1101 = arith.muli %scan3A_461, %mul3A_1100 : i32
        %add3A_1102 = arith.constant 16 : i32
        %add3A_1103 = arith.addi %mul3A_1101, %add3A_1102 : i32
        %get3A_1104 = arith.constant 5 : i32
        %get3A_1105 = arith.constant 0 : i32
        %get3A_1106 = arith.constant 0 : i32
        %get3A_1107 = tpu.memref_slice %arg7[%scan3A_294, %get3A_1105, %get3A_1106] : memref<2x16x3072xf32, #tpu.memory_space<vmem>> -> memref<1x16x3072xf32, #tpu.memory_space<vmem>>
        %get3A_1108 = tpu.memref_squeeze %get3A_1107 : memref<1x16x3072xf32, #tpu.memory_space<vmem>> -> memref<16x3072xf32, #tpu.memory_space<vmem>>
        %get3A_1109 = arith.index_cast %get3A_1104 : i32 to index
        %get3A_1110 = arith.index_cast %add3A_1103 : i32 to index
        %get3A_1111 = tpu.vector_load %get3A_1108[%get3A_1109, %get3A_1110] {strides = array<i32>} : memref<16x3072xf32, #tpu.memory_space<vmem>>, vector<16xf32>,
        %mul3A_1112 = arith.mulf %get3A_1111, %get3A_489 : vector<16xf32>
        %add3A_1113 = arith.addf %add3A_1099, %mul3A_1112 : vector<16xf32>
        %mul3A_1114 = arith.constant 128 : i32
        %mul3A_1115 = arith.muli %scan3A_461, %mul3A_1114 : i32
        %add3A_1116 = arith.constant 32 : i32
        %add3A_1117 = arith.addi %mul3A_1115, %add3A_1116 : i32
        %get3A_1118 = arith.constant 5 : i32
        %get3A_1119 = arith.constant 0 : i32
        %get3A_1120 = arith.constant 0 : i32
        %get3A_1121 = tpu.memref_slice %arg7[%scan3A_294, %get3A_1119, %get3A_1120] : memref<2x16x3072xf32, #tpu.memory_space<vmem>> -> memref<1x16x3072xf32, #tpu.memory_space<vmem>>
        %get3A_1122 = tpu.memref_squeeze %get3A_1121 : memref<1x16x3072xf32, #tpu.memory_space<vmem>> -> memref<16x3072xf32, #tpu.memory_space<vmem>>
        %get3A_1123 = arith.index_cast %get3A_1118 : i32 to index
        %get3A_1124 = arith.index_cast %add3A_1117 : i32 to index
        %get3A_1125 = tpu.vector_load %get3A_1122[%get3A_1123, %get3A_1124] {strides = array<i32>} : memref<16x3072xf32, #tpu.memory_space<vmem>>, vector<16xf32>,
        %mul3A_1126 = arith.mulf %get3A_1125, %get3A_495 : vector<16xf32>
        %add3A_1127 = arith.addf %add3A_1113, %mul3A_1126 : vector<16xf32>
        %mul3A_1128 = arith.constant 128 : i32
        %mul3A_1129 = arith.muli %scan3A_461, %mul3A_1128 : i32
        %add3A_1130 = arith.constant 48 : i32
        %add3A_1131 = arith.addi %mul3A_1129, %add3A_1130 : i32
        %get3A_1132 = arith.constant 5 : i32
        %get3A_1133 = arith.constant 0 : i32
        %get3A_1134 = arith.constant 0 : i32
        %get3A_1135 = tpu.memref_slice %arg7[%scan3A_294, %get3A_1133, %get3A_1134] : memref<2x16x3072xf32, #tpu.memory_space<vmem>> -> memref<1x16x3072xf32, #tpu.memory_space<vmem>>
        %get3A_1136 = tpu.memref_squeeze %get3A_1135 : memref<1x16x3072xf32, #tpu.memory_space<vmem>> -> memref<16x3072xf32, #tpu.memory_space<vmem>>
        %get3A_1137 = arith.index_cast %get3A_1132 : i32 to index
        %get3A_1138 = arith.index_cast %add3A_1131 : i32 to index
        %get3A_1139 = tpu.vector_load %get3A_1136[%get3A_1137, %get3A_1138] {strides = array<i32>} : memref<16x3072xf32, #tpu.memory_space<vmem>>, vector<16xf32>,
        %mul3A_1140 = arith.mulf %get3A_1139, %get3A_501 : vector<16xf32>
        %add3A_1141 = arith.addf %add3A_1127, %mul3A_1140 : vector<16xf32>
        %mul3A_1142 = arith.constant 128 : i32
        %mul3A_1143 = arith.muli %scan3A_461, %mul3A_1142 : i32
        %add3A_1144 = arith.constant 64 : i32
        %add3A_1145 = arith.addi %mul3A_1143, %add3A_1144 : i32
        %get3A_1146 = arith.constant 5 : i32
        %get3A_1147 = arith.constant 0 : i32
        %get3A_1148 = arith.constant 0 : i32
        %get3A_1149 = tpu.memref_slice %arg7[%scan3A_294, %get3A_1147, %get3A_1148] : memref<2x16x3072xf32, #tpu.memory_space<vmem>> -> memref<1x16x3072xf32, #tpu.memory_space<vmem>>
        %get3A_1150 = tpu.memref_squeeze %get3A_1149 : memref<1x16x3072xf32, #tpu.memory_space<vmem>> -> memref<16x3072xf32, #tpu.memory_space<vmem>>
        %get3A_1151 = arith.index_cast %get3A_1146 : i32 to index
        %get3A_1152 = arith.index_cast %add3A_1145 : i32 to index
        %get3A_1153 = tpu.vector_load %get3A_1150[%get3A_1151, %get3A_1152] {strides = array<i32>} : memref<16x3072xf32, #tpu.memory_space<vmem>>, vector<16xf32>,
        %mul3A_1154 = arith.mulf %get3A_1153, %get3A_507 : vector<16xf32>
        %add3A_1155 = arith.addf %add3A_1141, %mul3A_1154 : vector<16xf32>
        %mul3A_1156 = arith.constant 128 : i32
        %mul3A_1157 = arith.muli %scan3A_461, %mul3A_1156 : i32
        %add3A_1158 = arith.constant 80 : i32
        %add3A_1159 = arith.addi %mul3A_1157, %add3A_1158 : i32
        %get3A_1160 = arith.constant 5 : i32
        %get3A_1161 = arith.constant 0 : i32
        %get3A_1162 = arith.constant 0 : i32
        %get3A_1163 = tpu.memref_slice %arg7[%scan3A_294, %get3A_1161, %get3A_1162] : memref<2x16x3072xf32, #tpu.memory_space<vmem>> -> memref<1x16x3072xf32, #tpu.memory_space<vmem>>
        %get3A_1164 = tpu.memref_squeeze %get3A_1163 : memref<1x16x3072xf32, #tpu.memory_space<vmem>> -> memref<16x3072xf32, #tpu.memory_space<vmem>>
        %get3A_1165 = arith.index_cast %get3A_1160 : i32 to index
        %get3A_1166 = arith.index_cast %add3A_1159 : i32 to index
        %get3A_1167 = tpu.vector_load %get3A_1164[%get3A_1165, %get3A_1166] {strides = array<i32>} : memref<16x3072xf32, #tpu.memory_space<vmem>>, vector<16xf32>,
        %mul3A_1168 = arith.mulf %get3A_1167, %get3A_513 : vector<16xf32>
        %add3A_1169 = arith.addf %add3A_1155, %mul3A_1168 : vector<16xf32>
        %mul3A_1170 = arith.constant 128 : i32
        %mul3A_1171 = arith.muli %scan3A_461, %mul3A_1170 : i32
        %add3A_1172 = arith.constant 96 : i32
        %add3A_1173 = arith.addi %mul3A_1171, %add3A_1172 : i32
        %get3A_1174 = arith.constant 5 : i32
        %get3A_1175 = arith.constant 0 : i32
        %get3A_1176 = arith.constant 0 : i32
        %get3A_1177 = tpu.memref_slice %arg7[%scan3A_294, %get3A_1175, %get3A_1176] : memref<2x16x3072xf32, #tpu.memory_space<vmem>> -> memref<1x16x3072xf32, #tpu.memory_space<vmem>>
        %get3A_1178 = tpu.memref_squeeze %get3A_1177 : memref<1x16x3072xf32, #tpu.memory_space<vmem>> -> memref<16x3072xf32, #tpu.memory_space<vmem>>
        %get3A_1179 = arith.index_cast %get3A_1174 : i32 to index
        %get3A_1180 = arith.index_cast %add3A_1173 : i32 to index
        %get3A_1181 = tpu.vector_load %get3A_1178[%get3A_1179, %get3A_1180] {strides = array<i32>} : memref<16x3072xf32, #tpu.memory_space<vmem>>, vector<16xf32>,
        %mul3A_1182 = arith.mulf %get3A_1181, %get3A_519 : vector<16xf32>
        %add3A_1183 = arith.addf %add3A_1169, %mul3A_1182 : vector<16xf32>
        %mul3A_1184 = arith.constant 128 : i32
        %mul3A_1185 = arith.muli %scan3A_461, %mul3A_1184 : i32
        %add3A_1186 = arith.constant 112 : i32
        %add3A_1187 = arith.addi %mul3A_1185, %add3A_1186 : i32
        %get3A_1188 = arith.constant 5 : i32
        %get3A_1189 = arith.constant 0 : i32
        %get3A_1190 = arith.constant 0 : i32
        %get3A_1191 = tpu.memref_slice %arg7[%scan3A_294, %get3A_1189, %get3A_1190] : memref<2x16x3072xf32, #tpu.memory_space<vmem>> -> memref<1x16x3072xf32, #tpu.memory_space<vmem>>
        %get3A_1192 = tpu.memref_squeeze %get3A_1191 : memref<1x16x3072xf32, #tpu.memory_space<vmem>> -> memref<16x3072xf32, #tpu.memory_space<vmem>>
        %get3A_1193 = arith.index_cast %get3A_1188 : i32 to index
        %get3A_1194 = arith.index_cast %add3A_1187 : i32 to index
        %get3A_1195 = tpu.vector_load %get3A_1192[%get3A_1193, %get3A_1194] {strides = array<i32>} : memref<16x3072xf32, #tpu.memory_space<vmem>>, vector<16xf32>,
        %mul3A_1196 = arith.mulf %get3A_1195, %get3A_525 : vector<16xf32>
        %add3A_1197 = arith.addf %add3A_1183, %mul3A_1196 : vector<16xf32>
        %mul3A_1198 = arith.constant 128 : i32
        %mul3A_1199 = arith.muli %scan3A_461, %mul3A_1198 : i32
        %add3A_1200 = arith.constant 0 : i32
        %add3A_1201 = arith.addi %mul3A_1199, %add3A_1200 : i32
        %get3A_1202 = arith.constant 6 : i32
        %get3A_1203 = arith.constant 0 : i32
        %get3A_1204 = arith.constant 0 : i32
        %get3A_1205 = tpu.memref_slice %arg7[%scan3A_294, %get3A_1203, %get3A_1204] : memref<2x16x3072xf32, #tpu.memory_space<vmem>> -> memref<1x16x3072xf32, #tpu.memory_space<vmem>>
        %get3A_1206 = tpu.memref_squeeze %get3A_1205 : memref<1x16x3072xf32, #tpu.memory_space<vmem>> -> memref<16x3072xf32, #tpu.memory_space<vmem>>
        %get3A_1207 = arith.index_cast %get3A_1202 : i32 to index
        %get3A_1208 = arith.index_cast %add3A_1201 : i32 to index
        %get3A_1209 = tpu.vector_load %get3A_1206[%get3A_1207, %get3A_1208] {strides = array<i32>} : memref<16x3072xf32, #tpu.memory_space<vmem>>, vector<16xf32>,
        %mul3A_1210 = arith.mulf %get3A_1209, %get3A_483 : vector<16xf32>
        %add3A_1211 = arith.addf %scan3A_468, %mul3A_1210 : vector<16xf32>
        %mul3A_1212 = arith.constant 128 : i32
        %mul3A_1213 = arith.muli %scan3A_461, %mul3A_1212 : i32
        %add3A_1214 = arith.constant 16 : i32
        %add3A_1215 = arith.addi %mul3A_1213, %add3A_1214 : i32
        %get3A_1216 = arith.constant 6 : i32
        %get3A_1217 = arith.constant 0 : i32
        %get3A_1218 = arith.constant 0 : i32
        %get3A_1219 = tpu.memref_slice %arg7[%scan3A_294, %get3A_1217, %get3A_1218] : memref<2x16x3072xf32, #tpu.memory_space<vmem>> -> memref<1x16x3072xf32, #tpu.memory_space<vmem>>
        %get3A_1220 = tpu.memref_squeeze %get3A_1219 : memref<1x16x3072xf32, #tpu.memory_space<vmem>> -> memref<16x3072xf32, #tpu.memory_space<vmem>>
        %get3A_1221 = arith.index_cast %get3A_1216 : i32 to index
        %get3A_1222 = arith.index_cast %add3A_1215 : i32 to index
        %get3A_1223 = tpu.vector_load %get3A_1220[%get3A_1221, %get3A_1222] {strides = array<i32>} : memref<16x3072xf32, #tpu.memory_space<vmem>>, vector<16xf32>,
        %mul3A_1224 = arith.mulf %get3A_1223, %get3A_489 : vector<16xf32>
        %add3A_1225 = arith.addf %add3A_1211, %mul3A_1224 : vector<16xf32>
        %mul3A_1226 = arith.constant 128 : i32
        %mul3A_1227 = arith.muli %scan3A_461, %mul3A_1226 : i32
        %add3A_1228 = arith.constant 32 : i32
        %add3A_1229 = arith.addi %mul3A_1227, %add3A_1228 : i32
        %get3A_1230 = arith.constant 6 : i32
        %get3A_1231 = arith.constant 0 : i32
        %get3A_1232 = arith.constant 0 : i32
        %get3A_1233 = tpu.memref_slice %arg7[%scan3A_294, %get3A_1231, %get3A_1232] : memref<2x16x3072xf32, #tpu.memory_space<vmem>> -> memref<1x16x3072xf32, #tpu.memory_space<vmem>>
        %get3A_1234 = tpu.memref_squeeze %get3A_1233 : memref<1x16x3072xf32, #tpu.memory_space<vmem>> -> memref<16x3072xf32, #tpu.memory_space<vmem>>
        %get3A_1235 = arith.index_cast %get3A_1230 : i32 to index
        %get3A_1236 = arith.index_cast %add3A_1229 : i32 to index
        %get3A_1237 = tpu.vector_load %get3A_1234[%get3A_1235, %get3A_1236] {strides = array<i32>} : memref<16x3072xf32, #tpu.memory_space<vmem>>, vector<16xf32>,
        %mul3A_1238 = arith.mulf %get3A_1237, %get3A_495 : vector<16xf32>
        %add3A_1239 = arith.addf %add3A_1225, %mul3A_1238 : vector<16xf32>
        %mul3A_1240 = arith.constant 128 : i32
        %mul3A_1241 = arith.muli %scan3A_461, %mul3A_1240 : i32
        %add3A_1242 = arith.constant 48 : i32
        %add3A_1243 = arith.addi %mul3A_1241, %add3A_1242 : i32
        %get3A_1244 = arith.constant 6 : i32
        %get3A_1245 = arith.constant 0 : i32
        %get3A_1246 = arith.constant 0 : i32
        %get3A_1247 = tpu.memref_slice %arg7[%scan3A_294, %get3A_1245, %get3A_1246] : memref<2x16x3072xf32, #tpu.memory_space<vmem>> -> memref<1x16x3072xf32, #tpu.memory_space<vmem>>
        %get3A_1248 = tpu.memref_squeeze %get3A_1247 : memref<1x16x3072xf32, #tpu.memory_space<vmem>> -> memref<16x3072xf32, #tpu.memory_space<vmem>>
        %get3A_1249 = arith.index_cast %get3A_1244 : i32 to index
        %get3A_1250 = arith.index_cast %add3A_1243 : i32 to index
        %get3A_1251 = tpu.vector_load %get3A_1248[%get3A_1249, %get3A_1250] {strides = array<i32>} : memref<16x3072xf32, #tpu.memory_space<vmem>>, vector<16xf32>,
        %mul3A_1252 = arith.mulf %get3A_1251, %get3A_501 : vector<16xf32>
        %add3A_1253 = arith.addf %add3A_1239, %mul3A_1252 : vector<16xf32>
        %mul3A_1254 = arith.constant 128 : i32
        %mul3A_1255 = arith.muli %scan3A_461, %mul3A_1254 : i32
        %add3A_1256 = arith.constant 64 : i32
        %add3A_1257 = arith.addi %mul3A_1255, %add3A_1256 : i32
        %get3A_1258 = arith.constant 6 : i32
        %get3A_1259 = arith.constant 0 : i32
        %get3A_1260 = arith.constant 0 : i32
        %get3A_1261 = tpu.memref_slice %arg7[%scan3A_294, %get3A_1259, %get3A_1260] : memref<2x16x3072xf32, #tpu.memory_space<vmem>> -> memref<1x16x3072xf32, #tpu.memory_space<vmem>>
        %get3A_1262 = tpu.memref_squeeze %get3A_1261 : memref<1x16x3072xf32, #tpu.memory_space<vmem>> -> memref<16x3072xf32, #tpu.memory_space<vmem>>
        %get3A_1263 = arith.index_cast %get3A_1258 : i32 to index
        %get3A_1264 = arith.index_cast %add3A_1257 : i32 to index
        %get3A_1265 = tpu.vector_load %get3A_1262[%get3A_1263, %get3A_1264] {strides = array<i32>} : memref<16x3072xf32, #tpu.memory_space<vmem>>, vector<16xf32>,
        %mul3A_1266 = arith.mulf %get3A_1265, %get3A_507 : vector<16xf32>
        %add3A_1267 = arith.addf %add3A_1253, %mul3A_1266 : vector<16xf32>
        %mul3A_1268 = arith.constant 128 : i32
        %mul3A_1269 = arith.muli %scan3A_461, %mul3A_1268 : i32
        %add3A_1270 = arith.constant 80 : i32
        %add3A_1271 = arith.addi %mul3A_1269, %add3A_1270 : i32
        %get3A_1272 = arith.constant 6 : i32
        %get3A_1273 = arith.constant 0 : i32
        %get3A_1274 = arith.constant 0 : i32
        %get3A_1275 = tpu.memref_slice %arg7[%scan3A_294, %get3A_1273, %get3A_1274] : memref<2x16x3072xf32, #tpu.memory_space<vmem>> -> memref<1x16x3072xf32, #tpu.memory_space<vmem>>
        %get3A_1276 = tpu.memref_squeeze %get3A_1275 : memref<1x16x3072xf32, #tpu.memory_space<vmem>> -> memref<16x3072xf32, #tpu.memory_space<vmem>>
        %get3A_1277 = arith.index_cast %get3A_1272 : i32 to index
        %get3A_1278 = arith.index_cast %add3A_1271 : i32 to index
        %get3A_1279 = tpu.vector_load %get3A_1276[%get3A_1277, %get3A_1278] {strides = array<i32>} : memref<16x3072xf32, #tpu.memory_space<vmem>>, vector<16xf32>,
        %mul3A_1280 = arith.mulf %get3A_1279, %get3A_513 : vector<16xf32>
        %add3A_1281 = arith.addf %add3A_1267, %mul3A_1280 : vector<16xf32>
        %mul3A_1282 = arith.constant 128 : i32
        %mul3A_1283 = arith.muli %scan3A_461, %mul3A_1282 : i32
        %add3A_1284 = arith.constant 96 : i32
        %add3A_1285 = arith.addi %mul3A_1283, %add3A_1284 : i32
        %get3A_1286 = arith.constant 6 : i32
        %get3A_1287 = arith.constant 0 : i32
        %get3A_1288 = arith.constant 0 : i32
        %get3A_1289 = tpu.memref_slice %arg7[%scan3A_294, %get3A_1287, %get3A_1288] : memref<2x16x3072xf32, #tpu.memory_space<vmem>> -> memref<1x16x3072xf32, #tpu.memory_space<vmem>>
        %get3A_1290 = tpu.memref_squeeze %get3A_1289 : memref<1x16x3072xf32, #tpu.memory_space<vmem>> -> memref<16x3072xf32, #tpu.memory_space<vmem>>
        %get3A_1291 = arith.index_cast %get3A_1286 : i32 to index
        %get3A_1292 = arith.index_cast %add3A_1285 : i32 to index
        %get3A_1293 = tpu.vector_load %get3A_1290[%get3A_1291, %get3A_1292] {strides = array<i32>} : memref<16x3072xf32, #tpu.memory_space<vmem>>, vector<16xf32>,
        %mul3A_1294 = arith.mulf %get3A_1293, %get3A_519 : vector<16xf32>
        %add3A_1295 = arith.addf %add3A_1281, %mul3A_1294 : vector<16xf32>
        %mul3A_1296 = arith.constant 128 : i32
        %mul3A_1297 = arith.muli %scan3A_461, %mul3A_1296 : i32
        %add3A_1298 = arith.constant 112 : i32
        %add3A_1299 = arith.addi %mul3A_1297, %add3A_1298 : i32
        %get3A_1300 = arith.constant 6 : i32
        %get3A_1301 = arith.constant 0 : i32
        %get3A_1302 = arith.constant 0 : i32
        %get3A_1303 = tpu.memref_slice %arg7[%scan3A_294, %get3A_1301, %get3A_1302] : memref<2x16x3072xf32, #tpu.memory_space<vmem>> -> memref<1x16x3072xf32, #tpu.memory_space<vmem>>
        %get3A_1304 = tpu.memref_squeeze %get3A_1303 : memref<1x16x3072xf32, #tpu.memory_space<vmem>> -> memref<16x3072xf32, #tpu.memory_space<vmem>>
        %get3A_1305 = arith.index_cast %get3A_1300 : i32 to index
        %get3A_1306 = arith.index_cast %add3A_1299 : i32 to index
        %get3A_1307 = tpu.vector_load %get3A_1304[%get3A_1305, %get3A_1306] {strides = array<i32>} : memref<16x3072xf32, #tpu.memory_space<vmem>>, vector<16xf32>,
        %mul3A_1308 = arith.mulf %get3A_1307, %get3A_525 : vector<16xf32>
        %add3A_1309 = arith.addf %add3A_1295, %mul3A_1308 : vector<16xf32>
        %mul3A_1310 = arith.constant 128 : i32
        %mul3A_1311 = arith.muli %scan3A_461, %mul3A_1310 : i32
        %add3A_1312 = arith.constant 0 : i32
        %add3A_1313 = arith.addi %mul3A_1311, %add3A_1312 : i32
        %get3A_1314 = arith.constant 7 : i32
        %get3A_1315 = arith.constant 0 : i32
        %get3A_1316 = arith.constant 0 : i32
        %get3A_1317 = tpu.memref_slice %arg7[%scan3A_294, %get3A_1315, %get3A_1316] : memref<2x16x3072xf32, #tpu.memory_space<vmem>> -> memref<1x16x3072xf32, #tpu.memory_space<vmem>>
        %get3A_1318 = tpu.memref_squeeze %get3A_1317 : memref<1x16x3072xf32, #tpu.memory_space<vmem>> -> memref<16x3072xf32, #tpu.memory_space<vmem>>
        %get3A_1319 = arith.index_cast %get3A_1314 : i32 to index
        %get3A_1320 = arith.index_cast %add3A_1313 : i32 to index
        %get3A_1321 = tpu.vector_load %get3A_1318[%get3A_1319, %get3A_1320] {strides = array<i32>} : memref<16x3072xf32, #tpu.memory_space<vmem>>, vector<16xf32>,
        %mul3A_1322 = arith.mulf %get3A_1321, %get3A_483 : vector<16xf32>
        %add3A_1323 = arith.addf %scan3A_469, %mul3A_1322 : vector<16xf32>
        %mul3A_1324 = arith.constant 128 : i32
        %mul3A_1325 = arith.muli %scan3A_461, %mul3A_1324 : i32
        %add3A_1326 = arith.constant 16 : i32
        %add3A_1327 = arith.addi %mul3A_1325, %add3A_1326 : i32
        %get3A_1328 = arith.constant 7 : i32
        %get3A_1329 = arith.constant 0 : i32
        %get3A_1330 = arith.constant 0 : i32
        %get3A_1331 = tpu.memref_slice %arg7[%scan3A_294, %get3A_1329, %get3A_1330] : memref<2x16x3072xf32, #tpu.memory_space<vmem>> -> memref<1x16x3072xf32, #tpu.memory_space<vmem>>
        %get3A_1332 = tpu.memref_squeeze %get3A_1331 : memref<1x16x3072xf32, #tpu.memory_space<vmem>> -> memref<16x3072xf32, #tpu.memory_space<vmem>>
        %get3A_1333 = arith.index_cast %get3A_1328 : i32 to index
        %get3A_1334 = arith.index_cast %add3A_1327 : i32 to index
        %get3A_1335 = tpu.vector_load %get3A_1332[%get3A_1333, %get3A_1334] {strides = array<i32>} : memref<16x3072xf32, #tpu.memory_space<vmem>>, vector<16xf32>,
        %mul3A_1336 = arith.mulf %get3A_1335, %get3A_489 : vector<16xf32>
        %add3A_1337 = arith.addf %add3A_1323, %mul3A_1336 : vector<16xf32>
        %mul3A_1338 = arith.constant 128 : i32
        %mul3A_1339 = arith.muli %scan3A_461, %mul3A_1338 : i32
        %add3A_1340 = arith.constant 32 : i32
        %add3A_1341 = arith.addi %mul3A_1339, %add3A_1340 : i32
        %get3A_1342 = arith.constant 7 : i32
        %get3A_1343 = arith.constant 0 : i32
        %get3A_1344 = arith.constant 0 : i32
        %get3A_1345 = tpu.memref_slice %arg7[%scan3A_294, %get3A_1343, %get3A_1344] : memref<2x16x3072xf32, #tpu.memory_space<vmem>> -> memref<1x16x3072xf32, #tpu.memory_space<vmem>>
        %get3A_1346 = tpu.memref_squeeze %get3A_1345 : memref<1x16x3072xf32, #tpu.memory_space<vmem>> -> memref<16x3072xf32, #tpu.memory_space<vmem>>
        %get3A_1347 = arith.index_cast %get3A_1342 : i32 to index
        %get3A_1348 = arith.index_cast %add3A_1341 : i32 to index
        %get3A_1349 = tpu.vector_load %get3A_1346[%get3A_1347, %get3A_1348] {strides = array<i32>} : memref<16x3072xf32, #tpu.memory_space<vmem>>, vector<16xf32>,
        %mul3A_1350 = arith.mulf %get3A_1349, %get3A_495 : vector<16xf32>
        %add3A_1351 = arith.addf %add3A_1337, %mul3A_1350 : vector<16xf32>
        %mul3A_1352 = arith.constant 128 : i32
        %mul3A_1353 = arith.muli %scan3A_461, %mul3A_1352 : i32
        %add3A_1354 = arith.constant 48 : i32
        %add3A_1355 = arith.addi %mul3A_1353, %add3A_1354 : i32
        %get3A_1356 = arith.constant 7 : i32
        %get3A_1357 = arith.constant 0 : i32
        %get3A_1358 = arith.constant 0 : i32
        %get3A_1359 = tpu.memref_slice %arg7[%scan3A_294, %get3A_1357, %get3A_1358] : memref<2x16x3072xf32, #tpu.memory_space<vmem>> -> memref<1x16x3072xf32, #tpu.memory_space<vmem>>
        %get3A_1360 = tpu.memref_squeeze %get3A_1359 : memref<1x16x3072xf32, #tpu.memory_space<vmem>> -> memref<16x3072xf32, #tpu.memory_space<vmem>>
        %get3A_1361 = arith.index_cast %get3A_1356 : i32 to index
        %get3A_1362 = arith.index_cast %add3A_1355 : i32 to index
        %get3A_1363 = tpu.vector_load %get3A_1360[%get3A_1361, %get3A_1362] {strides = array<i32>} : memref<16x3072xf32, #tpu.memory_space<vmem>>, vector<16xf32>,
        %mul3A_1364 = arith.mulf %get3A_1363, %get3A_501 : vector<16xf32>
        %add3A_1365 = arith.addf %add3A_1351, %mul3A_1364 : vector<16xf32>
        %mul3A_1366 = arith.constant 128 : i32
        %mul3A_1367 = arith.muli %scan3A_461, %mul3A_1366 : i32
        %add3A_1368 = arith.constant 64 : i32
        %add3A_1369 = arith.addi %mul3A_1367, %add3A_1368 : i32
        %get3A_1370 = arith.constant 7 : i32
        %get3A_1371 = arith.constant 0 : i32
        %get3A_1372 = arith.constant 0 : i32
        %get3A_1373 = tpu.memref_slice %arg7[%scan3A_294, %get3A_1371, %get3A_1372] : memref<2x16x3072xf32, #tpu.memory_space<vmem>> -> memref<1x16x3072xf32, #tpu.memory_space<vmem>>
        %get3A_1374 = tpu.memref_squeeze %get3A_1373 : memref<1x16x3072xf32, #tpu.memory_space<vmem>> -> memref<16x3072xf32, #tpu.memory_space<vmem>>
        %get3A_1375 = arith.index_cast %get3A_1370 : i32 to index
        %get3A_1376 = arith.index_cast %add3A_1369 : i32 to index
        %get3A_1377 = tpu.vector_load %get3A_1374[%get3A_1375, %get3A_1376] {strides = array<i32>} : memref<16x3072xf32, #tpu.memory_space<vmem>>, vector<16xf32>,
        %mul3A_1378 = arith.mulf %get3A_1377, %get3A_507 : vector<16xf32>
        %add3A_1379 = arith.addf %add3A_1365, %mul3A_1378 : vector<16xf32>
        %mul3A_1380 = arith.constant 128 : i32
        %mul3A_1381 = arith.muli %scan3A_461, %mul3A_1380 : i32
        %add3A_1382 = arith.constant 80 : i32
        %add3A_1383 = arith.addi %mul3A_1381, %add3A_1382 : i32
        %get3A_1384 = arith.constant 7 : i32
        %get3A_1385 = arith.constant 0 : i32
        %get3A_1386 = arith.constant 0 : i32
        %get3A_1387 = tpu.memref_slice %arg7[%scan3A_294, %get3A_1385, %get3A_1386] : memref<2x16x3072xf32, #tpu.memory_space<vmem>> -> memref<1x16x3072xf32, #tpu.memory_space<vmem>>
        %get3A_1388 = tpu.memref_squeeze %get3A_1387 : memref<1x16x3072xf32, #tpu.memory_space<vmem>> -> memref<16x3072xf32, #tpu.memory_space<vmem>>
        %get3A_1389 = arith.index_cast %get3A_1384 : i32 to index
        %get3A_1390 = arith.index_cast %add3A_1383 : i32 to index
        %get3A_1391 = tpu.vector_load %get3A_1388[%get3A_1389, %get3A_1390] {strides = array<i32>} : memref<16x3072xf32, #tpu.memory_space<vmem>>, vector<16xf32>,
        %mul3A_1392 = arith.mulf %get3A_1391, %get3A_513 : vector<16xf32>
        %add3A_1393 = arith.addf %add3A_1379, %mul3A_1392 : vector<16xf32>
        %mul3A_1394 = arith.constant 128 : i32
        %mul3A_1395 = arith.muli %scan3A_461, %mul3A_1394 : i32
        %add3A_1396 = arith.constant 96 : i32
        %add3A_1397 = arith.addi %mul3A_1395, %add3A_1396 : i32
        %get3A_1398 = arith.constant 7 : i32
        %get3A_1399 = arith.constant 0 : i32
        %get3A_1400 = arith.constant 0 : i32
        %get3A_1401 = tpu.memref_slice %arg7[%scan3A_294, %get3A_1399, %get3A_1400] : memref<2x16x3072xf32, #tpu.memory_space<vmem>> -> memref<1x16x3072xf32, #tpu.memory_space<vmem>>
        %get3A_1402 = tpu.memref_squeeze %get3A_1401 : memref<1x16x3072xf32, #tpu.memory_space<vmem>> -> memref<16x3072xf32, #tpu.memory_space<vmem>>
        %get3A_1403 = arith.index_cast %get3A_1398 : i32 to index
        %get3A_1404 = arith.index_cast %add3A_1397 : i32 to index
        %get3A_1405 = tpu.vector_load %get3A_1402[%get3A_1403, %get3A_1404] {strides = array<i32>} : memref<16x3072xf32, #tpu.memory_space<vmem>>, vector<16xf32>,
        %mul3A_1406 = arith.mulf %get3A_1405, %get3A_519 : vector<16xf32>
        %add3A_1407 = arith.addf %add3A_1393, %mul3A_1406 : vector<16xf32>
        %mul3A_1408 = arith.constant 128 : i32
        %mul3A_1409 = arith.muli %scan3A_461, %mul3A_1408 : i32
        %add3A_1410 = arith.constant 112 : i32
        %add3A_1411 = arith.addi %mul3A_1409, %add3A_1410 : i32
        %get3A_1412 = arith.constant 7 : i32
        %get3A_1413 = arith.constant 0 : i32
        %get3A_1414 = arith.constant 0 : i32
        %get3A_1415 = tpu.memref_slice %arg7[%scan3A_294, %get3A_1413, %get3A_1414] : memref<2x16x3072xf32, #tpu.memory_space<vmem>> -> memref<1x16x3072xf32, #tpu.memory_space<vmem>>
        %get3A_1416 = tpu.memref_squeeze %get3A_1415 : memref<1x16x3072xf32, #tpu.memory_space<vmem>> -> memref<16x3072xf32, #tpu.memory_space<vmem>>
        %get3A_1417 = arith.index_cast %get3A_1412 : i32 to index
        %get3A_1418 = arith.index_cast %add3A_1411 : i32 to index
        %get3A_1419 = tpu.vector_load %get3A_1416[%get3A_1417, %get3A_1418] {strides = array<i32>} : memref<16x3072xf32, #tpu.memory_space<vmem>>, vector<16xf32>,
        %mul3A_1420 = arith.mulf %get3A_1419, %get3A_525 : vector<16xf32>
        %add3A_1421 = arith.addf %add3A_1407, %mul3A_1420 : vector<16xf32>
        %mul3A_1422 = arith.constant 128 : i32
        %mul3A_1423 = arith.muli %scan3A_461, %mul3A_1422 : i32
        %add3A_1424 = arith.constant 0 : i32
        %add3A_1425 = arith.addi %mul3A_1423, %add3A_1424 : i32
        %get3A_1426 = arith.constant 8 : i32
        %get3A_1427 = arith.constant 0 : i32
        %get3A_1428 = arith.constant 0 : i32
        %get3A_1429 = tpu.memref_slice %arg7[%scan3A_294, %get3A_1427, %get3A_1428] : memref<2x16x3072xf32, #tpu.memory_space<vmem>> -> memref<1x16x3072xf32, #tpu.memory_space<vmem>>
        %get3A_1430 = tpu.memref_squeeze %get3A_1429 : memref<1x16x3072xf32, #tpu.memory_space<vmem>> -> memref<16x3072xf32, #tpu.memory_space<vmem>>
        %get3A_1431 = arith.index_cast %get3A_1426 : i32 to index
        %get3A_1432 = arith.index_cast %add3A_1425 : i32 to index
        %get3A_1433 = tpu.vector_load %get3A_1430[%get3A_1431, %get3A_1432] {strides = array<i32>} : memref<16x3072xf32, #tpu.memory_space<vmem>>, vector<16xf32>,
        %mul3A_1434 = arith.mulf %get3A_1433, %get3A_483 : vector<16xf32>
        %add3A_1435 = arith.addf %scan3A_470, %mul3A_1434 : vector<16xf32>
        %mul3A_1436 = arith.constant 128 : i32
        %mul3A_1437 = arith.muli %scan3A_461, %mul3A_1436 : i32
        %add3A_1438 = arith.constant 16 : i32
        %add3A_1439 = arith.addi %mul3A_1437, %add3A_1438 : i32
        %get3A_1440 = arith.constant 8 : i32
        %get3A_1441 = arith.constant 0 : i32
        %get3A_1442 = arith.constant 0 : i32
        %get3A_1443 = tpu.memref_slice %arg7[%scan3A_294, %get3A_1441, %get3A_1442] : memref<2x16x3072xf32, #tpu.memory_space<vmem>> -> memref<1x16x3072xf32, #tpu.memory_space<vmem>>
        %get3A_1444 = tpu.memref_squeeze %get3A_1443 : memref<1x16x3072xf32, #tpu.memory_space<vmem>> -> memref<16x3072xf32, #tpu.memory_space<vmem>>
        %get3A_1445 = arith.index_cast %get3A_1440 : i32 to index
        %get3A_1446 = arith.index_cast %add3A_1439 : i32 to index
        %get3A_1447 = tpu.vector_load %get3A_1444[%get3A_1445, %get3A_1446] {strides = array<i32>} : memref<16x3072xf32, #tpu.memory_space<vmem>>, vector<16xf32>,
        %mul3A_1448 = arith.mulf %get3A_1447, %get3A_489 : vector<16xf32>
        %add3A_1449 = arith.addf %add3A_1435, %mul3A_1448 : vector<16xf32>
        %mul3A_1450 = arith.constant 128 : i32
        %mul3A_1451 = arith.muli %scan3A_461, %mul3A_1450 : i32
        %add3A_1452 = arith.constant 32 : i32
        %add3A_1453 = arith.addi %mul3A_1451, %add3A_1452 : i32
        %get3A_1454 = arith.constant 8 : i32
        %get3A_1455 = arith.constant 0 : i32
        %get3A_1456 = arith.constant 0 : i32
        %get3A_1457 = tpu.memref_slice %arg7[%scan3A_294, %get3A_1455, %get3A_1456] : memref<2x16x3072xf32, #tpu.memory_space<vmem>> -> memref<1x16x3072xf32, #tpu.memory_space<vmem>>
        %get3A_1458 = tpu.memref_squeeze %get3A_1457 : memref<1x16x3072xf32, #tpu.memory_space<vmem>> -> memref<16x3072xf32, #tpu.memory_space<vmem>>
        %get3A_1459 = arith.index_cast %get3A_1454 : i32 to index
        %get3A_1460 = arith.index_cast %add3A_1453 : i32 to index
        %get3A_1461 = tpu.vector_load %get3A_1458[%get3A_1459, %get3A_1460] {strides = array<i32>} : memref<16x3072xf32, #tpu.memory_space<vmem>>, vector<16xf32>,
        %mul3A_1462 = arith.mulf %get3A_1461, %get3A_495 : vector<16xf32>
        %add3A_1463 = arith.addf %add3A_1449, %mul3A_1462 : vector<16xf32>
        %mul3A_1464 = arith.constant 128 : i32
        %mul3A_1465 = arith.muli %scan3A_461, %mul3A_1464 : i32
        %add3A_1466 = arith.constant 48 : i32
        %add3A_1467 = arith.addi %mul3A_1465, %add3A_1466 : i32
        %get3A_1468 = arith.constant 8 : i32
        %get3A_1469 = arith.constant 0 : i32
        %get3A_1470 = arith.constant 0 : i32
        %get3A_1471 = tpu.memref_slice %arg7[%scan3A_294, %get3A_1469, %get3A_1470] : memref<2x16x3072xf32, #tpu.memory_space<vmem>> -> memref<1x16x3072xf32, #tpu.memory_space<vmem>>
        %get3A_1472 = tpu.memref_squeeze %get3A_1471 : memref<1x16x3072xf32, #tpu.memory_space<vmem>> -> memref<16x3072xf32, #tpu.memory_space<vmem>>
        %get3A_1473 = arith.index_cast %get3A_1468 : i32 to index
        %get3A_1474 = arith.index_cast %add3A_1467 : i32 to index
        %get3A_1475 = tpu.vector_load %get3A_1472[%get3A_1473, %get3A_1474] {strides = array<i32>} : memref<16x3072xf32, #tpu.memory_space<vmem>>, vector<16xf32>,
        %mul3A_1476 = arith.mulf %get3A_1475, %get3A_501 : vector<16xf32>
        %add3A_1477 = arith.addf %add3A_1463, %mul3A_1476 : vector<16xf32>
        %mul3A_1478 = arith.constant 128 : i32
        %mul3A_1479 = arith.muli %scan3A_461, %mul3A_1478 : i32
        %add3A_1480 = arith.constant 64 : i32
        %add3A_1481 = arith.addi %mul3A_1479, %add3A_1480 : i32
        %get3A_1482 = arith.constant 8 : i32
        %get3A_1483 = arith.constant 0 : i32
        %get3A_1484 = arith.constant 0 : i32
        %get3A_1485 = tpu.memref_slice %arg7[%scan3A_294, %get3A_1483, %get3A_1484] : memref<2x16x3072xf32, #tpu.memory_space<vmem>> -> memref<1x16x3072xf32, #tpu.memory_space<vmem>>
        %get3A_1486 = tpu.memref_squeeze %get3A_1485 : memref<1x16x3072xf32, #tpu.memory_space<vmem>> -> memref<16x3072xf32, #tpu.memory_space<vmem>>
        %get3A_1487 = arith.index_cast %get3A_1482 : i32 to index
        %get3A_1488 = arith.index_cast %add3A_1481 : i32 to index
        %get3A_1489 = tpu.vector_load %get3A_1486[%get3A_1487, %get3A_1488] {strides = array<i32>} : memref<16x3072xf32, #tpu.memory_space<vmem>>, vector<16xf32>,
        %mul3A_1490 = arith.mulf %get3A_1489, %get3A_507 : vector<16xf32>
        %add3A_1491 = arith.addf %add3A_1477, %mul3A_1490 : vector<16xf32>
        %mul3A_1492 = arith.constant 128 : i32
        %mul3A_1493 = arith.muli %scan3A_461, %mul3A_1492 : i32
        %add3A_1494 = arith.constant 80 : i32
        %add3A_1495 = arith.addi %mul3A_1493, %add3A_1494 : i32
        %get3A_1496 = arith.constant 8 : i32
        %get3A_1497 = arith.constant 0 : i32
        %get3A_1498 = arith.constant 0 : i32
        %get3A_1499 = tpu.memref_slice %arg7[%scan3A_294, %get3A_1497, %get3A_1498] : memref<2x16x3072xf32, #tpu.memory_space<vmem>> -> memref<1x16x3072xf32, #tpu.memory_space<vmem>>
        %get3A_1500 = tpu.memref_squeeze %get3A_1499 : memref<1x16x3072xf32, #tpu.memory_space<vmem>> -> memref<16x3072xf32, #tpu.memory_space<vmem>>
        %get3A_1501 = arith.index_cast %get3A_1496 : i32 to index
        %get3A_1502 = arith.index_cast %add3A_1495 : i32 to index
        %get3A_1503 = tpu.vector_load %get3A_1500[%get3A_1501, %get3A_1502] {strides = array<i32>} : memref<16x3072xf32, #tpu.memory_space<vmem>>, vector<16xf32>,
        %mul3A_1504 = arith.mulf %get3A_1503, %get3A_513 : vector<16xf32>
        %add3A_1505 = arith.addf %add3A_1491, %mul3A_1504 : vector<16xf32>
        %mul3A_1506 = arith.constant 128 : i32
        %mul3A_1507 = arith.muli %scan3A_461, %mul3A_1506 : i32
        %add3A_1508 = arith.constant 96 : i32
        %add3A_1509 = arith.addi %mul3A_1507, %add3A_1508 : i32
        %get3A_1510 = arith.constant 8 : i32
        %get3A_1511 = arith.constant 0 : i32
        %get3A_1512 = arith.constant 0 : i32
        %get3A_1513 = tpu.memref_slice %arg7[%scan3A_294, %get3A_1511, %get3A_1512] : memref<2x16x3072xf32, #tpu.memory_space<vmem>> -> memref<1x16x3072xf32, #tpu.memory_space<vmem>>
        %get3A_1514 = tpu.memref_squeeze %get3A_1513 : memref<1x16x3072xf32, #tpu.memory_space<vmem>> -> memref<16x3072xf32, #tpu.memory_space<vmem>>
        %get3A_1515 = arith.index_cast %get3A_1510 : i32 to index
        %get3A_1516 = arith.index_cast %add3A_1509 : i32 to index
        %get3A_1517 = tpu.vector_load %get3A_1514[%get3A_1515, %get3A_1516] {strides = array<i32>} : memref<16x3072xf32, #tpu.memory_space<vmem>>, vector<16xf32>,
        %mul3A_1518 = arith.mulf %get3A_1517, %get3A_519 : vector<16xf32>
        %add3A_1519 = arith.addf %add3A_1505, %mul3A_1518 : vector<16xf32>
        %mul3A_1520 = arith.constant 128 : i32
        %mul3A_1521 = arith.muli %scan3A_461, %mul3A_1520 : i32
        %add3A_1522 = arith.constant 112 : i32
        %add3A_1523 = arith.addi %mul3A_1521, %add3A_1522 : i32
        %get3A_1524 = arith.constant 8 : i32
        %get3A_1525 = arith.constant 0 : i32
        %get3A_1526 = arith.constant 0 : i32
        %get3A_1527 = tpu.memref_slice %arg7[%scan3A_294, %get3A_1525, %get3A_1526] : memref<2x16x3072xf32, #tpu.memory_space<vmem>> -> memref<1x16x3072xf32, #tpu.memory_space<vmem>>
        %get3A_1528 = tpu.memref_squeeze %get3A_1527 : memref<1x16x3072xf32, #tpu.memory_space<vmem>> -> memref<16x3072xf32, #tpu.memory_space<vmem>>
        %get3A_1529 = arith.index_cast %get3A_1524 : i32 to index
        %get3A_1530 = arith.index_cast %add3A_1523 : i32 to index
        %get3A_1531 = tpu.vector_load %get3A_1528[%get3A_1529, %get3A_1530] {strides = array<i32>} : memref<16x3072xf32, #tpu.memory_space<vmem>>, vector<16xf32>,
        %mul3A_1532 = arith.mulf %get3A_1531, %get3A_525 : vector<16xf32>
        %add3A_1533 = arith.addf %add3A_1519, %mul3A_1532 : vector<16xf32>
        %mul3A_1534 = arith.constant 128 : i32
        %mul3A_1535 = arith.muli %scan3A_461, %mul3A_1534 : i32
        %add3A_1536 = arith.constant 0 : i32
        %add3A_1537 = arith.addi %mul3A_1535, %add3A_1536 : i32
        %get3A_1538 = arith.constant 9 : i32
        %get3A_1539 = arith.constant 0 : i32
        %get3A_1540 = arith.constant 0 : i32
        %get3A_1541 = tpu.memref_slice %arg7[%scan3A_294, %get3A_1539, %get3A_1540] : memref<2x16x3072xf32, #tpu.memory_space<vmem>> -> memref<1x16x3072xf32, #tpu.memory_space<vmem>>
        %get3A_1542 = tpu.memref_squeeze %get3A_1541 : memref<1x16x3072xf32, #tpu.memory_space<vmem>> -> memref<16x3072xf32, #tpu.memory_space<vmem>>
        %get3A_1543 = arith.index_cast %get3A_1538 : i32 to index
        %get3A_1544 = arith.index_cast %add3A_1537 : i32 to index
        %get3A_1545 = tpu.vector_load %get3A_1542[%get3A_1543, %get3A_1544] {strides = array<i32>} : memref<16x3072xf32, #tpu.memory_space<vmem>>, vector<16xf32>,
        %mul3A_1546 = arith.mulf %get3A_1545, %get3A_483 : vector<16xf32>
        %add3A_1547 = arith.addf %scan3A_471, %mul3A_1546 : vector<16xf32>
        %mul3A_1548 = arith.constant 128 : i32
        %mul3A_1549 = arith.muli %scan3A_461, %mul3A_1548 : i32
        %add3A_1550 = arith.constant 16 : i32
        %add3A_1551 = arith.addi %mul3A_1549, %add3A_1550 : i32
        %get3A_1552 = arith.constant 9 : i32
        %get3A_1553 = arith.constant 0 : i32
        %get3A_1554 = arith.constant 0 : i32
        %get3A_1555 = tpu.memref_slice %arg7[%scan3A_294, %get3A_1553, %get3A_1554] : memref<2x16x3072xf32, #tpu.memory_space<vmem>> -> memref<1x16x3072xf32, #tpu.memory_space<vmem>>
        %get3A_1556 = tpu.memref_squeeze %get3A_1555 : memref<1x16x3072xf32, #tpu.memory_space<vmem>> -> memref<16x3072xf32, #tpu.memory_space<vmem>>
        %get3A_1557 = arith.index_cast %get3A_1552 : i32 to index
        %get3A_1558 = arith.index_cast %add3A_1551 : i32 to index
        %get3A_1559 = tpu.vector_load %get3A_1556[%get3A_1557, %get3A_1558] {strides = array<i32>} : memref<16x3072xf32, #tpu.memory_space<vmem>>, vector<16xf32>,
        %mul3A_1560 = arith.mulf %get3A_1559, %get3A_489 : vector<16xf32>
        %add3A_1561 = arith.addf %add3A_1547, %mul3A_1560 : vector<16xf32>
        %mul3A_1562 = arith.constant 128 : i32
        %mul3A_1563 = arith.muli %scan3A_461, %mul3A_1562 : i32
        %add3A_1564 = arith.constant 32 : i32
        %add3A_1565 = arith.addi %mul3A_1563, %add3A_1564 : i32
        %get3A_1566 = arith.constant 9 : i32
        %get3A_1567 = arith.constant 0 : i32
        %get3A_1568 = arith.constant 0 : i32
        %get3A_1569 = tpu.memref_slice %arg7[%scan3A_294, %get3A_1567, %get3A_1568] : memref<2x16x3072xf32, #tpu.memory_space<vmem>> -> memref<1x16x3072xf32, #tpu.memory_space<vmem>>
        %get3A_1570 = tpu.memref_squeeze %get3A_1569 : memref<1x16x3072xf32, #tpu.memory_space<vmem>> -> memref<16x3072xf32, #tpu.memory_space<vmem>>
        %get3A_1571 = arith.index_cast %get3A_1566 : i32 to index
        %get3A_1572 = arith.index_cast %add3A_1565 : i32 to index
        %get3A_1573 = tpu.vector_load %get3A_1570[%get3A_1571, %get3A_1572] {strides = array<i32>} : memref<16x3072xf32, #tpu.memory_space<vmem>>, vector<16xf32>,
        %mul3A_1574 = arith.mulf %get3A_1573, %get3A_495 : vector<16xf32>
        %add3A_1575 = arith.addf %add3A_1561, %mul3A_1574 : vector<16xf32>
        %mul3A_1576 = arith.constant 128 : i32
        %mul3A_1577 = arith.muli %scan3A_461, %mul3A_1576 : i32
        %add3A_1578 = arith.constant 48 : i32
        %add3A_1579 = arith.addi %mul3A_1577, %add3A_1578 : i32
        %get3A_1580 = arith.constant 9 : i32
        %get3A_1581 = arith.constant 0 : i32
        %get3A_1582 = arith.constant 0 : i32
        %get3A_1583 = tpu.memref_slice %arg7[%scan3A_294, %get3A_1581, %get3A_1582] : memref<2x16x3072xf32, #tpu.memory_space<vmem>> -> memref<1x16x3072xf32, #tpu.memory_space<vmem>>
        %get3A_1584 = tpu.memref_squeeze %get3A_1583 : memref<1x16x3072xf32, #tpu.memory_space<vmem>> -> memref<16x3072xf32, #tpu.memory_space<vmem>>
        %get3A_1585 = arith.index_cast %get3A_1580 : i32 to index
        %get3A_1586 = arith.index_cast %add3A_1579 : i32 to index
        %get3A_1587 = tpu.vector_load %get3A_1584[%get3A_1585, %get3A_1586] {strides = array<i32>} : memref<16x3072xf32, #tpu.memory_space<vmem>>, vector<16xf32>,
        %mul3A_1588 = arith.mulf %get3A_1587, %get3A_501 : vector<16xf32>
        %add3A_1589 = arith.addf %add3A_1575, %mul3A_1588 : vector<16xf32>
        %mul3A_1590 = arith.constant 128 : i32
        %mul3A_1591 = arith.muli %scan3A_461, %mul3A_1590 : i32
        %add3A_1592 = arith.constant 64 : i32
        %add3A_1593 = arith.addi %mul3A_1591, %add3A_1592 : i32
        %get3A_1594 = arith.constant 9 : i32
        %get3A_1595 = arith.constant 0 : i32
        %get3A_1596 = arith.constant 0 : i32
        %get3A_1597 = tpu.memref_slice %arg7[%scan3A_294, %get3A_1595, %get3A_1596] : memref<2x16x3072xf32, #tpu.memory_space<vmem>> -> memref<1x16x3072xf32, #tpu.memory_space<vmem>>
        %get3A_1598 = tpu.memref_squeeze %get3A_1597 : memref<1x16x3072xf32, #tpu.memory_space<vmem>> -> memref<16x3072xf32, #tpu.memory_space<vmem>>
        %get3A_1599 = arith.index_cast %get3A_1594 : i32 to index
        %get3A_1600 = arith.index_cast %add3A_1593 : i32 to index
        %get3A_1601 = tpu.vector_load %get3A_1598[%get3A_1599, %get3A_1600] {strides = array<i32>} : memref<16x3072xf32, #tpu.memory_space<vmem>>, vector<16xf32>,
        %mul3A_1602 = arith.mulf %get3A_1601, %get3A_507 : vector<16xf32>
        %add3A_1603 = arith.addf %add3A_1589, %mul3A_1602 : vector<16xf32>
        %mul3A_1604 = arith.constant 128 : i32
        %mul3A_1605 = arith.muli %scan3A_461, %mul3A_1604 : i32
        %add3A_1606 = arith.constant 80 : i32
        %add3A_1607 = arith.addi %mul3A_1605, %add3A_1606 : i32
        %get3A_1608 = arith.constant 9 : i32
        %get3A_1609 = arith.constant 0 : i32
        %get3A_1610 = arith.constant 0 : i32
        %get3A_1611 = tpu.memref_slice %arg7[%scan3A_294, %get3A_1609, %get3A_1610] : memref<2x16x3072xf32, #tpu.memory_space<vmem>> -> memref<1x16x3072xf32, #tpu.memory_space<vmem>>
        %get3A_1612 = tpu.memref_squeeze %get3A_1611 : memref<1x16x3072xf32, #tpu.memory_space<vmem>> -> memref<16x3072xf32, #tpu.memory_space<vmem>>
        %get3A_1613 = arith.index_cast %get3A_1608 : i32 to index
        %get3A_1614 = arith.index_cast %add3A_1607 : i32 to index
        %get3A_1615 = tpu.vector_load %get3A_1612[%get3A_1613, %get3A_1614] {strides = array<i32>} : memref<16x3072xf32, #tpu.memory_space<vmem>>, vector<16xf32>,
        %mul3A_1616 = arith.mulf %get3A_1615, %get3A_513 : vector<16xf32>
        %add3A_1617 = arith.addf %add3A_1603, %mul3A_1616 : vector<16xf32>
        %mul3A_1618 = arith.constant 128 : i32
        %mul3A_1619 = arith.muli %scan3A_461, %mul3A_1618 : i32
        %add3A_1620 = arith.constant 96 : i32
        %add3A_1621 = arith.addi %mul3A_1619, %add3A_1620 : i32
        %get3A_1622 = arith.constant 9 : i32
        %get3A_1623 = arith.constant 0 : i32
        %get3A_1624 = arith.constant 0 : i32
        %get3A_1625 = tpu.memref_slice %arg7[%scan3A_294, %get3A_1623, %get3A_1624] : memref<2x16x3072xf32, #tpu.memory_space<vmem>> -> memref<1x16x3072xf32, #tpu.memory_space<vmem>>
        %get3A_1626 = tpu.memref_squeeze %get3A_1625 : memref<1x16x3072xf32, #tpu.memory_space<vmem>> -> memref<16x3072xf32, #tpu.memory_space<vmem>>
        %get3A_1627 = arith.index_cast %get3A_1622 : i32 to index
        %get3A_1628 = arith.index_cast %add3A_1621 : i32 to index
        %get3A_1629 = tpu.vector_load %get3A_1626[%get3A_1627, %get3A_1628] {strides = array<i32>} : memref<16x3072xf32, #tpu.memory_space<vmem>>, vector<16xf32>,
        %mul3A_1630 = arith.mulf %get3A_1629, %get3A_519 : vector<16xf32>
        %add3A_1631 = arith.addf %add3A_1617, %mul3A_1630 : vector<16xf32>
        %mul3A_1632 = arith.constant 128 : i32
        %mul3A_1633 = arith.muli %scan3A_461, %mul3A_1632 : i32
        %add3A_1634 = arith.constant 112 : i32
        %add3A_1635 = arith.addi %mul3A_1633, %add3A_1634 : i32
        %get3A_1636 = arith.constant 9 : i32
        %get3A_1637 = arith.constant 0 : i32
        %get3A_1638 = arith.constant 0 : i32
        %get3A_1639 = tpu.memref_slice %arg7[%scan3A_294, %get3A_1637, %get3A_1638] : memref<2x16x3072xf32, #tpu.memory_space<vmem>> -> memref<1x16x3072xf32, #tpu.memory_space<vmem>>
        %get3A_1640 = tpu.memref_squeeze %get3A_1639 : memref<1x16x3072xf32, #tpu.memory_space<vmem>> -> memref<16x3072xf32, #tpu.memory_space<vmem>>
        %get3A_1641 = arith.index_cast %get3A_1636 : i32 to index
        %get3A_1642 = arith.index_cast %add3A_1635 : i32 to index
        %get3A_1643 = tpu.vector_load %get3A_1640[%get3A_1641, %get3A_1642] {strides = array<i32>} : memref<16x3072xf32, #tpu.memory_space<vmem>>, vector<16xf32>,
        %mul3A_1644 = arith.mulf %get3A_1643, %get3A_525 : vector<16xf32>
        %add3A_1645 = arith.addf %add3A_1631, %mul3A_1644 : vector<16xf32>
        %mul3A_1646 = arith.constant 128 : i32
        %mul3A_1647 = arith.muli %scan3A_461, %mul3A_1646 : i32
        %add3A_1648 = arith.constant 0 : i32
        %add3A_1649 = arith.addi %mul3A_1647, %add3A_1648 : i32
        %get3A_1650 = arith.constant 10 : i32
        %get3A_1651 = arith.constant 0 : i32
        %get3A_1652 = arith.constant 0 : i32
        %get3A_1653 = tpu.memref_slice %arg7[%scan3A_294, %get3A_1651, %get3A_1652] : memref<2x16x3072xf32, #tpu.memory_space<vmem>> -> memref<1x16x3072xf32, #tpu.memory_space<vmem>>
        %get3A_1654 = tpu.memref_squeeze %get3A_1653 : memref<1x16x3072xf32, #tpu.memory_space<vmem>> -> memref<16x3072xf32, #tpu.memory_space<vmem>>
        %get3A_1655 = arith.index_cast %get3A_1650 : i32 to index
        %get3A_1656 = arith.index_cast %add3A_1649 : i32 to index
        %get3A_1657 = tpu.vector_load %get3A_1654[%get3A_1655, %get3A_1656] {strides = array<i32>} : memref<16x3072xf32, #tpu.memory_space<vmem>>, vector<16xf32>,
        %mul3A_1658 = arith.mulf %get3A_1657, %get3A_483 : vector<16xf32>
        %add3A_1659 = arith.addf %scan3A_472, %mul3A_1658 : vector<16xf32>
        %mul3A_1660 = arith.constant 128 : i32
        %mul3A_1661 = arith.muli %scan3A_461, %mul3A_1660 : i32
        %add3A_1662 = arith.constant 16 : i32
        %add3A_1663 = arith.addi %mul3A_1661, %add3A_1662 : i32
        %get3A_1664 = arith.constant 10 : i32
        %get3A_1665 = arith.constant 0 : i32
        %get3A_1666 = arith.constant 0 : i32
        %get3A_1667 = tpu.memref_slice %arg7[%scan3A_294, %get3A_1665, %get3A_1666] : memref<2x16x3072xf32, #tpu.memory_space<vmem>> -> memref<1x16x3072xf32, #tpu.memory_space<vmem>>
        %get3A_1668 = tpu.memref_squeeze %get3A_1667 : memref<1x16x3072xf32, #tpu.memory_space<vmem>> -> memref<16x3072xf32, #tpu.memory_space<vmem>>
        %get3A_1669 = arith.index_cast %get3A_1664 : i32 to index
        %get3A_1670 = arith.index_cast %add3A_1663 : i32 to index
        %get3A_1671 = tpu.vector_load %get3A_1668[%get3A_1669, %get3A_1670] {strides = array<i32>} : memref<16x3072xf32, #tpu.memory_space<vmem>>, vector<16xf32>,
        %mul3A_1672 = arith.mulf %get3A_1671, %get3A_489 : vector<16xf32>
        %add3A_1673 = arith.addf %add3A_1659, %mul3A_1672 : vector<16xf32>
        %mul3A_1674 = arith.constant 128 : i32
        %mul3A_1675 = arith.muli %scan3A_461, %mul3A_1674 : i32
        %add3A_1676 = arith.constant 32 : i32
        %add3A_1677 = arith.addi %mul3A_1675, %add3A_1676 : i32
        %get3A_1678 = arith.constant 10 : i32
        %get3A_1679 = arith.constant 0 : i32
        %get3A_1680 = arith.constant 0 : i32
        %get3A_1681 = tpu.memref_slice %arg7[%scan3A_294, %get3A_1679, %get3A_1680] : memref<2x16x3072xf32, #tpu.memory_space<vmem>> -> memref<1x16x3072xf32, #tpu.memory_space<vmem>>
        %get3A_1682 = tpu.memref_squeeze %get3A_1681 : memref<1x16x3072xf32, #tpu.memory_space<vmem>> -> memref<16x3072xf32, #tpu.memory_space<vmem>>
        %get3A_1683 = arith.index_cast %get3A_1678 : i32 to index
        %get3A_1684 = arith.index_cast %add3A_1677 : i32 to index
        %get3A_1685 = tpu.vector_load %get3A_1682[%get3A_1683, %get3A_1684] {strides = array<i32>} : memref<16x3072xf32, #tpu.memory_space<vmem>>, vector<16xf32>,
        %mul3A_1686 = arith.mulf %get3A_1685, %get3A_495 : vector<16xf32>
        %add3A_1687 = arith.addf %add3A_1673, %mul3A_1686 : vector<16xf32>
        %mul3A_1688 = arith.constant 128 : i32
        %mul3A_1689 = arith.muli %scan3A_461, %mul3A_1688 : i32
        %add3A_1690 = arith.constant 48 : i32
        %add3A_1691 = arith.addi %mul3A_1689, %add3A_1690 : i32
        %get3A_1692 = arith.constant 10 : i32
        %get3A_1693 = arith.constant 0 : i32
        %get3A_1694 = arith.constant 0 : i32
        %get3A_1695 = tpu.memref_slice %arg7[%scan3A_294, %get3A_1693, %get3A_1694] : memref<2x16x3072xf32, #tpu.memory_space<vmem>> -> memref<1x16x3072xf32, #tpu.memory_space<vmem>>
        %get3A_1696 = tpu.memref_squeeze %get3A_1695 : memref<1x16x3072xf32, #tpu.memory_space<vmem>> -> memref<16x3072xf32, #tpu.memory_space<vmem>>
        %get3A_1697 = arith.index_cast %get3A_1692 : i32 to index
        %get3A_1698 = arith.index_cast %add3A_1691 : i32 to index
        %get3A_1699 = tpu.vector_load %get3A_1696[%get3A_1697, %get3A_1698] {strides = array<i32>} : memref<16x3072xf32, #tpu.memory_space<vmem>>, vector<16xf32>,
        %mul3A_1700 = arith.mulf %get3A_1699, %get3A_501 : vector<16xf32>
        %add3A_1701 = arith.addf %add3A_1687, %mul3A_1700 : vector<16xf32>
        %mul3A_1702 = arith.constant 128 : i32
        %mul3A_1703 = arith.muli %scan3A_461, %mul3A_1702 : i32
        %add3A_1704 = arith.constant 64 : i32
        %add3A_1705 = arith.addi %mul3A_1703, %add3A_1704 : i32
        %get3A_1706 = arith.constant 10 : i32
        %get3A_1707 = arith.constant 0 : i32
        %get3A_1708 = arith.constant 0 : i32
        %get3A_1709 = tpu.memref_slice %arg7[%scan3A_294, %get3A_1707, %get3A_1708] : memref<2x16x3072xf32, #tpu.memory_space<vmem>> -> memref<1x16x3072xf32, #tpu.memory_space<vmem>>
        %get3A_1710 = tpu.memref_squeeze %get3A_1709 : memref<1x16x3072xf32, #tpu.memory_space<vmem>> -> memref<16x3072xf32, #tpu.memory_space<vmem>>
        %get3A_1711 = arith.index_cast %get3A_1706 : i32 to index
        %get3A_1712 = arith.index_cast %add3A_1705 : i32 to index
        %get3A_1713 = tpu.vector_load %get3A_1710[%get3A_1711, %get3A_1712] {strides = array<i32>} : memref<16x3072xf32, #tpu.memory_space<vmem>>, vector<16xf32>,
        %mul3A_1714 = arith.mulf %get3A_1713, %get3A_507 : vector<16xf32>
        %add3A_1715 = arith.addf %add3A_1701, %mul3A_1714 : vector<16xf32>
        %mul3A_1716 = arith.constant 128 : i32
        %mul3A_1717 = arith.muli %scan3A_461, %mul3A_1716 : i32
        %add3A_1718 = arith.constant 80 : i32
        %add3A_1719 = arith.addi %mul3A_1717, %add3A_1718 : i32
        %get3A_1720 = arith.constant 10 : i32
        %get3A_1721 = arith.constant 0 : i32
        %get3A_1722 = arith.constant 0 : i32
        %get3A_1723 = tpu.memref_slice %arg7[%scan3A_294, %get3A_1721, %get3A_1722] : memref<2x16x3072xf32, #tpu.memory_space<vmem>> -> memref<1x16x3072xf32, #tpu.memory_space<vmem>>
        %get3A_1724 = tpu.memref_squeeze %get3A_1723 : memref<1x16x3072xf32, #tpu.memory_space<vmem>> -> memref<16x3072xf32, #tpu.memory_space<vmem>>
        %get3A_1725 = arith.index_cast %get3A_1720 : i32 to index
        %get3A_1726 = arith.index_cast %add3A_1719 : i32 to index
        %get3A_1727 = tpu.vector_load %get3A_1724[%get3A_1725, %get3A_1726] {strides = array<i32>} : memref<16x3072xf32, #tpu.memory_space<vmem>>, vector<16xf32>,
        %mul3A_1728 = arith.mulf %get3A_1727, %get3A_513 : vector<16xf32>
        %add3A_1729 = arith.addf %add3A_1715, %mul3A_1728 : vector<16xf32>
        %mul3A_1730 = arith.constant 128 : i32
        %mul3A_1731 = arith.muli %scan3A_461, %mul3A_1730 : i32
        %add3A_1732 = arith.constant 96 : i32
        %add3A_1733 = arith.addi %mul3A_1731, %add3A_1732 : i32
        %get3A_1734 = arith.constant 10 : i32
        %get3A_1735 = arith.constant 0 : i32
        %get3A_1736 = arith.constant 0 : i32
        %get3A_1737 = tpu.memref_slice %arg7[%scan3A_294, %get3A_1735, %get3A_1736] : memref<2x16x3072xf32, #tpu.memory_space<vmem>> -> memref<1x16x3072xf32, #tpu.memory_space<vmem>>
        %get3A_1738 = tpu.memref_squeeze %get3A_1737 : memref<1x16x3072xf32, #tpu.memory_space<vmem>> -> memref<16x3072xf32, #tpu.memory_space<vmem>>
        %get3A_1739 = arith.index_cast %get3A_1734 : i32 to index
        %get3A_1740 = arith.index_cast %add3A_1733 : i32 to index
        %get3A_1741 = tpu.vector_load %get3A_1738[%get3A_1739, %get3A_1740] {strides = array<i32>} : memref<16x3072xf32, #tpu.memory_space<vmem>>, vector<16xf32>,
        %mul3A_1742 = arith.mulf %get3A_1741, %get3A_519 : vector<16xf32>
        %add3A_1743 = arith.addf %add3A_1729, %mul3A_1742 : vector<16xf32>
        %mul3A_1744 = arith.constant 128 : i32
        %mul3A_1745 = arith.muli %scan3A_461, %mul3A_1744 : i32
        %add3A_1746 = arith.constant 112 : i32
        %add3A_1747 = arith.addi %mul3A_1745, %add3A_1746 : i32
        %get3A_1748 = arith.constant 10 : i32
        %get3A_1749 = arith.constant 0 : i32
        %get3A_1750 = arith.constant 0 : i32
        %get3A_1751 = tpu.memref_slice %arg7[%scan3A_294, %get3A_1749, %get3A_1750] : memref<2x16x3072xf32, #tpu.memory_space<vmem>> -> memref<1x16x3072xf32, #tpu.memory_space<vmem>>
        %get3A_1752 = tpu.memref_squeeze %get3A_1751 : memref<1x16x3072xf32, #tpu.memory_space<vmem>> -> memref<16x3072xf32, #tpu.memory_space<vmem>>
        %get3A_1753 = arith.index_cast %get3A_1748 : i32 to index
        %get3A_1754 = arith.index_cast %add3A_1747 : i32 to index
        %get3A_1755 = tpu.vector_load %get3A_1752[%get3A_1753, %get3A_1754] {strides = array<i32>} : memref<16x3072xf32, #tpu.memory_space<vmem>>, vector<16xf32>,
        %mul3A_1756 = arith.mulf %get3A_1755, %get3A_525 : vector<16xf32>
        %add3A_1757 = arith.addf %add3A_1743, %mul3A_1756 : vector<16xf32>
        %mul3A_1758 = arith.constant 128 : i32
        %mul3A_1759 = arith.muli %scan3A_461, %mul3A_1758 : i32
        %add3A_1760 = arith.constant 0 : i32
        %add3A_1761 = arith.addi %mul3A_1759, %add3A_1760 : i32
        %get3A_1762 = arith.constant 11 : i32
        %get3A_1763 = arith.constant 0 : i32
        %get3A_1764 = arith.constant 0 : i32
        %get3A_1765 = tpu.memref_slice %arg7[%scan3A_294, %get3A_1763, %get3A_1764] : memref<2x16x3072xf32, #tpu.memory_space<vmem>> -> memref<1x16x3072xf32, #tpu.memory_space<vmem>>
        %get3A_1766 = tpu.memref_squeeze %get3A_1765 : memref<1x16x3072xf32, #tpu.memory_space<vmem>> -> memref<16x3072xf32, #tpu.memory_space<vmem>>
        %get3A_1767 = arith.index_cast %get3A_1762 : i32 to index
        %get3A_1768 = arith.index_cast %add3A_1761 : i32 to index
        %get3A_1769 = tpu.vector_load %get3A_1766[%get3A_1767, %get3A_1768] {strides = array<i32>} : memref<16x3072xf32, #tpu.memory_space<vmem>>, vector<16xf32>,
        %mul3A_1770 = arith.mulf %get3A_1769, %get3A_483 : vector<16xf32>
        %add3A_1771 = arith.addf %scan3A_473, %mul3A_1770 : vector<16xf32>
        %mul3A_1772 = arith.constant 128 : i32
        %mul3A_1773 = arith.muli %scan3A_461, %mul3A_1772 : i32
        %add3A_1774 = arith.constant 16 : i32
        %add3A_1775 = arith.addi %mul3A_1773, %add3A_1774 : i32
        %get3A_1776 = arith.constant 11 : i32
        %get3A_1777 = arith.constant 0 : i32
        %get3A_1778 = arith.constant 0 : i32
        %get3A_1779 = tpu.memref_slice %arg7[%scan3A_294, %get3A_1777, %get3A_1778] : memref<2x16x3072xf32, #tpu.memory_space<vmem>> -> memref<1x16x3072xf32, #tpu.memory_space<vmem>>
        %get3A_1780 = tpu.memref_squeeze %get3A_1779 : memref<1x16x3072xf32, #tpu.memory_space<vmem>> -> memref<16x3072xf32, #tpu.memory_space<vmem>>
        %get3A_1781 = arith.index_cast %get3A_1776 : i32 to index
        %get3A_1782 = arith.index_cast %add3A_1775 : i32 to index
        %get3A_1783 = tpu.vector_load %get3A_1780[%get3A_1781, %get3A_1782] {strides = array<i32>} : memref<16x3072xf32, #tpu.memory_space<vmem>>, vector<16xf32>,
        %mul3A_1784 = arith.mulf %get3A_1783, %get3A_489 : vector<16xf32>
        %add3A_1785 = arith.addf %add3A_1771, %mul3A_1784 : vector<16xf32>
        %mul3A_1786 = arith.constant 128 : i32
        %mul3A_1787 = arith.muli %scan3A_461, %mul3A_1786 : i32
        %add3A_1788 = arith.constant 32 : i32
        %add3A_1789 = arith.addi %mul3A_1787, %add3A_1788 : i32
        %get3A_1790 = arith.constant 11 : i32
        %get3A_1791 = arith.constant 0 : i32
        %get3A_1792 = arith.constant 0 : i32
        %get3A_1793 = tpu.memref_slice %arg7[%scan3A_294, %get3A_1791, %get3A_1792] : memref<2x16x3072xf32, #tpu.memory_space<vmem>> -> memref<1x16x3072xf32, #tpu.memory_space<vmem>>
        %get3A_1794 = tpu.memref_squeeze %get3A_1793 : memref<1x16x3072xf32, #tpu.memory_space<vmem>> -> memref<16x3072xf32, #tpu.memory_space<vmem>>
        %get3A_1795 = arith.index_cast %get3A_1790 : i32 to index
        %get3A_1796 = arith.index_cast %add3A_1789 : i32 to index
        %get3A_1797 = tpu.vector_load %get3A_1794[%get3A_1795, %get3A_1796] {strides = array<i32>} : memref<16x3072xf32, #tpu.memory_space<vmem>>, vector<16xf32>,
        %mul3A_1798 = arith.mulf %get3A_1797, %get3A_495 : vector<16xf32>
        %add3A_1799 = arith.addf %add3A_1785, %mul3A_1798 : vector<16xf32>
        %mul3A_1800 = arith.constant 128 : i32
        %mul3A_1801 = arith.muli %scan3A_461, %mul3A_1800 : i32
        %add3A_1802 = arith.constant 48 : i32
        %add3A_1803 = arith.addi %mul3A_1801, %add3A_1802 : i32
        %get3A_1804 = arith.constant 11 : i32
        %get3A_1805 = arith.constant 0 : i32
        %get3A_1806 = arith.constant 0 : i32
        %get3A_1807 = tpu.memref_slice %arg7[%scan3A_294, %get3A_1805, %get3A_1806] : memref<2x16x3072xf32, #tpu.memory_space<vmem>> -> memref<1x16x3072xf32, #tpu.memory_space<vmem>>
        %get3A_1808 = tpu.memref_squeeze %get3A_1807 : memref<1x16x3072xf32, #tpu.memory_space<vmem>> -> memref<16x3072xf32, #tpu.memory_space<vmem>>
        %get3A_1809 = arith.index_cast %get3A_1804 : i32 to index
        %get3A_1810 = arith.index_cast %add3A_1803 : i32 to index
        %get3A_1811 = tpu.vector_load %get3A_1808[%get3A_1809, %get3A_1810] {strides = array<i32>} : memref<16x3072xf32, #tpu.memory_space<vmem>>, vector<16xf32>,
        %mul3A_1812 = arith.mulf %get3A_1811, %get3A_501 : vector<16xf32>
        %add3A_1813 = arith.addf %add3A_1799, %mul3A_1812 : vector<16xf32>
        %mul3A_1814 = arith.constant 128 : i32
        %mul3A_1815 = arith.muli %scan3A_461, %mul3A_1814 : i32
        %add3A_1816 = arith.constant 64 : i32
        %add3A_1817 = arith.addi %mul3A_1815, %add3A_1816 : i32
        %get3A_1818 = arith.constant 11 : i32
        %get3A_1819 = arith.constant 0 : i32
        %get3A_1820 = arith.constant 0 : i32
        %get3A_1821 = tpu.memref_slice %arg7[%scan3A_294, %get3A_1819, %get3A_1820] : memref<2x16x3072xf32, #tpu.memory_space<vmem>> -> memref<1x16x3072xf32, #tpu.memory_space<vmem>>
        %get3A_1822 = tpu.memref_squeeze %get3A_1821 : memref<1x16x3072xf32, #tpu.memory_space<vmem>> -> memref<16x3072xf32, #tpu.memory_space<vmem>>
        %get3A_1823 = arith.index_cast %get3A_1818 : i32 to index
        %get3A_1824 = arith.index_cast %add3A_1817 : i32 to index
        %get3A_1825 = tpu.vector_load %get3A_1822[%get3A_1823, %get3A_1824] {strides = array<i32>} : memref<16x3072xf32, #tpu.memory_space<vmem>>, vector<16xf32>,
        %mul3A_1826 = arith.mulf %get3A_1825, %get3A_507 : vector<16xf32>
        %add3A_1827 = arith.addf %add3A_1813, %mul3A_1826 : vector<16xf32>
        %mul3A_1828 = arith.constant 128 : i32
        %mul3A_1829 = arith.muli %scan3A_461, %mul3A_1828 : i32
        %add3A_1830 = arith.constant 80 : i32
        %add3A_1831 = arith.addi %mul3A_1829, %add3A_1830 : i32
        %get3A_1832 = arith.constant 11 : i32
        %get3A_1833 = arith.constant 0 : i32
        %get3A_1834 = arith.constant 0 : i32
        %get3A_1835 = tpu.memref_slice %arg7[%scan3A_294, %get3A_1833, %get3A_1834] : memref<2x16x3072xf32, #tpu.memory_space<vmem>> -> memref<1x16x3072xf32, #tpu.memory_space<vmem>>
        %get3A_1836 = tpu.memref_squeeze %get3A_1835 : memref<1x16x3072xf32, #tpu.memory_space<vmem>> -> memref<16x3072xf32, #tpu.memory_space<vmem>>
        %get3A_1837 = arith.index_cast %get3A_1832 : i32 to index
        %get3A_1838 = arith.index_cast %add3A_1831 : i32 to index
        %get3A_1839 = tpu.vector_load %get3A_1836[%get3A_1837, %get3A_1838] {strides = array<i32>} : memref<16x3072xf32, #tpu.memory_space<vmem>>, vector<16xf32>,
        %mul3A_1840 = arith.mulf %get3A_1839, %get3A_513 : vector<16xf32>
        %add3A_1841 = arith.addf %add3A_1827, %mul3A_1840 : vector<16xf32>
        %mul3A_1842 = arith.constant 128 : i32
        %mul3A_1843 = arith.muli %scan3A_461, %mul3A_1842 : i32
        %add3A_1844 = arith.constant 96 : i32
        %add3A_1845 = arith.addi %mul3A_1843, %add3A_1844 : i32
        %get3A_1846 = arith.constant 11 : i32
        %get3A_1847 = arith.constant 0 : i32
        %get3A_1848 = arith.constant 0 : i32
        %get3A_1849 = tpu.memref_slice %arg7[%scan3A_294, %get3A_1847, %get3A_1848] : memref<2x16x3072xf32, #tpu.memory_space<vmem>> -> memref<1x16x3072xf32, #tpu.memory_space<vmem>>
        %get3A_1850 = tpu.memref_squeeze %get3A_1849 : memref<1x16x3072xf32, #tpu.memory_space<vmem>> -> memref<16x3072xf32, #tpu.memory_space<vmem>>
        %get3A_1851 = arith.index_cast %get3A_1846 : i32 to index
        %get3A_1852 = arith.index_cast %add3A_1845 : i32 to index
        %get3A_1853 = tpu.vector_load %get3A_1850[%get3A_1851, %get3A_1852] {strides = array<i32>} : memref<16x3072xf32, #tpu.memory_space<vmem>>, vector<16xf32>,
        %mul3A_1854 = arith.mulf %get3A_1853, %get3A_519 : vector<16xf32>
        %add3A_1855 = arith.addf %add3A_1841, %mul3A_1854 : vector<16xf32>
        %mul3A_1856 = arith.constant 128 : i32
        %mul3A_1857 = arith.muli %scan3A_461, %mul3A_1856 : i32
        %add3A_1858 = arith.constant 112 : i32
        %add3A_1859 = arith.addi %mul3A_1857, %add3A_1858 : i32
        %get3A_1860 = arith.constant 11 : i32
        %get3A_1861 = arith.constant 0 : i32
        %get3A_1862 = arith.constant 0 : i32
        %get3A_1863 = tpu.memref_slice %arg7[%scan3A_294, %get3A_1861, %get3A_1862] : memref<2x16x3072xf32, #tpu.memory_space<vmem>> -> memref<1x16x3072xf32, #tpu.memory_space<vmem>>
        %get3A_1864 = tpu.memref_squeeze %get3A_1863 : memref<1x16x3072xf32, #tpu.memory_space<vmem>> -> memref<16x3072xf32, #tpu.memory_space<vmem>>
        %get3A_1865 = arith.index_cast %get3A_1860 : i32 to index
        %get3A_1866 = arith.index_cast %add3A_1859 : i32 to index
        %get3A_1867 = tpu.vector_load %get3A_1864[%get3A_1865, %get3A_1866] {strides = array<i32>} : memref<16x3072xf32, #tpu.memory_space<vmem>>, vector<16xf32>,
        %mul3A_1868 = arith.mulf %get3A_1867, %get3A_525 : vector<16xf32>
        %add3A_1869 = arith.addf %add3A_1855, %mul3A_1868 : vector<16xf32>
        %mul3A_1870 = arith.constant 128 : i32
        %mul3A_1871 = arith.muli %scan3A_461, %mul3A_1870 : i32
        %add3A_1872 = arith.constant 0 : i32
        %add3A_1873 = arith.addi %mul3A_1871, %add3A_1872 : i32
        %get3A_1874 = arith.constant 12 : i32
        %get3A_1875 = arith.constant 0 : i32
        %get3A_1876 = arith.constant 0 : i32
        %get3A_1877 = tpu.memref_slice %arg7[%scan3A_294, %get3A_1875, %get3A_1876] : memref<2x16x3072xf32, #tpu.memory_space<vmem>> -> memref<1x16x3072xf32, #tpu.memory_space<vmem>>
        %get3A_1878 = tpu.memref_squeeze %get3A_1877 : memref<1x16x3072xf32, #tpu.memory_space<vmem>> -> memref<16x3072xf32, #tpu.memory_space<vmem>>
        %get3A_1879 = arith.index_cast %get3A_1874 : i32 to index
        %get3A_1880 = arith.index_cast %add3A_1873 : i32 to index
        %get3A_1881 = tpu.vector_load %get3A_1878[%get3A_1879, %get3A_1880] {strides = array<i32>} : memref<16x3072xf32, #tpu.memory_space<vmem>>, vector<16xf32>,
        %mul3A_1882 = arith.mulf %get3A_1881, %get3A_483 : vector<16xf32>
        %add3A_1883 = arith.addf %scan3A_474, %mul3A_1882 : vector<16xf32>
        %mul3A_1884 = arith.constant 128 : i32
        %mul3A_1885 = arith.muli %scan3A_461, %mul3A_1884 : i32
        %add3A_1886 = arith.constant 16 : i32
        %add3A_1887 = arith.addi %mul3A_1885, %add3A_1886 : i32
        %get3A_1888 = arith.constant 12 : i32
        %get3A_1889 = arith.constant 0 : i32
        %get3A_1890 = arith.constant 0 : i32
        %get3A_1891 = tpu.memref_slice %arg7[%scan3A_294, %get3A_1889, %get3A_1890] : memref<2x16x3072xf32, #tpu.memory_space<vmem>> -> memref<1x16x3072xf32, #tpu.memory_space<vmem>>
        %get3A_1892 = tpu.memref_squeeze %get3A_1891 : memref<1x16x3072xf32, #tpu.memory_space<vmem>> -> memref<16x3072xf32, #tpu.memory_space<vmem>>
        %get3A_1893 = arith.index_cast %get3A_1888 : i32 to index
        %get3A_1894 = arith.index_cast %add3A_1887 : i32 to index
        %get3A_1895 = tpu.vector_load %get3A_1892[%get3A_1893, %get3A_1894] {strides = array<i32>} : memref<16x3072xf32, #tpu.memory_space<vmem>>, vector<16xf32>,
        %mul3A_1896 = arith.mulf %get3A_1895, %get3A_489 : vector<16xf32>
        %add3A_1897 = arith.addf %add3A_1883, %mul3A_1896 : vector<16xf32>
        %mul3A_1898 = arith.constant 128 : i32
        %mul3A_1899 = arith.muli %scan3A_461, %mul3A_1898 : i32
        %add3A_1900 = arith.constant 32 : i32
        %add3A_1901 = arith.addi %mul3A_1899, %add3A_1900 : i32
        %get3A_1902 = arith.constant 12 : i32
        %get3A_1903 = arith.constant 0 : i32
        %get3A_1904 = arith.constant 0 : i32
        %get3A_1905 = tpu.memref_slice %arg7[%scan3A_294, %get3A_1903, %get3A_1904] : memref<2x16x3072xf32, #tpu.memory_space<vmem>> -> memref<1x16x3072xf32, #tpu.memory_space<vmem>>
        %get3A_1906 = tpu.memref_squeeze %get3A_1905 : memref<1x16x3072xf32, #tpu.memory_space<vmem>> -> memref<16x3072xf32, #tpu.memory_space<vmem>>
        %get3A_1907 = arith.index_cast %get3A_1902 : i32 to index
        %get3A_1908 = arith.index_cast %add3A_1901 : i32 to index
        %get3A_1909 = tpu.vector_load %get3A_1906[%get3A_1907, %get3A_1908] {strides = array<i32>} : memref<16x3072xf32, #tpu.memory_space<vmem>>, vector<16xf32>,
        %mul3A_1910 = arith.mulf %get3A_1909, %get3A_495 : vector<16xf32>
        %add3A_1911 = arith.addf %add3A_1897, %mul3A_1910 : vector<16xf32>
        %mul3A_1912 = arith.constant 128 : i32
        %mul3A_1913 = arith.muli %scan3A_461, %mul3A_1912 : i32
        %add3A_1914 = arith.constant 48 : i32
        %add3A_1915 = arith.addi %mul3A_1913, %add3A_1914 : i32
        %get3A_1916 = arith.constant 12 : i32
        %get3A_1917 = arith.constant 0 : i32
        %get3A_1918 = arith.constant 0 : i32
        %get3A_1919 = tpu.memref_slice %arg7[%scan3A_294, %get3A_1917, %get3A_1918] : memref<2x16x3072xf32, #tpu.memory_space<vmem>> -> memref<1x16x3072xf32, #tpu.memory_space<vmem>>
        %get3A_1920 = tpu.memref_squeeze %get3A_1919 : memref<1x16x3072xf32, #tpu.memory_space<vmem>> -> memref<16x3072xf32, #tpu.memory_space<vmem>>
        %get3A_1921 = arith.index_cast %get3A_1916 : i32 to index
        %get3A_1922 = arith.index_cast %add3A_1915 : i32 to index
        %get3A_1923 = tpu.vector_load %get3A_1920[%get3A_1921, %get3A_1922] {strides = array<i32>} : memref<16x3072xf32, #tpu.memory_space<vmem>>, vector<16xf32>,
        %mul3A_1924 = arith.mulf %get3A_1923, %get3A_501 : vector<16xf32>
        %add3A_1925 = arith.addf %add3A_1911, %mul3A_1924 : vector<16xf32>
        %mul3A_1926 = arith.constant 128 : i32
        %mul3A_1927 = arith.muli %scan3A_461, %mul3A_1926 : i32
        %add3A_1928 = arith.constant 64 : i32
        %add3A_1929 = arith.addi %mul3A_1927, %add3A_1928 : i32
        %get3A_1930 = arith.constant 12 : i32
        %get3A_1931 = arith.constant 0 : i32
        %get3A_1932 = arith.constant 0 : i32
        %get3A_1933 = tpu.memref_slice %arg7[%scan3A_294, %get3A_1931, %get3A_1932] : memref<2x16x3072xf32, #tpu.memory_space<vmem>> -> memref<1x16x3072xf32, #tpu.memory_space<vmem>>
        %get3A_1934 = tpu.memref_squeeze %get3A_1933 : memref<1x16x3072xf32, #tpu.memory_space<vmem>> -> memref<16x3072xf32, #tpu.memory_space<vmem>>
        %get3A_1935 = arith.index_cast %get3A_1930 : i32 to index
        %get3A_1936 = arith.index_cast %add3A_1929 : i32 to index
        %get3A_1937 = tpu.vector_load %get3A_1934[%get3A_1935, %get3A_1936] {strides = array<i32>} : memref<16x3072xf32, #tpu.memory_space<vmem>>, vector<16xf32>,
        %mul3A_1938 = arith.mulf %get3A_1937, %get3A_507 : vector<16xf32>
        %add3A_1939 = arith.addf %add3A_1925, %mul3A_1938 : vector<16xf32>
        %mul3A_1940 = arith.constant 128 : i32
        %mul3A_1941 = arith.muli %scan3A_461, %mul3A_1940 : i32
        %add3A_1942 = arith.constant 80 : i32
        %add3A_1943 = arith.addi %mul3A_1941, %add3A_1942 : i32
        %get3A_1944 = arith.constant 12 : i32
        %get3A_1945 = arith.constant 0 : i32
        %get3A_1946 = arith.constant 0 : i32
        %get3A_1947 = tpu.memref_slice %arg7[%scan3A_294, %get3A_1945, %get3A_1946] : memref<2x16x3072xf32, #tpu.memory_space<vmem>> -> memref<1x16x3072xf32, #tpu.memory_space<vmem>>
        %get3A_1948 = tpu.memref_squeeze %get3A_1947 : memref<1x16x3072xf32, #tpu.memory_space<vmem>> -> memref<16x3072xf32, #tpu.memory_space<vmem>>
        %get3A_1949 = arith.index_cast %get3A_1944 : i32 to index
        %get3A_1950 = arith.index_cast %add3A_1943 : i32 to index
        %get3A_1951 = tpu.vector_load %get3A_1948[%get3A_1949, %get3A_1950] {strides = array<i32>} : memref<16x3072xf32, #tpu.memory_space<vmem>>, vector<16xf32>,
        %mul3A_1952 = arith.mulf %get3A_1951, %get3A_513 : vector<16xf32>
        %add3A_1953 = arith.addf %add3A_1939, %mul3A_1952 : vector<16xf32>
        %mul3A_1954 = arith.constant 128 : i32
        %mul3A_1955 = arith.muli %scan3A_461, %mul3A_1954 : i32
        %add3A_1956 = arith.constant 96 : i32
        %add3A_1957 = arith.addi %mul3A_1955, %add3A_1956 : i32
        %get3A_1958 = arith.constant 12 : i32
        %get3A_1959 = arith.constant 0 : i32
        %get3A_1960 = arith.constant 0 : i32
        %get3A_1961 = tpu.memref_slice %arg7[%scan3A_294, %get3A_1959, %get3A_1960] : memref<2x16x3072xf32, #tpu.memory_space<vmem>> -> memref<1x16x3072xf32, #tpu.memory_space<vmem>>
        %get3A_1962 = tpu.memref_squeeze %get3A_1961 : memref<1x16x3072xf32, #tpu.memory_space<vmem>> -> memref<16x3072xf32, #tpu.memory_space<vmem>>
        %get3A_1963 = arith.index_cast %get3A_1958 : i32 to index
        %get3A_1964 = arith.index_cast %add3A_1957 : i32 to index
        %get3A_1965 = tpu.vector_load %get3A_1962[%get3A_1963, %get3A_1964] {strides = array<i32>} : memref<16x3072xf32, #tpu.memory_space<vmem>>, vector<16xf32>,
        %mul3A_1966 = arith.mulf %get3A_1965, %get3A_519 : vector<16xf32>
        %add3A_1967 = arith.addf %add3A_1953, %mul3A_1966 : vector<16xf32>
        %mul3A_1968 = arith.constant 128 : i32
        %mul3A_1969 = arith.muli %scan3A_461, %mul3A_1968 : i32
        %add3A_1970 = arith.constant 112 : i32
        %add3A_1971 = arith.addi %mul3A_1969, %add3A_1970 : i32
        %get3A_1972 = arith.constant 12 : i32
        %get3A_1973 = arith.constant 0 : i32
        %get3A_1974 = arith.constant 0 : i32
        %get3A_1975 = tpu.memref_slice %arg7[%scan3A_294, %get3A_1973, %get3A_1974] : memref<2x16x3072xf32, #tpu.memory_space<vmem>> -> memref<1x16x3072xf32, #tpu.memory_space<vmem>>
        %get3A_1976 = tpu.memref_squeeze %get3A_1975 : memref<1x16x3072xf32, #tpu.memory_space<vmem>> -> memref<16x3072xf32, #tpu.memory_space<vmem>>
        %get3A_1977 = arith.index_cast %get3A_1972 : i32 to index
        %get3A_1978 = arith.index_cast %add3A_1971 : i32 to index
        %get3A_1979 = tpu.vector_load %get3A_1976[%get3A_1977, %get3A_1978] {strides = array<i32>} : memref<16x3072xf32, #tpu.memory_space<vmem>>, vector<16xf32>,
        %mul3A_1980 = arith.mulf %get3A_1979, %get3A_525 : vector<16xf32>
        %add3A_1981 = arith.addf %add3A_1967, %mul3A_1980 : vector<16xf32>
        %mul3A_1982 = arith.constant 128 : i32
        %mul3A_1983 = arith.muli %scan3A_461, %mul3A_1982 : i32
        %add3A_1984 = arith.constant 0 : i32
        %add3A_1985 = arith.addi %mul3A_1983, %add3A_1984 : i32
        %get3A_1986 = arith.constant 13 : i32
        %get3A_1987 = arith.constant 0 : i32
        %get3A_1988 = arith.constant 0 : i32
        %get3A_1989 = tpu.memref_slice %arg7[%scan3A_294, %get3A_1987, %get3A_1988] : memref<2x16x3072xf32, #tpu.memory_space<vmem>> -> memref<1x16x3072xf32, #tpu.memory_space<vmem>>
        %get3A_1990 = tpu.memref_squeeze %get3A_1989 : memref<1x16x3072xf32, #tpu.memory_space<vmem>> -> memref<16x3072xf32, #tpu.memory_space<vmem>>
        %get3A_1991 = arith.index_cast %get3A_1986 : i32 to index
        %get3A_1992 = arith.index_cast %add3A_1985 : i32 to index
        %get3A_1993 = tpu.vector_load %get3A_1990[%get3A_1991, %get3A_1992] {strides = array<i32>} : memref<16x3072xf32, #tpu.memory_space<vmem>>, vector<16xf32>,
        %mul3A_1994 = arith.mulf %get3A_1993, %get3A_483 : vector<16xf32>
        %add3A_1995 = arith.addf %scan3A_475, %mul3A_1994 : vector<16xf32>
        %mul3A_1996 = arith.constant 128 : i32
        %mul3A_1997 = arith.muli %scan3A_461, %mul3A_1996 : i32
        %add3A_1998 = arith.constant 16 : i32
        %add3A_1999 = arith.addi %mul3A_1997, %add3A_1998 : i32
        %get3A_2000 = arith.constant 13 : i32
        %get3A_2001 = arith.constant 0 : i32
        %get3A_2002 = arith.constant 0 : i32
        %get3A_2003 = tpu.memref_slice %arg7[%scan3A_294, %get3A_2001, %get3A_2002] : memref<2x16x3072xf32, #tpu.memory_space<vmem>> -> memref<1x16x3072xf32, #tpu.memory_space<vmem>>
        %get3A_2004 = tpu.memref_squeeze %get3A_2003 : memref<1x16x3072xf32, #tpu.memory_space<vmem>> -> memref<16x3072xf32, #tpu.memory_space<vmem>>
        %get3A_2005 = arith.index_cast %get3A_2000 : i32 to index
        %get3A_2006 = arith.index_cast %add3A_1999 : i32 to index
        %get3A_2007 = tpu.vector_load %get3A_2004[%get3A_2005, %get3A_2006] {strides = array<i32>} : memref<16x3072xf32, #tpu.memory_space<vmem>>, vector<16xf32>,
        %mul3A_2008 = arith.mulf %get3A_2007, %get3A_489 : vector<16xf32>
        %add3A_2009 = arith.addf %add3A_1995, %mul3A_2008 : vector<16xf32>
        %mul3A_2010 = arith.constant 128 : i32
        %mul3A_2011 = arith.muli %scan3A_461, %mul3A_2010 : i32
        %add3A_2012 = arith.constant 32 : i32
        %add3A_2013 = arith.addi %mul3A_2011, %add3A_2012 : i32
        %get3A_2014 = arith.constant 13 : i32
        %get3A_2015 = arith.constant 0 : i32
        %get3A_2016 = arith.constant 0 : i32
        %get3A_2017 = tpu.memref_slice %arg7[%scan3A_294, %get3A_2015, %get3A_2016] : memref<2x16x3072xf32, #tpu.memory_space<vmem>> -> memref<1x16x3072xf32, #tpu.memory_space<vmem>>
        %get3A_2018 = tpu.memref_squeeze %get3A_2017 : memref<1x16x3072xf32, #tpu.memory_space<vmem>> -> memref<16x3072xf32, #tpu.memory_space<vmem>>
        %get3A_2019 = arith.index_cast %get3A_2014 : i32 to index
        %get3A_2020 = arith.index_cast %add3A_2013 : i32 to index
        %get3A_2021 = tpu.vector_load %get3A_2018[%get3A_2019, %get3A_2020] {strides = array<i32>} : memref<16x3072xf32, #tpu.memory_space<vmem>>, vector<16xf32>,
        %mul3A_2022 = arith.mulf %get3A_2021, %get3A_495 : vector<16xf32>
        %add3A_2023 = arith.addf %add3A_2009, %mul3A_2022 : vector<16xf32>
        %mul3A_2024 = arith.constant 128 : i32
        %mul3A_2025 = arith.muli %scan3A_461, %mul3A_2024 : i32
        %add3A_2026 = arith.constant 48 : i32
        %add3A_2027 = arith.addi %mul3A_2025, %add3A_2026 : i32
        %get3A_2028 = arith.constant 13 : i32
        %get3A_2029 = arith.constant 0 : i32
        %get3A_2030 = arith.constant 0 : i32
        %get3A_2031 = tpu.memref_slice %arg7[%scan3A_294, %get3A_2029, %get3A_2030] : memref<2x16x3072xf32, #tpu.memory_space<vmem>> -> memref<1x16x3072xf32, #tpu.memory_space<vmem>>
        %get3A_2032 = tpu.memref_squeeze %get3A_2031 : memref<1x16x3072xf32, #tpu.memory_space<vmem>> -> memref<16x3072xf32, #tpu.memory_space<vmem>>
        %get3A_2033 = arith.index_cast %get3A_2028 : i32 to index
        %get3A_2034 = arith.index_cast %add3A_2027 : i32 to index
        %get3A_2035 = tpu.vector_load %get3A_2032[%get3A_2033, %get3A_2034] {strides = array<i32>} : memref<16x3072xf32, #tpu.memory_space<vmem>>, vector<16xf32>,
        %mul3A_2036 = arith.mulf %get3A_2035, %get3A_501 : vector<16xf32>
        %add3A_2037 = arith.addf %add3A_2023, %mul3A_2036 : vector<16xf32>
        %mul3A_2038 = arith.constant 128 : i32
        %mul3A_2039 = arith.muli %scan3A_461, %mul3A_2038 : i32
        %add3A_2040 = arith.constant 64 : i32
        %add3A_2041 = arith.addi %mul3A_2039, %add3A_2040 : i32
        %get3A_2042 = arith.constant 13 : i32
        %get3A_2043 = arith.constant 0 : i32
        %get3A_2044 = arith.constant 0 : i32
        %get3A_2045 = tpu.memref_slice %arg7[%scan3A_294, %get3A_2043, %get3A_2044] : memref<2x16x3072xf32, #tpu.memory_space<vmem>> -> memref<1x16x3072xf32, #tpu.memory_space<vmem>>
        %get3A_2046 = tpu.memref_squeeze %get3A_2045 : memref<1x16x3072xf32, #tpu.memory_space<vmem>> -> memref<16x3072xf32, #tpu.memory_space<vmem>>
        %get3A_2047 = arith.index_cast %get3A_2042 : i32 to index
        %get3A_2048 = arith.index_cast %add3A_2041 : i32 to index
        %get3A_2049 = tpu.vector_load %get3A_2046[%get3A_2047, %get3A_2048] {strides = array<i32>} : memref<16x3072xf32, #tpu.memory_space<vmem>>, vector<16xf32>,
        %mul3A_2050 = arith.mulf %get3A_2049, %get3A_507 : vector<16xf32>
        %add3A_2051 = arith.addf %add3A_2037, %mul3A_2050 : vector<16xf32>
        %mul3A_2052 = arith.constant 128 : i32
        %mul3A_2053 = arith.muli %scan3A_461, %mul3A_2052 : i32
        %add3A_2054 = arith.constant 80 : i32
        %add3A_2055 = arith.addi %mul3A_2053, %add3A_2054 : i32
        %get3A_2056 = arith.constant 13 : i32
        %get3A_2057 = arith.constant 0 : i32
        %get3A_2058 = arith.constant 0 : i32
        %get3A_2059 = tpu.memref_slice %arg7[%scan3A_294, %get3A_2057, %get3A_2058] : memref<2x16x3072xf32, #tpu.memory_space<vmem>> -> memref<1x16x3072xf32, #tpu.memory_space<vmem>>
        %get3A_2060 = tpu.memref_squeeze %get3A_2059 : memref<1x16x3072xf32, #tpu.memory_space<vmem>> -> memref<16x3072xf32, #tpu.memory_space<vmem>>
        %get3A_2061 = arith.index_cast %get3A_2056 : i32 to index
        %get3A_2062 = arith.index_cast %add3A_2055 : i32 to index
        %get3A_2063 = tpu.vector_load %get3A_2060[%get3A_2061, %get3A_2062] {strides = array<i32>} : memref<16x3072xf32, #tpu.memory_space<vmem>>, vector<16xf32>,
        %mul3A_2064 = arith.mulf %get3A_2063, %get3A_513 : vector<16xf32>
        %add3A_2065 = arith.addf %add3A_2051, %mul3A_2064 : vector<16xf32>
        %mul3A_2066 = arith.constant 128 : i32
        %mul3A_2067 = arith.muli %scan3A_461, %mul3A_2066 : i32
        %add3A_2068 = arith.constant 96 : i32
        %add3A_2069 = arith.addi %mul3A_2067, %add3A_2068 : i32
        %get3A_2070 = arith.constant 13 : i32
        %get3A_2071 = arith.constant 0 : i32
        %get3A_2072 = arith.constant 0 : i32
        %get3A_2073 = tpu.memref_slice %arg7[%scan3A_294, %get3A_2071, %get3A_2072] : memref<2x16x3072xf32, #tpu.memory_space<vmem>> -> memref<1x16x3072xf32, #tpu.memory_space<vmem>>
        %get3A_2074 = tpu.memref_squeeze %get3A_2073 : memref<1x16x3072xf32, #tpu.memory_space<vmem>> -> memref<16x3072xf32, #tpu.memory_space<vmem>>
        %get3A_2075 = arith.index_cast %get3A_2070 : i32 to index
        %get3A_2076 = arith.index_cast %add3A_2069 : i32 to index
        %get3A_2077 = tpu.vector_load %get3A_2074[%get3A_2075, %get3A_2076] {strides = array<i32>} : memref<16x3072xf32, #tpu.memory_space<vmem>>, vector<16xf32>,
        %mul3A_2078 = arith.mulf %get3A_2077, %get3A_519 : vector<16xf32>
        %add3A_2079 = arith.addf %add3A_2065, %mul3A_2078 : vector<16xf32>
        %mul3A_2080 = arith.constant 128 : i32
        %mul3A_2081 = arith.muli %scan3A_461, %mul3A_2080 : i32
        %add3A_2082 = arith.constant 112 : i32
        %add3A_2083 = arith.addi %mul3A_2081, %add3A_2082 : i32
        %get3A_2084 = arith.constant 13 : i32
        %get3A_2085 = arith.constant 0 : i32
        %get3A_2086 = arith.constant 0 : i32
        %get3A_2087 = tpu.memref_slice %arg7[%scan3A_294, %get3A_2085, %get3A_2086] : memref<2x16x3072xf32, #tpu.memory_space<vmem>> -> memref<1x16x3072xf32, #tpu.memory_space<vmem>>
        %get3A_2088 = tpu.memref_squeeze %get3A_2087 : memref<1x16x3072xf32, #tpu.memory_space<vmem>> -> memref<16x3072xf32, #tpu.memory_space<vmem>>
        %get3A_2089 = arith.index_cast %get3A_2084 : i32 to index
        %get3A_2090 = arith.index_cast %add3A_2083 : i32 to index
        %get3A_2091 = tpu.vector_load %get3A_2088[%get3A_2089, %get3A_2090] {strides = array<i32>} : memref<16x3072xf32, #tpu.memory_space<vmem>>, vector<16xf32>,
        %mul3A_2092 = arith.mulf %get3A_2091, %get3A_525 : vector<16xf32>
        %add3A_2093 = arith.addf %add3A_2079, %mul3A_2092 : vector<16xf32>
        %mul3A_2094 = arith.constant 128 : i32
        %mul3A_2095 = arith.muli %scan3A_461, %mul3A_2094 : i32
        %add3A_2096 = arith.constant 0 : i32
        %add3A_2097 = arith.addi %mul3A_2095, %add3A_2096 : i32
        %get3A_2098 = arith.constant 14 : i32
        %get3A_2099 = arith.constant 0 : i32
        %get3A_2100 = arith.constant 0 : i32
        %get3A_2101 = tpu.memref_slice %arg7[%scan3A_294, %get3A_2099, %get3A_2100] : memref<2x16x3072xf32, #tpu.memory_space<vmem>> -> memref<1x16x3072xf32, #tpu.memory_space<vmem>>
        %get3A_2102 = tpu.memref_squeeze %get3A_2101 : memref<1x16x3072xf32, #tpu.memory_space<vmem>> -> memref<16x3072xf32, #tpu.memory_space<vmem>>
        %get3A_2103 = arith.index_cast %get3A_2098 : i32 to index
        %get3A_2104 = arith.index_cast %add3A_2097 : i32 to index
        %get3A_2105 = tpu.vector_load %get3A_2102[%get3A_2103, %get3A_2104] {strides = array<i32>} : memref<16x3072xf32, #tpu.memory_space<vmem>>, vector<16xf32>,
        %mul3A_2106 = arith.mulf %get3A_2105, %get3A_483 : vector<16xf32>
        %add3A_2107 = arith.addf %scan3A_476, %mul3A_2106 : vector<16xf32>
        %mul3A_2108 = arith.constant 128 : i32
        %mul3A_2109 = arith.muli %scan3A_461, %mul3A_2108 : i32
        %add3A_2110 = arith.constant 16 : i32
        %add3A_2111 = arith.addi %mul3A_2109, %add3A_2110 : i32
        %get3A_2112 = arith.constant 14 : i32
        %get3A_2113 = arith.constant 0 : i32
        %get3A_2114 = arith.constant 0 : i32
        %get3A_2115 = tpu.memref_slice %arg7[%scan3A_294, %get3A_2113, %get3A_2114] : memref<2x16x3072xf32, #tpu.memory_space<vmem>> -> memref<1x16x3072xf32, #tpu.memory_space<vmem>>
        %get3A_2116 = tpu.memref_squeeze %get3A_2115 : memref<1x16x3072xf32, #tpu.memory_space<vmem>> -> memref<16x3072xf32, #tpu.memory_space<vmem>>
        %get3A_2117 = arith.index_cast %get3A_2112 : i32 to index
        %get3A_2118 = arith.index_cast %add3A_2111 : i32 to index
        %get3A_2119 = tpu.vector_load %get3A_2116[%get3A_2117, %get3A_2118] {strides = array<i32>} : memref<16x3072xf32, #tpu.memory_space<vmem>>, vector<16xf32>,
        %mul3A_2120 = arith.mulf %get3A_2119, %get3A_489 : vector<16xf32>
        %add3A_2121 = arith.addf %add3A_2107, %mul3A_2120 : vector<16xf32>
        %mul3A_2122 = arith.constant 128 : i32
        %mul3A_2123 = arith.muli %scan3A_461, %mul3A_2122 : i32
        %add3A_2124 = arith.constant 32 : i32
        %add3A_2125 = arith.addi %mul3A_2123, %add3A_2124 : i32
        %get3A_2126 = arith.constant 14 : i32
        %get3A_2127 = arith.constant 0 : i32
        %get3A_2128 = arith.constant 0 : i32
        %get3A_2129 = tpu.memref_slice %arg7[%scan3A_294, %get3A_2127, %get3A_2128] : memref<2x16x3072xf32, #tpu.memory_space<vmem>> -> memref<1x16x3072xf32, #tpu.memory_space<vmem>>
        %get3A_2130 = tpu.memref_squeeze %get3A_2129 : memref<1x16x3072xf32, #tpu.memory_space<vmem>> -> memref<16x3072xf32, #tpu.memory_space<vmem>>
        %get3A_2131 = arith.index_cast %get3A_2126 : i32 to index
        %get3A_2132 = arith.index_cast %add3A_2125 : i32 to index
        %get3A_2133 = tpu.vector_load %get3A_2130[%get3A_2131, %get3A_2132] {strides = array<i32>} : memref<16x3072xf32, #tpu.memory_space<vmem>>, vector<16xf32>,
        %mul3A_2134 = arith.mulf %get3A_2133, %get3A_495 : vector<16xf32>
        %add3A_2135 = arith.addf %add3A_2121, %mul3A_2134 : vector<16xf32>
        %mul3A_2136 = arith.constant 128 : i32
        %mul3A_2137 = arith.muli %scan3A_461, %mul3A_2136 : i32
        %add3A_2138 = arith.constant 48 : i32
        %add3A_2139 = arith.addi %mul3A_2137, %add3A_2138 : i32
        %get3A_2140 = arith.constant 14 : i32
        %get3A_2141 = arith.constant 0 : i32
        %get3A_2142 = arith.constant 0 : i32
        %get3A_2143 = tpu.memref_slice %arg7[%scan3A_294, %get3A_2141, %get3A_2142] : memref<2x16x3072xf32, #tpu.memory_space<vmem>> -> memref<1x16x3072xf32, #tpu.memory_space<vmem>>
        %get3A_2144 = tpu.memref_squeeze %get3A_2143 : memref<1x16x3072xf32, #tpu.memory_space<vmem>> -> memref<16x3072xf32, #tpu.memory_space<vmem>>
        %get3A_2145 = arith.index_cast %get3A_2140 : i32 to index
        %get3A_2146 = arith.index_cast %add3A_2139 : i32 to index
        %get3A_2147 = tpu.vector_load %get3A_2144[%get3A_2145, %get3A_2146] {strides = array<i32>} : memref<16x3072xf32, #tpu.memory_space<vmem>>, vector<16xf32>,
        %mul3A_2148 = arith.mulf %get3A_2147, %get3A_501 : vector<16xf32>
        %add3A_2149 = arith.addf %add3A_2135, %mul3A_2148 : vector<16xf32>
        %mul3A_2150 = arith.constant 128 : i32
        %mul3A_2151 = arith.muli %scan3A_461, %mul3A_2150 : i32
        %add3A_2152 = arith.constant 64 : i32
        %add3A_2153 = arith.addi %mul3A_2151, %add3A_2152 : i32
        %get3A_2154 = arith.constant 14 : i32
        %get3A_2155 = arith.constant 0 : i32
        %get3A_2156 = arith.constant 0 : i32
        %get3A_2157 = tpu.memref_slice %arg7[%scan3A_294, %get3A_2155, %get3A_2156] : memref<2x16x3072xf32, #tpu.memory_space<vmem>> -> memref<1x16x3072xf32, #tpu.memory_space<vmem>>
        %get3A_2158 = tpu.memref_squeeze %get3A_2157 : memref<1x16x3072xf32, #tpu.memory_space<vmem>> -> memref<16x3072xf32, #tpu.memory_space<vmem>>
        %get3A_2159 = arith.index_cast %get3A_2154 : i32 to index
        %get3A_2160 = arith.index_cast %add3A_2153 : i32 to index
        %get3A_2161 = tpu.vector_load %get3A_2158[%get3A_2159, %get3A_2160] {strides = array<i32>} : memref<16x3072xf32, #tpu.memory_space<vmem>>, vector<16xf32>,
        %mul3A_2162 = arith.mulf %get3A_2161, %get3A_507 : vector<16xf32>
        %add3A_2163 = arith.addf %add3A_2149, %mul3A_2162 : vector<16xf32>
        %mul3A_2164 = arith.constant 128 : i32
        %mul3A_2165 = arith.muli %scan3A_461, %mul3A_2164 : i32
        %add3A_2166 = arith.constant 80 : i32
        %add3A_2167 = arith.addi %mul3A_2165, %add3A_2166 : i32
        %get3A_2168 = arith.constant 14 : i32
        %get3A_2169 = arith.constant 0 : i32
        %get3A_2170 = arith.constant 0 : i32
        %get3A_2171 = tpu.memref_slice %arg7[%scan3A_294, %get3A_2169, %get3A_2170] : memref<2x16x3072xf32, #tpu.memory_space<vmem>> -> memref<1x16x3072xf32, #tpu.memory_space<vmem>>
        %get3A_2172 = tpu.memref_squeeze %get3A_2171 : memref<1x16x3072xf32, #tpu.memory_space<vmem>> -> memref<16x3072xf32, #tpu.memory_space<vmem>>
        %get3A_2173 = arith.index_cast %get3A_2168 : i32 to index
        %get3A_2174 = arith.index_cast %add3A_2167 : i32 to index
        %get3A_2175 = tpu.vector_load %get3A_2172[%get3A_2173, %get3A_2174] {strides = array<i32>} : memref<16x3072xf32, #tpu.memory_space<vmem>>, vector<16xf32>,
        %mul3A_2176 = arith.mulf %get3A_2175, %get3A_513 : vector<16xf32>
        %add3A_2177 = arith.addf %add3A_2163, %mul3A_2176 : vector<16xf32>
        %mul3A_2178 = arith.constant 128 : i32
        %mul3A_2179 = arith.muli %scan3A_461, %mul3A_2178 : i32
        %add3A_2180 = arith.constant 96 : i32
        %add3A_2181 = arith.addi %mul3A_2179, %add3A_2180 : i32
        %get3A_2182 = arith.constant 14 : i32
        %get3A_2183 = arith.constant 0 : i32
        %get3A_2184 = arith.constant 0 : i32
        %get3A_2185 = tpu.memref_slice %arg7[%scan3A_294, %get3A_2183, %get3A_2184] : memref<2x16x3072xf32, #tpu.memory_space<vmem>> -> memref<1x16x3072xf32, #tpu.memory_space<vmem>>
        %get3A_2186 = tpu.memref_squeeze %get3A_2185 : memref<1x16x3072xf32, #tpu.memory_space<vmem>> -> memref<16x3072xf32, #tpu.memory_space<vmem>>
        %get3A_2187 = arith.index_cast %get3A_2182 : i32 to index
        %get3A_2188 = arith.index_cast %add3A_2181 : i32 to index
        %get3A_2189 = tpu.vector_load %get3A_2186[%get3A_2187, %get3A_2188] {strides = array<i32>} : memref<16x3072xf32, #tpu.memory_space<vmem>>, vector<16xf32>,
        %mul3A_2190 = arith.mulf %get3A_2189, %get3A_519 : vector<16xf32>
        %add3A_2191 = arith.addf %add3A_2177, %mul3A_2190 : vector<16xf32>
        %mul3A_2192 = arith.constant 128 : i32
        %mul3A_2193 = arith.muli %scan3A_461, %mul3A_2192 : i32
        %add3A_2194 = arith.constant 112 : i32
        %add3A_2195 = arith.addi %mul3A_2193, %add3A_2194 : i32
        %get3A_2196 = arith.constant 14 : i32
        %get3A_2197 = arith.constant 0 : i32
        %get3A_2198 = arith.constant 0 : i32
        %get3A_2199 = tpu.memref_slice %arg7[%scan3A_294, %get3A_2197, %get3A_2198] : memref<2x16x3072xf32, #tpu.memory_space<vmem>> -> memref<1x16x3072xf32, #tpu.memory_space<vmem>>
        %get3A_2200 = tpu.memref_squeeze %get3A_2199 : memref<1x16x3072xf32, #tpu.memory_space<vmem>> -> memref<16x3072xf32, #tpu.memory_space<vmem>>
        %get3A_2201 = arith.index_cast %get3A_2196 : i32 to index
        %get3A_2202 = arith.index_cast %add3A_2195 : i32 to index
        %get3A_2203 = tpu.vector_load %get3A_2200[%get3A_2201, %get3A_2202] {strides = array<i32>} : memref<16x3072xf32, #tpu.memory_space<vmem>>, vector<16xf32>,
        %mul3A_2204 = arith.mulf %get3A_2203, %get3A_525 : vector<16xf32>
        %add3A_2205 = arith.addf %add3A_2191, %mul3A_2204 : vector<16xf32>
        %mul3A_2206 = arith.constant 128 : i32
        %mul3A_2207 = arith.muli %scan3A_461, %mul3A_2206 : i32
        %add3A_2208 = arith.constant 0 : i32
        %add3A_2209 = arith.addi %mul3A_2207, %add3A_2208 : i32
        %get3A_2210 = arith.constant 15 : i32
        %get3A_2211 = arith.constant 0 : i32
        %get3A_2212 = arith.constant 0 : i32
        %get3A_2213 = tpu.memref_slice %arg7[%scan3A_294, %get3A_2211, %get3A_2212] : memref<2x16x3072xf32, #tpu.memory_space<vmem>> -> memref<1x16x3072xf32, #tpu.memory_space<vmem>>
        %get3A_2214 = tpu.memref_squeeze %get3A_2213 : memref<1x16x3072xf32, #tpu.memory_space<vmem>> -> memref<16x3072xf32, #tpu.memory_space<vmem>>
        %get3A_2215 = arith.index_cast %get3A_2210 : i32 to index
        %get3A_2216 = arith.index_cast %add3A_2209 : i32 to index
        %get3A_2217 = tpu.vector_load %get3A_2214[%get3A_2215, %get3A_2216] {strides = array<i32>} : memref<16x3072xf32, #tpu.memory_space<vmem>>, vector<16xf32>,
        %mul3A_2218 = arith.mulf %get3A_2217, %get3A_483 : vector<16xf32>
        %add3A_2219 = arith.addf %scan3A_477, %mul3A_2218 : vector<16xf32>
        %mul3A_2220 = arith.constant 128 : i32
        %mul3A_2221 = arith.muli %scan3A_461, %mul3A_2220 : i32
        %add3A_2222 = arith.constant 16 : i32
        %add3A_2223 = arith.addi %mul3A_2221, %add3A_2222 : i32
        %get3A_2224 = arith.constant 15 : i32
        %get3A_2225 = arith.constant 0 : i32
        %get3A_2226 = arith.constant 0 : i32
        %get3A_2227 = tpu.memref_slice %arg7[%scan3A_294, %get3A_2225, %get3A_2226] : memref<2x16x3072xf32, #tpu.memory_space<vmem>> -> memref<1x16x3072xf32, #tpu.memory_space<vmem>>
        %get3A_2228 = tpu.memref_squeeze %get3A_2227 : memref<1x16x3072xf32, #tpu.memory_space<vmem>> -> memref<16x3072xf32, #tpu.memory_space<vmem>>
        %get3A_2229 = arith.index_cast %get3A_2224 : i32 to index
        %get3A_2230 = arith.index_cast %add3A_2223 : i32 to index
        %get3A_2231 = tpu.vector_load %get3A_2228[%get3A_2229, %get3A_2230] {strides = array<i32>} : memref<16x3072xf32, #tpu.memory_space<vmem>>, vector<16xf32>,
        %mul3A_2232 = arith.mulf %get3A_2231, %get3A_489 : vector<16xf32>
        %add3A_2233 = arith.addf %add3A_2219, %mul3A_2232 : vector<16xf32>
        %mul3A_2234 = arith.constant 128 : i32
        %mul3A_2235 = arith.muli %scan3A_461, %mul3A_2234 : i32
        %add3A_2236 = arith.constant 32 : i32
        %add3A_2237 = arith.addi %mul3A_2235, %add3A_2236 : i32
        %get3A_2238 = arith.constant 15 : i32
        %get3A_2239 = arith.constant 0 : i32
        %get3A_2240 = arith.constant 0 : i32
        %get3A_2241 = tpu.memref_slice %arg7[%scan3A_294, %get3A_2239, %get3A_2240] : memref<2x16x3072xf32, #tpu.memory_space<vmem>> -> memref<1x16x3072xf32, #tpu.memory_space<vmem>>
        %get3A_2242 = tpu.memref_squeeze %get3A_2241 : memref<1x16x3072xf32, #tpu.memory_space<vmem>> -> memref<16x3072xf32, #tpu.memory_space<vmem>>
        %get3A_2243 = arith.index_cast %get3A_2238 : i32 to index
        %get3A_2244 = arith.index_cast %add3A_2237 : i32 to index
        %get3A_2245 = tpu.vector_load %get3A_2242[%get3A_2243, %get3A_2244] {strides = array<i32>} : memref<16x3072xf32, #tpu.memory_space<vmem>>, vector<16xf32>,
        %mul3A_2246 = arith.mulf %get3A_2245, %get3A_495 : vector<16xf32>
        %add3A_2247 = arith.addf %add3A_2233, %mul3A_2246 : vector<16xf32>
        %mul3A_2248 = arith.constant 128 : i32
        %mul3A_2249 = arith.muli %scan3A_461, %mul3A_2248 : i32
        %add3A_2250 = arith.constant 48 : i32
        %add3A_2251 = arith.addi %mul3A_2249, %add3A_2250 : i32
        %get3A_2252 = arith.constant 15 : i32
        %get3A_2253 = arith.constant 0 : i32
        %get3A_2254 = arith.constant 0 : i32
        %get3A_2255 = tpu.memref_slice %arg7[%scan3A_294, %get3A_2253, %get3A_2254] : memref<2x16x3072xf32, #tpu.memory_space<vmem>> -> memref<1x16x3072xf32, #tpu.memory_space<vmem>>
        %get3A_2256 = tpu.memref_squeeze %get3A_2255 : memref<1x16x3072xf32, #tpu.memory_space<vmem>> -> memref<16x3072xf32, #tpu.memory_space<vmem>>
        %get3A_2257 = arith.index_cast %get3A_2252 : i32 to index
        %get3A_2258 = arith.index_cast %add3A_2251 : i32 to index
        %get3A_2259 = tpu.vector_load %get3A_2256[%get3A_2257, %get3A_2258] {strides = array<i32>} : memref<16x3072xf32, #tpu.memory_space<vmem>>, vector<16xf32>,
        %mul3A_2260 = arith.mulf %get3A_2259, %get3A_501 : vector<16xf32>
        %add3A_2261 = arith.addf %add3A_2247, %mul3A_2260 : vector<16xf32>
        %mul3A_2262 = arith.constant 128 : i32
        %mul3A_2263 = arith.muli %scan3A_461, %mul3A_2262 : i32
        %add3A_2264 = arith.constant 64 : i32
        %add3A_2265 = arith.addi %mul3A_2263, %add3A_2264 : i32
        %get3A_2266 = arith.constant 15 : i32
        %get3A_2267 = arith.constant 0 : i32
        %get3A_2268 = arith.constant 0 : i32
        %get3A_2269 = tpu.memref_slice %arg7[%scan3A_294, %get3A_2267, %get3A_2268] : memref<2x16x3072xf32, #tpu.memory_space<vmem>> -> memref<1x16x3072xf32, #tpu.memory_space<vmem>>
        %get3A_2270 = tpu.memref_squeeze %get3A_2269 : memref<1x16x3072xf32, #tpu.memory_space<vmem>> -> memref<16x3072xf32, #tpu.memory_space<vmem>>
        %get3A_2271 = arith.index_cast %get3A_2266 : i32 to index
        %get3A_2272 = arith.index_cast %add3A_2265 : i32 to index
        %get3A_2273 = tpu.vector_load %get3A_2270[%get3A_2271, %get3A_2272] {strides = array<i32>} : memref<16x3072xf32, #tpu.memory_space<vmem>>, vector<16xf32>,
        %mul3A_2274 = arith.mulf %get3A_2273, %get3A_507 : vector<16xf32>
        %add3A_2275 = arith.addf %add3A_2261, %mul3A_2274 : vector<16xf32>
        %mul3A_2276 = arith.constant 128 : i32
        %mul3A_2277 = arith.muli %scan3A_461, %mul3A_2276 : i32
        %add3A_2278 = arith.constant 80 : i32
        %add3A_2279 = arith.addi %mul3A_2277, %add3A_2278 : i32
        %get3A_2280 = arith.constant 15 : i32
        %get3A_2281 = arith.constant 0 : i32
        %get3A_2282 = arith.constant 0 : i32
        %get3A_2283 = tpu.memref_slice %arg7[%scan3A_294, %get3A_2281, %get3A_2282] : memref<2x16x3072xf32, #tpu.memory_space<vmem>> -> memref<1x16x3072xf32, #tpu.memory_space<vmem>>
        %get3A_2284 = tpu.memref_squeeze %get3A_2283 : memref<1x16x3072xf32, #tpu.memory_space<vmem>> -> memref<16x3072xf32, #tpu.memory_space<vmem>>
        %get3A_2285 = arith.index_cast %get3A_2280 : i32 to index
        %get3A_2286 = arith.index_cast %add3A_2279 : i32 to index
        %get3A_2287 = tpu.vector_load %get3A_2284[%get3A_2285, %get3A_2286] {strides = array<i32>} : memref<16x3072xf32, #tpu.memory_space<vmem>>, vector<16xf32>,
        %mul3A_2288 = arith.mulf %get3A_2287, %get3A_513 : vector<16xf32>
        %add3A_2289 = arith.addf %add3A_2275, %mul3A_2288 : vector<16xf32>
        %mul3A_2290 = arith.constant 128 : i32
        %mul3A_2291 = arith.muli %scan3A_461, %mul3A_2290 : i32
        %add3A_2292 = arith.constant 96 : i32
        %add3A_2293 = arith.addi %mul3A_2291, %add3A_2292 : i32
        %get3A_2294 = arith.constant 15 : i32
        %get3A_2295 = arith.constant 0 : i32
        %get3A_2296 = arith.constant 0 : i32
        %get3A_2297 = tpu.memref_slice %arg7[%scan3A_294, %get3A_2295, %get3A_2296] : memref<2x16x3072xf32, #tpu.memory_space<vmem>> -> memref<1x16x3072xf32, #tpu.memory_space<vmem>>
        %get3A_2298 = tpu.memref_squeeze %get3A_2297 : memref<1x16x3072xf32, #tpu.memory_space<vmem>> -> memref<16x3072xf32, #tpu.memory_space<vmem>>
        %get3A_2299 = arith.index_cast %get3A_2294 : i32 to index
        %get3A_2300 = arith.index_cast %add3A_2293 : i32 to index
        %get3A_2301 = tpu.vector_load %get3A_2298[%get3A_2299, %get3A_2300] {strides = array<i32>} : memref<16x3072xf32, #tpu.memory_space<vmem>>, vector<16xf32>,
        %mul3A_2302 = arith.mulf %get3A_2301, %get3A_519 : vector<16xf32>
        %add3A_2303 = arith.addf %add3A_2289, %mul3A_2302 : vector<16xf32>
        %mul3A_2304 = arith.constant 128 : i32
        %mul3A_2305 = arith.muli %scan3A_461, %mul3A_2304 : i32
        %add3A_2306 = arith.constant 112 : i32
        %add3A_2307 = arith.addi %mul3A_2305, %add3A_2306 : i32
        %get3A_2308 = arith.constant 15 : i32
        %get3A_2309 = arith.constant 0 : i32
        %get3A_2310 = arith.constant 0 : i32
        %get3A_2311 = tpu.memref_slice %arg7[%scan3A_294, %get3A_2309, %get3A_2310] : memref<2x16x3072xf32, #tpu.memory_space<vmem>> -> memref<1x16x3072xf32, #tpu.memory_space<vmem>>
        %get3A_2312 = tpu.memref_squeeze %get3A_2311 : memref<1x16x3072xf32, #tpu.memory_space<vmem>> -> memref<16x3072xf32, #tpu.memory_space<vmem>>
        %get3A_2313 = arith.index_cast %get3A_2308 : i32 to index
        %get3A_2314 = arith.index_cast %add3A_2307 : i32 to index
        %get3A_2315 = tpu.vector_load %get3A_2312[%get3A_2313, %get3A_2314] {strides = array<i32>} : memref<16x3072xf32, #tpu.memory_space<vmem>>, vector<16xf32>,
        %mul3A_2316 = arith.mulf %get3A_2315, %get3A_525 : vector<16xf32>
        %add3A_2317 = arith.addf %add3A_2303, %mul3A_2316 : vector<16xf32>
        scf.yield %add3A_637, %add3A_749, %add3A_861, %add3A_973, %add3A_1085, %add3A_1197, %add3A_1309, %add3A_1421, %add3A_1533, %add3A_1645, %add3A_1757, %add3A_1869, %add3A_1981, %add3A_2093, %add3A_2205, %add3A_2317 : vector<16xf32>, vector<16xf32>, vector<16xf32>, vector<16xf32>, vector<16xf32>, vector<16xf32>, vector<16xf32>, vector<16xf32>, vector<16xf32>, vector<16xf32>, vector<16xf32>, vector<16xf32>, vector<16xf32>, vector<16xf32>, vector<16xf32>, vector<16xf32>
      }
      %scan3A_300 = arith.constant 24 : i32
      %add3A_301 = arith.constant 2 : i32
      %add3A_302 = arith.addi %add3A_248, %add3A_301 : i32
      %lt3A_303 = arith.constant 18 : i32
      %lt3A_304 = arith.cmpi slt, %add3A_302, %lt3A_303 : i32
      %convert_element_type3A_305 = arith.extui %lt3A_304 : i1 to i32
      %cond3A_306 = arith.constant 0 : i32
      %cond3A_307 = arith.cmpi ne, %convert_element_type3A_305, %cond3A_306 : i32
      scf.if %cond3A_307 {
        %add3A_461 = arith.constant 2 : i32
        %add3A_462 = arith.addi %add3A_248, %add3A_461 : i32
        %mul3A_463 = arith.constant 16 : i32
        %mul3A_464 = arith.muli %add3A_462, %mul3A_463 : i32
        %add3A_465 = arith.addi %mul3A_2, %mul3A_464 : i32
        %dma_start3A_466 = arith.constant 1 : i32
        %dma_start3A_467 = arith.constant 0 : i32
        %dma_start3A_468 = arith.constant 0 : i32
        %dma_start3A_469 = tpu.memref_slice %arg7[%dma_start3A_466, %dma_start3A_467, %dma_start3A_468] : memref<2x16x3072xf32, #tpu.memory_space<vmem>> -> memref<1x16x3072xf32, #tpu.memory_space<vmem>>
        %dma_start3A_470 = tpu.memref_squeeze %dma_start3A_469 : memref<1x16x3072xf32, #tpu.memory_space<vmem>> -> memref<16x3072xf32, #tpu.memory_space<vmem>>
        %dma_start3A_471 = arith.constant 0 : i32
        %dma_start3A_472 = tpu.memref_slice %arg3[%add3A_465, %dma_start3A_471] : memref<24576x3072xf32, #tpu.memory_space<hbm>> -> memref<16x3072xf32, #tpu.memory_space<hbm>>
        %dma_start3A_473 = arith.constant 0 : i32
        %dma_start3A_474 = arith.constant 0 : i32
        %dma_start3A_475 = tpu.memref_slice %arg7[%dma_start3A_466, %dma_start3A_473, %dma_start3A_474] : memref<2x16x3072xf32, #tpu.memory_space<vmem>> -> memref<1x16x3072xf32, #tpu.memory_space<vmem>>
        %dma_start3A_476 = tpu.memref_squeeze %dma_start3A_475 : memref<1x16x3072xf32, #tpu.memory_space<vmem>> -> memref<16x3072xf32, #tpu.memory_space<vmem>>
        %dma_start3A_477 = arith.constant 0 : i32
        %dma_start3A_478 = tpu.memref_slice %arg3[%add3A_465, %dma_start3A_477] : memref<24576x3072xf32, #tpu.memory_space<hbm>> -> memref<16x3072xf32, #tpu.memory_space<hbm>>
        tpu.enqueue_dma source(%dma_start3A_478 : memref<16x3072xf32, #tpu.memory_space<hbm>>) target(%dma_start3A_476 : memref<16x3072xf32, #tpu.memory_space<vmem>>) target_semaphore(%arg12 : memref<!tpu.dma_semaphore, #tpu.memory_space<semaphore_mem>>)
      } else {
      }
      %mul3A_308 = arith.constant 16 : i32
      %mul3A_309 = vector.broadcast %mul3A_308 : i32 to vector<16xi32>
      %mul3A_310 = arith.muli %iota3A, %mul3A_309 : vector<16xi32>
      %add3A_311 = arith.constant 0 : i32
      %add3A_312 = vector.broadcast %add3A_311 : i32 to vector<16xi32>
      %add3A_313 = arith.addi %mul3A_310, %add3A_312 : vector<16xi32>
      tpu.vector_store_idx %arg10[%add3A_313], %scan3A_299#0 : memref<256xf32, #tpu.memory_space<vmem>>[vector<16xi32>], vector<16xf32>,
      %mul3A_314 = arith.constant 16 : i32
      %mul3A_315 = vector.broadcast %mul3A_314 : i32 to vector<16xi32>
      %mul3A_316 = arith.muli %iota3A, %mul3A_315 : vector<16xi32>
      %add3A_317 = arith.constant 1 : i32
      %add3A_318 = vector.broadcast %add3A_317 : i32 to vector<16xi32>
      %add3A_319 = arith.addi %mul3A_316, %add3A_318 : vector<16xi32>
      tpu.vector_store_idx %arg10[%add3A_319], %scan3A_299#1 : memref<256xf32, #tpu.memory_space<vmem>>[vector<16xi32>], vector<16xf32>,
      %mul3A_320 = arith.constant 16 : i32
      %mul3A_321 = vector.broadcast %mul3A_320 : i32 to vector<16xi32>
      %mul3A_322 = arith.muli %iota3A, %mul3A_321 : vector<16xi32>
      %add3A_323 = arith.constant 2 : i32
      %add3A_324 = vector.broadcast %add3A_323 : i32 to vector<16xi32>
      %add3A_325 = arith.addi %mul3A_322, %add3A_324 : vector<16xi32>
      tpu.vector_store_idx %arg10[%add3A_325], %scan3A_299#2 : memref<256xf32, #tpu.memory_space<vmem>>[vector<16xi32>], vector<16xf32>,
      %mul3A_326 = arith.constant 16 : i32
      %mul3A_327 = vector.broadcast %mul3A_326 : i32 to vector<16xi32>
      %mul3A_328 = arith.muli %iota3A, %mul3A_327 : vector<16xi32>
      %add3A_329 = arith.constant 3 : i32
      %add3A_330 = vector.broadcast %add3A_329 : i32 to vector<16xi32>
      %add3A_331 = arith.addi %mul3A_328, %add3A_330 : vector<16xi32>
      tpu.vector_store_idx %arg10[%add3A_331], %scan3A_299#3 : memref<256xf32, #tpu.memory_space<vmem>>[vector<16xi32>], vector<16xf32>,
      %mul3A_332 = arith.constant 16 : i32
      %mul3A_333 = vector.broadcast %mul3A_332 : i32 to vector<16xi32>
      %mul3A_334 = arith.muli %iota3A, %mul3A_333 : vector<16xi32>
      %add3A_335 = arith.constant 4 : i32
      %add3A_336 = vector.broadcast %add3A_335 : i32 to vector<16xi32>
      %add3A_337 = arith.addi %mul3A_334, %add3A_336 : vector<16xi32>
      tpu.vector_store_idx %arg10[%add3A_337], %scan3A_299#4 : memref<256xf32, #tpu.memory_space<vmem>>[vector<16xi32>], vector<16xf32>,
      %mul3A_338 = arith.constant 16 : i32
      %mul3A_339 = vector.broadcast %mul3A_338 : i32 to vector<16xi32>
      %mul3A_340 = arith.muli %iota3A, %mul3A_339 : vector<16xi32>
      %add3A_341 = arith.constant 5 : i32
      %add3A_342 = vector.broadcast %add3A_341 : i32 to vector<16xi32>
      %add3A_343 = arith.addi %mul3A_340, %add3A_342 : vector<16xi32>
      tpu.vector_store_idx %arg10[%add3A_343], %scan3A_299#5 : memref<256xf32, #tpu.memory_space<vmem>>[vector<16xi32>], vector<16xf32>,
      %mul3A_344 = arith.constant 16 : i32
      %mul3A_345 = vector.broadcast %mul3A_344 : i32 to vector<16xi32>
      %mul3A_346 = arith.muli %iota3A, %mul3A_345 : vector<16xi32>
      %add3A_347 = arith.constant 6 : i32
      %add3A_348 = vector.broadcast %add3A_347 : i32 to vector<16xi32>
      %add3A_349 = arith.addi %mul3A_346, %add3A_348 : vector<16xi32>
      tpu.vector_store_idx %arg10[%add3A_349], %scan3A_299#6 : memref<256xf32, #tpu.memory_space<vmem>>[vector<16xi32>], vector<16xf32>,
      %mul3A_350 = arith.constant 16 : i32
      %mul3A_351 = vector.broadcast %mul3A_350 : i32 to vector<16xi32>
      %mul3A_352 = arith.muli %iota3A, %mul3A_351 : vector<16xi32>
      %add3A_353 = arith.constant 7 : i32
      %add3A_354 = vector.broadcast %add3A_353 : i32 to vector<16xi32>
      %add3A_355 = arith.addi %mul3A_352, %add3A_354 : vector<16xi32>
      tpu.vector_store_idx %arg10[%add3A_355], %scan3A_299#7 : memref<256xf32, #tpu.memory_space<vmem>>[vector<16xi32>], vector<16xf32>,
      %mul3A_356 = arith.constant 16 : i32
      %mul3A_357 = vector.broadcast %mul3A_356 : i32 to vector<16xi32>
      %mul3A_358 = arith.muli %iota3A, %mul3A_357 : vector<16xi32>
      %add3A_359 = arith.constant 8 : i32
      %add3A_360 = vector.broadcast %add3A_359 : i32 to vector<16xi32>
      %add3A_361 = arith.addi %mul3A_358, %add3A_360 : vector<16xi32>
      tpu.vector_store_idx %arg10[%add3A_361], %scan3A_299#8 : memref<256xf32, #tpu.memory_space<vmem>>[vector<16xi32>], vector<16xf32>,
      %mul3A_362 = arith.constant 16 : i32
      %mul3A_363 = vector.broadcast %mul3A_362 : i32 to vector<16xi32>
      %mul3A_364 = arith.muli %iota3A, %mul3A_363 : vector<16xi32>
      %add3A_365 = arith.constant 9 : i32
      %add3A_366 = vector.broadcast %add3A_365 : i32 to vector<16xi32>
      %add3A_367 = arith.addi %mul3A_364, %add3A_366 : vector<16xi32>
      tpu.vector_store_idx %arg10[%add3A_367], %scan3A_299#9 : memref<256xf32, #tpu.memory_space<vmem>>[vector<16xi32>], vector<16xf32>,
      %mul3A_368 = arith.constant 16 : i32
      %mul3A_369 = vector.broadcast %mul3A_368 : i32 to vector<16xi32>
      %mul3A_370 = arith.muli %iota3A, %mul3A_369 : vector<16xi32>
      %add3A_371 = arith.constant 10 : i32
      %add3A_372 = vector.broadcast %add3A_371 : i32 to vector<16xi32>
      %add3A_373 = arith.addi %mul3A_370, %add3A_372 : vector<16xi32>
      tpu.vector_store_idx %arg10[%add3A_373], %scan3A_299#10 : memref<256xf32, #tpu.memory_space<vmem>>[vector<16xi32>], vector<16xf32>,
      %mul3A_374 = arith.constant 16 : i32
      %mul3A_375 = vector.broadcast %mul3A_374 : i32 to vector<16xi32>
      %mul3A_376 = arith.muli %iota3A, %mul3A_375 : vector<16xi32>
      %add3A_377 = arith.constant 11 : i32
      %add3A_378 = vector.broadcast %add3A_377 : i32 to vector<16xi32>
      %add3A_379 = arith.addi %mul3A_376, %add3A_378 : vector<16xi32>
      tpu.vector_store_idx %arg10[%add3A_379], %scan3A_299#11 : memref<256xf32, #tpu.memory_space<vmem>>[vector<16xi32>], vector<16xf32>,
      %mul3A_380 = arith.constant 16 : i32
      %mul3A_381 = vector.broadcast %mul3A_380 : i32 to vector<16xi32>
      %mul3A_382 = arith.muli %iota3A, %mul3A_381 : vector<16xi32>
      %add3A_383 = arith.constant 12 : i32
      %add3A_384 = vector.broadcast %add3A_383 : i32 to vector<16xi32>
      %add3A_385 = arith.addi %mul3A_382, %add3A_384 : vector<16xi32>
      tpu.vector_store_idx %arg10[%add3A_385], %scan3A_299#12 : memref<256xf32, #tpu.memory_space<vmem>>[vector<16xi32>], vector<16xf32>,
      %mul3A_386 = arith.constant 16 : i32
      %mul3A_387 = vector.broadcast %mul3A_386 : i32 to vector<16xi32>
      %mul3A_388 = arith.muli %iota3A, %mul3A_387 : vector<16xi32>
      %add3A_389 = arith.constant 13 : i32
      %add3A_390 = vector.broadcast %add3A_389 : i32 to vector<16xi32>
      %add3A_391 = arith.addi %mul3A_388, %add3A_390 : vector<16xi32>
      tpu.vector_store_idx %arg10[%add3A_391], %scan3A_299#13 : memref<256xf32, #tpu.memory_space<vmem>>[vector<16xi32>], vector<16xf32>,
      %mul3A_392 = arith.constant 16 : i32
      %mul3A_393 = vector.broadcast %mul3A_392 : i32 to vector<16xi32>
      %mul3A_394 = arith.muli %iota3A, %mul3A_393 : vector<16xi32>
      %add3A_395 = arith.constant 14 : i32
      %add3A_396 = vector.broadcast %add3A_395 : i32 to vector<16xi32>
      %add3A_397 = arith.addi %mul3A_394, %add3A_396 : vector<16xi32>
      tpu.vector_store_idx %arg10[%add3A_397], %scan3A_299#14 : memref<256xf32, #tpu.memory_space<vmem>>[vector<16xi32>], vector<16xf32>,
      %mul3A_398 = arith.constant 16 : i32
      %mul3A_399 = vector.broadcast %mul3A_398 : i32 to vector<16xi32>
      %mul3A_400 = arith.muli %iota3A, %mul3A_399 : vector<16xi32>
      %add3A_401 = arith.constant 15 : i32
      %add3A_402 = vector.broadcast %add3A_401 : i32 to vector<16xi32>
      %add3A_403 = arith.addi %mul3A_400, %add3A_402 : vector<16xi32>
      tpu.vector_store_idx %arg10[%add3A_403], %scan3A_299#15 : memref<256xf32, #tpu.memory_space<vmem>>[vector<16xi32>], vector<16xf32>,
      %get3A_404 = arith.constant 0 : index
      %get3A_405 = tpu.vector_load %arg10[%get3A_404] {strides = array<i32>} : memref<256xf32, #tpu.memory_space<vmem>>, vector<16xf32>,
      %get3A_406 = arith.constant 16 : index
      %get3A_407 = tpu.vector_load %arg10[%get3A_406] {strides = array<i32>} : memref<256xf32, #tpu.memory_space<vmem>>, vector<16xf32>,
      %add3A_408 = arith.addf %get3A_405, %get3A_407 : vector<16xf32>
      %get3A_409 = arith.constant 32 : index
      %get3A_410 = tpu.vector_load %arg10[%get3A_409] {strides = array<i32>} : memref<256xf32, #tpu.memory_space<vmem>>, vector<16xf32>,
      %add3A_411 = arith.addf %add3A_408, %get3A_410 : vector<16xf32>
      %get3A_412 = arith.constant 48 : index
      %get3A_413 = tpu.vector_load %arg10[%get3A_412] {strides = array<i32>} : memref<256xf32, #tpu.memory_space<vmem>>, vector<16xf32>,
      %add3A_414 = arith.addf %add3A_411, %get3A_413 : vector<16xf32>
      %get3A_415 = arith.constant 64 : index
      %get3A_416 = tpu.vector_load %arg10[%get3A_415] {strides = array<i32>} : memref<256xf32, #tpu.memory_space<vmem>>, vector<16xf32>,
      %add3A_417 = arith.addf %add3A_414, %get3A_416 : vector<16xf32>
      %get3A_418 = arith.constant 80 : index
      %get3A_419 = tpu.vector_load %arg10[%get3A_418] {strides = array<i32>} : memref<256xf32, #tpu.memory_space<vmem>>, vector<16xf32>,
      %add3A_420 = arith.addf %add3A_417, %get3A_419 : vector<16xf32>
      %get3A_421 = arith.constant 96 : index
      %get3A_422 = tpu.vector_load %arg10[%get3A_421] {strides = array<i32>} : memref<256xf32, #tpu.memory_space<vmem>>, vector<16xf32>,
      %add3A_423 = arith.addf %add3A_420, %get3A_422 : vector<16xf32>
      %get3A_424 = arith.constant 112 : index
      %get3A_425 = tpu.vector_load %arg10[%get3A_424] {strides = array<i32>} : memref<256xf32, #tpu.memory_space<vmem>>, vector<16xf32>,
      %add3A_426 = arith.addf %add3A_423, %get3A_425 : vector<16xf32>
      %get3A_427 = arith.constant 128 : index
      %get3A_428 = tpu.vector_load %arg10[%get3A_427] {strides = array<i32>} : memref<256xf32, #tpu.memory_space<vmem>>, vector<16xf32>,
      %add3A_429 = arith.addf %add3A_426, %get3A_428 : vector<16xf32>
      %get3A_430 = arith.constant 144 : index
      %get3A_431 = tpu.vector_load %arg10[%get3A_430] {strides = array<i32>} : memref<256xf32, #tpu.memory_space<vmem>>, vector<16xf32>,
      %add3A_432 = arith.addf %add3A_429, %get3A_431 : vector<16xf32>
      %get3A_433 = arith.constant 160 : index
      %get3A_434 = tpu.vector_load %arg10[%get3A_433] {strides = array<i32>} : memref<256xf32, #tpu.memory_space<vmem>>, vector<16xf32>,
      %add3A_435 = arith.addf %add3A_432, %get3A_434 : vector<16xf32>
      %get3A_436 = arith.constant 176 : index
      %get3A_437 = tpu.vector_load %arg10[%get3A_436] {strides = array<i32>} : memref<256xf32, #tpu.memory_space<vmem>>, vector<16xf32>,
      %add3A_438 = arith.addf %add3A_435, %get3A_437 : vector<16xf32>
      %get3A_439 = arith.constant 192 : index
      %get3A_440 = tpu.vector_load %arg10[%get3A_439] {strides = array<i32>} : memref<256xf32, #tpu.memory_space<vmem>>, vector<16xf32>,
      %add3A_441 = arith.addf %add3A_438, %get3A_440 : vector<16xf32>
      %get3A_442 = arith.constant 208 : index
      %get3A_443 = tpu.vector_load %arg10[%get3A_442] {strides = array<i32>} : memref<256xf32, #tpu.memory_space<vmem>>, vector<16xf32>,
      %add3A_444 = arith.addf %add3A_441, %get3A_443 : vector<16xf32>
      %get3A_445 = arith.constant 224 : index
      %get3A_446 = tpu.vector_load %arg10[%get3A_445] {strides = array<i32>} : memref<256xf32, #tpu.memory_space<vmem>>, vector<16xf32>,
      %add3A_447 = arith.addf %add3A_444, %get3A_446 : vector<16xf32>
      %get3A_448 = arith.constant 240 : index
      %get3A_449 = tpu.vector_load %arg10[%get3A_448] {strides = array<i32>} : memref<256xf32, #tpu.memory_space<vmem>>, vector<16xf32>,
      %add3A_450 = arith.addf %add3A_447, %get3A_449 : vector<16xf32>
      %mul3A_451 = arith.constant 16 : i32
      %mul3A_452 = arith.muli %add3A_248, %mul3A_451 : i32
      %mul3A_453 = arith.constant 2.44140625E-4 : f32
      %mul3A_454 = vector.broadcast %mul3A_453 : f32 to vector<16xf32>
      %mul3A_455 = arith.mulf %add3A_450, %mul3A_454 : vector<16xf32>
      %get3A_456 = arith.index_cast %mul3A_452 : i32 to index
      %get3A_457 = tpu.vector_load %arg9[%get3A_456] {strides = array<i32>} : memref<288xf32, #tpu.memory_space<vmem>>, vector<16xf32>,
      %add3A_458 = arith.addf %mul3A_455, %get3A_457 : vector<16xf32>
      %swap3A_459 = arith.index_cast %mul3A_452 : i32 to index
      %swap3A_460 = tpu.vector_load %arg8[%swap3A_459] {strides = array<i32>} : memref<288xf32, #tpu.memory_space<vmem>>, vector<16xf32>,
      tpu.vector_store %arg8[%swap3A_459], %add3A_458 {strides = array<i32>} : memref<288xf32, #tpu.memory_space<vmem>>, vector<16xf32>,
    }
    %scan3A_34 = arith.constant 9 : i32
    "tpu.region"() ({
      %run_scoped3A = tpu.sem_alloc : memref<!tpu.dma_semaphore, #tpu.memory_space<semaphore_mem>>
      %dma_start3A_35 = tpu.memref_slice %arg5[%mul3A_2] : memref<9216xf32, #tpu.memory_space<hbm>> -> memref<288xf32, #tpu.memory_space<hbm>>
      %dma_start3A_36 = tpu.memref_slice %arg5[%mul3A_2] : memref<9216xf32, #tpu.memory_space<hbm>> -> memref<288xf32, #tpu.memory_space<hbm>>
      tpu.enqueue_dma source(%arg8 : memref<288xf32, #tpu.memory_space<vmem>>) target(%dma_start3A_36 : memref<288xf32, #tpu.memory_space<hbm>>) target_semaphore(%run_scoped3A : memref<!tpu.dma_semaphore, #tpu.memory_space<semaphore_mem>>)
      %dma_wait3A = tpu.memref_slice %arg5[%mul3A_2] : memref<9216xf32, #tpu.memory_space<hbm>> -> memref<288xf32, #tpu.memory_space<hbm>>
      %dma_wait3A_37 = tpu.memref_slice %arg5[%mul3A_2] : memref<9216xf32, #tpu.memory_space<hbm>> -> memref<288xf32, #tpu.memory_space<hbm>>
      tpu.wait_dma2 semaphore(%run_scoped3A : memref<!tpu.dma_semaphore, #tpu.memory_space<semaphore_mem>>) src(%arg8 : memref<288xf32, #tpu.memory_space<vmem>>) dst(%dma_wait3A_37 : memref<288xf32, #tpu.memory_space<hbm>>)
      tpu.yield
    }) : () -> ()
    return
  }
}

module attributes {stable_mosaic.version = 14 : i64} {
  func.func @_mean_body(%arg0: i32, %arg1: memref<1x512x3072xf32, #tpu.memory_space<vmem>>, %arg2: memref<1x3072xf32, #tpu.memory_space<vmem>>) attributes {dimension_semantics = [#tpu.dimension_semantics<arbitrary>], iteration_bounds = array<i64: 8>, scalar_prefetch = 0 : i64, scratch_operands = 0 : i64, tpu.core_type = #tpu.core_type<tc>, window_params = [{transform_indices = @transform_0, window_bounds = array<i64: 1, 512, 3072>}, {pipeline_mode = #tpu.pipeline_mode<synchronous>, transform_indices = @transform_1, window_bounds = array<i64: 1, 3072>}]} {
    %eq3A = arith.constant 0 : i32
    %eq3A_0 = arith.cmpi eq, %arg0, %eq3A : i32
    %convert_element_type3A = arith.extui %eq3A_0 : i1 to i32
    %cond3A = arith.constant 0 : i32
    %cond3A_1 = arith.cmpi ne, %convert_element_type3A, %cond3A : i32
    scf.if %cond3A_1 {
      %broadcast_in_dim3A_12 = arith.constant 0.000000e+00 : f32
      %broadcast_in_dim3A_13 = vector.broadcast %broadcast_in_dim3A_12 : f32 to vector<1x3072xf32>
      %swap3A_14 = arith.constant 0 : index
      %swap3A_15 = arith.constant 0 : index
      %swap3A_16 = vector.load %arg2[%swap3A_14, %swap3A_15] : memref<1x3072xf32, #tpu.memory_space<vmem>>, vector<1x3072xf32>
      tpu.vector_store %arg2[%swap3A_14, %swap3A_15], %broadcast_in_dim3A_13 {strides = array<i32>} : memref<1x3072xf32, #tpu.memory_space<vmem>>, vector<1x3072xf32>,
    } else {
    }
    %get3A = arith.constant 0 : index
    %get3A_2 = arith.constant 0 : index
    %get3A_3 = vector.load %arg2[%get3A, %get3A_2] : memref<1x3072xf32, #tpu.memory_space<vmem>>, vector<1x3072xf32>
    %get3A_4 = arith.constant 0 : index
    %get3A_5 = arith.constant 0 : index
    %get3A_6 = arith.constant 0 : index
    %get3A_7 = vector.load %arg1[%get3A_4, %get3A_5, %get3A_6] : memref<1x512x3072xf32, #tpu.memory_space<vmem>>, vector<1x512x3072xf32>
    %get3A_8 = vector.shape_cast %get3A_7 : vector<1x512x3072xf32> to vector<512x3072xf32>
    %reduce_sum3A = arith.constant dense<0.000000e+00> : vector<3072xf32>
    %reduce_sum3A_9 = vector.multi_reduction <add>, %get3A_8, %reduce_sum3A [0] : vector<512x3072xf32> to vector<3072xf32>
    %broadcast_in_dim3A = vector.shape_cast %reduce_sum3A_9 : vector<3072xf32> to vector<1x3072xf32>
    %add3A = arith.addf %get3A_3, %broadcast_in_dim3A : vector<1x3072xf32>
    %swap3A = arith.constant 0 : index
    %swap3A_10 = arith.constant 0 : index
    %swap3A_11 = vector.load %arg2[%swap3A, %swap3A_10] : memref<1x3072xf32, #tpu.memory_space<vmem>>, vector<1x3072xf32>
    tpu.vector_store %arg2[%swap3A, %swap3A_10], %add3A {strides = array<i32>} : memref<1x3072xf32, #tpu.memory_space<vmem>>, vector<1x3072xf32>,
    return
  }
  func.func @transform_0(%arg0: i32) -> (i32, i32, i32) {
    %c0_i32 = arith.constant 0 : i32
    %c0_i32_0 = arith.constant 0 : i32
    %c0_i32_1 = arith.constant 0 : i32
    return %c0_i32, %arg0, %c0_i32_0 : i32, i32, i32
  }
  func.func @transform_1(%arg0: i32) -> (i32, i32) {
    %c0_i32 = arith.constant 0 : i32
    %c0_i32_0 = arith.constant 0 : i32
    %c0_i32_1 = arith.constant 0 : i32
    return %c0_i32, %c0_i32_0 : i32, i32
  }
}

module attributes {stable_mosaic.version = 14 : i64} {
  func.func @_proj_body(%arg0: i32, %arg1: memref<1x3072xf32, #tpu.memory_space<vmem>>, %arg2: memref<1x1024x3072xf32, #tpu.memory_space<vmem>>, %arg3: memref<1x1x1024xf32, #tpu.memory_space<vmem>>, %arg4: memref<1x1x1024xf32, #tpu.memory_space<vmem>>) attributes {dimension_semantics = [#tpu.dimension_semantics<arbitrary>], iteration_bounds = array<i64: 15>, scalar_prefetch = 0 : i64, scratch_operands = 0 : i64, tpu.core_type = #tpu.core_type<tc>, window_params = [{pipeline_mode = #tpu.pipeline_mode<synchronous>, transform_indices = @transform_0, window_bounds = array<i64: 1, 3072>}, {transform_indices = @transform_1, window_bounds = array<i64: 1, 1024, 3072>}, {transform_indices = @transform_2, window_bounds = array<i64: 1, 1, 1024>}, {transform_indices = @transform_3, window_bounds = array<i64: 1, 1, 1024>}]} {
    %get3A = arith.constant 0 : index
    %get3A_0 = arith.constant 0 : index
    %get3A_1 = vector.load %arg1[%get3A, %get3A_0] : memref<1x3072xf32, #tpu.memory_space<vmem>>, vector<1x3072xf32>
    %mul3A = arith.constant 2.44140625E-4 : f32
    %mul3A_2 = vector.broadcast %mul3A : f32 to vector<1x3072xf32>
    %mul3A_3 = arith.mulf %get3A_1, %mul3A_2 : vector<1x3072xf32>
    %get3A_4 = arith.constant 0 : index
    %get3A_5 = arith.constant 0 : index
    %get3A_6 = arith.constant 0 : index
    %get3A_7 = vector.load %arg2[%get3A_4, %get3A_5, %get3A_6] : memref<1x1024x3072xf32, #tpu.memory_space<vmem>>, vector<1x1024x3072xf32>
    %get3A_8 = vector.shape_cast %get3A_7 : vector<1x1024x3072xf32> to vector<1024x3072xf32>
    %dot_general3A = arith.constant dense<0.000000e+00> : vector<1x1024xf32>
    %dot_general3A_9 = tpu.matmul %mul3A_3, %get3A_8, %dot_general3A {dimension_numbers = #tpu.dot_dimension_numbers<[1], [1], [0], [0], [0, 0, 1, 0], [], []>, transpose_lhs_hint = false} : vector<1x3072xf32>, vector<1024x3072xf32>, vector<1x1024xf32> -> vector<1x1024xf32>
    %get3A_10 = arith.constant 0 : index
    %get3A_11 = arith.constant 0 : index
    %get3A_12 = arith.constant 0 : index
    %get3A_13 = vector.load %arg3[%get3A_10, %get3A_11, %get3A_12] : memref<1x1x1024xf32, #tpu.memory_space<vmem>>, vector<1x1x1024xf32>
    %get3A_14 = vector.shape_cast %get3A_13 : vector<1x1x1024xf32> to vector<1x1024xf32>
    %add3A = arith.addf %dot_general3A_9, %get3A_14 : vector<1x1024xf32>
    %swap3A = arith.constant 0 : index
    %swap3A_15 = arith.constant 0 : index
    %swap3A_16 = arith.constant 0 : index
    %swap3A_17 = vector.load %arg4[%swap3A, %swap3A_15, %swap3A_16] : memref<1x1x1024xf32, #tpu.memory_space<vmem>>, vector<1x1x1024xf32>
    %swap3A_18 = vector.shape_cast %swap3A_17 : vector<1x1x1024xf32> to vector<1x1024xf32>
    %swap3A_19 = vector.shape_cast %add3A : vector<1x1024xf32> to vector<1x1x1024xf32>
    tpu.vector_store %arg4[%swap3A, %swap3A_15, %swap3A_16], %swap3A_19 {strides = array<i32>} : memref<1x1x1024xf32, #tpu.memory_space<vmem>>, vector<1x1x1024xf32>,
    return
  }
  func.func @transform_0(%arg0: i32) -> (i32, i32) {
    %c0_i32 = arith.constant 0 : i32
    %c0_i32_0 = arith.constant 0 : i32
    %c0_i32_1 = arith.constant 0 : i32
    return %c0_i32, %c0_i32_0 : i32, i32
  }
  func.func @transform_1(%arg0: i32) -> (i32, i32, i32) {
    %add3A = arith.constant 9 : i32
    %add3A_0 = arith.addi %arg0, %add3A : i32
    %c0_i32 = arith.constant 0 : i32
    %c0_i32_1 = arith.constant 0 : i32
    %c0_i32_2 = arith.constant 0 : i32
    return %add3A_0, %c0_i32, %c0_i32_1 : i32, i32, i32
  }
  func.func @transform_2(%arg0: i32) -> (i32, i32, i32) {
    %c0_i32 = arith.constant 0 : i32
    %c0_i32_0 = arith.constant 0 : i32
    %c0_i32_1 = arith.constant 0 : i32
    return %arg0, %c0_i32, %c0_i32_0 : i32, i32, i32
  }
  func.func @transform_3(%arg0: i32) -> (i32, i32, i32) {
    %c0_i32 = arith.constant 0 : i32
    %c0_i32_0 = arith.constant 0 : i32
    %c0_i32_1 = arith.constant 0 : i32
    return %arg0, %c0_i32, %c0_i32_0 : i32, i32, i32
  }
}

</mosaic_0001>

<sc_bundles>
// kernel: kernel.5.cloned.1.call-start
scs
__scs_entry_jumppad:
0x0: {  	(pc) =	sbr.rel $0x88, $3  }
0x1: {  	(tag) =	ssettag $0x0;
	lr =	simm.s32 $0x1  }
0x2: {  	[smem:$0x3F9E] =	sst lr;
	_ =	strace $0xD0000000  }
0x3: {  	_ = 	snop  }
0x4: {  	_ = 	snop  }
0x5: {  	_ = 	snop  }
0x6: {  	_ = 	snop  }
0x7: {  	_ = 	snop  }
__scs_overlays_trampoline_lowered:
0x8: {  	[smem:$0x3FAD] =	sst s0  }
0x9: {  	[smem:$0x3FAE] =	sst s1  }
0xa: {  	[smem:$0x3FAF] =	sst s2  }
0xb: {  	[smem:$0x3FB0] =	sst s3  }
0xc: {  	[smem:$0x3FB1] =	sst s4  }
0xd: {  	[smem:$0x3FB2] =	sst s5  }
0xe: {  	[smem:$0x3FB3] =	sst s6  }
0xf: {  	[smem:$0x3FB4] =	sst s7  }
0x10: {  	[smem:$0x3FB5] =	sst s8  }
0x11: {  	[smem:$0x3FB6] =	sst s9;
	s0 =	simm.s32 @!p0 $0x0  }
0x12: {  	s1 =	sld [smem:$0x3F9C];
	s0 =	simm.s32 @p0 $0x1  }
0x13: {  	[smem:$0x3FB7] =	sst s0;
	s0 =	simm.s32 @!p1 $0x0  }
0x14: {  	s2 =	sld [smem:$0x3F9B];
	s0 =	simm.s32 @p1 $0x1  }
0x15: {  	[smem:$0x3FB8] =	sst s0;
	s0 =	simm.s32 @!p2 $0x0  }
0x16: {  	s3 =	sld [smem:$0x3FDB];
	s0 =	simm.s32 @p2 $0x1  }
0x17: {  	s4 =	simm.s32 $0x1BF5;
	[smem:$0x3FBA] =	sst s0  }
0x18: {  	s0 =	sld [smem:$0x3F9D];
	_ =	swait.ge [sflag:s4], $0x0  }
0x19: {  	s7 =	sld [smem:$0x3F9E]  }
0x1a: {  	s8 =	sadd.s32 $0xFFFFE003, lr  }
0x1b: {  	s9 =	sadd.s32 $0xFFFFFEF7, lr;
	s5 =	simm.s32 $0xFFFFFFFF;
	p2 =	slt.u32 s8, $0xFFFFF086  }
0x1c: {  	p1 =	slt.u32 s9, $0xF7A;
	s5 =	simm.s32 @!p2 $0x0  }
0x1d: {  	s5 =	simm.s32 @p1 $0x1;
	p0 =	seq.s32 s7, s2  }
0x1e: {  	s7 =	smul.u32 @!p0 $0xF7A, s2;
	p2 =	seq.s32 @!p0 s5, $0x0  }
0x1f: {  	s9 =	smul.u32 $0xF7A, s1;
	s8 =	simm.s32 @!p0 $0x1BF5;
	p2 =	por !p2, p0  }
0x20: {  	[sflag:s8] =	ssyncset.s32 @!p0 $0xFFFFF086;
	s6 =	sadd.s32 @!p0 s3, s7;
	s7 =	simm.s32 @!p0 $0x108  }
0x21: {  	s3 =	sadd.s32 s3, s9;
	s6 =	sadd.s32 @!p0 $0x88, s6;
	s7 =	simm.s32 @p2 $0x1082  }
0x22: {  	[simem:s7], [sflag:s8] =	dma.local @!p0 [hbm:s6], $0xF7A  }
0x23: {  	s9 =	sor.u32 $0xD0000000, s2;
	s6 =	simm.s32 $0x108;
	_ =	swait.ge @!p0 [sflag:s8], $0x0  }
0x24: {  	s3 =	sadd.s32 $0x88, s3;
	s6 =	simm.s32 @!p1 $0x1082;
	[sflag:s4] =	ssyncset.s32 $0xFFFFF086  }
0x25: {  	[simem:s6], [sflag:s4] =	dma.local [hbm:s3], $0xF7A  }
0x26: {  	[smem:$0x3F9E] =	sst s1;
	(tag) =	ssettag s2;
	_ =	strace s9  }
0x27: {  	s1 =	sld [smem:$0x3FAE]  }
0x28: {  	s2 =	sld [smem:$0x3FAF]  }
0x29: {  	s4 =	sld [smem:$0x3FB1]  }
0x2a: {  	p0 =	seq.s32 s5, $0x0;
	s5 =	sld [smem:$0x3FB2]  }
0x2b: {  	s6 =	sld [smem:$0x3FB3]  }
0x2c: {  	s7 =	sld [smem:$0x3FB4]  }
0x2d: {  	s3 =	simm.s32 $0x108;
	s8 =	sld [smem:$0x3FB5]  }
0x2e: {  	s3 =	simm.s32 @!p0 $0x1082;
	s9 =	sld [smem:$0x3FB6]  }
0x2f: {  	lr =	sadd.s32 s0, s3;
	s0 =	sld [smem:$0x3FAD]  }
0x30: {  	s3 =	sld [smem:$0x3FB0]  }
0x31: {  	[smem:$0x3FB9] =	sst s10  }
0x32: {  	s10 =	sld [smem:$0x3FB7];
	_ =	sdelay $0x3  }
0x33: {  	p0 =	seq.s32 s10, $0x1;
	s10 =	sld [smem:$0x3FB9];
	_ =	sdelay $0x3  }
0x34: {  	[smem:$0x3FB9] =	sst s10  }
0x35: {  	s10 =	sld [smem:$0x3FB8];
	_ =	sdelay $0x3  }
0x36: {  	p1 =	seq.s32 s10, $0x1;
	s10 =	sld [smem:$0x3FB9];
	_ =	sdelay $0x3  }
0x37: {  	[smem:$0x3FB9] =	sst s10  }
0x38: {  	s10 =	sld [smem:$0x3FBA]  }
0x39: {  	_ = 	snop;
	(pc) =	sbr.ind lr, $3  }
0x3a: {  	_ = 	snop  }
0x3b: {  	_ = 	snop  }
0x3c: {  	p2 =	seq.s32 s10, $0x1;
	s10 =	sld [smem:$0x3FB9]  }
0x3d: {  	_ =	shalt  }
0x3e: {  	_ =	shalt  }
0x3f: {  	_ =	shalt  }
0x40: {  	_ =	shalt  }
0x41: {  	_ =	shalt  }
0x42: {  	_ =	shalt  }
0x43: {  	_ =	shalt  }
0x44: {  	_ =	shalt  }
0x45: {  	_ =	shalt  }
0x46: {  	_ =	shalt  }
0x47: {  	_ =	shalt  }
0x48: {  	_ =	shalt  }
0x49: {  	_ =	shalt  }
0x4a: {  	_ =	shalt  }
0x4b: {  	_ =	shalt  }
0x4c: {  	_ =	shalt  }
0x4d: {  	_ =	shalt  }
0x4e: {  	_ =	shalt  }
0x4f: {  	_ =	shalt  }
0x50: {  	_ =	shalt  }
0x51: {  	_ =	shalt  }
0x52: {  	_ =	shalt  }
0x53: {  	_ =	shalt  }
0x54: {  	_ =	shalt  }
0x55: {  	_ =	shalt  }
0x56: {  	_ =	shalt  }
0x57: {  	_ =	shalt  }
0x58: {  	_ =	shalt  }
0x59: {  	_ =	shalt  }
0x5a: {  	_ =	shalt  }
0x5b: {  	_ =	shalt  }
0x5c: {  	_ =	shalt  }
0x5d: {  	_ =	shalt  }
0x5e: {  	_ =	shalt  }
0x5f: {  	_ =	shalt  }
0x60: {  	_ =	shalt  }
0x61: {  	_ =	shalt  }
0x62: {  	_ =	shalt  }
0x63: {  	_ =	shalt  }
0x64: {  	_ =	shalt  }
0x65: {  	_ =	shalt  }
0x66: {  	_ =	shalt  }
0x67: {  	_ =	shalt  }
0x68: {  	_ =	shalt  }
0x69: {  	_ =	shalt  }
0x6a: {  	_ =	shalt  }
0x6b: {  	_ =	shalt  }
0x6c: {  	_ =	shalt  }
0x6d: {  	_ =	shalt  }
0x6e: {  	_ =	shalt  }
0x6f: {  	_ =	shalt  }
0x70: {  	_ =	shalt  }
0x71: {  	_ =	shalt  }
0x72: {  	_ =	shalt  }
0x73: {  	_ =	shalt  }
0x74: {  	_ =	shalt  }
0x75: {  	_ =	shalt  }
0x76: {  	_ =	shalt  }
0x77: {  	_ =	shalt  }
0x78: {  	_ =	shalt  }
0x79: {  	_ =	shalt  }
0x7a: {  	_ =	shalt  }
0x7b: {  	_ =	shalt  }
0x7c: {  	_ =	shalt  }
0x7d: {  	_ =	shalt  }
0x7e: {  	_ =	shalt  }
0x7f: {  	_ =	shalt  }
0x80: {  	_ =	shalt  }
0x81: {  	_ =	shalt  }
0x82: {  	_ =	shalt  }
0x83: {  	_ =	shalt  }
0x84: {  	_ =	shalt  }
0x85: {  	_ =	shalt  }
0x86: {  	_ =	shalt  }
0x87: {  	_ =	shalt  }
.Lfunc_end0:
.L_simem_size_0:
called_computation_lowered:
.L_overlay_start_0:
0x88: {  	s2 =	sld [smem:$0x3FD9]  }
0x89: {  	s3 =	sld [smem:$0x3FFE];
	_ =	sdelay $0x1  }
0x8a: {  	s1 =	srdreg.scid  }
0x8b: {  	s0 =	sand.u32 $0x1, s1  }
0x8c: {  	s17 =	sshll.u32 s0, $0xA;
	s2 =	sadd.s32 s3, s2  }
0x8d: {  	s2 =	sadd.s32 s2, s17  }
0x8e: {  	[smem:$0x3FC5] =	sst s2  }
0x8f: {  	_ = 	snop  }
0x90: {  	s2 =	sld [smem:$0x3FC8]  }
0x91: {  	s18 =	sld [smem:$0x3FD0];
	(tm) =	ssettm $0x1  }
0x92: {  	s4 =	sld [smem:$0x3FFB];
	_ =	sdelay $0x3  }
0x93: {  	_ =	strace s4  }
0x94: {  	s4 =	sld [smem:$0x3FFC];
	_ =	sdelay $0x3  }
0x95: {  	_ =	strace s4  }
0x96: {  	s4 =	sld [smem:$0x3FFD];
	_ =	sdelay $0x3  }
0x97: {  	_ =	strace s4  }
0x98: {  	_ =	strace $0x8FFFFFFF  }
0x99: {  	s19 =	sld [smem:$0x3FDB];
	_ =	sdelay $0x1  }
0x9a: {  	s5 =	simm.s32 $_scs_section_size  }
0x9b: {  	s6 =	simm.s32 $_size__tile_overlayer_lowered;
	s7 =	simm.s32 $_tile_overlayer_lowered  }
0x9c: {  	s22 =	simm.s32 $0x1BFF;
	s21 =	sshll.u32 s7, $0x1;
	s4 =	sadd.s32 s5, s19  }
0x9d: {  	s8 =	simm.s32 $0x0;
	s20 =	sshll.u32 s6, $0x1;
	s6 =	sadd.s32 s21, s4  }
0x9e: {  	[timem:s8], [sflag:s22] =	dma.local [hbm:s6], s20  }
0x9f: {  	_ =	swait.ge [sflag:s22], s20  }
0xa0: {  	s5 =	ssub.s32 $0x0, s20;
	[sflag:s22] =	ssyncset.done $0x0  }
0xa1: {  	[sflag:s22] =	ssyncadd.s32 s5;
	_ =	sdelay $0x1  }
0xa2: {  	s23 =	simm.s32 $0x1B8B  }
0xa3: {  	_ =	swait.ge [sflag:s23], $0x1  }
0xa4: {  	[sflag:s23] =	ssyncset.done $0x0  }
0xa5: {  	s25 =	simm.s32 $0x1B8E;
	s24 =	sld [smem:$0x3FFE];
	[sflag:s23] =	ssyncadd.s32 $0xFFFFFFFF  }
0xa6: {  	s26 =	simm.s32 $execute0_lowered;
	[smem:$0x3FD2] =	sst s25  }
0xa7: {  	s6 =	sshll.u32 s26, $0x1;
	_ =	strace $0x80000046;
	[dreg:$0x1] =	wrdreg $0xFFFFFFFF  }
0xa8: {  	s28 =	simm.s32 $_size_execute0_lowered;
	s4 =	sadd.s32 s4, s6;
	[dreg:$0x0] =	wrdreg $0x0  }
0xa9: {  	s6 =	sshll.u32 s28, $0x1;
	[dreg:$0x2] =	wrdreg s4  }
0xaa: {  	[dreg:$0x3] =	wrdreg s6  }
0xab: {  	[dreg:$0x4] =	wrdreg $0xC0  }
0xac: {  	_ =	task [dreg:s8], $0x5FFFF  }
0xad: {  	[dreg:$0x1] =	wrdreg $0xFFFFFFFF  }
0xae: {  	[dreg:$0x0] =	wrdreg $0x60  }
0xaf: {  	[dreg:$0x2] =	wrdreg s24  }
0xb0: {  	[dreg:$0x3] =	wrdreg s2  }
0xb1: {  	[dreg:$0x4] =	wrdreg s18  }
0xb2: {  	[dreg:$0x5] =	wrdreg $0x9  }
0xb3: {  	_ =	task.clear_ibuf [dreg:s8], $0x6FFFF;
	_ =	strace $0x90000046  }
0xb4: {  	s29 =	simm.s32 $0x9;
	_ =	strace $0x80000048  }
0xb5: {  	_ =	swait.ge [sflag:s29], $0x1  }
0xb6: {  	[sflag:s29] =	ssyncadd.s32 $0xFFFFFFFF  }
0xb7: {  	_ =	strace $0x90000048  }
0xb8: {  	_ =	sfence  }
0xb9: {  	s30 =	sld [smem:$0x0];
	_ =	sdelay $0x2  }
0xba: {  	s31 =	sshll.u32 s1, $0xD;
	s1 =	sshrl.u32 s1, $0x2  }
0xbb: {  	s3 =	sand.u32 $0x4000, s31;
	s1 =	sadd.s32 s1, s30  }
0xbc: {  	s0 =	sor.u32 s3, s0;
	s1 =	sshll.u32 s1, $0x11  }
0xbd: {  	s0 =	sor.u32 s1, s0  }
0xbe: {  	s0 =	sadd.s32 $0x8F2B, s0  }
0xbf: {  	[sflag:s0] =	ssyncadd.remote.s32 $0x1  }
0xc0: {  	_ =	sfence.sel $0xFFFF  }
0xc1: {  	[dreg:$0x0] =	wrdreg $0xFFFFFFFF;
	(pc) =	sbr.abs _section_cstart, $3  }
0xc2: {  	[dreg:$0x1] =	wrdreg $0xFFFFFFFF  }
0xc3: {  	_ =	task.clear_ibuf [dreg:s8], $0x2FFFF;
	_ =	strace $0x9FFFFFFF  }
0xc4: {  	(tm) =	ssettm $0x7FFFFFFF  }
0xc5: {  	_ =	shalt  }
tec
execute0_lowered:
.L_overlay_start_1:
0x0: {  	(tag) =	ssettag $0x1  }
0x1: {  	s5 =	rddreg [dreg:$0x0]  }
0x2: {  	s1 =	srdreg.scid;
	s2 =	rddreg [dreg:$0x1]  }
0x3: {  	s0 =	stileid.u32;
	s7 =	rddreg [dreg:$0x2];
	v0 =	vlaneseq.u32  }
0x4: {  	s3 =	simm.s32 $0x0;
	s6 =	sand.u32 $0x1, s1;
	s29 =	sshll.u32 s0, $0x1;
	v0 =	vmul.u32 $0x10, v0  }
0x5: {  	[smem:$0x7FF] =	sst s3;
	s1 =	sor.u32 s6, s29  }
0x6: {  	s9 =	smul.u32 $0x120, s1;
	s1 =	rddreg [dreg:$0x3];
	_ =	strace $0x80000047;
	v1 =	vor.u32 $0x1, v0;
	[tilespmem:$0x1FFE0] =	vst v0  }
0x7: {  	v51 =	vor.u32 $0x2, v0;
	[tilespmem:$0x1FF00] =	vst v1  }
0x8: {  	v52 =	vor.u32 $0x3, v0;
	[tilespmem:$0x1FF10] =	vst v51  }
0x9: {  	v53 =	vor.u32 $0x4, v0;
	[tilespmem:$0x1FF20] =	vst v52  }
0xa: {  	v54 =	vor.u32 $0x5, v0;
	[tilespmem:$0x1FF30] =	vst v53  }
0xb: {  	v55 =	vor.u32 $0x6, v0;
	[tilespmem:$0x1FF40] =	vst v54  }
0xc: {  	v56 =	vor.u32 $0x7, v0;
	[tilespmem:$0x1FF50] =	vst v55  }
0xd: {  	s14 =	simm.s32 $0xC00;
	s15 =	simm.s32 $0xCC00;
	v57 =	vor.u32 $0x8, v0;
	[tilespmem:$0x1FF60] =	vst v56  }
0xe: {  	s16 =	simm.s32 $0x1;
	s17 =	simm.s32 $0x18F00;
	s18 =	simm.s32 $0x2;
	v58 =	vor.u32 $0x9, v0;
	[tilespmem:$0x1FF70] =	vst v57  }
0xf: {  	s19 =	simm.s32 $0x18C00;
	s30 =	ssub.s32 $0x2, s6;
	v59 =	vor.u32 $0xA, v0;
	[tilespmem:$0x1FF80] =	vst v58;
	s8 =	sshrl.u32 s9, $0x3  }
0x10: {  	s20 =	simm.s32 $0x0;
	s6 =	sshrl.u32 s30, $0x1;
	v60 =	vor.u32 $0xB, v0;
	[tilespmem:$0x1FF90] =	vst v59;
	s10 =	smul.u32 $0x6000, s8  }
0x11: {  	s4 =	sadd.s32 $0x600, s5;
	v61 =	vor.u32 $0xC, v0;
	s13 =	ssub.s32 s30, s6;
	[tilespmem:$0x1FFA0] =	vst v60;
	s12 =	smul.u32 $0xC00, s8  }
0x12: {  	v62 =	vor.u32 $0xD, v0;
	[tilespmem:$0x1FFB0] =	vst v61;
	s11 =	sadd.s32 s8, s5;
	s5 =	sadd.s32 s7, s8;
	s8 =	sadd.s32 $0x20, s9  }
0x13: {  	v63 =	vor.u32 $0xE, v0;
	[tilespmem:$0x1FFC0] =	vst v62;
	s9 =	sadd.s32 $0x30, s9;
	s10 =	sshrl.u32 s10, $0x3;
	s6 =	sadd.s32 s2, s12  }
0x14: {  	v0 =	vor.u32 $0xF, v0;
	[tilespmem:$0x1FFD0] =	vst v63;
	s12 =	simm.s32 $0x3;
	s31 =	sadd.s32 s2, s10;
	s10 =	sadd.s32 $0x800, s11  }
0x15: {  	[tilespmem:$0x1FFF0] =	vst v0;
	s11 =	smax.u32 s13, $0x1;
	s13 =	simm.s32 $0x18D80;
	s7 =	sadd.s32 $0x1800, s31  }
.LBB2_1:
0x16: {  	[tilespmem:s3], [sflag:$0x3] =	stream.linear.gather [hbm4b:s4+s3], $0xC00, $0x38;
	[tilespmem:$0x19000] =	vst v63  }
0x17: {  	_ =	swait.ge [sflag:s12], $0xC00  }
0x18: {  	[sflag:s12] =	ssyncset.done $0x0  }
0x19: {  	[sflag:s12] =	ssyncadd.s32 $0xFFFFF400  }
0x1a: {  	[tilespmem:s13], [sflag:$0x3] =	stream.linear.gather [hbm4b:s5+s3], $0x120, $0x38;
	[tilespmem:$0x19000] =	vst v63  }
0x1b: {  	_ =	swait.ge [sflag:s12], $0x120  }
0x1c: {  	[sflag:s12] =	ssyncset.done $0x0  }
0x1d: {  	[sflag:s12] =	ssyncadd.s32 $0xFFFFFEE0  }
0x1e: {  	[tilespmem:s14], [sflag:$0x1] =	stream.linear.gather [hbm4b:s6+s3], $0xC000, $0x38;
	[tilespmem:$0x19000] =	vst v63  }
0x1f: {  	s21 =	simm.s32 $0x0  }
0x20: {  	[tilespmem:s15], [sflag:$0x2] =	stream.linear.gather [hbm4b:s7+s3], $0xC000, $0x38;
	[tilespmem:$0x19000] =	vst v63  }
.LBB2_2:
0x21: {  	_ =	swait.ge [sflag:s16], $0xC000  }
0x22: {  	[sflag:s16] =	ssyncset.done $0x0  }
0x23: {  	s22 =	simm.s32 $0x40;
	[sflag:s16] =	ssyncadd.s32 $0xFFFF4000  }
0x24: {  	s23 =	simm.s32 $0x0;
	v16 =	vld [tilespmem:s22+$0x30]  }
0x25: {  	v36 =	vld [tilespmem:s23+$0xC70]  }
0x26: {  	v37 =	vld [tilespmem:s23+$0xCF0]  }
0x27: {  	v24 =	vld [tilespmem:s23+$0xD70]  }
0x28: {  	v35 =	vld [tilespmem:s23+$0xDF0]  }
0x29: {  	v22 =	vld [tilespmem:s23+$0xE70]  }
0x2a: {  	v21 =	vld [tilespmem:s23+$0xEF0]  }
0x2b: {  	v20 =	vld [tilespmem:s23+$0xF70]  }
0x2c: {  	v32 =	vld [tilespmem:s23+$0xFF0]  }
0x2d: {  	v31 =	vld [tilespmem:s23+$0x6C70]  }
0x2e: {  	v28 =	vld [tilespmem:s23+$0x6CF0]  }
0x2f: {  	v27 =	vld [tilespmem:s23+$0x6D70]  }
0x30: {  	v15 =	vld [tilespmem:s23+$0x6DF0]  }
0x31: {  	v13 =	vld [tilespmem:s23+$0x6E70]  }
0x32: {  	v10 =	vld [tilespmem:s23+$0x6EF0]  }
0x33: {  	v17 =	vld [tilespmem:s22+$0x20]  }
0x34: {  	v38 =	vld [tilespmem:s23+$0xC60]  }
0x35: {  	v39 =	vld [tilespmem:s23+$0xCE0]  }
0x36: {  	v40 =	vld [tilespmem:s23+$0xD60]  }
0x37: {  	v45 =	vld [tilespmem:s23+$0xDE0]  }
0x38: {  	v11 =	vld [tilespmem:s23+$0xE60]  }
0x39: {  	v8 =	vld [tilespmem:s23+$0xEE0]  }
0x3a: {  	v7 =	vld [tilespmem:s23+$0xF60]  }
0x3b: {  	v6 =	vld [tilespmem:s23+$0xFE0]  }
0x3c: {  	v5 =	vld [tilespmem:s23+$0x6C60]  }
0x3d: {  	v4 =	vld [tilespmem:s23+$0x6CE0]  }
0x3e: {  	v2 =	vld [tilespmem:s23+$0x6D60]  }
0x3f: {  	v3 =	vld [tilespmem:s23+$0x6DE0]  }
0x40: {  	v0 =	vld [tilespmem:s23+$0x6E60]  }
0x41: {  	v1 =	vld [tilespmem:s23+$0x6EE0]  }
0x42: {  	v18 =	vld [tilespmem:s22+$0x10]  }
0x43: {  	v46 =	vld [tilespmem:s23+$0xC50]  }
0x44: {  	v47 =	vld [tilespmem:s23+$0xCD0]  }
0x45: {  	v48 =	vld [tilespmem:s23+$0xD50]  }
0x46: {  	v49 =	vld [tilespmem:s23+$0xDD0]  }
0x47: {  	v30 =	vld [tilespmem:s23+$0xE50]  }
0x48: {  	v19 =	vld [tilespmem:s22+$0x0]  }
0x49: {  	v44 =	vld [tilespmem:s23+$0xCC0]  }
0x4a: {  	v26 =	vld [tilespmem:s22+$0xFFFFFFE0]  }
0x4b: {  	v23 =	vld [tilespmem:s23+$0xC20]  }
0x4c: {  	v29 =	vld [tilespmem:s22+$0xFFFFFFD0]  }
0x4d: {  	v41 =	vld [tilespmem:s23+$0xC10]  }
0x4e: {  	v42 =	vld [tilespmem:s23+$0xC90]  }
0x4f: {  	v34 =	vld [tilespmem:s22+$0xFFFFFFC0]  }
0x50: {  	v50 =	vld [tilespmem:s23+$0xC00]  }
0x51: {  	v51 =	vld [tilespmem:s23+$0xC80]  }
0x52: {  	v52 =	vld [tilespmem:s23+$0xD00]  }
0x53: {  	v53 =	vld [tilespmem:s23+$0xD80]  }
0x54: {  	v54 =	vld [tilespmem:s23+$0xD10]  }
0x55: {  	v55 =	vld [tilespmem:s23+$0xD90]  }
0x56: {  	v56 =	vld [tilespmem:s23+$0xCA0]  }
0x57: {  	v57 =	vld [tilespmem:s23+$0xD20];
	v41 =	vmul.f32 v41, v29  }
0x58: {  	v58 =	vld [tilespmem:s23+$0xDA0];
	v42 =	vmul.f32 v42, v29;
	v50 =	vmul.f32 v50, v34  }
0x59: {  	v14 =	vld [tilespmem:s23+$0xED0];
	v51 =	vmul.f32 v51, v34;
	v52 =	vmul.f32 v52, v34  }
0x5a: {  	v12 =	vld [tilespmem:s23+$0xF50];
	v53 =	vmul.f32 v53, v34;
	v54 =	vmul.f32 v54, v29  }
0x5b: {  	v9 =	vld [tilespmem:s23+$0xFD0];
	v55 =	vmul.f32 v55, v29;
	v23 =	vmul.f32 v23, v26  }
0x5c: {  	v43 =	vld [tilespmem:s23+$0xC40];
	v62 =	vmul.f32 v56, v26;
	v56 =	vmul.f32 v57, v26  }
0x5d: {  	v25 =	vld [tilespmem:s22+$0xFFFFFFF0];
	v63 =	vmul.f32 v58, v26;
	v44 =	vmul.f32 v44, v19  }
0x5e: {  	v61 =	vimm.f32 $0.0e+00;
	v33 =	vld [tilespmem:s23+$0xC30];
	v46 =	vmul.f32 v46, v18;
	v47 =	vmul.f32 v47, v18  }
0x5f: {  	v59 =	vld [tilespmem:s23+$0xCB0];
	v48 =	vmul.f32 v48, v18;
	v50 =	vadd.f32 v50, v61;
	v51 =	vadd.f32 v51, v61  }
0x60: {  	v60 =	vld [tilespmem:s23+$0xD30];
	v49 =	vmul.f32 v49, v18;
	v52 =	vadd.f32 v52, v61;
	v53 =	vadd.f32 v53, v61  }
0x61: {  	v38 =	vmul.f32 v38, v17;
	v41 =	vadd.f32 v41, v50;
	v42 =	vadd.f32 v42, v51;
	v50 =	vld [tilespmem:s23+$0xDB0]  }
0x62: {  	v39 =	vmul.f32 v39, v17;
	v51 =	vadd.f32 v54, v52;
	v52 =	vadd.f32 v55, v53;
	v53 =	vld [tilespmem:s23+$0xD40]  }
0x63: {  	v40 =	vmul.f32 v40, v17;
	v45 =	vmul.f32 v45, v17;
	v55 =	vld [tilespmem:s23+$0xDC0]  }
0x64: {  	v36 =	vmul.f32 v36, v16;
	v54 =	vmul.f32 v33, v25;
	v33 =	vld [tilespmem:s23+$0x6CD0]  }
0x65: {  	v37 =	vmul.f32 v37, v16;
	v24 =	vmul.f32 v24, v16;
	v41 =	vadd.f32 v23, v41;
	v23 =	vld [tilespmem:s23+$0x6C50]  }
0x66: {  	v52 =	vadd.f32 v63, v52;
	v63 =	vmul.f32 v60, v25;
	v60 =	vmul.f32 v43, v19;
	v43 =	vld [tilespmem:s23+$0x6E50]  }
0x67: {  	v35 =	vmul.f32 v35, v16;
	v42 =	vadd.f32 v62, v42;
	v62 =	vmul.f32 v59, v25;
	v59 =	vld [tilespmem:s23+$0xE10]  }
0x68: {  	v22 =	vmul.f32 v22, v16;
	v21 =	vmul.f32 v21, v16;
	v51 =	vadd.f32 v56, v51;
	v56 =	vld [tilespmem:s23+$0xF00]  }
0x69: {  	v20 =	vmul.f32 v20, v16;
	v27 =	vmul.f32 v27, v16;
	v54 =	vadd.f32 v54, v41;
	v41 =	vld [tilespmem:s23+$0x6D50]  }
0x6a: {  	v11 =	vmul.f32 v11, v17;
	v8 =	vmul.f32 v8, v17;
	v57 =	vadd.f32 v62, v42;
	v42 =	vld [tilespmem:s23+$0x6DD0]  }
0x6b: {  	v50 =	vmul.f32 v50, v25;
	v62 =	vmul.f32 v53, v19;
	v53 =	vld [tilespmem:s23+$0xE90]  }
0x6c: {  	v51 =	vadd.f32 v63, v51;
	v63 =	vmul.f32 v55, v19;
	v55 =	vld [tilespmem:s23+$0xE80];
	v54 =	vadd.f32 v60, v54  }
0x6d: {  	v7 =	vmul.f32 v7, v17;
	v58 =	vadd.f32 v44, v57;
	v44 =	vld [tilespmem:s23+$0x6ED0];
	v50 =	vadd.f32 v50, v52  }
0x6e: {  	v30 =	vmul.f32 v30, v18;
	v57 =	vld [tilespmem:s23+$0xF80];
	v51 =	vadd.f32 v62, v51;
	v46 =	vadd.f32 v46, v54  }
0x6f: {  	v6 =	vmul.f32 v6, v17;
	v47 =	vadd.f32 v47, v58;
	v50 =	vadd.f32 v63, v50;
	v63 =	vld [tilespmem:s23+$0xE00]  }
0x70: {  	v14 =	vmul.f32 v14, v18;
	v59 =	vmul.f32 v59, v29;
	v54 =	vld [tilespmem:s23+$0xEA0];
	v48 =	vadd.f32 v48, v51  }
0x71: {  	v51 =	vld [tilespmem:s23+$0xFB0];
	v38 =	vadd.f32 v38, v46;
	v39 =	vadd.f32 v39, v47;
	v52 =	vmul.f32 v55, v34  }
0x72: {  	v46 =	vmul.f32 v56, v34;
	v49 =	vadd.f32 v49, v50;
	v40 =	vadd.f32 v40, v48;
	v48 =	vld [tilespmem:s23+$0xF10]  }
0x73: {  	v55 =	vmul.f32 v53, v29;
	v62 =	vadd.f32 v36, v38;
	v36 =	vld [tilespmem:s23+$0xF90];
	v60 =	vadd.f32 v37, v39  }
0x74: {  	v56 =	vld [tilespmem:s23+$0xF20];
	v39 =	vadd.f32 v52, v61;
	v46 =	vadd.f32 v46, v61;
	v58 =	vmul.f32 v63, v34  }
0x75: {  	v57 =	vmul.f32 v57, v34;
	v37 =	vld [tilespmem:s23+$0xE20];
	v45 =	vadd.f32 v45, v49;
	v63 =	vadd.f32 v24, v40  }
0x76: {  	v52 =	vld [tilespmem:s23+$0xE40];
	v39 =	vadd.f32 v55, v39;
	v40 =	vmul.f32 v54, v26;
	v49 =	vadd.f32 v58, v61  }
0x77: {  	v54 =	vmul.f32 v32, v16;
	v24 =	vadd.f32 v35, v45;
	v58 =	vld [tilespmem:s23+$0xFA0];
	v48 =	vmul.f32 v48, v29  }
0x78: {  	v45 =	vadd.f32 v57, v61;
	v36 =	vmul.f32 v36, v29;
	v38 =	vadd.f32 v59, v49;
	v59 =	vld [tilespmem:s23+$0xE30]  }
0x79: {  	v35 =	vmul.f32 v56, v26;
	[tilespmem:$0x1FED0] =	vst v24;
	v24 =	vmul.f32 v31, v16;
	v46 =	vadd.f32 v48, v46;
	v48 =	vld [tilespmem:s23+$0xEB0]  }
0x7a: {  	v56 =	vadd.f32 v40, v39;
	v37 =	vmul.f32 v37, v26;
	v36 =	vadd.f32 v36, v45;
	v45 =	vld [tilespmem:s23+$0xF30]  }
0x7b: {  	v39 =	vmul.f32 v15, v16;
	[tilespmem:$0x1FEE0] =	vst v24;
	v24 =	vmul.f32 v28, v16;
	v31 =	vadd.f32 v35, v46;
	v35 =	vld [tilespmem:s23+$0xEC0]  }
0x7c: {  	v47 =	vld [tilespmem:s23+$0x6E40];
	v50 =	vadd.f32 v37, v38;
	v37 =	vmul.f32 v13, v16;
	v57 =	vmul.f32 v58, v26  }
0x7d: {  	v55 =	vld [tilespmem:s23+$0xFC0];
	v38 =	vmul.f32 v10, v16;
	v58 =	vmul.f32 v59, v25  }
0x7e: {  	v32 =	vld [tilespmem:s23+$0x6C40];
	v36 =	vadd.f32 v57, v36;
	v28 =	vmul.f32 v48, v25;
	v57 =	vmul.f32 v52, v19  }
0x7f: {  	v49 =	vld [tilespmem:s23+$0x6D40];
	v52 =	vmul.f32 v2, v17;
	v45 =	vmul.f32 v45, v25  }
0x80: {  	v59 =	vld [tilespmem:s23+$0xF40];
	v15 =	vadd.f32 v28, v56;
	v56 =	vmul.f32 v51, v25;
	v35 =	vmul.f32 v35, v19  }
0x81: {  	[tilespmem:$0x1FEF0] =	vst v24;
	v24 =	vld [tilespmem:s23+$0x6CB0];
	v53 =	vadd.f32 v58, v50;
	v50 =	vmul.f32 v5, v17;
	v5 =	vmul.f32 v12, v18  }
0x82: {  	v48 =	vld [tilespmem:s23+$0x6C30];
	v51 =	vmul.f32 v4, v17;
	v4 =	vmul.f32 v9, v18  }
0x83: {  	v28 =	vimm.f32 $0.0e+00;
	v13 =	vadd.f32 v45, v31;
	v31 =	vld [tilespmem:s23+$0x6CC0];
	v58 =	vadd.f32 v57, v53  }
0x84: {  	v45 =	vld [tilespmem:s23+$0x6DC0];
	v15 =	vadd.f32 v35, v15;
	v53 =	vmul.f32 v3, v17;
	v35 =	vmul.f32 v0, v17  }
0x85: {  	v10 =	vadd.f32 v56, v36;
	v3 =	vld [tilespmem:s23+$0x6C90];
	v36 =	vmul.f32 v1, v17;
	v46 =	vmul.f32 v59, v19  }
0x86: {  	v1 =	vld [tilespmem:s23+$0x6C00];
	v57 =	vmul.f32 v33, v18;
	v59 =	vmul.f32 v55, v19;
	v9 =	vadd.f32 v14, v15  }
0x87: {  	v55 =	vmul.f32 v42, v18;
	v12 =	vadd.f32 v30, v58;
	v14 =	vld [tilespmem:s23+$0x6C10];
	v13 =	vadd.f32 v46, v13  }
0x88: {  	v42 =	vimm.f32 $0.0e+00;
	v10 =	vadd.f32 v59, v10;
	v8 =	vadd.f32 v8, v9;
	v9 =	vld [tilespmem:s23+$0x6D00]  }
0x89: {  	v58 =	vmul.f32 v43, v18;
	v43 =	vimm.f32 $0.0e+00;
	v2 =	vadd.f32 v5, v13;
	v5 =	vld [tilespmem:s23+$0x6C80]  }
0x8a: {  	v59 =	vmul.f32 v23, v18;
	v0 =	vadd.f32 v4, v10;
	v30 =	vadd.f32 v21, v8;
	v8 =	vld [tilespmem:s23+$0x6C20]  }
0x8b: {  	v23 =	vmul.f32 v41, v18;
	v4 =	vadd.f32 v11, v12;
	v2 =	vadd.f32 v7, v2;
	v7 =	vld [tilespmem:s23+$0x6D80]  }
0x8c: {  	v10 =	vmul.f32 v32, v19;
	v1 =	vmul.f32 v1, v34;
	v0 =	vadd.f32 v6, v0;
	v6 =	vld [tilespmem:s23+$0x6D10]  }
0x8d: {  	v11 =	vmul.f32 v31, v19;
	v31 =	vadd.f32 v22, v4;
	v4 =	vld [tilespmem:s23+$0x6D90];
	v12 =	vmul.f32 v14, v29  }
0x8e: {  	v1 =	vadd.f32 v1, v61;
	v32 =	vadd.f32 v20, v2;
	v2 =	vld [tilespmem:s23+$0x6CA0];
	v5 =	vmul.f32 v5, v34  }
0x8f: {  	v41 =	vmul.f32 v44, v18;
	v9 =	vmul.f32 v9, v34;
	v33 =	vadd.f32 v54, v0;
	v0 =	vld [tilespmem:s23+$0x6D20]  }
0x90: {  	v3 =	vmul.f32 v3, v29;
	v1 =	vadd.f32 v12, v1;
	v12 =	vld [tilespmem:s23+$0x6DA0];
	v5 =	vadd.f32 v5, v61  }
0x91: {  	v15 =	vld [tilespmem:s23+$0x6EB0];
	v9 =	vadd.f32 v9, v61;
	v7 =	vmul.f32 v7, v34;
	v6 =	vmul.f32 v6, v29  }
0x92: {  	v44 =	vmul.f32 v47, v19;
	v8 =	vmul.f32 v8, v26;
	v3 =	vadd.f32 v3, v5;
	v5 =	vld [tilespmem:s23+$0x6D30]  }
0x93: {  	v4 =	vmul.f32 v4, v29;
	v7 =	vadd.f32 v7, v61;
	v6 =	vadd.f32 v6, v9;
	v9 =	vld [tilespmem:s23+$0x6DB0]  }
0x94: {  	v46 =	vld [tilespmem:s23+$0x6EC0];
	v1 =	vadd.f32 v8, v1;
	v2 =	vmul.f32 v2, v26;
	v0 =	vmul.f32 v0, v26  }
0x95: {  	v8 =	vmul.f32 v12, v26;
	v12 =	vmul.f32 v48, v25;
	v4 =	vadd.f32 v4, v7;
	v7 =	vld [tilespmem:s23+$0x6E30]  }
0x96: {  	v13 =	vmul.f32 v49, v19;
	v14 =	vmul.f32 v45, v19;
	v2 =	vadd.f32 v2, v3;
	v3 =	vld [tilespmem:s23+$0x6E20]  }
0x97: {  	v21 =	vld [tilespmem:s23+$0x6EA0];
	v20 =	vmul.f32 v24, v25;
	v0 =	vadd.f32 v0, v6;
	v12 =	vadd.f32 v12, v1  }
0x98: {  	v4 =	vadd.f32 v8, v4;
	v8 =	vld [tilespmem:s23+$0x6E90];
	v5 =	vmul.f32 v5, v25;
	v6 =	vmul.f32 v9, v25  }
0x99: {  	v45 =	vmul.f32 v46, v19;
	v20 =	vadd.f32 v20, v2;
	v10 =	vadd.f32 v10, v12;
	v9 =	vld [tilespmem:s23+$0x6E10]  }
0x9a: {  	v2 =	vmul.f32 v15, v25;
	v5 =	vadd.f32 v5, v0;
	v6 =	vadd.f32 v6, v4;
	v4 =	vld [tilespmem:s23+$0x6E00]  }
0x9b: {  	v11 =	vadd.f32 v11, v20;
	v1 =	vmul.f32 v7, v25;
	v0 =	vmul.f32 v3, v26;
	v7 =	vld [tilespmem:s23+$0x6E80]  }
0x9c: {  	s24 =	simm.s32 $0x1000;
	v3 =	vmul.f32 v21, v26;
	v12 =	vadd.f32 v13, v5;
	v6 =	vadd.f32 v14, v6;
	v5 =	vld [tilespmem:s23+$0x6F00]  }
.LBB2_3:
0x9d: {  	v21 =	vld [tilespmem:$0x1FEE0]  }
0x9e: {  	v10 =	vadd.f32 v59, v10  }
0x9f: {  	v6 =	vadd.f32 v55, v6  }
0xa0: {  	v10 =	vadd.f32 v50, v10  }
0xa1: {  	v13 =	vld [tilespmem:s23+$0x6F80];
	v6 =	vadd.f32 v53, v6  }
0xa2: {  	v14 =	vld [tilespmem:s23+$0x6F10];
	v4 =	vmul.f32 v4, v34;
	v7 =	vmul.f32 v7, v34;
	v10 =	vadd.f32 v21, v10  }
0xa3: {  	v15 =	vld [tilespmem:s23+$0x6F90];
	v9 =	vmul.f32 v9, v29;
	v6 =	vadd.f32 v39, v6  }
0xa4: {  	v8 =	vmul.f32 v8, v29;
	v4 =	vadd.f32 v4, v61;
	v7 =	vadd.f32 v7, v28;
	[tilespmem:$0x1FE60] =	vst v10;
	v10 =	vld [tilespmem:$0x1FEF0]  }
0xa5: {  	v20 =	vld [tilespmem:s23+$0x6F20];
	v11 =	vadd.f32 v57, v11;
	v12 =	vadd.f32 v23, v12  }
0xa6: {  	[tilespmem:$0x1FE90] =	vst v6;
	v6 =	vld [tilespmem:s23+$0x6F30];
	v4 =	vadd.f32 v9, v4;
	v7 =	vadd.f32 v8, v7  }
0xa7: {  	v11 =	vadd.f32 v51, v11;
	v12 =	vadd.f32 v52, v12;
	v9 =	vld [tilespmem:s23+$0x6FC0]  }
0xa8: {  	v5 =	vmul.f32 v5, v34;
	v0 =	vadd.f32 v0, v4;
	v3 =	vadd.f32 v3, v7;
	v7 =	vld [tilespmem:s23+$0x6F60]  }
0xa9: {  	v10 =	vadd.f32 v10, v11;
	v11 =	vadd.f32 v27, v12;
	v12 =	vmul.f32 v14, v29;
	v14 =	vld [tilespmem:s23+$0x6F40]  }
0xaa: {  	v0 =	vadd.f32 v1, v0;
	v1 =	vadd.f32 v2, v3;
	v3 =	vld [tilespmem:s23+$0x6FE0]  }
0xab: {  	v5 =	vadd.f32 v5, v43;
	[tilespmem:$0x1FE70] =	vst v10;
	v10 =	vld [tilespmem:s23+$0x6FA0]  }
0xac: {  	v4 =	vmul.f32 v6, v25;
	v6 =	vld [tilespmem:s23+$0x6FD0];
	[tilespmem:$0x1FE80] =	vst v11;
	v11 =	vmul.f32 v13, v34  }
0xad: {  	v8 =	vmul.f32 v20, v26;
	v13 =	vld [tilespmem:s23+$0x6FB0];
	v5 =	vadd.f32 v12, v5  }
0xae: {  	s22 =	sadd.s32 $0x80, s22;
	v15 =	vmul.f32 v15, v29;
	v9 =	vmul.f32 v9, v19;
	v12 =	vld [tilespmem:s23+$0x6F50];
	v11 =	vadd.f32 v11, v42  }
0xaf: {  	v7 =	vmul.f32 v7, v17;
	v5 =	vadd.f32 v8, v5;
	v3 =	vmul.f32 v3, v17;
	v17 =	vld [tilespmem:s22+$0x20]  }
0xb0: {  	v2 =	vmul.f32 v14, v19;
	v19 =	vld [tilespmem:s22+$0x0];
	v11 =	vadd.f32 v15, v11;
	v10 =	vmul.f32 v10, v26  }
0xb1: {  	v4 =	vadd.f32 v4, v5;
	v5 =	vld [tilespmem:s23+$0x6F70]  }
0xb2: {  	v8 =	vadd.f32 v10, v11;
	v11 =	vld [tilespmem:s23+$0x6FF0];
	s23 =	sshra.s32 s24, $0x2  }
0xb3: {  	v10 =	vmul.f32 v13, v25;
	v13 =	vld [tilespmem:s23+$0xDF0]  }
0xb4: {  	v14 =	vld [tilespmem:s23+$0x6E70]  }
0xb5: {  	v15 =	vld [tilespmem:s23+$0x6EF0]  }
0xb6: {  	v20 =	vld [tilespmem:s23+$0xC60]  }
0xb7: {  	v22 =	vld [tilespmem:s23+$0xD60]  }
0xb8: {  	v23 =	vld [tilespmem:s23+$0xDE0]  }
0xb9: {  	v0 =	vadd.f32 v44, v0;
	v25 =	vld [tilespmem:s23+$0xE60]  }
0xba: {  	v1 =	vadd.f32 v45, v1;
	v26 =	vld [tilespmem:s23+$0xEE0]  }
0xbb: {  	v0 =	vadd.f32 v58, v0;
	v29 =	vld [tilespmem:s23+$0xF60]  }
0xbc: {  	v1 =	vadd.f32 v41, v1;
	v34 =	vld [tilespmem:s23+$0xFE0]  }
0xbd: {  	v0 =	vadd.f32 v35, v0;
	v35 =	vld [tilespmem:s23+$0x6C60]  }
0xbe: {  	v1 =	vadd.f32 v36, v1;
	v36 =	vld [tilespmem:s23+$0x6CE0]  }
0xbf: {  	v41 =	vld [tilespmem:s23+$0x6D60]  }
0xc0: {  	v42 =	vld [tilespmem:s23+$0x6DE0]  }
0xc1: {  	v49 =	vld [tilespmem:s23+$0x6E60]  }
0xc2: {  	v54 =	vld [tilespmem:s23+$0x6EE0]  }
0xc3: {  	v55 =	vld [tilespmem:s23+$0xC50]  }
0xc4: {  	v56 =	vld [tilespmem:s23+$0xCD0]  }
0xc5: {  	v57 =	vld [tilespmem:s23+$0xD50]  }
0xc6: {  	v58 =	vld [tilespmem:s23+$0xDD0]  }
0xc7: {  	v59 =	vld [tilespmem:s23+$0xE50]  }
0xc8: {  	v24 =	vld [tilespmem:s23+$0xED0]  }
0xc9: {  	v27 =	vld [tilespmem:s23+$0xF50]  }
0xca: {  	v28 =	vld [tilespmem:s23+$0xFD0]  }
0xcb: {  	[tilespmem:$0x1FD70] =	vst v30;
	v30 =	vld [tilespmem:s23+$0x6C50]  }
0xcc: {  	[tilespmem:$0x1FD60] =	vst v31;
	v31 =	vld [tilespmem:s23+$0x6CD0]  }
0xcd: {  	[tilespmem:$0x1FD80] =	vst v32;
	v2 =	vadd.f32 v2, v4;
	v32 =	vld [tilespmem:s23+$0x6D50];
	v8 =	vadd.f32 v10, v8;
	v10 =	vmul.f32 v12, v18  }
0xce: {  	[tilespmem:$0x1FD90] =	vst v33;
	v0 =	vadd.f32 v37, v0;
	v33 =	vld [tilespmem:s23+$0x6DD0]  }
0xcf: {  	v6 =	vmul.f32 v6, v18;
	v37 =	vld [tilespmem:s23+$0x6E50];
	v4 =	vadd.f32 v9, v8;
	v2 =	vadd.f32 v10, v2  }
0xd0: {  	[tilespmem:$0x1FCF0] =	vst v0;
	v0 =	vadd.f32 v38, v1;
	v61 =	vld [tilespmem:s23+$0xC40]  }
0xd1: {  	v38 =	vld [tilespmem:s23+$0x6C40];
	v5 =	vmul.f32 v5, v16;
	v4 =	vadd.f32 v6, v4;
	v2 =	vadd.f32 v7, v2  }
0xd2: {  	v39 =	vld [tilespmem:s23+$0x6CC0]  }
0xd3: {  	v40 =	vld [tilespmem:s23+$0x6D40];
	v3 =	vadd.f32 v3, v4;
	v4 =	vmul.f32 v11, v16;
	v1 =	vadd.f32 v5, v2  }
0xd4: {  	v44 =	vld [tilespmem:s23+$0xC30]  }
0xd5: {  	v45 =	vld [tilespmem:s23+$0xCB0];
	[tilespmem:$0x1FD10] =	vst v1;
	v1 =	vadd.f32 v4, v3  }
0xd6: {  	v12 =	vld [tilespmem:s22+$0x30]  }
0xd7: {  	[tilespmem:$0x1FD00] =	vst v1;
	v1 =	vld [tilespmem:s23+$0xF70]  }
0xd8: {  	[tilespmem:$0x1FDB0] =	vst v0;
	v0 =	vld [tilespmem:s23+$0xEF0]  }
0xd9: {  	v2 =	vld [tilespmem:s23+$0xFF0]  }
0xda: {  	v9 =	vld [tilespmem:s23+$0xCF0]  }
0xdb: {  	v16 =	vmov v12;
	v3 =	vld [tilespmem:s23+$0x6C70]  }
0xdc: {  	v8 =	vld [tilespmem:s23+$0xC70];
	v1 =	vmul.f32 v1, v16  }
0xdd: {  	v4 =	vld [tilespmem:s23+$0x6CF0]  }
0xde: {  	v6 =	vld [tilespmem:s23+$0xD70];
	[tilespmem:$0x1FE40] =	vst v1;
	v1 =	vmul.f32 v2, v16  }
0xdf: {  	v47 =	vmul.f32 v20, v17;
	v5 =	vld [tilespmem:s23+$0x6D70];
	v9 =	vmul.f32 v9, v16  }
0xe0: {  	v7 =	vld [tilespmem:s23+$0xE70];
	v20 =	vmul.f32 v22, v17;
	[tilespmem:$0x1FE50] =	vst v1;
	v1 =	vmul.f32 v3, v16  }
0xe1: {  	v18 =	vld [tilespmem:s22+$0x10];
	v46 =	vmul.f32 v23, v17;
	v0 =	vmul.f32 v0, v16;
	[tilespmem:$0x1FD30] =	vst v9  }
0xe2: {  	v10 =	vmov v60;
	v60 =	vld [tilespmem:s23+$0x6ED0];
	v50 =	vmul.f32 v35, v17;
	[tilespmem:$0x1FEE0] =	vst v1;
	v1 =	vmul.f32 v4, v16  }
0xe3: {  	v53 =	vmul.f32 v42, v17;
	v12 =	vld [tilespmem:s23+$0x6DF0];
	v6 =	vmul.f32 v6, v16;
	[tilespmem:$0x1FE30] =	vst v0  }
0xe4: {  	v11 =	vmul.f32 v8, v16;
	v8 =	vmov v62;
	v62 =	vld [tilespmem:s23+$0xCC0];
	[tilespmem:$0x1FEF0] =	vst v1;
	v1 =	vmul.f32 v5, v16  }
0xe5: {  	v51 =	vmul.f32 v49, v17;
	v7 =	vmul.f32 v7, v16;
	v0 =	vld [tilespmem:s23+$0xDC0];
	[tilespmem:$0x1FD40] =	vst v6  }
0xe6: {  	v9 =	vmul.f32 v36, v17;
	v36 =	vld [tilespmem:s23+$0x6E40];
	[tilespmem:$0x1FEA0] =	vst v1;
	v1 =	vmul.f32 v14, v16  }
0xe7: {  	v6 =	vmul.f32 v13, v16;
	[tilespmem:$0x1FE20] =	vst v7;
	v7 =	vld [tilespmem:s23+$0xE40];
	v13 =	vmul.f32 v15, v16  }
0xe8: {  	v15 =	vmul.f32 v24, v18;
	v24 =	vld [tilespmem:s23+$0xC20];
	[tilespmem:$0x1FDA0] =	vst v1;
	v1 =	vmul.f32 v25, v17  }
0xe9: {  	v52 =	vmul.f32 v54, v17;
	v42 =	vmul.f32 v55, v18;
	v2 =	vmov v63;
	v63 =	vld [tilespmem:s23+$0xEC0]  }
0xea: {  	v22 =	vmul.f32 v32, v18;
	v5 =	vld [tilespmem:s23+$0xF40];
	[tilespmem:$0x1FDE0] =	vst v1;
	v1 =	vmul.f32 v26, v17  }
0xeb: {  	v55 =	vmul.f32 v33, v18;
	v33 =	vmul.f32 v62, v19;
	v62 =	vld [tilespmem:s23+$0xC00];
	[tilespmem:$0x1FD50] =	vst v6  }
0xec: {  	v32 =	vmul.f32 v61, v19;
	v6 =	vld [tilespmem:s23+$0xD40];
	[tilespmem:$0x1FDF0] =	vst v1;
	v1 =	vmul.f32 v29, v17  }
0xed: {  	v61 =	vmul.f32 v0, v19;
	v0 =	vmul.f32 v40, v19;
	v40 =	vld [tilespmem:s23+$0xD10]  }
0xee: {  	v23 =	vmul.f32 v63, v19;
	v63 =	vld [tilespmem:s23+$0xC80];
	[tilespmem:$0x1FE00] =	vst v1;
	v1 =	vmul.f32 v34, v17  }
0xef: {  	v43 =	vmul.f32 v56, v18;
	v25 =	vld [tilespmem:s22+$0xFFFFFFF0];
	v49 =	vmul.f32 v5, v19  }
0xf0: {  	v5 =	vmul.f32 v38, v19;
	v38 =	vld [tilespmem:s23+$0xD00];
	[tilespmem:$0x1FE10] =	vst v1;
	v1 =	vmul.f32 v27, v18  }
0xf1: {  	[tilespmem:$0x1FD20] =	vst v11;
	v54 =	vmul.f32 v60, v18;
	v11 =	vmul.f32 v12, v16;
	v34 =	vld [tilespmem:s22+$0xFFFFFFC0]  }
0xf2: {  	v12 =	vmul.f32 v41, v17;
	v26 =	vld [tilespmem:s22+$0xFFFFFFE0];
	[tilespmem:$0x1FDC0] =	vst v1;
	v1 =	vmul.f32 v28, v18  }
0xf3: {  	[tilespmem:$0x1FEB0] =	vst v22;
	v56 =	vmul.f32 v36, v19;
	v22 =	vmul.f32 v7, v19;
	v29 =	vld [tilespmem:s22+$0xFFFFFFD0]  }
0xf4: {  	v7 =	vmul.f32 v39, v19;
	[tilespmem:$0x1FDD0] =	vst v1;
	v1 =	vmul.f32 v31, v18;
	v31 =	vld [tilespmem:s23+$0xC10]  }
0xf5: {  	v4 =	vmul.f32 v58, v18;
	v36 =	vmul.f32 v44, v25;
	v44 =	vld [tilespmem:s23+$0xD20]  }
0xf6: {  	v39 =	vmul.f32 v45, v25;
	v27 =	vld [tilespmem:s23+$0xD30];
	v38 =	vmul.f32 v38, v34  }
0xf7: {  	v45 =	vmul.f32 v62, v34;
	v62 =	vmul.f32 v63, v34;
	v63 =	vld [tilespmem:s23+$0xDA0]  }
0xf8: {  	v58 =	vmul.f32 v37, v18;
	v37 =	vld [tilespmem:s23+$0xC90];
	v40 =	vmul.f32 v40, v29;
	v38 =	vadd.f32 v38, v2  }
0xf9: {  	v41 =	vld [tilespmem:s23+$0x6EC0];
	v14 =	vmul.f32 v59, v18;
	v45 =	vadd.f32 v45, v8;
	v31 =	vmul.f32 v31, v29  }
0xfa: {  	v59 =	vmul.f32 v30, v18;
	v30 =	vld [tilespmem:s23+$0xCA0];
	v2 =	vmul.f32 v44, v26;
	v38 =	vadd.f32 v40, v38  }
0xfb: {  	v35 =	vld [tilespmem:s23+$0x6DC0];
	v60 =	vmul.f32 v6, v19;
	v24 =	vmul.f32 v24, v26;
	v31 =	vadd.f32 v31, v45  }
0xfc: {  	v27 =	vmul.f32 v27, v25;
	v40 =	vmul.f32 v63, v26;
	v63 =	vadd.f32 v2, v38  }
0xfd: {  	v37 =	vmul.f32 v37, v29;
	v62 =	vadd.f32 v62, v10;
	v45 =	vld [tilespmem:s23+$0xEB0];
	v24 =	vadd.f32 v24, v31  }
0xfe: {  	v3 =	vmul.f32 v57, v18;
	v57 =	vmul.f32 v41, v19;
	v27 =	vadd.f32 v27, v63  }
0xff: {  	v21 =	vld [tilespmem:s23+$0xCE0];
	v30 =	vmul.f32 v30, v26;
	v37 =	vadd.f32 v37, v62;
	v24 =	vadd.f32 v36, v24  }
0x100: {  	v6 =	vmul.f32 v35, v19;
	v35 =	vld [tilespmem:s23+$0xD80];
	v27 =	vadd.f32 v60, v27  }
0x101: {  	v62 =	vld [tilespmem:s23+$0xE20];
	v30 =	vadd.f32 v30, v37;
	v24 =	vadd.f32 v32, v24  }
0x102: {  	v37 =	vmul.f32 v45, v25;
	v45 =	vmovc v57;
	v57 =	vmov v1;
	v1 =	vadd.f32 v3, v27;
	v3 =	vld [tilespmem:$0x1FD20]  }
0x103: {  	[tilespmem:$0x1FEC0] =	vst v0;
	v0 =	vld [tilespmem:$0x1FED0];
	v24 =	vadd.f32 v42, v24  }
0x104: {  	v41 =	vld [tilespmem:s23+$0xD90];
	v30 =	vadd.f32 v39, v30  }
0x105: {  	v24 =	vadd.f32 v47, v24  }
0x106: {  	v30 =	vadd.f32 v33, v30  }
0x107: {  	v35 =	vmul.f32 v35, v34;
	v32 =	vmul.f32 v62, v26;
	v62 =	vadd.f32 v3, v24;
	v3 =	vld [tilespmem:$0x1FD30]  }
0x108: {  	v48 =	vmul.f32 v21, v17;
	v28 =	vld [tilespmem:s23+$0xDB0];
	v30 =	vadd.f32 v43, v30  }
0x109: {  	v41 =	vmul.f32 v41, v29;
	v35 =	vadd.f32 v35, v0  }
0x10a: {  	v30 =	vadd.f32 v48, v30  }
0x10b: {  	v35 =	vadd.f32 v41, v35  }
0x10c: {  	v60 =	vadd.f32 v3, v30;
	v3 =	vld [tilespmem:$0x1FD40]  }
0x10d: {  	v28 =	vmul.f32 v28, v25;
	v35 =	vadd.f32 v40, v35;
	_ =	sdelay $0x1  }
0x10e: {  	v28 =	vadd.f32 v28, v35;
	v35 =	vld [tilespmem:s23+$0xE00];
	v1 =	vadd.f32 v20, v1;
	_ =	sdelay $0x1  }
0x10f: {  	v63 =	vadd.f32 v3, v1;
	v3 =	vld [tilespmem:$0x1FD60];
	_ =	sdelay $0x2  }
0x110: {  	v33 =	vld [tilespmem:s23+$0xE80];
	v35 =	vmul.f32 v35, v34;
	_ =	sdelay $0x1  }
0x111: {  	v8 =	vadd.f32 v35, v3;
	v3 =	vld [tilespmem:$0x1FD70]  }
0x112: {  	v39 =	vld [tilespmem:s23+$0xF00];
	v28 =	vadd.f32 v61, v28  }
0x113: {  	v1 =	vld [tilespmem:$0x1FD50]  }
0x114: {  	v36 =	vld [tilespmem:s23+$0xE90];
	v2 =	vadd.f32 v4, v28;
	v20 =	vmul.f32 v33, v34  }
0x115: {  	v28 =	vld [tilespmem:s23+$0xF10]  }
0x116: {  	v2 =	vadd.f32 v46, v2;
	v35 =	vmovc v51;
	v51 =	vmov v9;
	v9 =	vadd.f32 v20, v3;
	v3 =	vld [tilespmem:$0x1FD80]  }
0x117: {  	v44 =	vmov v56;
	v56 =	vld [tilespmem:s23+$0xF90]  }
0x118: {  	v47 =	vld [tilespmem:s23+$0xF20];
	v1 =	vadd.f32 v1, v2  }
0x119: {  	v41 =	vmov v54;
	v54 =	vld [tilespmem:s23+$0xF80];
	v10 =	vmul.f32 v39, v34  }
0x11a: {  	[tilespmem:$0x1FED0] =	vst v1;
	v1 =	vld [tilespmem:s23+$0xF30]  }
0x11b: {  	v27 =	vmul.f32 v36, v29;
	v20 =	vmul.f32 v28, v29;
	v10 =	vadd.f32 v10, v3;
	v3 =	vld [tilespmem:$0x1FD90];
	_ =	sdelay $0x1  }
0x11c: {  	v39 =	vmovc v11;
	v11 =	vld [tilespmem:s23+$0xFA0];
	v9 =	vadd.f32 v27, v9;
	v27 =	vmul.f32 v47, v26;
	v10 =	vadd.f32 v20, v10  }
0x11d: {  	v38 =	vld [tilespmem:s23+$0xE10];
	v2 =	vmul.f32 v54, v34  }
0x11e: {  	v24 =	vld [tilespmem:s23+$0xFB0];
	v1 =	vmul.f32 v1, v25;
	v10 =	vadd.f32 v27, v10  }
0x11f: {  	v28 =	vmul.f32 v56, v29;
	v2 =	vadd.f32 v2, v3;
	v3 =	vld [tilespmem:$0x1FDC0]  }
0x120: {  	v21 =	vld [tilespmem:s23+$0xFC0];
	v1 =	vadd.f32 v1, v10  }
0x121: {  	v0 =	vld [tilespmem:s23+$0xE30];
	v11 =	vmul.f32 v11, v26;
	v2 =	vadd.f32 v28, v2  }
0x122: {  	v38 =	vmul.f32 v38, v29;
	v1 =	vadd.f32 v49, v1  }
0x123: {  	v31 =	vld [tilespmem:s23+$0xEA0];
	v2 =	vadd.f32 v11, v2;
	v11 =	vmul.f32 v24, v25  }
0x124: {  	v8 =	vadd.f32 v38, v8;
	v1 =	vadd.f32 v3, v1;
	v3 =	vld [tilespmem:$0x1FDD0]  }
0x125: {  	v21 =	vmul.f32 v21, v19;
	v2 =	vadd.f32 v11, v2  }
0x126: {  	v0 =	vmul.f32 v0, v25;
	v8 =	vadd.f32 v32, v8  }
0x127: {  	v2 =	vadd.f32 v21, v2  }
0x128: {  	v0 =	vadd.f32 v0, v8  }
0x129: {  	v31 =	vmul.f32 v31, v26;
	v2 =	vadd.f32 v3, v2;
	v3 =	vld [tilespmem:$0x1FDE0]  }
0x12a: {  	v0 =	vadd.f32 v22, v0  }
0x12b: {  	v9 =	vadd.f32 v31, v9  }
0x12c: {  	v0 =	vadd.f32 v14, v0  }
0x12d: {  	v8 =	vadd.f32 v37, v9  }
0x12e: {  	v0 =	vadd.f32 v3, v0;
	v3 =	vld [tilespmem:$0x1FDF0]  }
0x12f: {  	v8 =	vadd.f32 v23, v8;
	_ =	sdelay $0x1  }
0x130: {  	v8 =	vadd.f32 v15, v8;
	_ =	sdelay $0x1  }
0x131: {  	v4 =	vadd.f32 v3, v8;
	v3 =	vld [tilespmem:$0x1FE00];
	_ =	sdelay $0x4  }
0x132: {  	v1 =	vadd.f32 v3, v1;
	v3 =	vld [tilespmem:$0x1FE10];
	_ =	sdelay $0x2  }
0x133: {  	v61 =	vld [tilespmem:$0x1FCF0]  }
0x134: {  	v43 =	vld [tilespmem:$0x1FD10]  }
0x135: {  	v2 =	vadd.f32 v3, v2;
	v3 =	vld [tilespmem:$0x1FE20]  }
0x136: {  	v42 =	vld [tilespmem:$0x1FD00]  }
0x137: {  	v36 =	vmov v52;
	v52 =	vmov v12;
	v12 =	vld [tilespmem:s23+$0x6D10]  }
0x138: {  	v30 =	vld [tilespmem:s23+$0x6C30]  }
0x139: {  	v56 =	vld [tilespmem:s23+$0x6CB0]  }
0x13a: {  	v31 =	vadd.f32 v3, v0;
	v3 =	vld [tilespmem:$0x1FE40]  }
0x13b: {  	v22 =	vld [tilespmem:s23+$0x6C80]  }
0x13c: {  	v37 =	vld [tilespmem:$0x1FDA0]  }
0x13d: {  	v10 =	vld [tilespmem:s23+$0x6C00]  }
0x13e: {  	v9 =	vld [tilespmem:s23+$0x6C90]  }
0x13f: {  	v32 =	vadd.f32 v3, v1;
	v3 =	vld [tilespmem:$0x1FE60]  }
0x140: {  	v20 =	vld [tilespmem:s23+$0x6C20]  }
0x141: {  	v23 =	vld [tilespmem:s23+$0x6D00]  }
0x142: {  	v38 =	vmov v13;
	v13 =	vmul.f32 v22, v34;
	v22 =	vld [tilespmem:s23+$0x6D20];
	v8 =	vmul.f32 v10, v34  }
0x143: {  	v15 =	vld [tilespmem:s23+$0x6D80]  }
0x144: {  	v8 =	vadd.f32 v8, v3;
	v3 =	vld [tilespmem:$0x1FE70]  }
0x145: {  	v28 =	vld [tilespmem:s23+$0x6CA0]  }
0x146: {  	v0 =	vld [tilespmem:$0x1FE30]  }
0x147: {  	v1 =	vld [tilespmem:$0x1FE50]  }
0x148: {  	v24 =	vld [tilespmem:s23+$0x6C10]  }
0x149: {  	v13 =	vadd.f32 v13, v3;
	v3 =	vld [tilespmem:$0x1FE80]  }
0x14a: {  	v21 =	vmul.f32 v28, v26;
	v28 =	vld [tilespmem:$0x1FDB0]  }
0x14b: {  	v27 =	vmul.f32 v30, v25;
	v30 =	vadd.f32 v0, v4;
	v0 =	vmul.f32 v23, v34;
	v23 =	vld [tilespmem:s23+$0x6E30]  }
0x14c: {  	v33 =	vadd.f32 v1, v2;
	v1 =	vld [tilespmem:s23+$0x6D30]  }
0x14d: {  	v14 =	vmul.f32 v24, v29;
	v10 =	vld [tilespmem:s23+$0x6D90]  }
0x14e: {  	v0 =	vadd.f32 v0, v3;
	v3 =	vld [tilespmem:$0x1FE90]  }
0x14f: {  	v12 =	vmul.f32 v12, v29;
	v20 =	vmul.f32 v20, v26;
	v4 =	vld [tilespmem:s23+$0x6DA0];
	v8 =	vadd.f32 v14, v8  }
0x150: {  	v9 =	vmul.f32 v9, v29;
	v2 =	vmul.f32 v15, v34;
	v15 =	vld [tilespmem:s23+$0x6DB0]  }
0x151: {  	v14 =	vld [tilespmem:s23+$0x6EB0];
	v8 =	vadd.f32 v20, v8;
	v20 =	vmul.f32 v1, v25;
	v1 =	vmul.f32 v23, v25  }
0x152: {  	v23 =	vld [tilespmem:$0x1FEB0];
	v9 =	vadd.f32 v9, v13;
	v13 =	vmul.f32 v22, v26;
	v0 =	vadd.f32 v12, v0  }
0x153: {  	v10 =	vmul.f32 v10, v29;
	v12 =	vld [tilespmem:s23+$0x6E20];
	v2 =	vadd.f32 v2, v3  }
0x154: {  	v0 =	vadd.f32 v13, v0;
	v13 =	vadd.f32 v27, v8;
	v27 =	vld [tilespmem:$0x1FEA0]  }
0x155: {  	v4 =	vmul.f32 v4, v26;
	v3 =	vld [tilespmem:$0x1FEC0];
	v2 =	vadd.f32 v10, v2  }
0x156: {  	p0 =	sne.s32 s24, $0x17000;
	v11 =	vmul.f32 v56, v25;
	v10 =	vadd.f32 v21, v9;
	v21 =	vld [tilespmem:s23+$0x6EA0]  }
.Ltmp0:
0x157: {  	v8 =	vld [tilespmem:s23+$0x6E90];
	v2 =	vadd.f32 v4, v2;
	v4 =	vmul.f32 v15, v25;
	(pc) =	sbr.rel @p0 .LBB2_3-.Ltmp0, $4  }
0x158: {  	v9 =	vld [tilespmem:s23+$0x6E10];
	v11 =	vadd.f32 v11, v10;
	v15 =	vadd.f32 v20, v0  }
0x159: {  	v10 =	vadd.f32 v5, v13;
	v5 =	vld [tilespmem:s23+$0x6F00];
	v20 =	vadd.f32 v4, v2  }
0x15a: {  	v0 =	vmul.f32 v12, v26;
	v4 =	vld [tilespmem:s23+$0x6E00];
	v2 =	vmul.f32 v14, v25;
	v11 =	vadd.f32 v7, v11  }
0x15b: {  	s24 =	sadd.s32 $0x1000, s24;
	v7 =	vld [tilespmem:s23+$0x6E80];
	v12 =	vadd.f32 v3, v15;
	v3 =	vmul.f32 v21, v26;
	v6 =	vadd.f32 v6, v20  }
0x15c: {  	_ = 	snop  }
0x15d: {  	v14 =	vld [tilespmem:s23+$0x6F10]  }
0x15e: {  	v10 =	vadd.f32 v59, v10;
	v24 =	vld [tilespmem:$0x1FEE0]  }
0x15f: {  	v20 =	vld [tilespmem:s23+$0x6F20];
	v8 =	vmul.f32 v8, v29;
	v12 =	vadd.f32 v23, v12;
	v4 =	vmul.f32 v4, v34  }
0x160: {  	v13 =	vld [tilespmem:s23+$0x6F80];
	v10 =	vadd.f32 v50, v10;
	v5 =	vmul.f32 v5, v34;
	v7 =	vmul.f32 v7, v34  }
0x161: {  	v22 =	vld [tilespmem:s23+$0x6F30];
	v9 =	vmul.f32 v9, v29;
	v12 =	vadd.f32 v52, v12;
	v4 =	vadd.f32 v4, v61  }
0x162: {  	v15 =	vld [tilespmem:s23+$0x6F90];
	v5 =	vadd.f32 v5, v43;
	v14 =	vmul.f32 v14, v29;
	v7 =	vadd.f32 v7, v28  }
0x163: {  	v21 =	vld [tilespmem:s23+$0x6FA0];
	v10 =	vadd.f32 v24, v10;
	v4 =	vadd.f32 v9, v4  }
0x164: {  	v59 =	vld [tilespmem:s23+$0x6FB0];
	v5 =	vadd.f32 v14, v5;
	v7 =	vadd.f32 v8, v7;
	v8 =	vmul.f32 v20, v26  }
0x165: {  	v24 =	vld [tilespmem:$0x1FEF0];
	v12 =	vadd.f32 v27, v12;
	v0 =	vadd.f32 v0, v4  }
0x166: {  	v27 =	vld [tilespmem:s23+$0x6FC0];
	v3 =	vadd.f32 v3, v7;
	v7 =	vmul.f32 v22, v25;
	v5 =	vadd.f32 v8, v5  }
0x167: {  	v13 =	vmul.f32 v13, v34;
	v15 =	vmul.f32 v15, v29;
	v29 =	vld [tilespmem:s23+$0x6FD0];
	v0 =	vadd.f32 v1, v0  }
0x168: {  	v1 =	vadd.f32 v2, v3;
	v3 =	vadd.f32 v7, v5;
	v5 =	vld [tilespmem:$0x1FFE0]  }
0x169: {  	v11 =	vadd.f32 v57, v11;
	s22 =	sshll.u32 s21, $0x5;
	p0 =	seq.s32 s21, $0x8;
	v28 =	vld [tilespmem:s23+$0x6F50];
	v13 =	vadd.f32 v13, v42  }
0x16a: {  	s24 =	sadd.s32 @!p0 s22, s8;
	v9 =	vld [tilespmem:s23+$0x6F60]  }
0x16b: {  	v11 =	vadd.f32 v51, v11;
	s24 =	sshrl.u32 @!p0 s24, $0x3;
	v13 =	vadd.f32 v15, v13;
	v15 =	vld [tilespmem:s23+$0x6FE0]  }
0x16c: {  	s24 =	smul.u32 @!p0 $0xC00, s24;
	v14 =	vmul.f32 v21, v26;
	v4 =	vld [tilespmem:s23+$0x6F70]  }
0x16d: {  	v11 =	vadd.f32 v24, v11;
	v24 =	vld [tilespmem:s23+$0x6F40]  }
0x16e: {  	s25 =	simm.s32 @!p0 $0xC00;
	v8 =	vadd.f32 v14, v13;
	v13 =	vld [tilespmem:s23+$0x6FF0];
	s23 =	sadd.s32 @!p0 s2, s24;
	s24 =	simm.s32 @!p0 $0x0;
	v14 =	vmul.f32 v59, v25  }
0x16f: {  	[tilespmem:s25], [sflag:$0x1] =	stream.linear.gather @!p0 [hbm4b:s23+s24], $0xC000, $0x38;
	[tilespmem:$0x19000] =	vst v63  }
0x170: {  	[tilespmem:v5+s17+$0x0] =	vst.idx.msk $0xffff, v62;
	v5 =	vadd.f32 v14, v8;
	v8 =	vld [tilespmem:$0x1FF00];
	_ =	sdelay $0x6  }
0x171: {  	v2 =	vmul.f32 v24, v19  }
0x172: {  	[tilespmem:v8+s17+$0x0] =	vst.idx.msk $0xffff, v60;
	v8 =	vld [tilespmem:$0x1FF10]  }
0x173: {  	v2 =	vadd.f32 v2, v3;
	v3 =	vld [tilespmem:$0x1FF20];
	_ =	sdelay $0x2  }
0x174: {  	v14 =	vld [tilespmem:$0x1FED0];
	_ =	sdelay $0x2  }
0x175: {  	v7 =	vmul.f32 v27, v19  }
0x176: {  	[tilespmem:v8+s17+$0x0] =	vst.idx.msk $0xffff, v63  }
0x177: {  	[tilespmem:v3+s17+$0x0] =	vst.idx.msk $0xffff, v14;
	v3 =	vadd.f32 v7, v5;
	v7 =	vld [tilespmem:$0x1FF30];
	_ =	sdelay $0x6  }
0x178: {  	v8 =	vmul.f32 v28, v18  }
0x179: {  	[tilespmem:v7+s17+$0x0] =	vst.idx.msk $0xffff, v31;
	v7 =	vld [tilespmem:$0x1FF40]  }
0x17a: {  	v2 =	vadd.f32 v8, v2;
	v8 =	vld [tilespmem:$0x1FF50];
	_ =	sdelay $0x6  }
0x17b: {  	[tilespmem:v7+s17+$0x0] =	vst.idx.msk $0xffff, v30  }
0x17c: {  	[tilespmem:v8+s17+$0x0] =	vst.idx.msk $0xffff, v32;
	v8 =	vld [tilespmem:$0x1FF60];
	_ =	sdelay $0x6  }
0x17d: {  	v7 =	vmul.f32 v9, v17  }
0x17e: {  	[tilespmem:v8+s17+$0x0] =	vst.idx.msk $0xffff, v33;
	v8 =	vld [tilespmem:$0x1FF70]  }
0x17f: {  	v2 =	vadd.f32 v7, v2;
	v7 =	vld [tilespmem:$0x1FF80];
	_ =	sdelay $0x2  }
0x180: {  	v5 =	vmul.f32 v29, v18;
	_ =	sdelay $0x1  }
0x181: {  	v3 =	vadd.f32 v5, v3;
	v5 =	vmul.f32 v15, v17;
	_ =	sdelay $0x1  }
0x182: {  	v4 =	vmul.f32 v4, v16;
	v3 =	vadd.f32 v5, v3;
	v5 =	vld [tilespmem:$0x1FF90];
	[tilespmem:v8+s17+$0x0] =	vst.idx.msk $0xffff, v10  }
0x183: {  	[tilespmem:v7+s17+$0x0] =	vst.idx.msk $0xffff, v11;
	v7 =	vld [tilespmem:$0x1FFA0]  }
0x184: {  	v0 =	vadd.f32 v44, v0;
	v2 =	vadd.f32 v4, v2;
	v4 =	vld [tilespmem:$0x1FFB0]  }
0x185: {  	v6 =	vadd.f32 v55, v6  }
0x186: {  	v0 =	vadd.f32 v58, v0  }
0x187: {  	v6 =	vadd.f32 v53, v6  }
0x188: {  	v0 =	vadd.f32 v35, v0  }
0x189: {  	v6 =	vadd.f32 v39, v6  }
0x18a: {  	v0 =	vadd.f32 v37, v0;
	[tilespmem:v5+s17+$0x0] =	vst.idx.msk $0xffff, v12;
	v5 =	vmul.f32 v13, v16  }
0x18b: {  	[tilespmem:v7+s17+$0x0] =	vst.idx.msk $0xffff, v6  }
0x18c: {  	v1 =	vadd.f32 v45, v1;
	[tilespmem:v4+s17+$0x0] =	vst.idx.msk $0xffff, v0;
	v0 =	vadd.f32 v5, v3;
	v3 =	vld [tilespmem:$0x1FFC0];
	_ =	sdelay $0x1  }
0x18d: {  	v1 =	vadd.f32 v41, v1;
	_ =	sdelay $0x1  }
0x18e: {  	v1 =	vadd.f32 v36, v1;
	_ =	sdelay $0x1  }
0x18f: {  	v1 =	vadd.f32 v38, v1;
	_ =	sdelay $0x1  }
0x190: {  	[tilespmem:v3+s17+$0x0] =	vst.idx.msk $0xffff, v1;
	v1 =	vld [tilespmem:$0x1FFD0];
	_ =	sdelay $0x7  }
0x191: {  	[tilespmem:v1+s17+$0x0] =	vst.idx.msk $0xffff, v2;
	v1 =	vld [tilespmem:$0x1FFF0];
	_ =	sdelay $0x7  }
0x192: {  	[tilespmem:v1+s17+$0x0] =	vst.idx.msk $0xffff, v0  }
0x193: {  	v0 =	vld [tilespmem:$0x18F00]  }
0x194: {  	v1 =	vld [tilespmem:$0x18F10];
	_ =	sdelay $0x1  }
0x195: {  	v2 =	vld [tilespmem:$0x18F20];
	_ =	sdelay $0x1  }
0x196: {  	v3 =	vld [tilespmem:$0x18F30]  }
0x197: {  	v0 =	vadd.f32 v1, v0  }
0x198: {  	v1 =	vld [tilespmem:$0x18F40]  }
0x199: {  	v0 =	vadd.f32 v2, v0  }
0x19a: {  	v2 =	vld [tilespmem:$0x18F50]  }
0x19b: {  	v0 =	vadd.f32 v3, v0  }
0x19c: {  	v3 =	vld [tilespmem:$0x18F60]  }
0x19d: {  	v0 =	vadd.f32 v1, v0  }
0x19e: {  	v1 =	vld [tilespmem:$0x18F70]  }
0x19f: {  	v0 =	vadd.f32 v2, v0  }
0x1a0: {  	v2 =	vld [tilespmem:$0x18F80]  }
0x1a1: {  	v0 =	vadd.f32 v3, v0  }
0x1a2: {  	v3 =	vld [tilespmem:$0x18F90]  }
0x1a3: {  	v0 =	vadd.f32 v1, v0  }
0x1a4: {  	v1 =	vld [tilespmem:$0x18FA0]  }
0x1a5: {  	v0 =	vadd.f32 v2, v0  }
0x1a6: {  	v2 =	vld [tilespmem:$0x18FB0]  }
0x1a7: {  	v0 =	vadd.f32 v3, v0  }
0x1a8: {  	v3 =	vld [tilespmem:$0x18FC0]  }
0x1a9: {  	v0 =	vadd.f32 v1, v0  }
0x1aa: {  	v1 =	vld [tilespmem:$0x18FD0]  }
0x1ab: {  	v0 =	vadd.f32 v2, v0  }
0x1ac: {  	v2 =	vld [tilespmem:$0x18FE0]  }
0x1ad: {  	v0 =	vadd.f32 v3, v0  }
0x1ae: {  	v3 =	vld [tilespmem:$0x18FF0]  }
0x1af: {  	v0 =	vadd.f32 v1, v0;
	_ =	sdelay $0x1  }
0x1b0: {  	v0 =	vadd.f32 v2, v0  }
0x1b1: {  	v1 =	vld [tilespmem:s22+$0x18D80]  }
0x1b2: {  	v0 =	vadd.f32 v3, v0;
	_ =	sdelay $0x1  }
0x1b3: {  	v0 =	vmul.f32 $2.441406250e-04, v0;
	_ =	sdelay $0x1  }
0x1b4: {  	v0 =	vadd.f32 v0, v1;
	_ =	sdelay $0x1  }
0x1b5: {  	[tilespmem:s22+$0x18C00] =	vst v0  }
0x1b6: {  	_ =	swait.ge [sflag:s18], $0xC000  }
0x1b7: {  	[sflag:s18] =	ssyncset.done $0x0  }
0x1b8: {  	s24 =	simm.s32 $0x40;
	[sflag:s18] =	ssyncadd.s32 $0xFFFF4000  }
0x1b9: {  	s23 =	simm.s32 $0x0;
	v16 =	vld [tilespmem:s24+$0x30]  }
0x1ba: {  	v36 =	vld [tilespmem:s23+$0xCC70]  }
0x1bb: {  	v37 =	vld [tilespmem:s23+$0xCCF0]  }
0x1bc: {  	v24 =	vld [tilespmem:s23+$0xCD70]  }
0x1bd: {  	v35 =	vld [tilespmem:s23+$0xCDF0]  }
0x1be: {  	v22 =	vld [tilespmem:s23+$0xCE70]  }
0x1bf: {  	v21 =	vld [tilespmem:s23+$0xCEF0]  }
0x1c0: {  	v20 =	vld [tilespmem:s23+$0xCF70]  }
0x1c1: {  	v32 =	vld [tilespmem:s23+$0xCFF0]  }
0x1c2: {  	v31 =	vld [tilespmem:s23+$0x12C70]  }
0x1c3: {  	v28 =	vld [tilespmem:s23+$0x12CF0]  }
0x1c4: {  	v27 =	vld [tilespmem:s23+$0x12D70]  }
0x1c5: {  	v15 =	vld [tilespmem:s23+$0x12DF0]  }
0x1c6: {  	v13 =	vld [tilespmem:s23+$0x12E70]  }
0x1c7: {  	v10 =	vld [tilespmem:s23+$0x12EF0]  }
0x1c8: {  	v17 =	vld [tilespmem:s24+$0x20]  }
0x1c9: {  	v38 =	vld [tilespmem:s23+$0xCC60]  }
0x1ca: {  	v39 =	vld [tilespmem:s23+$0xCCE0]  }
0x1cb: {  	v42 =	vld [tilespmem:s23+$0xCD60]  }
0x1cc: {  	v45 =	vld [tilespmem:s23+$0xCDE0]  }
0x1cd: {  	v11 =	vld [tilespmem:s23+$0xCE60]  }
0x1ce: {  	v8 =	vld [tilespmem:s23+$0xCEE0]  }
0x1cf: {  	v7 =	vld [tilespmem:s23+$0xCF60]  }
0x1d0: {  	v6 =	vld [tilespmem:s23+$0xCFE0]  }
0x1d1: {  	v5 =	vld [tilespmem:s23+$0x12C60]  }
0x1d2: {  	v4 =	vld [tilespmem:s23+$0x12CE0]  }
0x1d3: {  	v2 =	vld [tilespmem:s23+$0x12D60]  }
0x1d4: {  	v3 =	vld [tilespmem:s23+$0x12DE0]  }
0x1d5: {  	v0 =	vld [tilespmem:s23+$0x12E60]  }
0x1d6: {  	v1 =	vld [tilespmem:s23+$0x12EE0]  }
0x1d7: {  	v18 =	vld [tilespmem:s24+$0x10]  }
0x1d8: {  	v46 =	vld [tilespmem:s23+$0xCC50]  }
0x1d9: {  	v47 =	vld [tilespmem:s23+$0xCCD0]  }
0x1da: {  	v48 =	vld [tilespmem:s23+$0xCD50]  }
0x1db: {  	v49 =	vld [tilespmem:s23+$0xCDD0]  }
0x1dc: {  	v30 =	vld [tilespmem:s23+$0xCE50]  }
0x1dd: {  	v14 =	vld [tilespmem:s23+$0xCED0]  }
0x1de: {  	v19 =	vld [tilespmem:s24+$0x0]  }
0x1df: {  	v44 =	vld [tilespmem:s23+$0xCCC0]  }
0x1e0: {  	v26 =	vld [tilespmem:s24+$0xFFFFFFE0]  }
0x1e1: {  	v23 =	vld [tilespmem:s23+$0xCC20]  }
0x1e2: {  	v29 =	vld [tilespmem:s24+$0xFFFFFFD0]  }
0x1e3: {  	v40 =	vld [tilespmem:s23+$0xCC10]  }
0x1e4: {  	v63 =	vld [tilespmem:s23+$0xCC90]  }
0x1e5: {  	v34 =	vld [tilespmem:s24+$0xFFFFFFC0]  }
0x1e6: {  	v60 =	vld [tilespmem:s23+$0xCC00]  }
0x1e7: {  	v61 =	vld [tilespmem:s23+$0xCC80]  }
0x1e8: {  	v52 =	vld [tilespmem:s23+$0xCD00]  }
0x1e9: {  	v53 =	vld [tilespmem:s23+$0xCD80]  }
0x1ea: {  	v54 =	vld [tilespmem:s23+$0xCD10]  }
0x1eb: {  	v55 =	vld [tilespmem:s23+$0xCD90]  }
0x1ec: {  	v56 =	vld [tilespmem:s23+$0xCCA0]  }
0x1ed: {  	v57 =	vld [tilespmem:s23+$0xCD20];
	v40 =	vmul.f32 v40, v29  }
0x1ee: {  	v58 =	vld [tilespmem:s23+$0xCDA0];
	v41 =	vmul.f32 v63, v29;
	v50 =	vmul.f32 v60, v34  }
0x1ef: {  	v12 =	vld [tilespmem:s23+$0xCF50];
	v51 =	vmul.f32 v61, v34;
	v52 =	vmul.f32 v52, v34  }
0x1f0: {  	v9 =	vld [tilespmem:s23+$0xCFD0];
	v53 =	vmul.f32 v53, v34;
	v54 =	vmul.f32 v54, v29  }
0x1f1: {  	v43 =	vld [tilespmem:s23+$0xCC40];
	v55 =	vmul.f32 v55, v29;
	v23 =	vmul.f32 v23, v26  }
0x1f2: {  	v25 =	vld [tilespmem:s24+$0xFFFFFFF0];
	v62 =	vmul.f32 v56, v26;
	v56 =	vmul.f32 v57, v26  }
0x1f3: {  	v33 =	vld [tilespmem:s23+$0xCC30];
	v63 =	vmul.f32 v58, v26;
	v44 =	vmul.f32 v44, v19  }
0x1f4: {  	v59 =	vld [tilespmem:s23+$0xCCB0];
	v61 =	vimm.f32 $0.0e+00;
	v46 =	vmul.f32 v46, v18;
	v47 =	vmul.f32 v47, v18  }
0x1f5: {  	v60 =	vld [tilespmem:s23+$0xCD30];
	v48 =	vmul.f32 v48, v18;
	v50 =	vadd.f32 v50, v61;
	v51 =	vadd.f32 v51, v61  }
0x1f6: {  	v49 =	vmul.f32 v49, v18;
	v58 =	vld [tilespmem:s23+$0xCE00];
	v52 =	vadd.f32 v52, v61;
	v53 =	vadd.f32 v53, v61  }
0x1f7: {  	v38 =	vmul.f32 v38, v17;
	v40 =	vadd.f32 v40, v50;
	v41 =	vadd.f32 v41, v51;
	v50 =	vld [tilespmem:s23+$0xCDB0]  }
0x1f8: {  	v39 =	vmul.f32 v39, v17;
	v51 =	vadd.f32 v54, v52;
	v52 =	vadd.f32 v55, v53;
	v53 =	vld [tilespmem:s23+$0xCD40]  }
0x1f9: {  	v42 =	vmul.f32 v42, v17;
	v45 =	vmul.f32 v45, v17;
	v55 =	vld [tilespmem:s23+$0xCDC0]  }
0x1fa: {  	v36 =	vmul.f32 v36, v16;
	v54 =	vmul.f32 v33, v25;
	v33 =	vld [tilespmem:s23+$0x12CD0]  }
0x1fb: {  	v37 =	vmul.f32 v37, v16;
	v24 =	vmul.f32 v24, v16;
	v40 =	vadd.f32 v23, v40;
	v23 =	vld [tilespmem:s23+$0x12C50]  }
0x1fc: {  	v52 =	vadd.f32 v63, v52;
	v63 =	vmul.f32 v60, v25;
	v60 =	vmul.f32 v43, v19;
	v43 =	vld [tilespmem:s23+$0x12E50]  }
0x1fd: {  	v35 =	vmul.f32 v35, v16;
	v41 =	vadd.f32 v62, v41;
	v62 =	vmul.f32 v59, v25;
	v59 =	vld [tilespmem:s23+$0xCE80]  }
0x1fe: {  	v22 =	vmul.f32 v22, v16;
	v21 =	vmul.f32 v21, v16;
	v54 =	vadd.f32 v54, v40;
	v40 =	vld [tilespmem:s23+$0x12D50]  }
0x1ff: {  	v20 =	vmul.f32 v20, v16;
	v51 =	vadd.f32 v56, v51;
	v57 =	vadd.f32 v62, v41;
	v41 =	vld [tilespmem:s23+$0x12DD0]  }
0x200: {  	v27 =	vmul.f32 v27, v16;
	v62 =	vmul.f32 v53, v19;
	v53 =	vld [tilespmem:s23+$0xCE90]  }
0x201: {  	v51 =	vadd.f32 v63, v51;
	v50 =	vmul.f32 v50, v25;
	v63 =	vmul.f32 v55, v19;
	v55 =	vld [tilespmem:s23+$0xCF00]  }
0x202: {  	v11 =	vmul.f32 v11, v17;
	v54 =	vadd.f32 v60, v54;
	v57 =	vadd.f32 v44, v57;
	v44 =	vld [tilespmem:s23+$0x12ED0]  }
0x203: {  	v8 =	vmul.f32 v8, v17;
	v50 =	vadd.f32 v50, v52;
	v51 =	vadd.f32 v62, v51;
	v52 =	vld [tilespmem:s23+$0xCE10]  }
0x204: {  	v7 =	vmul.f32 v7, v17;
	v30 =	vmul.f32 v30, v18;
	v47 =	vadd.f32 v47, v57;
	v57 =	vld [tilespmem:s23+$0xCE20]  }
0x205: {  	v6 =	vmul.f32 v6, v17;
	v46 =	vadd.f32 v46, v54;
	v48 =	vadd.f32 v48, v51;
	v51 =	vld [tilespmem:s23+$0xCFB0]  }
0x206: {  	v14 =	vmul.f32 v14, v18;
	v56 =	vmul.f32 v58, v34;
	v39 =	vadd.f32 v39, v47;
	v47 =	vld [tilespmem:s23+$0xCF80]  }
0x207: {  	v50 =	vadd.f32 v63, v50;
	v38 =	vadd.f32 v38, v46;
	v46 =	vmul.f32 v55, v34;
	v55 =	vld [tilespmem:s23+$0xCF20]  }
0x208: {  	v59 =	vmul.f32 v59, v34;
	v54 =	vmul.f32 v53, v29;
	v42 =	vadd.f32 v42, v48;
	v48 =	vld [tilespmem:s23+$0xCF10]  }
0x209: {  	v49 =	vadd.f32 v49, v50;
	v50 =	vmul.f32 v5, v17;
	v60 =	vadd.f32 v36, v38;
	v36 =	vld [tilespmem:s23+$0xCF90]  }
0x20a: {  	v37 =	vadd.f32 v37, v39;
	v58 =	vmul.f32 v52, v29;
	v52 =	vld [tilespmem:s23+$0xCEA0];
	v39 =	vadd.f32 v59, v61  }
0x20b: {  	v5 =	vmul.f32 v12, v18;
	v59 =	vld [tilespmem:s23+$0xCE40];
	v45 =	vadd.f32 v45, v49;
	v49 =	vadd.f32 v56, v61  }
0x20c: {  	v46 =	vadd.f32 v46, v61;
	v39 =	vadd.f32 v54, v39;
	v54 =	vmul.f32 v32, v16;
	v32 =	vld [tilespmem:s23+$0x12C40]  }
0x20d: {  	v62 =	vadd.f32 v24, v42;
	v56 =	vmul.f32 v47, v34;
	v38 =	vadd.f32 v58, v49;
	v49 =	vld [tilespmem:s23+$0xCE30]  }
0x20e: {  	[tilespmem:$0x1FCD0] =	vst v37;
	v37 =	vmul.f32 v57, v26;
	v63 =	vadd.f32 v35, v45;
	v47 =	vld [tilespmem:s23+$0xCFA0];
	v48 =	vmul.f32 v48, v29  }
0x20f: {  	v35 =	vmul.f32 v55, v26;
	v55 =	vld [tilespmem:s23+$0xCF40];
	v45 =	vadd.f32 v56, v61;
	v36 =	vmul.f32 v36, v29  }
0x210: {  	v24 =	vmul.f32 v28, v16;
	v42 =	vmul.f32 v52, v26;
	v46 =	vadd.f32 v48, v46;
	v48 =	vld [tilespmem:s23+$0xCEB0]  }
0x211: {  	v57 =	vadd.f32 v37, v38;
	v37 =	vmul.f32 v13, v16;
	v36 =	vadd.f32 v36, v45;
	v45 =	vld [tilespmem:s23+$0xCF30]  }
0x212: {  	[tilespmem:$0x1FCE0] =	vst v24;
	v24 =	vld [tilespmem:s23+$0x12CB0];
	v59 =	vmul.f32 v59, v19;
	v58 =	vadd.f32 v42, v39;
	v53 =	vmul.f32 v49, v25  }
0x213: {  	v39 =	vmul.f32 v31, v16;
	v47 =	vmul.f32 v47, v26;
	v31 =	vadd.f32 v35, v46;
	v35 =	vld [tilespmem:s23+$0xCEC0]  }
0x214: {  	v38 =	vmul.f32 v10, v16;
	v42 =	vmul.f32 v15, v16;
	v49 =	vld [tilespmem:s23+$0x12D40];
	v56 =	vadd.f32 v53, v57  }
0x215: {  	v46 =	vmul.f32 v55, v19;
	v36 =	vadd.f32 v47, v36;
	v57 =	vld [tilespmem:s23+$0xCFC0];
	v28 =	vmul.f32 v48, v25  }
0x216: {  	v47 =	vld [tilespmem:s23+$0x12E40];
	v45 =	vmul.f32 v45, v25;
	v52 =	vadd.f32 v59, v56;
	v56 =	vmul.f32 v23, v18  }
0x217: {  	v48 =	vld [tilespmem:s23+$0x12C30];
	v59 =	vmul.f32 v41, v18;
	v41 =	vmul.f32 v44, v18;
	v15 =	vadd.f32 v28, v58  }
0x218: {  	v58 =	vmul.f32 v51, v25;
	v35 =	vmul.f32 v35, v19;
	v13 =	vadd.f32 v45, v31;
	v31 =	vld [tilespmem:s23+$0x12CC0]  }
0x219: {  	v44 =	vimm.f32 $0.0e+00;
	v51 =	vmul.f32 v4, v17;
	v4 =	vmul.f32 v9, v18;
	v45 =	vld [tilespmem:s23+$0x12DC0]  }
0x21a: {  	v10 =	vadd.f32 v58, v36;
	v15 =	vadd.f32 v35, v15;
	v36 =	vmul.f32 v1, v17;
	v1 =	vld [tilespmem:s23+$0x12C00]  }
0x21b: {  	v28 =	vimm.f32 $0.0e+00;
	v53 =	vmul.f32 v57, v19;
	v13 =	vadd.f32 v46, v13;
	v46 =	vld [tilespmem:s23+$0x12EC0]  }
0x21c: {  	v12 =	vadd.f32 v30, v52;
	v52 =	vmul.f32 v2, v17;
	v9 =	vadd.f32 v14, v15;
	v14 =	vld [tilespmem:s23+$0x12C10]  }
0x21d: {  	v35 =	vmul.f32 v0, v17;
	v10 =	vadd.f32 v53, v10;
	v53 =	vmul.f32 v3, v17;
	v3 =	vld [tilespmem:s23+$0x12C90]  }
0x21e: {  	v57 =	vmul.f32 v33, v18;
	v58 =	vmul.f32 v40, v18;
	v2 =	vadd.f32 v5, v13;
	v5 =	vld [tilespmem:s23+$0x12C80]  }
0x21f: {  	v40 =	vmul.f32 v43, v18;
	v0 =	vadd.f32 v4, v10;
	v8 =	vadd.f32 v8, v9;
	v9 =	vld [tilespmem:s23+$0x12D00]  }
0x220: {  	v13 =	vmul.f32 v49, v19;
	v4 =	vadd.f32 v11, v12;
	v2 =	vadd.f32 v7, v2;
	v7 =	vld [tilespmem:s23+$0x12D80]  }
0x221: {  	v10 =	vmul.f32 v32, v19;
	v1 =	vmul.f32 v1, v34;
	v0 =	vadd.f32 v6, v0;
	v6 =	vld [tilespmem:s23+$0x12D10]  }
0x222: {  	v11 =	vmul.f32 v31, v19;
	v31 =	vadd.f32 v22, v4;
	v4 =	vld [tilespmem:s23+$0x12D90];
	v30 =	vadd.f32 v21, v8  }
0x223: {  	v8 =	vld [tilespmem:s23+$0x12C20];
	v12 =	vmul.f32 v14, v29;
	v1 =	vadd.f32 v1, v61;
	v5 =	vmul.f32 v5, v34  }
0x224: {  	v32 =	vadd.f32 v20, v2;
	v2 =	vld [tilespmem:s23+$0x12CA0];
	v33 =	vadd.f32 v54, v0;
	v9 =	vmul.f32 v9, v34  }
0x225: {  	v3 =	vmul.f32 v3, v29;
	v0 =	vld [tilespmem:s23+$0x12D20];
	v1 =	vadd.f32 v12, v1;
	v5 =	vadd.f32 v5, v61  }
0x226: {  	v12 =	vld [tilespmem:s23+$0x12DA0];
	v7 =	vmul.f32 v7, v34;
	v6 =	vmul.f32 v6, v29;
	v9 =	vadd.f32 v9, v61  }
0x227: {  	v55 =	vmul.f32 v46, v19;
	v14 =	vmul.f32 v45, v19;
	v3 =	vadd.f32 v3, v5;
	v5 =	vld [tilespmem:s23+$0x12D30]  }
0x228: {  	v4 =	vmul.f32 v4, v29;
	v7 =	vadd.f32 v7, v61;
	v6 =	vadd.f32 v6, v9;
	v9 =	vld [tilespmem:s23+$0x12DB0]  }
0x229: {  	v43 =	vimm.f32 $0.0e+00;
	v15 =	vld [tilespmem:s23+$0x12EB0];
	v8 =	vmul.f32 v8, v26;
	v2 =	vmul.f32 v2, v26  }
0x22a: {  	v45 =	vmul.f32 v47, v19;
	v0 =	vmul.f32 v0, v26;
	v4 =	vadd.f32 v4, v7;
	v7 =	vld [tilespmem:s23+$0x12E30]  }
0x22b: {  	v1 =	vadd.f32 v8, v1;
	v8 =	vmul.f32 v12, v26;
	v2 =	vadd.f32 v2, v3;
	v3 =	vld [tilespmem:s23+$0x12E20]  }
0x22c: {  	v20 =	vmul.f32 v24, v25;
	v54 =	vld [tilespmem:s23+$0x12EA0];
	v12 =	vmul.f32 v48, v25;
	v0 =	vadd.f32 v0, v6  }
0x22d: {  	v6 =	vadd.f32 v8, v4;
	v4 =	vld [tilespmem:s23+$0x12E10];
	v5 =	vmul.f32 v5, v25;
	v9 =	vmul.f32 v9, v25  }
0x22e: {  	v12 =	vadd.f32 v12, v1;
	v20 =	vadd.f32 v20, v2;
	v8 =	vld [tilespmem:s23+$0x12E90];
	v2 =	vmul.f32 v15, v25  }
0x22f: {  	v1 =	vmul.f32 v7, v25;
	v5 =	vadd.f32 v5, v0;
	v7 =	vld [tilespmem:s23+$0x12E80];
	v6 =	vadd.f32 v9, v6  }
0x230: {  	v10 =	vadd.f32 v10, v12;
	v11 =	vadd.f32 v11, v20;
	v0 =	vmul.f32 v3, v26;
	v9 =	vld [tilespmem:s23+$0x12E00]  }
0x231: {  	s25 =	simm.s32 $0x1000;
	v3 =	vmul.f32 v54, v26;
	v12 =	vadd.f32 v13, v5;
	v5 =	vld [tilespmem:s23+$0x12F00];
	v6 =	vadd.f32 v14, v6  }
.LBB2_5:
0x232: {  	v10 =	vadd.f32 v56, v10  }
0x233: {  	v6 =	vadd.f32 v59, v6  }
0x234: {  	v10 =	vadd.f32 v50, v10  }
0x235: {  	v13 =	vld [tilespmem:s23+$0x12F80];
	v6 =	vadd.f32 v53, v6  }
0x236: {  	v14 =	vld [tilespmem:s23+$0x12F10];
	v9 =	vmul.f32 v9, v34;
	v7 =	vmul.f32 v7, v34;
	v10 =	vadd.f32 v39, v10  }
0x237: {  	v15 =	vld [tilespmem:s23+$0x12F90];
	v4 =	vmul.f32 v4, v29;
	v6 =	vadd.f32 v42, v6  }
0x238: {  	v8 =	vmul.f32 v8, v29;
	[tilespmem:$0x1FC70] =	vst v10;
	v10 =	vld [tilespmem:$0x1FCE0];
	v9 =	vadd.f32 v9, v61;
	v7 =	vadd.f32 v7, v44  }
0x239: {  	v11 =	vadd.f32 v57, v11;
	v12 =	vadd.f32 v58, v12;
	[tilespmem:$0x1FCA0] =	vst v6;
	v6 =	vld [tilespmem:s23+$0x12F30]  }
0x23a: {  	v20 =	vld [tilespmem:s23+$0x12F20];
	v4 =	vadd.f32 v4, v9;
	v7 =	vadd.f32 v8, v7  }
0x23b: {  	v11 =	vadd.f32 v51, v11;
	v12 =	vadd.f32 v52, v12;
	v9 =	vld [tilespmem:s23+$0x12FC0]  }
0x23c: {  	v5 =	vmul.f32 v5, v34;
	v0 =	vadd.f32 v0, v4;
	v3 =	vadd.f32 v3, v7;
	v7 =	vld [tilespmem:s23+$0x12F60]  }
0x23d: {  	v10 =	vadd.f32 v10, v11;
	v11 =	vadd.f32 v27, v12;
	v12 =	vmul.f32 v14, v29;
	v14 =	vld [tilespmem:s23+$0x12F40]  }
0x23e: {  	v5 =	vadd.f32 v5, v28;
	v4 =	vmul.f32 v6, v25;
	v6 =	vld [tilespmem:s23+$0x12FD0]  }
0x23f: {  	v8 =	vmul.f32 v20, v26;
	v0 =	vadd.f32 v1, v0;
	[tilespmem:$0x1FC80] =	vst v10;
	v10 =	vld [tilespmem:s23+$0x12FA0]  }
0x240: {  	v1 =	vadd.f32 v2, v3;
	v3 =	vld [tilespmem:s23+$0x12FE0];
	[tilespmem:$0x1FC90] =	vst v11;
	v11 =	vmul.f32 v13, v34;
	v5 =	vadd.f32 v12, v5  }
0x241: {  	v13 =	vld [tilespmem:s23+$0x12FB0]  }
0x242: {  	s24 =	sadd.s32 $0x80, s24;
	v15 =	vmul.f32 v15, v29;
	v12 =	vld [tilespmem:s23+$0x12F50];
	v11 =	vadd.f32 v11, v43;
	v5 =	vadd.f32 v8, v5  }
0x243: {  	v9 =	vmul.f32 v9, v19;
	v2 =	vmul.f32 v14, v19;
	v19 =	vld [tilespmem:s24+$0x0]  }
0x244: {  	v11 =	vadd.f32 v15, v11;
	v4 =	vadd.f32 v4, v5;
	v5 =	vld [tilespmem:s23+$0x12F70];
	v10 =	vmul.f32 v10, v26  }
0x245: {  	v7 =	vmul.f32 v7, v17;
	v3 =	vmul.f32 v3, v17;
	v17 =	vld [tilespmem:s24+$0x20]  }
0x246: {  	v8 =	vadd.f32 v10, v11;
	v11 =	vld [tilespmem:s23+$0x12FF0];
	s23 =	sshra.s32 s25, $0x2  }
0x247: {  	v10 =	vmul.f32 v13, v25;
	v13 =	vld [tilespmem:s23+$0xCDF0]  }
0x248: {  	v14 =	vld [tilespmem:s23+$0x12E70]  }
0x249: {  	v15 =	vld [tilespmem:s23+$0x12EF0]  }
0x24a: {  	v20 =	vld [tilespmem:s23+$0xCC60]  }
0x24b: {  	v22 =	vld [tilespmem:s23+$0xCD60]  }
0x24c: {  	v23 =	vld [tilespmem:s23+$0xCDE0]  }
0x24d: {  	v0 =	vadd.f32 v45, v0;
	v25 =	vld [tilespmem:s23+$0xCE60]  }
0x24e: {  	v1 =	vadd.f32 v55, v1;
	v26 =	vld [tilespmem:s23+$0xCEE0]  }
0x24f: {  	v0 =	vadd.f32 v40, v0;
	v29 =	vld [tilespmem:s23+$0xCF60]  }
0x250: {  	v1 =	vadd.f32 v41, v1;
	v34 =	vld [tilespmem:s23+$0xCFE0]  }
0x251: {  	v0 =	vadd.f32 v35, v0;
	v35 =	vld [tilespmem:s23+$0x12C60]  }
0x252: {  	v1 =	vadd.f32 v36, v1;
	v36 =	vld [tilespmem:s23+$0x12CE0]  }
0x253: {  	v40 =	vld [tilespmem:s23+$0x12D60]  }
0x254: {  	v41 =	vld [tilespmem:s23+$0x12DE0]  }
0x255: {  	v49 =	vld [tilespmem:s23+$0x12E60]  }
0x256: {  	v54 =	vld [tilespmem:s23+$0x12EE0]  }
0x257: {  	v55 =	vld [tilespmem:s23+$0xCC50]  }
0x258: {  	v56 =	vld [tilespmem:s23+$0xCCD0]  }
0x259: {  	v57 =	vld [tilespmem:s23+$0xCD50]  }
0x25a: {  	v58 =	vld [tilespmem:s23+$0xCDD0]  }
0x25b: {  	v59 =	vld [tilespmem:s23+$0xCE50]  }
0x25c: {  	v24 =	vld [tilespmem:s23+$0xCED0]  }
0x25d: {  	v27 =	vld [tilespmem:s23+$0xCF50]  }
0x25e: {  	v28 =	vld [tilespmem:s23+$0xCFD0]  }
0x25f: {  	[tilespmem:$0x1FB70] =	vst v30;
	v30 =	vld [tilespmem:s23+$0x12C50]  }
0x260: {  	[tilespmem:$0x1FB60] =	vst v31;
	v31 =	vld [tilespmem:s23+$0x12CD0]  }
0x261: {  	[tilespmem:$0x1FB80] =	vst v32;
	v32 =	vld [tilespmem:s23+$0x12D50]  }
0x262: {  	[tilespmem:$0x1FB90] =	vst v33;
	v33 =	vld [tilespmem:s23+$0x12DD0]  }
0x263: {  	v0 =	vadd.f32 v37, v0;
	v37 =	vld [tilespmem:s23+$0x12E50]  }
0x264: {  	v45 =	vmov v60;
	v60 =	vld [tilespmem:s23+$0x12ED0]  }
0x265: {  	v61 =	vld [tilespmem:s23+$0xCC40]  }
0x266: {  	v39 =	vld [tilespmem:s23+$0x12CC0]  }
0x267: {  	v42 =	vld [tilespmem:s23+$0x12D40]  }
0x268: {  	v43 =	vld [tilespmem:s23+$0xCC30]  }
0x269: {  	v44 =	vld [tilespmem:s23+$0xCCB0]  }
0x26a: {  	v8 =	vadd.f32 v10, v8;
	v10 =	vmul.f32 v12, v18;
	v12 =	vld [tilespmem:s24+$0x30]  }
0x26b: {  	v6 =	vmul.f32 v6, v18;
	v18 =	vld [tilespmem:s24+$0x10]  }
0x26c: {  	v2 =	vadd.f32 v2, v4;
	[tilespmem:$0x1FB10] =	vst v0;
	v0 =	vadd.f32 v38, v1;
	v38 =	vld [tilespmem:s23+$0x12C40]  }
0x26d: {  	v4 =	vadd.f32 v9, v8;
	v8 =	vld [tilespmem:s23+$0xCC70]  }
0x26e: {  	v9 =	vld [tilespmem:s23+$0xCCF0];
	v2 =	vadd.f32 v10, v2  }
0x26f: {  	[tilespmem:$0x1FB00] =	vst v0;
	v0 =	vld [tilespmem:s23+$0xCEF0]  }
0x270: {  	v5 =	vmul.f32 v5, v16;
	v4 =	vadd.f32 v6, v4;
	v6 =	vld [tilespmem:s23+$0xCD70];
	v2 =	vadd.f32 v7, v2  }
0x271: {  	v7 =	vld [tilespmem:s23+$0xCE70];
	v50 =	vmul.f32 v35, v17  }
0x272: {  	v35 =	vld [tilespmem:s23+$0x12DC0];
	v3 =	vadd.f32 v3, v4;
	v4 =	vmul.f32 v11, v16;
	v16 =	vmovc v12;
	v1 =	vadd.f32 v5, v2  }
0x273: {  	v2 =	vld [tilespmem:s23+$0xCFF0];
	v10 =	vmul.f32 v8, v16  }
0x274: {  	v9 =	vmul.f32 v9, v16;
	[tilespmem:$0x1FBE0] =	vst v1;
	v1 =	vadd.f32 v4, v3;
	v4 =	vld [tilespmem:s23+$0x12CF0]  }
0x275: {  	v52 =	vmul.f32 v37, v18;
	v37 =	vld [tilespmem:s23+$0xCC90];
	v0 =	vmul.f32 v0, v16;
	[tilespmem:$0x1FB20] =	vst v10  }
0x276: {  	v47 =	vmul.f32 v20, v17;
	v20 =	vmul.f32 v22, v17;
	v5 =	vld [tilespmem:s23+$0x12D70];
	[tilespmem:$0x1FB30] =	vst v9  }
0x277: {  	v46 =	vmul.f32 v23, v17;
	v12 =	vld [tilespmem:s23+$0x12DF0];
	v6 =	vmul.f32 v6, v16;
	[tilespmem:$0x1FC40] =	vst v0  }
0x278: {  	v11 =	vmul.f32 v36, v17;
	v36 =	vld [tilespmem:s23+$0x12E40];
	v7 =	vmul.f32 v7, v16;
	[tilespmem:$0x1FAF0] =	vst v1  }
0x279: {  	v3 =	vld [tilespmem:s23+$0x12C70];
	[tilespmem:$0x1FB40] =	vst v6;
	v9 =	vmul.f32 v2, v16;
	v2 =	vmul.f32 v4, v16  }
0x27a: {  	v51 =	vmul.f32 v49, v17;
	v8 =	vmov v62;
	v62 =	vld [tilespmem:s23+$0xCCC0];
	v6 =	vmul.f32 v13, v16;
	[tilespmem:$0x1FC30] =	vst v7  }
0x27b: {  	v53 =	vmul.f32 v55, v18;
	v1 =	vld [tilespmem:s23+$0xCF70];
	[tilespmem:$0x1FCE0] =	vst v2;
	v2 =	vmul.f32 v5, v16  }
0x27c: {  	v0 =	vld [tilespmem:s23+$0xCDC0];
	v13 =	vmul.f32 v54, v17;
	v54 =	vmul.f32 v56, v18;
	[tilespmem:$0x1FB50] =	vst v6  }
0x27d: {  	v7 =	vld [tilespmem:s23+$0xCE40];
	v56 =	vmul.f32 v30, v18;
	[tilespmem:$0x1FCB0] =	vst v2;
	v2 =	vmul.f32 v14, v16  }
0x27e: {  	v30 =	vld [tilespmem:s23+$0xCCA0];
	[tilespmem:$0x1FC60] =	vst v9;
	v3 =	vmul.f32 v3, v16;
	v9 =	vmul.f32 v12, v16  }
0x27f: {  	v6 =	vld [tilespmem:s23+$0xCD40];
	v12 =	vmul.f32 v15, v16;
	[tilespmem:$0x1FBB0] =	vst v2;
	v2 =	vmul.f32 v25, v17  }
0x280: {  	v15 =	vmul.f32 v24, v18;
	v24 =	vld [tilespmem:s23+$0xCC20];
	v10 =	vmul.f32 v1, v16;
	[tilespmem:$0x1FBA0] =	vst v3  }
0x281: {  	v1 =	vmov v63;
	v63 =	vld [tilespmem:s23+$0xCEC0];
	v3 =	vmul.f32 v58, v18;
	[tilespmem:$0x1FBF0] =	vst v2;
	v2 =	vmul.f32 v26, v17  }
0x282: {  	v5 =	vld [tilespmem:s23+$0xCF40];
	v14 =	vmul.f32 v59, v18;
	v59 =	vmul.f32 v28, v18  }
0x283: {  	v58 =	vmul.f32 v27, v18;
	v25 =	vld [tilespmem:s24+$0xFFFFFFF0];
	[tilespmem:$0x1FC00] =	vst v2;
	v2 =	vmul.f32 v29, v17  }
0x284: {  	[tilespmem:$0x1FBD0] =	vst v59;
	v59 =	vmul.f32 v33, v18;
	v33 =	vmul.f32 v62, v19;
	v62 =	vld [tilespmem:s23+$0xCC00]  }
0x285: {  	v22 =	vmul.f32 v7, v19;
	[tilespmem:$0x1FC10] =	vst v2;
	v2 =	vmul.f32 v34, v17;
	v34 =	vld [tilespmem:s24+$0xFFFFFFC0]  }
0x286: {  	v7 =	vmul.f32 v39, v19;
	[tilespmem:$0x1FC50] =	vst v10;
	v10 =	vmul.f32 v40, v17;
	v29 =	vld [tilespmem:s24+$0xFFFFFFD0]  }
0x287: {  	[tilespmem:$0x1FC20] =	vst v2;
	v2 =	vmul.f32 v57, v18;
	v57 =	vmul.f32 v31, v18;
	v31 =	vld [tilespmem:s23+$0xCC10]  }
0x288: {  	v40 =	vld [tilespmem:s23+$0x12EC0];
	[tilespmem:$0x1FBC0] =	vst v58;
	v58 =	vmul.f32 v32, v18;
	v32 =	vmul.f32 v61, v19  }
0x289: {  	v61 =	vmul.f32 v0, v19;
	v23 =	vmul.f32 v63, v19;
	v26 =	vld [tilespmem:s24+$0xFFFFFFE0]  }
0x28a: {  	v63 =	vld [tilespmem:s23+$0xCC80];
	v39 =	vmul.f32 v44, v25;
	v44 =	vmul.f32 v62, v34  }
0x28b: {  	v49 =	vmul.f32 v5, v19;
	v5 =	vmul.f32 v38, v19;
	v38 =	vld [tilespmem:s23+$0xCD00]  }
0x28c: {  	v0 =	vmul.f32 v42, v19;
	v28 =	vld [tilespmem:$0x1FCD0];
	v31 =	vmul.f32 v31, v29;
	v44 =	vadd.f32 v44, v45  }
0x28d: {  	v4 =	vmul.f32 v41, v17;
	v55 =	vmul.f32 v40, v19;
	v40 =	vld [tilespmem:s23+$0xCD10]  }
0x28e: {  	v27 =	vld [tilespmem:s23+$0xCD30];
	[tilespmem:$0x1FCC0] =	vst v0;
	v0 =	vmul.f32 v36, v19;
	v24 =	vmul.f32 v24, v26;
	v31 =	vadd.f32 v31, v44  }
0x28f: {  	v36 =	vmul.f32 v43, v25;
	v43 =	vld [tilespmem:s23+$0xCD20];
	v62 =	vmul.f32 v63, v34  }
0x290: {  	v41 =	vmul.f32 v60, v18;
	v38 =	vmul.f32 v38, v34;
	v45 =	vld [tilespmem:s23+$0xCE30];
	v24 =	vadd.f32 v24, v31  }
0x291: {  	v60 =	vmul.f32 v6, v19;
	v37 =	vmul.f32 v37, v29;
	v63 =	vld [tilespmem:s23+$0xCDA0];
	v62 =	vadd.f32 v62, v28  }
0x292: {  	v40 =	vmul.f32 v40, v29;
	v38 =	vadd.f32 v38, v8;
	v24 =	vadd.f32 v36, v24  }
0x293: {  	v21 =	vld [tilespmem:s23+$0xCCE0];
	v6 =	vmul.f32 v35, v19;
	v30 =	vmul.f32 v30, v26;
	v37 =	vadd.f32 v37, v62  }
0x294: {  	v35 =	vld [tilespmem:s23+$0xCD80];
	v43 =	vmul.f32 v43, v26;
	v38 =	vadd.f32 v40, v38;
	v24 =	vadd.f32 v32, v24  }
0x295: {  	v27 =	vmul.f32 v27, v25;
	v30 =	vadd.f32 v30, v37;
	v36 =	vmul.f32 v45, v25;
	v45 =	vmovc v0;
	v0 =	vld [tilespmem:$0x1FB20]  }
0x296: {  	v42 =	vld [tilespmem:s23+$0xCD90];
	v40 =	vmul.f32 v63, v26;
	v63 =	vadd.f32 v43, v38;
	v24 =	vadd.f32 v53, v24  }
0x297: {  	v30 =	vadd.f32 v39, v30  }
0x298: {  	v27 =	vadd.f32 v27, v63;
	v24 =	vadd.f32 v47, v24  }
0x299: {  	v35 =	vmul.f32 v35, v34;
	v28 =	vld [tilespmem:s23+$0xCDB0];
	v30 =	vadd.f32 v33, v30  }
0x29a: {  	v48 =	vmul.f32 v21, v17;
	v27 =	vadd.f32 v60, v27;
	v60 =	vadd.f32 v0, v24;
	v0 =	vld [tilespmem:$0x1FB30]  }
0x29b: {  	v42 =	vmul.f32 v42, v29;
	v35 =	vadd.f32 v35, v1;
	v1 =	vadd.f32 v54, v30;
	_ =	sdelay $0x1  }
0x29c: {  	v35 =	vadd.f32 v42, v35;
	v1 =	vadd.f32 v48, v1  }
0x29d: {  	v62 =	vld [tilespmem:s23+$0xCE20]  }
0x29e: {  	v35 =	vadd.f32 v40, v35;
	v28 =	vmul.f32 v28, v25;
	v1 =	vadd.f32 v0, v1;
	v0 =	vld [tilespmem:$0x1FB40]  }
0x29f: {  	v2 =	vadd.f32 v2, v27  }
0x2a0: {  	v28 =	vadd.f32 v28, v35  }
0x2a1: {  	v2 =	vadd.f32 v20, v2  }
0x2a2: {  	v28 =	vadd.f32 v61, v28  }
0x2a3: {  	v32 =	vmul.f32 v62, v26;
	v62 =	vadd.f32 v0, v2;
	v0 =	vld [tilespmem:$0x1FB50]  }
0x2a4: {  	v3 =	vadd.f32 v3, v28;
	_ =	sdelay $0x1  }
0x2a5: {  	v35 =	vld [tilespmem:s23+$0xCE00];
	v3 =	vadd.f32 v46, v3;
	_ =	sdelay $0x1  }
0x2a6: {  	v63 =	vadd.f32 v0, v3;
	v0 =	vld [tilespmem:$0x1FB60];
	_ =	sdelay $0x2  }
0x2a7: {  	v33 =	vld [tilespmem:s23+$0xCE80];
	v35 =	vmul.f32 v35, v34;
	_ =	sdelay $0x1  }
0x2a8: {  	v8 =	vadd.f32 v35, v0;
	v0 =	vld [tilespmem:$0x1FB70]  }
0x2a9: {  	v38 =	vld [tilespmem:s23+$0xCE10]  }
0x2aa: {  	v40 =	vld [tilespmem:s23+$0xCF00]  }
0x2ab: {  	v39 =	vld [tilespmem:s23+$0xCE90];
	v20 =	vmul.f32 v33, v34  }
0x2ac: {  	v28 =	vld [tilespmem:s23+$0xCF10]  }
0x2ad: {  	v42 =	vmov v9;
	v9 =	vadd.f32 v20, v0;
	v0 =	vld [tilespmem:$0x1FB80]  }
0x2ae: {  	v30 =	vmul.f32 v38, v29;
	v38 =	vld [tilespmem:s23+$0xCF80]  }
0x2af: {  	v47 =	vld [tilespmem:s23+$0xCF20]  }
0x2b0: {  	v27 =	vmul.f32 v39, v29;
	v39 =	vld [tilespmem:s23+$0xCF90];
	[tilespmem:$0x1FCD0] =	vst v1;
	v1 =	vmul.f32 v40, v34  }
0x2b1: {  	v2 =	vld [tilespmem:s23+$0xCF30]  }
0x2b2: {  	v35 =	vmovc v51;
	v51 =	vmov v11;
	v11 =	vmul.f32 v28, v29;
	v1 =	vadd.f32 v1, v0;
	v0 =	vld [tilespmem:$0x1FB90]  }
0x2b3: {  	v40 =	vmov v52  }
0x2b4: {  	v52 =	vmovc v10;
	v10 =	vld [tilespmem:s23+$0xCFA0];
	v9 =	vadd.f32 v27, v9;
	v27 =	vmul.f32 v47, v26;
	v1 =	vadd.f32 v11, v1  }
0x2b5: {  	v3 =	vmul.f32 v38, v34  }
0x2b6: {  	v2 =	vmul.f32 v2, v25;
	v20 =	vld [tilespmem:s23+$0xCFB0];
	v1 =	vadd.f32 v27, v1  }
0x2b7: {  	v24 =	vmul.f32 v39, v29;
	v3 =	vadd.f32 v3, v0;
	v0 =	vld [tilespmem:$0x1FBC0]  }
0x2b8: {  	v21 =	vld [tilespmem:s23+$0xCFC0];
	v1 =	vadd.f32 v2, v1  }
0x2b9: {  	v10 =	vmul.f32 v10, v26;
	v3 =	vadd.f32 v24, v3  }
0x2ba: {  	v1 =	vadd.f32 v49, v1  }
0x2bb: {  	v31 =	vld [tilespmem:s23+$0xCEA0];
	v3 =	vadd.f32 v10, v3;
	v10 =	vmul.f32 v20, v25  }
0x2bc: {  	v8 =	vadd.f32 v30, v8;
	v1 =	vadd.f32 v0, v1;
	v0 =	vld [tilespmem:$0x1FBD0]  }
0x2bd: {  	v21 =	vmul.f32 v21, v19;
	v2 =	vadd.f32 v10, v3  }
0x2be: {  	v44 =	vld [tilespmem:s23+$0xCEB0];
	v8 =	vadd.f32 v32, v8  }
0x2bf: {  	v2 =	vadd.f32 v21, v2  }
0x2c0: {  	v8 =	vadd.f32 v36, v8  }
0x2c1: {  	v31 =	vmul.f32 v31, v26;
	v2 =	vadd.f32 v0, v2;
	v0 =	vld [tilespmem:$0x1FBF0]  }
0x2c2: {  	v8 =	vadd.f32 v22, v8  }
0x2c3: {  	v37 =	vmul.f32 v44, v25;
	v9 =	vadd.f32 v31, v9  }
0x2c4: {  	v8 =	vadd.f32 v14, v8  }
0x2c5: {  	v9 =	vadd.f32 v37, v9  }
0x2c6: {  	v8 =	vadd.f32 v0, v8;
	v0 =	vld [tilespmem:$0x1FC00]  }
0x2c7: {  	v9 =	vadd.f32 v23, v9;
	_ =	sdelay $0x1  }
0x2c8: {  	v9 =	vadd.f32 v15, v9;
	_ =	sdelay $0x1  }
0x2c9: {  	v53 =	vmov v4;
	v4 =	vadd.f32 v0, v9;
	v0 =	vld [tilespmem:$0x1FC10];
	_ =	sdelay $0x4  }
0x2ca: {  	v1 =	vadd.f32 v0, v1;
	v0 =	vld [tilespmem:$0x1FC20];
	_ =	sdelay $0x4  }
0x2cb: {  	v2 =	vadd.f32 v0, v2;
	v0 =	vld [tilespmem:$0x1FC30];
	_ =	sdelay $0x1  }
0x2cc: {  	v43 =	vld [tilespmem:$0x1FAF0]  }
0x2cd: {  	v44 =	vld [tilespmem:$0x1FB00]  }
0x2ce: {  	v30 =	vld [tilespmem:s23+$0x12CB0]  }
0x2cf: {  	v31 =	vadd.f32 v0, v8;
	v0 =	vld [tilespmem:$0x1FC40]  }
0x2d0: {  	v61 =	vld [tilespmem:$0x1FB10]  }
0x2d1: {  	v48 =	vld [tilespmem:s23+$0x12C80]  }
0x2d2: {  	v33 =	vld [tilespmem:s23+$0x12D00]  }
0x2d3: {  	v46 =	vld [tilespmem:s23+$0x12D20]  }
0x2d4: {  	v10 =	vmul.f32 v30, v25;
	v30 =	vadd.f32 v0, v4;
	v0 =	vld [tilespmem:$0x1FC50]  }
0x2d5: {  	v39 =	vld [tilespmem:$0x1FBA0]  }
0x2d6: {  	v28 =	vld [tilespmem:s23+$0x12C30]  }
0x2d7: {  	v36 =	vmov v13;
	v13 =	vld [tilespmem:s23+$0x12D10]  }
0x2d8: {  	v15 =	vld [tilespmem:s23+$0x12D80]  }
0x2d9: {  	v32 =	vadd.f32 v0, v1;
	v0 =	vld [tilespmem:$0x1FC60]  }
0x2da: {  	v47 =	vld [tilespmem:$0x1FC90]  }
0x2db: {  	v20 =	vld [tilespmem:s23+$0x12C10]  }
0x2dc: {  	v3 =	vld [tilespmem:s23+$0x12C00]  }
0x2dd: {  	v37 =	vld [tilespmem:$0x1FBB0]  }
0x2de: {  	v4 =	vmul.f32 v33, v34;
	v33 =	vadd.f32 v0, v2;
	v2 =	vmul.f32 v15, v34;
	v15 =	vld [tilespmem:$0x1FC70]  }
0x2df: {  	v11 =	vld [tilespmem:s23+$0x12C20]  }
0x2e0: {  	v27 =	vmul.f32 v28, v25;
	v28 =	vld [tilespmem:s23+$0x12C90];
	v14 =	vmul.f32 v20, v29  }
0x2e1: {  	v20 =	vmul.f32 v48, v34;
	v48 =	vld [tilespmem:$0x1FCA0];
	v3 =	vmul.f32 v3, v34  }
0x2e2: {  	v9 =	vld [tilespmem:s23+$0x12D90]  }
0x2e3: {  	v3 =	vadd.f32 v3, v15;
	v15 =	vld [tilespmem:$0x1FC80]  }
0x2e4: {  	v8 =	vld [tilespmem:s23+$0x12DA0]  }
0x2e5: {  	v13 =	vmul.f32 v13, v29;
	v24 =	vld [tilespmem:s23+$0x12CA0];
	v4 =	vadd.f32 v4, v47  }
0x2e6: {  	v38 =	vmov v12;
	v49 =	vld [tilespmem:s23+$0x12E30];
	v12 =	vmul.f32 v28, v29  }
0x2e7: {  	v28 =	vld [tilespmem:$0x1FBE0];
	v9 =	vmul.f32 v9, v29;
	v4 =	vadd.f32 v13, v4;
	v2 =	vadd.f32 v2, v48  }
0x2e8: {  	v11 =	vmul.f32 v11, v26;
	v13 =	vld [tilespmem:s23+$0x12E20];
	v3 =	vadd.f32 v14, v3;
	v15 =	vadd.f32 v20, v15  }
0x2e9: {  	v8 =	vmul.f32 v8, v26;
	v2 =	vadd.f32 v9, v2;
	v20 =	vld [tilespmem:s23+$0x12DB0]  }
0x2ea: {  	v54 =	vmul.f32 v24, v26;
	v1 =	vld [tilespmem:s23+$0x12D30];
	v3 =	vadd.f32 v11, v3;
	v12 =	vadd.f32 v12, v15  }
0x2eb: {  	v2 =	vadd.f32 v8, v2;
	v8 =	vld [tilespmem:s23+$0x12E90];
	v14 =	vmul.f32 v46, v26  }
0x2ec: {  	v3 =	vadd.f32 v27, v3;
	v15 =	vld [tilespmem:s23+$0x12EB0];
	v9 =	vadd.f32 v54, v12  }
0x2ed: {  	v54 =	vld [tilespmem:s23+$0x12EA0];
	v12 =	vadd.f32 v14, v4  }
0x2ee: {  	p1 =	sne.s32 s25, $0x17000;
	v14 =	vmul.f32 v20, v25;
	v20 =	vadd.f32 v10, v9;
	v10 =	vadd.f32 v5, v3;
	v3 =	vld [tilespmem:$0x1FCC0]  }
.Ltmp1:
0x2ef: {  	v11 =	vmul.f32 v1, v25;
	v27 =	vld [tilespmem:$0x1FCB0];
	(pc) =	sbr.rel @p1 .LBB2_5-.Ltmp1, $4  }
0x2f0: {  	v4 =	vld [tilespmem:s23+$0x12E10]  }
0x2f1: {  	v0 =	vmul.f32 v13, v26;
	v12 =	vadd.f32 v11, v12;
	v9 =	vld [tilespmem:s23+$0x12E00];
	v14 =	vadd.f32 v14, v2  }
0x2f2: {  	v1 =	vmul.f32 v49, v25;
	v5 =	vld [tilespmem:s23+$0x12F00];
	v2 =	vmul.f32 v15, v25;
	v11 =	vadd.f32 v7, v20  }
0x2f3: {  	s25 =	sadd.s32 $0x1000, s25;
	v7 =	vld [tilespmem:s23+$0x12E80];
	v6 =	vadd.f32 v6, v14;
	v12 =	vadd.f32 v3, v12;
	v3 =	vmul.f32 v54, v26  }
0x2f4: {  	v13 =	vld [tilespmem:s23+$0x12F80]  }
0x2f5: {  	v14 =	vld [tilespmem:s23+$0x12F10]  }
0x2f6: {  	v15 =	vld [tilespmem:s23+$0x12F90]  }
0x2f7: {  	v20 =	vld [tilespmem:s23+$0x12F20]  }
0x2f8: {  	v21 =	vld [tilespmem:s23+$0x12FA0]  }
0x2f9: {  	v22 =	vld [tilespmem:$0x1FCE0]  }
0x2fa: {  	v23 =	vld [tilespmem:s23+$0x12FB0]  }
0x2fb: {  	v24 =	vld [tilespmem:s23+$0x12F40]  }
0x2fc: {  	v47 =	vld [tilespmem:s23+$0x12F60]  }
0x2fd: {  	v10 =	vadd.f32 v56, v10;
	v49 =	vld [tilespmem:s23+$0x12FE0]  }
0x2fe: {  	v11 =	vadd.f32 v57, v11;
	v6 =	vadd.f32 v59, v6;
	v59 =	vld [tilespmem:s23+$0x12F30]  }
0x2ff: {  	v54 =	vld [tilespmem:s23+$0x12FF0];
	v10 =	vadd.f32 v50, v10  }
0x300: {  	v11 =	vadd.f32 v51, v11;
	v50 =	vld [tilespmem:s23+$0x12F70]  }
0x301: {  	v12 =	vadd.f32 v58, v12;
	v10 =	vadd.f32 v39, v10;
	v39 =	vld [tilespmem:s23+$0x12FC0]  }
0x302: {  	v11 =	vadd.f32 v22, v11;
	v22 =	vld [tilespmem:$0x1FF00]  }
0x303: {  	v9 =	vmul.f32 v9, v34;
	v12 =	vadd.f32 v52, v12;
	v52 =	vmul.f32 v59, v25;
	v59 =	vld [tilespmem:$0x1FFE0]  }
0x304: {  	v6 =	vadd.f32 v53, v6;
	v53 =	vmul.f32 v23, v25;
	v23 =	vld [tilespmem:$0x1FCD0]  }
0x305: {  	s24 =	sadd.s32 @!p0 s22, s9;
	v5 =	vmul.f32 v5, v34;
	v9 =	vadd.f32 v9, v61;
	v61 =	vmul.f32 v24, v19;
	v24 =	vld [tilespmem:$0x1FF10]  }
0x306: {  	s24 =	sshrl.u32 @!p0 s24, $0x3;
	v7 =	vmul.f32 v7, v34;
	v25 =	vld [tilespmem:$0x1FF20]  }
0x307: {  	v4 =	vmul.f32 v4, v29;
	s24 =	smul.u32 @!p0 $0xC00, s24;
	v5 =	vadd.f32 v5, v28;
	v28 =	vld [tilespmem:$0x1FF30]  }
0x308: {  	v8 =	vmul.f32 v8, v29;
	v6 =	vadd.f32 v42, v6;
	v42 =	vld [tilespmem:s23+$0x12F50];
	v7 =	vadd.f32 v7, v44  }
0x309: {  	s25 =	simm.s32 @!p0 $0xCC00;
	v4 =	vadd.f32 v4, v9;
	v44 =	vld [tilespmem:s23+$0x12FD0];
	s23 =	sadd.s32 @!p0 s2, s24;
	s24 =	simm.s32 @!p0 $0x0  }
0x30a: {  	[tilespmem:s25], [sflag:$0x2] =	stream.linear.gather @!p0 [hbm4b:s23+s24], $0xC000, $0x38;
	v7 =	vadd.f32 v8, v7;
	[tilespmem:$0x19000] =	vst v63  }
0x30b: {  	v0 =	vadd.f32 v0, v4;
	[tilespmem:v59+s17+$0x0] =	vst.idx.msk $0xffff, v60  }
0x30c: {  	v13 =	vmul.f32 v13, v34;
	v3 =	vadd.f32 v3, v7;
	[tilespmem:v22+s17+$0x0] =	vst.idx.msk $0xffff, v23  }
0x30d: {  	v14 =	vmul.f32 v14, v29;
	v0 =	vadd.f32 v1, v0;
	[tilespmem:v24+s17+$0x0] =	vst.idx.msk $0xffff, v62  }
0x30e: {  	v15 =	vmul.f32 v15, v29;
	v29 =	vld [tilespmem:$0x1FF40];
	v56 =	vadd.f32 v2, v3;
	[tilespmem:v25+s17+$0x0] =	vst.idx.msk $0xffff, v63  }
0x30f: {  	v48 =	vmul.f32 v21, v26;
	v0 =	vadd.f32 v45, v0;
	[tilespmem:v28+s17+$0x0] =	vst.idx.msk $0xffff, v31;
	v31 =	vld [tilespmem:$0x1FF50]  }
0x310: {  	v13 =	vadd.f32 v13, v43;
	v21 =	vmul.f32 v39, v19;
	v39 =	vld [tilespmem:$0x1FF60];
	v1 =	vadd.f32 v55, v56  }
0x311: {  	v46 =	vmul.f32 v20, v26;
	v5 =	vadd.f32 v14, v5;
	v0 =	vadd.f32 v40, v0;
	v40 =	vld [tilespmem:$0x1FF70]  }
0x312: {  	v13 =	vadd.f32 v15, v13;
	v1 =	vadd.f32 v41, v1;
	v41 =	vld [tilespmem:$0x1FF80]  }
0x313: {  	v5 =	vadd.f32 v46, v5;
	v26 =	vmul.f32 v42, v18;
	v42 =	vld [tilespmem:$0x1FF90]  }
0x314: {  	v12 =	vadd.f32 v27, v12;
	v51 =	vadd.f32 v48, v13;
	v45 =	vld [tilespmem:$0x1FFA0]  }
0x315: {  	v34 =	vmul.f32 v47, v17;
	v43 =	vmul.f32 v50, v16;
	v46 =	vld [tilespmem:$0x1FFB0];
	v57 =	vadd.f32 v52, v5  }
0x316: {  	v4 =	vmul.f32 v49, v17;
	v48 =	vld [tilespmem:$0x1FFC0];
	v58 =	vadd.f32 v53, v51;
	[tilespmem:v29+s17+$0x0] =	vst.idx.msk $0xffff, v30  }
0x317: {  	v49 =	vld [tilespmem:$0x1FFD0];
	v27 =	vmul.f32 v44, v18;
	v2 =	vadd.f32 v61, v57;
	[tilespmem:v31+s17+$0x0] =	vst.idx.msk $0xffff, v32  }
0x318: {  	v50 =	vld [tilespmem:$0x1FFF0];
	v44 =	vmul.f32 v54, v16;
	v3 =	vadd.f32 v21, v58;
	[tilespmem:v39+s17+$0x0] =	vst.idx.msk $0xffff, v33  }
0x319: {  	v2 =	vadd.f32 v26, v2;
	v0 =	vadd.f32 v35, v0;
	[tilespmem:v40+s17+$0x0] =	vst.idx.msk $0xffff, v10  }
0x31a: {  	v3 =	vadd.f32 v27, v3;
	v1 =	vadd.f32 v36, v1;
	[tilespmem:v41+s17+$0x0] =	vst.idx.msk $0xffff, v11  }
0x31b: {  	v2 =	vadd.f32 v34, v2;
	v0 =	vadd.f32 v37, v0;
	[tilespmem:v42+s17+$0x0] =	vst.idx.msk $0xffff, v12  }
0x31c: {  	v3 =	vadd.f32 v4, v3;
	v1 =	vadd.f32 v38, v1;
	[tilespmem:v45+s17+$0x0] =	vst.idx.msk $0xffff, v6  }
0x31d: {  	v2 =	vadd.f32 v43, v2;
	[tilespmem:v46+s17+$0x0] =	vst.idx.msk $0xffff, v0  }
0x31e: {  	v47 =	vadd.f32 v44, v3;
	[tilespmem:v48+s17+$0x0] =	vst.idx.msk $0xffff, v1  }
0x31f: {  	[tilespmem:v49+s17+$0x0] =	vst.idx.msk $0xffff, v2  }
0x320: {  	[tilespmem:v50+s17+$0x0] =	vst.idx.msk $0xffff, v47  }
0x321: {  	v0 =	vld [tilespmem:$0x18F00]  }
0x322: {  	v1 =	vld [tilespmem:$0x18F10];
	_ =	sdelay $0x1  }
0x323: {  	v2 =	vld [tilespmem:$0x18F20];
	_ =	sdelay $0x1  }
0x324: {  	v3 =	vld [tilespmem:$0x18F30]  }
0x325: {  	v0 =	vadd.f32 v1, v0  }
0x326: {  	v51 =	vld [tilespmem:$0x18F40]  }
0x327: {  	v0 =	vadd.f32 v2, v0  }
0x328: {  	v52 =	vld [tilespmem:$0x18F50]  }
0x329: {  	v0 =	vadd.f32 v3, v0  }
0x32a: {  	v53 =	vld [tilespmem:$0x18F60]  }
0x32b: {  	v0 =	vadd.f32 v51, v0  }
0x32c: {  	v54 =	vld [tilespmem:$0x18F70]  }
0x32d: {  	v0 =	vadd.f32 v52, v0  }
0x32e: {  	v55 =	vld [tilespmem:$0x18F80]  }
0x32f: {  	v0 =	vadd.f32 v53, v0  }
0x330: {  	v56 =	vld [tilespmem:$0x18F90]  }
0x331: {  	v0 =	vadd.f32 v54, v0  }
0x332: {  	v57 =	vld [tilespmem:$0x18FA0]  }
0x333: {  	v0 =	vadd.f32 v55, v0  }
0x334: {  	v58 =	vld [tilespmem:$0x18FB0]  }
0x335: {  	v0 =	vadd.f32 v56, v0  }
0x336: {  	v59 =	vld [tilespmem:$0x18FC0]  }
0x337: {  	v0 =	vadd.f32 v57, v0  }
0x338: {  	v60 =	vld [tilespmem:$0x18FD0]  }
0x339: {  	v0 =	vadd.f32 v58, v0  }
0x33a: {  	v61 =	vld [tilespmem:$0x18FE0]  }
0x33b: {  	v0 =	vadd.f32 v59, v0  }
0x33c: {  	v62 =	vld [tilespmem:$0x18FF0]  }
0x33d: {  	v0 =	vadd.f32 v60, v0;
	_ =	sdelay $0x1  }
0x33e: {  	v0 =	vadd.f32 v61, v0  }
0x33f: {  	v63 =	vld [tilespmem:s22+$0x18D90]  }
0x340: {  	s21 =	sadd.s32 $0x1, s21;
	v0 =	vadd.f32 v62, v0  }
0x341: {  	p0 =	sne.s32 s21, $0x9  }
.Ltmp2:
0x342: {  	v0 =	vmul.f32 $2.441406250e-04, v0;
	(pc) =	sbr.rel @p0 .LBB2_2-.Ltmp2, $3  }
0x343: {  	_ = 	snop  }
0x344: {  	v0 =	vadd.f32 v0, v63;
	_ =	sdelay $0x1  }
0x345: {  	[tilespmem:s22+$0x18C10] =	vst v0  }
0x346: {  	s20 =	sadd.s32 $0x1, s20  }
0x347: {  	p0 =	sne.s32 s20, s11  }
.Ltmp3:
0x348: {  	_ = 	snop;
	(pc) =	sbr.rel @p0 .LBB2_1-.Ltmp3, $4  }
0x349: {  	[hbm4b:s10+s3] =	stream.linear.scatter [tilespmem:s19], [sflag:$0x3], $0x120, $0x38;
	[tilespmem:$0x19000] =	vst v63  }
0x34a: {  	_ =	swait.ge [sflag:s12], $0x120  }
0x34b: {  	[sflag:s12] =	ssyncset.done $0x0  }
0x34c: {  	[sflag:s12] =	ssyncadd.s32 $0xFFFFFEE0  }
0x34d: {  	_ =	sfence.sel $0x180000  }
0x34e: {  	[bflag:$0x0] =	sbarrier.arrive $0xFFFF  }
0x34f: {  	p0 =	sne.s32 s0, $0x0;
	_ =	strace $0x90000047  }
0x350: {  	s0 =	sadd.s32 @!p0 $0x100000, s1;
	[bflag:$0x2] =	sbarrier.arrive $0xFFFF  }
0x351: {  	[sflag:s0] =	ssyncadd.tile.s32 @!p0 $0x1;
	_ =	shalt  }
.Lfunc_end2:
_tile_overlayer_lowered:
.L_overlay_start_2:
0x352: {  	(tag) =	ssettag $0x2  }
0x353: {  	s0 =	rddreg [dreg:$0x0];
	s2 =	stileid.u32  }
0x354: {  	s1 =	rddreg [dreg:$0x1];
	p0 =	sne.s32 s2, $0x0  }
0x355: {  	s3 =	rddreg [dreg:$0x2];
	[bflag:$0x3] =	sbarrier.arrive $0xFFFF;
	s2 =	simm.s32 @!p0 $0x1C03  }
0x356: {  	[timem:s3], [sflag:s2] =	dma.local @!p0 [hbm:s0], s1  }
0x357: {  	s0 =	simm.s32 @!p0 $0x3  }
0x358: {  	_ =	swait.ge @!p0 [sflag:s0], s1  }
0x359: {  	s1 =	ssub.s32 @!p0 $0x0, s1;
	[sflag:s0] =	ssyncset.done @!p0 $0x0  }
0x35a: {  	[sflag:s0] =	ssyncadd.s32 @!p0 s1  }
0x35b: {  	[bflag:$0x3] =	sbarrier.arrive $0xFFFF  }
0x35c: {  	_ =	shalt  }

</sc_bundles>
